<compile_context>
chip_gen: v7x
topology: tpu7x:2x2x1
jax: 0.10.2.dev20260603
libtpu: 0.0.44.dev20260713+nightly
codegen_flags: <defaults>
</compile_context>

<pallas_src>
import jax
import jax.numpy as jnp
from jax import lax
from jax.experimental import pallas as pl
from jax.experimental.pallas import tpu as pltpu
from jax.experimental.pallas import tpu_sc as plsc

N = 200000
C = 4
NW = 16
CH = 12544
NPAD = NW * CH
NWIN = 16
WROWS = CH // NWIN
WVECS = WROWS // 16
VC = 8
NBIN = 25000
RB = 1664
BINS_PAD = NW * RB
RVECS = RB // 16
SENT = BINS_PAD - 1
WPB = BINS_PAD // 4
RW = RB // 4
RWVECS = RW // 16
PLANE = WPB
SAT = 7
RSH = 14
RMASK = (1 << RSH) - 1
MAXP = 5
MAXV = 16000
VOX_ROWS = MAXV * MAXP
VOX_TOT = VOX_ROWS + WROWS + 16
VSTRIPE = VOX_ROWS // NW
NV_TOT = 17664
NVSTRIPE = NV_TOT // NW


def _stream_windows(pts, wid, wina, winb, sema, semb, body, init):
  def _src(w):
    return pts.at[pl.ds(wid * CH + w * WROWS, WROWS), :]

  def _dst(buf):
    return buf

  pltpu.async_copy(_src(0), _dst(wina), sema)

  def _outer(w2, c):
    wa = w2 * 2
    pltpu.async_copy(_src(wa + 1), _dst(winb), semb)
    pltpu.make_async_copy(_src(0), _dst(wina), sema).wait()
    c = body(wa, wina, c)

    @pl.when(w2 < NWIN // 2 - 1)
    def _():
      pltpu.async_copy(_src(wa + 2), _dst(wina), sema)

    pltpu.make_async_copy(_src(0), _dst(winb), semb).wait()
    return body(wa + 1, winb, c)

  return lax.fori_loop(0, NWIN // 2, _outer, init)


def _body(pts, vox, nump, coors, histw_hbm,
          counter, histw, densebuf, win, winb, packed, totals, vvtmp, sums2,
          numstage, densestage, coorstage, idxstage, ptstage,
          dense_sh, sums_sh, sem, sema, semb, semz):
  wid = lax.axis_index("s")
  iota = lax.iota(jnp.int32, 16)
  ones = jnp.ones((16,), jnp.int32)
  zeros = jnp.zeros((16,), jnp.int32)

  fzeros = jnp.zeros((16,), jnp.float32)

  def _z_pt(i, c):
    plsc.store_scatter(ptstage, [(i * 2) + (iota >> 3), iota & 7], fzeros)
    return c
  lax.fori_loop(0, WROWS * VC // 16, _z_pt, 0)

  def _z_coor(i, c):
    plsc.store_scatter(coorstage, [(i * 2) + (iota >> 3), iota & 7], zeros)
    return c
  lax.fori_loop(0, NVSTRIPE * VC // 16, _z_coor, 0)

  def _z_num(i, c):
    numstage[pl.ds(i * 16, 16)] = zeros
    return c
  lax.fori_loop(0, NVSTRIPE // 16, _z_num, 0)

  def _z_cnt(i, c):
    for u in range(4):
      counter[pl.ds((i * 4 + u) * 16, 16)] = zeros
    return c
  lax.fori_loop(0, BINS_PAD // 64, _z_cnt, 0)

  vr0 = wid * VSTRIPE
  zdmas = []
  for k in range(VSTRIPE // WROWS):
    zdmas.append(pltpu.async_copy(ptstage.at[pl.ds(0, WROWS), :],
                                  vox.at[pl.ds(vr0 + k * WROWS, WROWS), :],
                                  semz))
  rem = VSTRIPE - (VSTRIPE // WROWS) * WROWS
  zdmas.append(pltpu.async_copy(ptstage.at[pl.ds(0, rem), :],
                                vox.at[pl.ds(vr0 + VSTRIPE - rem, rem), :],
                                semz))
  nr0 = wid * NVSTRIPE
  zdmas.append(pltpu.async_copy(numstage.at[pl.ds(0, NVSTRIPE)],
                                nump.at[pl.ds(nr0, NVSTRIPE)], semz))
  zdmas.append(pltpu.async_copy(coorstage.at[pl.ds(0, NVSTRIPE), :],
                                coors.at[pl.ds(nr0, NVSTRIPE), :], semz))

  vs_xy = jnp.float32(0.02)
  vs_z = jnp.float32(0.1)

  def _p1_body(w, buf, c1):
    def _p1_vec(j, c2):
      r = j * 16 + iota
      gx = plsc.load_gather(buf, [r, zeros])
      gy = plsc.load_gather(buf, [r, zeros + 1])
      gz = plsc.load_gather(buf, [r, zeros + 2])
      vx = (gx / vs_xy).astype(jnp.int32)
      vy = (gy / vs_xy).astype(jnp.int32)
      vz = (gz / vs_z).astype(jnp.int32)
      valid = ((vx >= 0) & (vx < 50) & (vy >= 0) & (vy < 50)
               & (vz >= 0) & (vz < 10))
      binv = jnp.where(valid, vz * 2500 + vy * 50 + vx, SENT)
      cnt, lastm = plsc.scan_count(binv)
      old = plsc.load_gather(counter, [binv])
      plsc.store_scatter(counter, [binv], jnp.minimum(old + cnt, SAT),
                         mask=lastm)
      packed[pl.ds((w * WVECS + j) * 16, 16)] = (
          binv * (1 << RSH) + (old + cnt - 1))
      return c2

    lax.fori_loop(0, WVECS, _p1_vec, c1)
    return c1

  _stream_windows(pts, wid, win, winb, sema, semb, _p1_body, 0)

  def _pack(i4, c):
    for u in range(4):
      i = i4 * 4 + u
      k = (i * 16 + iota) * 4
      h0 = plsc.load_gather(counter, [k])
      h1 = plsc.load_gather(counter, [k + 1])
      h2 = plsc.load_gather(counter, [k + 2])
      h3 = plsc.load_gather(counter, [k + 3])
      histw[pl.ds(i * 16, 16)] = h0 | (h1 << 8) | (h2 << 16) | (h3 << 24)
    return c

  lax.fori_loop(0, WPB // 64, _pack, 0)
  pltpu.sync_copy(histw.at[pl.ds(0, WPB)],
                  histw_hbm.at[pl.ds(wid * WPB, WPB)])
  for d in zdmas:
    d.wait()
  plsc.subcore_barrier()

  w0 = wid * RW
  hdmas = [pltpu.async_copy(histw_hbm.at[pl.ds(wp * WPB + w0, RW)],
                            histw.at[pl.ds(wp * RW, RW)], sem)
           for wp in range(NW)]
  for d in hdmas:
    d.wait()

  def _p2a(i, c):
    acc0 = zeros
    acc1 = zeros
    acc2 = zeros
    acc3 = zeros
    for wp in range(NW):
      wv = histw[pl.ds(wp * RW + i * 16, 16)]
      h0 = wv & 255
      h1 = (wv >> 8) & 255
      h2 = (wv >> 16) & 255
      h3 = (wv >> 24) & 255
      histw[pl.ds(wp * RW + i * 16, 16)] = (
          acc0 | (acc1 << 8) | (acc2 << 16) | (acc3 << 24))
      acc0 = acc0 + h0
      acc1 = acc1 + h1
      acc2 = acc2 + h2
      acc3 = acc3 + h3
    k = (i * 16 + iota) * 4
    plsc.store_scatter(totals, [k], acc0)
    plsc.store_scatter(totals, [k + 1], acc1)
    plsc.store_scatter(totals, [k + 2], acc2)
    plsc.store_scatter(totals, [k + 3], acc3)
    return c

  lax.fori_loop(0, RWVECS, _p2a, 0)
  hdmas = [pltpu.async_copy(histw.at[pl.ds(wp * RW, RW)],
                            histw_hbm.at[pl.ds(wp * WPB + w0, RW)], sem)
           for wp in range(NW)]
  for d in hdmas:
    d.wait()

  col0 = wid * RB

  def _p2b(j, carry):
    tv = totals[pl.ds(j * 16, 16)]
    binv = col0 + j * 16 + iota
    occ = (tv > 0) & (binv < NBIN)
    cinc = plsc.cumsum(ones, mask=occ) + carry
    vvtmp[pl.ds(j * 16, 16)] = cinc
    return jnp.max(cinc)

  range_occ = lax.fori_loop(0, RVECS, _p2b, jnp.int32(0))
  sums2[pl.ds(0, 16)] = zeros + range_occ
  pltpu.sync_copy(sums2.at[pl.ds(0, 16)], sums_sh.at[pl.ds(wid * 16, 16)])
  plsc.subcore_barrier()

  pltpu.sync_copy(sums_sh, sums2)
  svec = plsc.load_gather(sums2, [iota * 16 + iota])
  base = jnp.sum(jnp.where(iota < wid, svec, 0))

  def _p2d(j, c):
    cinc = vvtmp[pl.ds(j * 16, 16)]
    tv = totals[pl.ds(j * 16, 16)]
    lbl = j * 16 + iota
    binv = col0 + lbl
    occ = (tv > 0) & (binv < NBIN)
    dnv = base + cinc - occ.astype(jnp.int32)
    plsc.store_scatter(histw, [(lbl & 3) * RW + (lbl >> 2)], dnv)
    keep = occ & (dnv < MAXV)
    numv = jnp.minimum(tv, MAXP)
    z = lax.div(binv, 2500)
    rm = binv - z * 2500
    y = lax.div(rm, 50)
    x = rm - y * 50
    densestage[pl.ds(j * 16, 16)] = jnp.where(keep, dnv, MAXV + lbl)
    numstage[pl.ds(j * 16, 16)] = numv
    plsc.store_scatter(coorstage, [lbl, zeros], zeros)
    plsc.store_scatter(coorstage, [lbl, zeros + 1], z)
    plsc.store_scatter(coorstage, [lbl, zeros + 2], y)
    plsc.store_scatter(coorstage, [lbl, zeros + 3], x)
    return c

  lax.fori_loop(0, RVECS, _p2d, 0)
  for p in range(4):
    pltpu.sync_copy(histw.at[pl.ds(p * RW, RW)],
                    dense_sh.at[pl.ds(p * PLANE + wid * RW, RW)])
  pltpu.async_copy(numstage, nump.at[densestage], sem).wait()
  pltpu.async_copy(coorstage, coors.at[densestage], sem).wait()
  plsc.subcore_barrier()

  pltpu.sync_copy(histw_hbm.at[pl.ds(wid * WPB, WPB)],
                  histw.at[pl.ds(0, WPB)])

  for p in range(4):
    pltpu.sync_copy(dense_sh.at[pl.ds(p * PLANE, PLANE)], densebuf)

    def _combo(i4, c, p=p):
      for u in range(4):
        i = i4 * 4 + u
        wv = histw[pl.ds(i * 16, 16)]
        dv = densebuf[pl.ds(i * 16, 16)]
        counter[pl.ds(p * PLANE + i * 16, 16)] = (
            dv * 128 + ((wv >> (8 * p)) & 255))
      return c

    lax.fori_loop(0, WPB // 64, _combo, 0)

  def _p3_body(w, buf, c1):
    @plsc.parallel_loop(0, WVECS)
    def _p3_vec(j):
      pk = packed[pl.ds((w * WVECS + j) * 16, 16)]
      binv = lax.shift_right_logical(pk, RSH)
      lr = pk & RMASK
      combo = plsc.load_gather(counter, [(binv & 3) * PLANE + (binv >> 2)])
      rg = (combo & 127) + lr
      dnv = lax.shift_right_logical(combo, 7)
      keep = (binv < NBIN) & (rg < MAXP) & (dnv < MAXV)
      idxstage[pl.ds(j * 16, 16)] = jnp.where(
          keep, dnv * MAXP + rg, VOX_ROWS + j * 16 + iota)

    pltpu.async_copy(buf, vox.at[idxstage], sem).wait()
    return c1

  _stream_windows(pts, wid, win, winb, sema, semb, _p3_body, 0)


_voxelize_sc = pl.kernel(
    _body,
    out_type=(
        jax.ShapeDtypeStruct((VOX_TOT, VC), jnp.float32),
        jax.ShapeDtypeStruct((NV_TOT,), jnp.int32),
        jax.ShapeDtypeStruct((NV_TOT, VC), jnp.int32),
        jax.ShapeDtypeStruct((NW * WPB,), jnp.int32),
    ),
    mesh=plsc.VectorSubcoreMesh(core_axis_name="c", subcore_axis_name="s",
                                num_cores=1),
    compiler_params=pltpu.CompilerParams(needs_layout_passes=False,
                                         use_tc_tiling_on_sc=False),
    scratch_types=[
        pltpu.VMEM((BINS_PAD,), jnp.int32),
        pltpu.VMEM((NW * RW,), jnp.int32),
        pltpu.VMEM((PLANE,), jnp.int32),
        pltpu.VMEM((WROWS, VC), jnp.float32),
        pltpu.VMEM((WROWS, VC), jnp.float32),
        pltpu.VMEM((CH,), jnp.int32),
        pltpu.VMEM((RB,), jnp.int32),
        pltpu.VMEM((RB,), jnp.int32),
        pltpu.VMEM((NW * 16,), jnp.int32),
        pltpu.VMEM((RB,), jnp.int32),
        pltpu.VMEM((RB,), jnp.int32),
        pltpu.VMEM((RB, VC), jnp.int32),
        pltpu.VMEM((WROWS,), jnp.int32),
        pltpu.VMEM((WROWS, VC), jnp.float32),
        pltpu.VMEM_SHARED((4 * PLANE,), jnp.int32),
        pltpu.VMEM_SHARED((NW * 16,), jnp.int32),
        pltpu.SemaphoreType.DMA,
        pltpu.SemaphoreType.DMA,
        pltpu.SemaphoreType.DMA,
        pltpu.SemaphoreType.DMA,
    ],
)


@jax.jit
def kernel(points):
  pts_pad = jnp.pad(points, ((0, NPAD - N), (0, VC - C)),
                    constant_values=-1.0)
  vox8, nump, coors, _ = _voxelize_sc(pts_pad)
  return (vox8[:VOX_ROWS, :C].reshape(MAXV, MAXP, C),
          nump[:MAXV], coors[:MAXV, :4])

# --- scband reference (transcript-rebuilt; emitter-appended) ---
"""Pipeline reference for scband-point-to-voxel-6614249636318 (READ-ONLY COPY).

The authoritative reference and input builder live on the scoring server;
editing this copy changes nothing except your own understanding.
"""

import jax, jax.numpy as jnp
import numpy as np

PC_RANGE = np.array([0.0, 0.0, 0.0, 1.0, 1.0, 1.0], dtype=np.float32)
VOXEL_SIZE = np.array([0.02, 0.02, 0.1], dtype=np.float32)
GRID = np.array([50, 50, 10], dtype=np.int32)  # (gx, gy, gz)
MAX_POINTS = 5
MAX_VOXELS = 16000
N_POINTS = 200000


def setup_inputs(seed: int = 0) -> dict:
    key = jax.random.key(seed)
    points = jax.random.uniform(key, (N_POINTS, 4), dtype=jnp.float32)
    return {"points": points}


def _voxelize(points):
    # Hard voxelization (first-come order preserved via stable sort), batch index 0.
    N = points.shape[0]
    C = points.shape[1]
    gx, gy, gz = int(GRID[0]), int(GRID[1]), int(GRID[2])
    pc_min = jnp.asarray(PC_RANGE[:3])
    vsize = jnp.asarray(VOXEL_SIZE)
    coor = jnp.floor((points[:, :3] - pc_min) / vsize).astype(jnp.int32)
    valid = jnp.all((coor >= 0) & (coor < jnp.asarray(GRID)), axis=1)
    flat = coor[:, 2] * (gy * gx) + coor[:, 1] * gx + coor[:, 0]
    flat = jnp.where(valid, flat, -1)
    # stable sort by voxel id preserves intra-voxel point order (hard voxelization semantics)
    order = jnp.argsort(flat)
    flat_s = flat[order]
    pts_s = points[order]
    coor_s = coor[order]
    idx = jnp.arange(N, dtype=jnp.int32)
    is_start = jnp.concatenate([jnp.array([True]), flat_s[1:] != flat_s[:-1]])
    group_id = jnp.cumsum(is_start.astype(jnp.int32)) - 1
    first_pos = jax.lax.cummax(jnp.where(is_start, idx, jnp.int32(-1)), axis=0)
    rank = idx - first_pos  # position of point within its voxel
    has_invalid = (flat_s[0] == -1).astype(jnp.int32)  # invalid (-1) bucket sorts first
    vox_idx = group_id - has_invalid
    kept = (flat_s != -1) & (rank < MAX_POINTS) & (vox_idx < MAX_VOXELS)
    v = jnp.where(kept, vox_idx, MAX_VOXELS)  # dump row for dropped points
    r = jnp.where(kept, rank, 0)
    voxels = jnp.zeros((MAX_VOXELS + 1, MAX_POINTS, C), dtype=points.dtype)
    voxels = voxels.at[v, r].set(jnp.where(kept[:, None], pts_s, 0.0))
    voxels = voxels[:MAX_VOXELS]
    counts = jnp.zeros((MAX_VOXELS + 1,), dtype=jnp.int32).at[v].add(kept.astype(jnp.int32))
    num_points = counts[:MAX_VOXELS]
    coor_zyx = coor_s[:, ::-1]  # mmdet3d voxel coords are (z, y, x)
    vcoors = jnp.zeros((MAX_VOXELS + 1, 3), dtype=jnp.int32).at[v].set(jnp.where(kept[:, None], coor_zyx, 0))
    vcoors = vcoors[:MAX_VOXELS]
    # F.pad(coor, (1, 0), value=batch_idx) with batch_idx = 0
    coors_batch = jnp.concatenate([jnp.zeros((MAX_VOXELS, 1), dtype=jnp.int32), vcoors], axis=1)
    return voxels, num_points, coors_batch


def reference(points):
    voxels, num_points, coors = _voxelize(points)
    return (voxels, num_points, coors)

if __name__ == "__main__":
    import jax
    _d = setup_inputs()
    print(jax.jit(kernel)(*tuple(_d.values())))

</pallas_src>

<mosaic_0001>
#map = affine_map<(d0, d1) -> (0, 0)>
#map1 = affine_map<(d0, d1) -> (0)>
module attributes {stable_mosaic.version = 14 : i64} {
  func.func @_body(%arg0: i32, %arg1: i32, %arg2: memref<200704x8xf32, #tpu.memory_space<hbm>>, %arg3: memref<80800x8xf32, #tpu.memory_space<hbm>>, %arg4: memref<17664xi32, #tpu.memory_space<hbm>>, %arg5: memref<17664x8xi32, #tpu.memory_space<hbm>>, %arg6: memref<106496xi32, #tpu.memory_space<hbm>>, %arg7: memref<26624xi32, #tpu.memory_space<vmem>>, %arg8: memref<6656xi32, #tpu.memory_space<vmem>>, %arg9: memref<6656xi32, #tpu.memory_space<vmem>>, %arg10: memref<784x8xf32, #tpu.memory_space<vmem>>, %arg11: memref<784x8xf32, #tpu.memory_space<vmem>>, %arg12: memref<12544xi32, #tpu.memory_space<vmem>>, %arg13: memref<1664xi32, #tpu.memory_space<vmem>>, %arg14: memref<1664xi32, #tpu.memory_space<vmem>>, %arg15: memref<256xi32, #tpu.memory_space<vmem>>, %arg16: memref<1664xi32, #tpu.memory_space<vmem>>, %arg17: memref<1664xi32, #tpu.memory_space<vmem>>, %arg18: memref<1664x8xi32, #tpu.memory_space<vmem>>, %arg19: memref<784xi32, #tpu.memory_space<vmem>>, %arg20: memref<784x8xf32, #tpu.memory_space<vmem>>, %arg21: memref<26624xi32, #tpu.memory_space<vmem_shared>>, %arg22: memref<256xi32, #tpu.memory_space<vmem_shared>>, %arg23: memref<!tpu.dma_semaphore, #tpu.memory_space<semaphore_mem>>, %arg24: memref<!tpu.dma_semaphore, #tpu.memory_space<semaphore_mem>>, %arg25: memref<!tpu.dma_semaphore, #tpu.memory_space<semaphore_mem>>, %arg26: memref<!tpu.dma_semaphore, #tpu.memory_space<semaphore_mem>>) attributes {dimension_semantics = [#tpu.dimension_semantics<core_parallel>, #tpu.dimension_semantics<subcore_parallel>], iteration_bounds = array<i64: 1, 16>, scalar_prefetch = 0 : i64, scratch_operands = 20 : i64, tpu.core_type = #tpu.core_type<sc_vector_subcore>, window_params = [{transform_indices = #map}, {transform_indices = #map}, {transform_indices = #map1}, {transform_indices = #map}, {transform_indices = #map1}]} {
    %iota3A = tpu.iota {dimensions = array<i32: 0>} : vector<16xi32>
    %broadcast_in_dim3A = arith.constant 1 : i32
    %broadcast_in_dim3A_0 = vector.broadcast %broadcast_in_dim3A : i32 to vector<16xi32>
    %broadcast_in_dim3A_1 = arith.constant 0 : i32
    %broadcast_in_dim3A_2 = vector.broadcast %broadcast_in_dim3A_1 : i32 to vector<16xi32>
    %broadcast_in_dim3A_3 = arith.constant 0.000000e+00 : f32
    %broadcast_in_dim3A_4 = vector.broadcast %broadcast_in_dim3A_3 : f32 to vector<16xf32>
    %scan3A = arith.constant 0 : i32
    %scan3A_5 = arith.constant 0 : i32
    %scan3A_6 = arith.constant 392 : i32
    %scan3A_7 = arith.addi %scan3A_5, %scan3A_6 : i32
    %scan3A_8 = arith.constant 1 : i32
    scf.for %scan3A_792 = %scan3A_5 to %scan3A_7 step %scan3A_8  : i32 {
      %mul3A_793 = arith.constant 2 : i32
      %mul3A_794 = arith.muli %scan3A_792, %mul3A_793 : i32
      %shift_right_arithmetic3A = arith.constant 3 : i32
      %shift_right_arithmetic3A_795 = vector.broadcast %shift_right_arithmetic3A : i32 to vector<16xi32>
      %shift_right_arithmetic3A_796 = arith.shrsi %iota3A, %shift_right_arithmetic3A_795 : vector<16xi32>
      %add3A_797 = vector.broadcast %mul3A_794 : i32 to vector<16xi32>
      %add3A_798 = arith.addi %add3A_797, %shift_right_arithmetic3A_796 : vector<16xi32>
      %and3A = arith.constant 7 : i32
      %and3A_799 = vector.broadcast %and3A : i32 to vector<16xi32>
      %and3A_800 = arith.andi %iota3A, %and3A_799 : vector<16xi32>
      tpu.vector_store_idx %arg20[%add3A_798, %and3A_800], %broadcast_in_dim3A_4 : memref<784x8xf32, #tpu.memory_space<vmem>>[vector<16xi32>, vector<16xi32>], vector<16xf32>,
    }
    %scan3A_9 = arith.constant 392 : i32
    %scan3A_10 = arith.constant 0 : i32
    %scan3A_11 = arith.constant 0 : i32
    %scan3A_12 = arith.constant 552 : i32
    %scan3A_13 = arith.addi %scan3A_11, %scan3A_12 : i32
    %scan3A_14 = arith.constant 1 : i32
    scf.for %scan3A_792 = %scan3A_11 to %scan3A_13 step %scan3A_14  : i32 {
      %mul3A_793 = arith.constant 2 : i32
      %mul3A_794 = arith.muli %scan3A_792, %mul3A_793 : i32
      %shift_right_arithmetic3A = arith.constant 3 : i32
      %shift_right_arithmetic3A_795 = vector.broadcast %shift_right_arithmetic3A : i32 to vector<16xi32>
      %shift_right_arithmetic3A_796 = arith.shrsi %iota3A, %shift_right_arithmetic3A_795 : vector<16xi32>
      %add3A_797 = vector.broadcast %mul3A_794 : i32 to vector<16xi32>
      %add3A_798 = arith.addi %add3A_797, %shift_right_arithmetic3A_796 : vector<16xi32>
      %and3A = arith.constant 7 : i32
      %and3A_799 = vector.broadcast %and3A : i32 to vector<16xi32>
      %and3A_800 = arith.andi %iota3A, %and3A_799 : vector<16xi32>
      tpu.vector_store_idx %arg18[%add3A_798, %and3A_800], %broadcast_in_dim3A_2 : memref<1664x8xi32, #tpu.memory_space<vmem>>[vector<16xi32>, vector<16xi32>], vector<16xi32>,
    }
    %scan3A_15 = arith.constant 552 : i32
    %scan3A_16 = arith.constant 0 : i32
    %scan3A_17 = arith.constant 0 : i32
    %scan3A_18 = arith.constant 69 : i32
    %scan3A_19 = arith.addi %scan3A_17, %scan3A_18 : i32
    %scan3A_20 = arith.constant 1 : i32
    scf.for %scan3A_792 = %scan3A_17 to %scan3A_19 step %scan3A_20  : i32 {
      %mul3A_793 = arith.constant 16 : i32
      %mul3A_794 = arith.muli %scan3A_792, %mul3A_793 : i32
      %swap3A_795 = arith.index_cast %mul3A_794 : i32 to index
      %swap3A_796 = tpu.vector_load %arg16[%swap3A_795] {strides = array<i32>} : memref<1664xi32, #tpu.memory_space<vmem>>, vector<16xi32>,
      tpu.vector_store %arg16[%swap3A_795], %broadcast_in_dim3A_2 {strides = array<i32>} : memref<1664xi32, #tpu.memory_space<vmem>>, vector<16xi32>,
    }
    %scan3A_21 = arith.constant 69 : i32
    %scan3A_22 = arith.constant 0 : i32
    %scan3A_23 = arith.constant 0 : i32
    %scan3A_24 = arith.constant 416 : i32
    %scan3A_25 = arith.addi %scan3A_23, %scan3A_24 : i32
    %scan3A_26 = arith.constant 1 : i32
    scf.for %scan3A_792 = %scan3A_23 to %scan3A_25 step %scan3A_26  : i32 {
      %mul3A_793 = arith.constant 4 : i32
      %mul3A_794 = arith.muli %scan3A_792, %mul3A_793 : i32
      %add3A_795 = arith.constant 0 : i32
      %add3A_796 = arith.addi %mul3A_794, %add3A_795 : i32
      %mul3A_797 = arith.constant 16 : i32
      %mul3A_798 = arith.muli %add3A_796, %mul3A_797 : i32
      %swap3A_799 = arith.index_cast %mul3A_798 : i32 to index
      %swap3A_800 = tpu.vector_load %arg7[%swap3A_799] {strides = array<i32>} : memref<26624xi32, #tpu.memory_space<vmem>>, vector<16xi32>,
      tpu.vector_store %arg7[%swap3A_799], %broadcast_in_dim3A_2 {strides = array<i32>} : memref<26624xi32, #tpu.memory_space<vmem>>, vector<16xi32>,
      %mul3A_801 = arith.constant 4 : i32
      %mul3A_802 = arith.muli %scan3A_792, %mul3A_801 : i32
      %add3A_803 = arith.constant 1 : i32
      %add3A_804 = arith.addi %mul3A_802, %add3A_803 : i32
      %mul3A_805 = arith.constant 16 : i32
      %mul3A_806 = arith.muli %add3A_804, %mul3A_805 : i32
      %swap3A_807 = arith.index_cast %mul3A_806 : i32 to index
      %swap3A_808 = tpu.vector_load %arg7[%swap3A_807] {strides = array<i32>} : memref<26624xi32, #tpu.memory_space<vmem>>, vector<16xi32>,
      tpu.vector_store %arg7[%swap3A_807], %broadcast_in_dim3A_2 {strides = array<i32>} : memref<26624xi32, #tpu.memory_space<vmem>>, vector<16xi32>,
      %mul3A_809 = arith.constant 4 : i32
      %mul3A_810 = arith.muli %scan3A_792, %mul3A_809 : i32
      %add3A_811 = arith.constant 2 : i32
      %add3A_812 = arith.addi %mul3A_810, %add3A_811 : i32
      %mul3A_813 = arith.constant 16 : i32
      %mul3A_814 = arith.muli %add3A_812, %mul3A_813 : i32
      %swap3A_815 = arith.index_cast %mul3A_814 : i32 to index
      %swap3A_816 = tpu.vector_load %arg7[%swap3A_815] {strides = array<i32>} : memref<26624xi32, #tpu.memory_space<vmem>>, vector<16xi32>,
      tpu.vector_store %arg7[%swap3A_815], %broadcast_in_dim3A_2 {strides = array<i32>} : memref<26624xi32, #tpu.memory_space<vmem>>, vector<16xi32>,
      %mul3A_817 = arith.constant 4 : i32
      %mul3A_818 = arith.muli %scan3A_792, %mul3A_817 : i32
      %add3A_819 = arith.constant 3 : i32
      %add3A_820 = arith.addi %mul3A_818, %add3A_819 : i32
      %mul3A_821 = arith.constant 16 : i32
      %mul3A_822 = arith.muli %add3A_820, %mul3A_821 : i32
      %swap3A_823 = arith.index_cast %mul3A_822 : i32 to index
      %swap3A_824 = tpu.vector_load %arg7[%swap3A_823] {strides = array<i32>} : memref<26624xi32, #tpu.memory_space<vmem>>, vector<16xi32>,
      tpu.vector_store %arg7[%swap3A_823], %broadcast_in_dim3A_2 {strides = array<i32>} : memref<26624xi32, #tpu.memory_space<vmem>>, vector<16xi32>,
    }
    %scan3A_27 = arith.constant 416 : i32
    %mul3A = arith.constant 5000 : i32
    %mul3A_28 = arith.muli %arg1, %mul3A : i32
    %add3A = arith.constant 0 : i32
    %add3A_29 = arith.addi %mul3A_28, %add3A : i32
    %dma_start3A = arith.constant 0 : i32
    %dma_start3A_30 = arith.constant 0 : i32
    %dma_start3A_31 = tpu.memref_slice %arg20[%dma_start3A, %dma_start3A_30] : memref<784x8xf32, #tpu.memory_space<vmem>> -> memref<784x8xf32, #tpu.memory_space<vmem>>
    %dma_start3A_32 = arith.constant 0 : i32
    %dma_start3A_33 = tpu.memref_slice %arg3[%add3A_29, %dma_start3A_32] : memref<80800x8xf32, #tpu.memory_space<hbm>> -> memref<784x8xf32, #tpu.memory_space<hbm>>
    %dma_start3A_34 = arith.constant 0 : i32
    %dma_start3A_35 = tpu.memref_slice %arg3[%add3A_29, %dma_start3A_34] : memref<80800x8xf32, #tpu.memory_space<hbm>> -> memref<784x8xf32, #tpu.memory_space<hbm>>
    %dma_start3A_36 = arith.constant 0 : i32
    %dma_start3A_37 = arith.constant 0 : i32
    %dma_start3A_38 = tpu.memref_slice %arg20[%dma_start3A_36, %dma_start3A_37] : memref<784x8xf32, #tpu.memory_space<vmem>> -> memref<784x8xf32, #tpu.memory_space<vmem>>
    tpu.enqueue_dma source(%dma_start3A_38 : memref<784x8xf32, #tpu.memory_space<vmem>>) target(%dma_start3A_35 : memref<784x8xf32, #tpu.memory_space<hbm>>) target_semaphore(%arg26 : memref<!tpu.dma_semaphore, #tpu.memory_space<semaphore_mem>>)
    %add3A_39 = arith.constant 784 : i32
    %add3A_40 = arith.addi %mul3A_28, %add3A_39 : i32
    %dma_start3A_41 = arith.constant 0 : i32
    %dma_start3A_42 = arith.constant 0 : i32
    %dma_start3A_43 = tpu.memref_slice %arg20[%dma_start3A_41, %dma_start3A_42] : memref<784x8xf32, #tpu.memory_space<vmem>> -> memref<784x8xf32, #tpu.memory_space<vmem>>
    %dma_start3A_44 = arith.constant 0 : i32
    %dma_start3A_45 = tpu.memref_slice %arg3[%add3A_40, %dma_start3A_44] : memref<80800x8xf32, #tpu.memory_space<hbm>> -> memref<784x8xf32, #tpu.memory_space<hbm>>
    %dma_start3A_46 = arith.constant 0 : i32
    %dma_start3A_47 = tpu.memref_slice %arg3[%add3A_40, %dma_start3A_46] : memref<80800x8xf32, #tpu.memory_space<hbm>> -> memref<784x8xf32, #tpu.memory_space<hbm>>
    %dma_start3A_48 = arith.constant 0 : i32
    %dma_start3A_49 = arith.constant 0 : i32
    %dma_start3A_50 = tpu.memref_slice %arg20[%dma_start3A_48, %dma_start3A_49] : memref<784x8xf32, #tpu.memory_space<vmem>> -> memref<784x8xf32, #tpu.memory_space<vmem>>
    tpu.enqueue_dma source(%dma_start3A_50 : memref<784x8xf32, #tpu.memory_space<vmem>>) target(%dma_start3A_47 : memref<784x8xf32, #tpu.memory_space<hbm>>) target_semaphore(%arg26 : memref<!tpu.dma_semaphore, #tpu.memory_space<semaphore_mem>>)
    %add3A_51 = arith.constant 1568 : i32
    %add3A_52 = arith.addi %mul3A_28, %add3A_51 : i32
    %dma_start3A_53 = arith.constant 0 : i32
    %dma_start3A_54 = arith.constant 0 : i32
    %dma_start3A_55 = tpu.memref_slice %arg20[%dma_start3A_53, %dma_start3A_54] : memref<784x8xf32, #tpu.memory_space<vmem>> -> memref<784x8xf32, #tpu.memory_space<vmem>>
    %dma_start3A_56 = arith.constant 0 : i32
    %dma_start3A_57 = tpu.memref_slice %arg3[%add3A_52, %dma_start3A_56] : memref<80800x8xf32, #tpu.memory_space<hbm>> -> memref<784x8xf32, #tpu.memory_space<hbm>>
    %dma_start3A_58 = arith.constant 0 : i32
    %dma_start3A_59 = tpu.memref_slice %arg3[%add3A_52, %dma_start3A_58] : memref<80800x8xf32, #tpu.memory_space<hbm>> -> memref<784x8xf32, #tpu.memory_space<hbm>>
    %dma_start3A_60 = arith.constant 0 : i32
    %dma_start3A_61 = arith.constant 0 : i32
    %dma_start3A_62 = tpu.memref_slice %arg20[%dma_start3A_60, %dma_start3A_61] : memref<784x8xf32, #tpu.memory_space<vmem>> -> memref<784x8xf32, #tpu.memory_space<vmem>>
    tpu.enqueue_dma source(%dma_start3A_62 : memref<784x8xf32, #tpu.memory_space<vmem>>) target(%dma_start3A_59 : memref<784x8xf32, #tpu.memory_space<hbm>>) target_semaphore(%arg26 : memref<!tpu.dma_semaphore, #tpu.memory_space<semaphore_mem>>)
    %add3A_63 = arith.constant 2352 : i32
    %add3A_64 = arith.addi %mul3A_28, %add3A_63 : i32
    %dma_start3A_65 = arith.constant 0 : i32
    %dma_start3A_66 = arith.constant 0 : i32
    %dma_start3A_67 = tpu.memref_slice %arg20[%dma_start3A_65, %dma_start3A_66] : memref<784x8xf32, #tpu.memory_space<vmem>> -> memref<784x8xf32, #tpu.memory_space<vmem>>
    %dma_start3A_68 = arith.constant 0 : i32
    %dma_start3A_69 = tpu.memref_slice %arg3[%add3A_64, %dma_start3A_68] : memref<80800x8xf32, #tpu.memory_space<hbm>> -> memref<784x8xf32, #tpu.memory_space<hbm>>
    %dma_start3A_70 = arith.constant 0 : i32
    %dma_start3A_71 = tpu.memref_slice %arg3[%add3A_64, %dma_start3A_70] : memref<80800x8xf32, #tpu.memory_space<hbm>> -> memref<784x8xf32, #tpu.memory_space<hbm>>
    %dma_start3A_72 = arith.constant 0 : i32
    %dma_start3A_73 = arith.constant 0 : i32
    %dma_start3A_74 = tpu.memref_slice %arg20[%dma_start3A_72, %dma_start3A_73] : memref<784x8xf32, #tpu.memory_space<vmem>> -> memref<784x8xf32, #tpu.memory_space<vmem>>
    tpu.enqueue_dma source(%dma_start3A_74 : memref<784x8xf32, #tpu.memory_space<vmem>>) target(%dma_start3A_71 : memref<784x8xf32, #tpu.memory_space<hbm>>) target_semaphore(%arg26 : memref<!tpu.dma_semaphore, #tpu.memory_space<semaphore_mem>>)
    %add3A_75 = arith.constant 3136 : i32
    %add3A_76 = arith.addi %mul3A_28, %add3A_75 : i32
    %dma_start3A_77 = arith.constant 0 : i32
    %dma_start3A_78 = arith.constant 0 : i32
    %dma_start3A_79 = tpu.memref_slice %arg20[%dma_start3A_77, %dma_start3A_78] : memref<784x8xf32, #tpu.memory_space<vmem>> -> memref<784x8xf32, #tpu.memory_space<vmem>>
    %dma_start3A_80 = arith.constant 0 : i32
    %dma_start3A_81 = tpu.memref_slice %arg3[%add3A_76, %dma_start3A_80] : memref<80800x8xf32, #tpu.memory_space<hbm>> -> memref<784x8xf32, #tpu.memory_space<hbm>>
    %dma_start3A_82 = arith.constant 0 : i32
    %dma_start3A_83 = tpu.memref_slice %arg3[%add3A_76, %dma_start3A_82] : memref<80800x8xf32, #tpu.memory_space<hbm>> -> memref<784x8xf32, #tpu.memory_space<hbm>>
    %dma_start3A_84 = arith.constant 0 : i32
    %dma_start3A_85 = arith.constant 0 : i32
    %dma_start3A_86 = tpu.memref_slice %arg20[%dma_start3A_84, %dma_start3A_85] : memref<784x8xf32, #tpu.memory_space<vmem>> -> memref<784x8xf32, #tpu.memory_space<vmem>>
    tpu.enqueue_dma source(%dma_start3A_86 : memref<784x8xf32, #tpu.memory_space<vmem>>) target(%dma_start3A_83 : memref<784x8xf32, #tpu.memory_space<hbm>>) target_semaphore(%arg26 : memref<!tpu.dma_semaphore, #tpu.memory_space<semaphore_mem>>)
    %add3A_87 = arith.constant 3920 : i32
    %add3A_88 = arith.addi %mul3A_28, %add3A_87 : i32
    %dma_start3A_89 = arith.constant 0 : i32
    %dma_start3A_90 = arith.constant 0 : i32
    %dma_start3A_91 = tpu.memref_slice %arg20[%dma_start3A_89, %dma_start3A_90] : memref<784x8xf32, #tpu.memory_space<vmem>> -> memref<784x8xf32, #tpu.memory_space<vmem>>
    %dma_start3A_92 = arith.constant 0 : i32
    %dma_start3A_93 = tpu.memref_slice %arg3[%add3A_88, %dma_start3A_92] : memref<80800x8xf32, #tpu.memory_space<hbm>> -> memref<784x8xf32, #tpu.memory_space<hbm>>
    %dma_start3A_94 = arith.constant 0 : i32
    %dma_start3A_95 = tpu.memref_slice %arg3[%add3A_88, %dma_start3A_94] : memref<80800x8xf32, #tpu.memory_space<hbm>> -> memref<784x8xf32, #tpu.memory_space<hbm>>
    %dma_start3A_96 = arith.constant 0 : i32
    %dma_start3A_97 = arith.constant 0 : i32
    %dma_start3A_98 = tpu.memref_slice %arg20[%dma_start3A_96, %dma_start3A_97] : memref<784x8xf32, #tpu.memory_space<vmem>> -> memref<784x8xf32, #tpu.memory_space<vmem>>
    tpu.enqueue_dma source(%dma_start3A_98 : memref<784x8xf32, #tpu.memory_space<vmem>>) target(%dma_start3A_95 : memref<784x8xf32, #tpu.memory_space<hbm>>) target_semaphore(%arg26 : memref<!tpu.dma_semaphore, #tpu.memory_space<semaphore_mem>>)
    %add3A_99 = arith.constant 5000 : i32
    %add3A_100 = arith.addi %mul3A_28, %add3A_99 : i32
    %sub3A = arith.constant 296 : i32
    %sub3A_101 = arith.subi %add3A_100, %sub3A : i32
    %dma_start3A_102 = arith.constant 0 : i32
    %dma_start3A_103 = arith.constant 0 : i32
    %dma_start3A_104 = tpu.memref_slice %arg20[%dma_start3A_102, %dma_start3A_103] : memref<784x8xf32, #tpu.memory_space<vmem>> -> memref<296x8xf32, #tpu.memory_space<vmem>>
    %dma_start3A_105 = arith.constant 0 : i32
    %dma_start3A_106 = tpu.memref_slice %arg3[%sub3A_101, %dma_start3A_105] : memref<80800x8xf32, #tpu.memory_space<hbm>> -> memref<296x8xf32, #tpu.memory_space<hbm>>
    %dma_start3A_107 = arith.constant 0 : i32
    %dma_start3A_108 = tpu.memref_slice %arg3[%sub3A_101, %dma_start3A_107] : memref<80800x8xf32, #tpu.memory_space<hbm>> -> memref<296x8xf32, #tpu.memory_space<hbm>>
    %dma_start3A_109 = arith.constant 0 : i32
    %dma_start3A_110 = arith.constant 0 : i32
    %dma_start3A_111 = tpu.memref_slice %arg20[%dma_start3A_109, %dma_start3A_110] : memref<784x8xf32, #tpu.memory_space<vmem>> -> memref<296x8xf32, #tpu.memory_space<vmem>>
    tpu.enqueue_dma source(%dma_start3A_111 : memref<296x8xf32, #tpu.memory_space<vmem>>) target(%dma_start3A_108 : memref<296x8xf32, #tpu.memory_space<hbm>>) target_semaphore(%arg26 : memref<!tpu.dma_semaphore, #tpu.memory_space<semaphore_mem>>)
    %mul3A_112 = arith.constant 1104 : i32
    %mul3A_113 = arith.muli %arg1, %mul3A_112 : i32
    %dma_start3A_114 = arith.constant 0 : i32
    %dma_start3A_115 = tpu.memref_slice %arg16[%dma_start3A_114] : memref<1664xi32, #tpu.memory_space<vmem>> -> memref<1104xi32, #tpu.memory_space<vmem>>
    %dma_start3A_116 = tpu.memref_slice %arg4[%mul3A_113] : memref<17664xi32, #tpu.memory_space<hbm>> -> memref<1104xi32, #tpu.memory_space<hbm>>
    %dma_start3A_117 = tpu.memref_slice %arg4[%mul3A_113] : memref<17664xi32, #tpu.memory_space<hbm>> -> memref<1104xi32, #tpu.memory_space<hbm>>
    %dma_start3A_118 = arith.constant 0 : i32
    %dma_start3A_119 = tpu.memref_slice %arg16[%dma_start3A_118] : memref<1664xi32, #tpu.memory_space<vmem>> -> memref<1104xi32, #tpu.memory_space<vmem>>
    tpu.enqueue_dma source(%dma_start3A_119 : memref<1104xi32, #tpu.memory_space<vmem>>) target(%dma_start3A_117 : memref<1104xi32, #tpu.memory_space<hbm>>) target_semaphore(%arg26 : memref<!tpu.dma_semaphore, #tpu.memory_space<semaphore_mem>>)
    %dma_start3A_120 = arith.constant 0 : i32
    %dma_start3A_121 = arith.constant 0 : i32
    %dma_start3A_122 = tpu.memref_slice %arg18[%dma_start3A_120, %dma_start3A_121] : memref<1664x8xi32, #tpu.memory_space<vmem>> -> memref<1104x8xi32, #tpu.memory_space<vmem>>
    %dma_start3A_123 = arith.constant 0 : i32
    %dma_start3A_124 = tpu.memref_slice %arg5[%mul3A_113, %dma_start3A_123] : memref<17664x8xi32, #tpu.memory_space<hbm>> -> memref<1104x8xi32, #tpu.memory_space<hbm>>
    %dma_start3A_125 = arith.constant 0 : i32
    %dma_start3A_126 = tpu.memref_slice %arg5[%mul3A_113, %dma_start3A_125] : memref<17664x8xi32, #tpu.memory_space<hbm>> -> memref<1104x8xi32, #tpu.memory_space<hbm>>
    %dma_start3A_127 = arith.constant 0 : i32
    %dma_start3A_128 = arith.constant 0 : i32
    %dma_start3A_129 = tpu.memref_slice %arg18[%dma_start3A_127, %dma_start3A_128] : memref<1664x8xi32, #tpu.memory_space<vmem>> -> memref<1104x8xi32, #tpu.memory_space<vmem>>
    tpu.enqueue_dma source(%dma_start3A_129 : memref<1104x8xi32, #tpu.memory_space<vmem>>) target(%dma_start3A_126 : memref<1104x8xi32, #tpu.memory_space<hbm>>) target_semaphore(%arg26 : memref<!tpu.dma_semaphore, #tpu.memory_space<semaphore_mem>>)
    %mul3A_130 = arith.constant 12544 : i32
    %mul3A_131 = arith.muli %arg1, %mul3A_130 : i32
    %add3A_132 = arith.constant 0 : i32
    %add3A_133 = arith.addi %mul3A_131, %add3A_132 : i32
    %dma_start3A_134 = arith.constant 0 : i32
    %dma_start3A_135 = tpu.memref_slice %arg2[%add3A_133, %dma_start3A_134] : memref<200704x8xf32, #tpu.memory_space<hbm>> -> memref<784x8xf32, #tpu.memory_space<hbm>>
    %dma_start3A_136 = arith.constant 0 : i32
    %dma_start3A_137 = tpu.memref_slice %arg2[%add3A_133, %dma_start3A_136] : memref<200704x8xf32, #tpu.memory_space<hbm>> -> memref<784x8xf32, #tpu.memory_space<hbm>>
    tpu.enqueue_dma source(%dma_start3A_137 : memref<784x8xf32, #tpu.memory_space<hbm>>) target(%arg10 : memref<784x8xf32, #tpu.memory_space<vmem>>) target_semaphore(%arg24 : memref<!tpu.dma_semaphore, #tpu.memory_space<semaphore_mem>>)
    %scan3A_138 = arith.constant 0 : i32
    %scan3A_139 = arith.constant 2.000000e-02 : f32
    %scan3A_140 = arith.constant 1.000000e-01 : f32
    %scan3A_141 = arith.constant 0 : i32
    %scan3A_142 = arith.constant 8 : i32
    %scan3A_143 = arith.addi %scan3A_141, %scan3A_142 : i32
    %scan3A_144 = arith.constant 1 : i32
    scf.for %scan3A_792 = %scan3A_141 to %scan3A_143 step %scan3A_144  : i32 {
      %mul3A_793 = arith.constant 2 : i32
      %mul3A_794 = arith.muli %scan3A_792, %mul3A_793 : i32
      %add3A_795 = arith.constant 1 : i32
      %add3A_796 = arith.addi %mul3A_794, %add3A_795 : i32
      %mul3A_797 = arith.constant 12544 : i32
      %mul3A_798 = arith.muli %arg1, %mul3A_797 : i32
      %mul3A_799 = arith.constant 784 : i32
      %mul3A_800 = arith.muli %add3A_796, %mul3A_799 : i32
      %add3A_801 = arith.addi %mul3A_798, %mul3A_800 : i32
      %dma_start3A_802 = arith.constant 0 : i32
      %dma_start3A_803 = tpu.memref_slice %arg2[%add3A_801, %dma_start3A_802] : memref<200704x8xf32, #tpu.memory_space<hbm>> -> memref<784x8xf32, #tpu.memory_space<hbm>>
      %dma_start3A_804 = arith.constant 0 : i32
      %dma_start3A_805 = tpu.memref_slice %arg2[%add3A_801, %dma_start3A_804] : memref<200704x8xf32, #tpu.memory_space<hbm>> -> memref<784x8xf32, #tpu.memory_space<hbm>>
      tpu.enqueue_dma source(%dma_start3A_805 : memref<784x8xf32, #tpu.memory_space<hbm>>) target(%arg11 : memref<784x8xf32, #tpu.memory_space<vmem>>) target_semaphore(%arg25 : memref<!tpu.dma_semaphore, #tpu.memory_space<semaphore_mem>>)
      %mul3A_806 = arith.constant 12544 : i32
      %mul3A_807 = arith.muli %arg1, %mul3A_806 : i32
      %add3A_808 = arith.constant 0 : i32
      %add3A_809 = arith.addi %mul3A_807, %add3A_808 : i32
      %dma_wait3A_810 = arith.constant 0 : i32
      %dma_wait3A_811 = tpu.memref_slice %arg2[%add3A_809, %dma_wait3A_810] : memref<200704x8xf32, #tpu.memory_space<hbm>> -> memref<784x8xf32, #tpu.memory_space<hbm>>
      %dma_wait3A_812 = arith.constant 0 : i32
      %dma_wait3A_813 = tpu.memref_slice %arg2[%add3A_809, %dma_wait3A_812] : memref<200704x8xf32, #tpu.memory_space<hbm>> -> memref<784x8xf32, #tpu.memory_space<hbm>>
      tpu.wait_dma2 semaphore(%arg24 : memref<!tpu.dma_semaphore, #tpu.memory_space<semaphore_mem>>) src(%dma_wait3A_813 : memref<784x8xf32, #tpu.memory_space<hbm>>) dst(%arg10 : memref<784x8xf32, #tpu.memory_space<vmem>>)
      %scan3A_814 = arith.constant 0 : i32
      %scan3A_815 = arith.constant 49 : i32
      %scan3A_816 = arith.addi %scan3A_814, %scan3A_815 : i32
      %scan3A_817 = arith.constant 1 : i32
      scf.for %scan3A_837 = %scan3A_814 to %scan3A_816 step %scan3A_817  : i32 {
        %mul3A_838 = arith.constant 16 : i32
        %mul3A_839 = arith.muli %scan3A_837, %mul3A_838 : i32
        %add3A_840 = vector.broadcast %mul3A_839 : i32 to vector<16xi32>
        %add3A_841 = arith.addi %add3A_840, %iota3A : vector<16xi32>
        %gather3A_842 = tpu.vector_load_idx %arg10[%add3A_841, %broadcast_in_dim3A_2] : memref<784x8xf32, #tpu.memory_space<vmem>>[vector<16xi32>, vector<16xi32>], vector<16xf32>,
        %add3A_843 = arith.constant 1 : i32
        %add3A_844 = vector.broadcast %add3A_843 : i32 to vector<16xi32>
        %add3A_845 = arith.addi %broadcast_in_dim3A_2, %add3A_844 : vector<16xi32>
        %gather3A_846 = tpu.vector_load_idx %arg10[%add3A_841, %add3A_845] : memref<784x8xf32, #tpu.memory_space<vmem>>[vector<16xi32>, vector<16xi32>], vector<16xf32>,
        %add3A_847 = arith.constant 2 : i32
        %add3A_848 = vector.broadcast %add3A_847 : i32 to vector<16xi32>
        %add3A_849 = arith.addi %broadcast_in_dim3A_2, %add3A_848 : vector<16xi32>
        %gather3A_850 = tpu.vector_load_idx %arg10[%add3A_841, %add3A_849] : memref<784x8xf32, #tpu.memory_space<vmem>>[vector<16xi32>, vector<16xi32>], vector<16xf32>,
        %div3A = vector.broadcast %scan3A_139 : f32 to vector<16xf32>
        %div3A_851 = arith.divf %gather3A_842, %div3A : vector<16xf32>
        %convert_element_type3A_852 = arith.fptosi %div3A_851 : vector<16xf32> to vector<16xi32>
        %div3A_853 = vector.broadcast %scan3A_139 : f32 to vector<16xf32>
        %div3A_854 = arith.divf %gather3A_846, %div3A_853 : vector<16xf32>
        %convert_element_type3A_855 = arith.fptosi %div3A_854 : vector<16xf32> to vector<16xi32>
        %div3A_856 = vector.broadcast %scan3A_140 : f32 to vector<16xf32>
        %div3A_857 = arith.divf %gather3A_850, %div3A_856 : vector<16xf32>
        %convert_element_type3A_858 = arith.fptosi %div3A_857 : vector<16xf32> to vector<16xi32>
        %ge3A = arith.constant 0 : i32
        %ge3A_859 = vector.broadcast %ge3A : i32 to vector<16xi32>
        %ge3A_860 = arith.cmpi sge, %convert_element_type3A_852, %ge3A_859 : vector<16xi32>
        %lt3A_861 = arith.constant 50 : i32
        %lt3A_862 = vector.broadcast %lt3A_861 : i32 to vector<16xi32>
        %lt3A_863 = arith.cmpi slt, %convert_element_type3A_852, %lt3A_862 : vector<16xi32>
        %and3A = arith.andi %ge3A_860, %lt3A_863 : vector<16xi1>
        %ge3A_864 = arith.constant 0 : i32
        %ge3A_865 = vector.broadcast %ge3A_864 : i32 to vector<16xi32>
        %ge3A_866 = arith.cmpi sge, %convert_element_type3A_855, %ge3A_865 : vector<16xi32>
        %and3A_867 = arith.andi %and3A, %ge3A_866 : vector<16xi1>
        %lt3A_868 = arith.constant 50 : i32
        %lt3A_869 = vector.broadcast %lt3A_868 : i32 to vector<16xi32>
        %lt3A_870 = arith.cmpi slt, %convert_element_type3A_855, %lt3A_869 : vector<16xi32>
        %and3A_871 = arith.andi %and3A_867, %lt3A_870 : vector<16xi1>
        %ge3A_872 = arith.constant 0 : i32
        %ge3A_873 = vector.broadcast %ge3A_872 : i32 to vector<16xi32>
        %ge3A_874 = arith.cmpi sge, %convert_element_type3A_858, %ge3A_873 : vector<16xi32>
        %and3A_875 = arith.andi %and3A_871, %ge3A_874 : vector<16xi1>
        %lt3A_876 = arith.constant 10 : i32
        %lt3A_877 = vector.broadcast %lt3A_876 : i32 to vector<16xi32>
        %lt3A_878 = arith.cmpi slt, %convert_element_type3A_858, %lt3A_877 : vector<16xi32>
        %and3A_879 = arith.andi %and3A_875, %lt3A_878 : vector<16xi1>
        %mul3A_880 = arith.constant 2500 : i32
        %mul3A_881 = vector.broadcast %mul3A_880 : i32 to vector<16xi32>
        %mul3A_882 = arith.muli %convert_element_type3A_858, %mul3A_881 : vector<16xi32>
        %mul3A_883 = arith.constant 50 : i32
        %mul3A_884 = vector.broadcast %mul3A_883 : i32 to vector<16xi32>
        %mul3A_885 = arith.muli %convert_element_type3A_855, %mul3A_884 : vector<16xi32>
        %add3A_886 = arith.addi %mul3A_882, %mul3A_885 : vector<16xi32>
        %add3A_887 = arith.addi %add3A_886, %convert_element_type3A_852 : vector<16xi32>
        %jit3A_888 = arith.constant 26623 : i32
        %broadcast_in_dim3A_889 = vector.broadcast %jit3A_888 : i32 to vector<16xi32>
        %select_n3A_890 = arith.select %and3A_879, %add3A_887, %broadcast_in_dim3A_889 : vector<16xi1>, vector<16xi32>
        %broadcast_in_dim3A_891 = arith.constant true
        %broadcast_in_dim3A_892 = vector.broadcast %broadcast_in_dim3A_891 : i1 to vector<16xi1>
        %unique3A, %unique3A_893 = tpu.scan_count mask(%broadcast_in_dim3A_892 : vector<16xi1>) value(%select_n3A_890 : vector<16xi32>) : vector<16xi1>, vector<16xi32>
        %gather3A_894 = tpu.vector_load_idx %arg7[%select_n3A_890] : memref<26624xi32, #tpu.memory_space<vmem>>[vector<16xi32>], vector<16xi32>,
        %add3A_895 = arith.addi %gather3A_894, %unique3A_893 : vector<16xi32>
        %min3A = arith.constant 7 : i32
        %min3A_896 = vector.broadcast %min3A : i32 to vector<16xi32>
        %min3A_897 = arith.minsi %add3A_895, %min3A_896 : vector<16xi32>
        tpu.vector_store_idx %arg7[%select_n3A_890], %min3A_897 masked %unique3A : memref<26624xi32, #tpu.memory_space<vmem>>[vector<16xi32>], vector<16xi32>, vector<16xi1>
        %mul3A_898 = arith.constant 16384 : i32
        %mul3A_899 = vector.broadcast %mul3A_898 : i32 to vector<16xi32>
        %mul3A_900 = arith.muli %select_n3A_890, %mul3A_899 : vector<16xi32>
        %add3A_901 = arith.addi %gather3A_894, %unique3A_893 : vector<16xi32>
        %sub3A_902 = arith.constant 1 : i32
        %sub3A_903 = vector.broadcast %sub3A_902 : i32 to vector<16xi32>
        %sub3A_904 = arith.subi %add3A_901, %sub3A_903 : vector<16xi32>
        %add3A_905 = arith.addi %mul3A_900, %sub3A_904 : vector<16xi32>
        %mul3A_906 = arith.constant 49 : i32
        %mul3A_907 = arith.muli %mul3A_794, %mul3A_906 : i32
        %add3A_908 = arith.addi %mul3A_907, %scan3A_837 : i32
        %mul3A_909 = arith.constant 16 : i32
        %mul3A_910 = arith.muli %add3A_908, %mul3A_909 : i32
        %swap3A_911 = arith.index_cast %mul3A_910 : i32 to index
        %swap3A_912 = tpu.vector_load %arg12[%swap3A_911] {strides = array<i32>} : memref<12544xi32, #tpu.memory_space<vmem>>, vector<16xi32>,
        tpu.vector_store %arg12[%swap3A_911], %add3A_905 {strides = array<i32>} : memref<12544xi32, #tpu.memory_space<vmem>>, vector<16xi32>,
      }
      %scan3A_818 = arith.constant 49 : i32
      %lt3A_819 = arith.constant 7 : i32
      %lt3A_820 = arith.cmpi slt, %scan3A_792, %lt3A_819 : i32
      %convert_element_type3A = arith.extui %lt3A_820 : i1 to i32
      %cond3A = arith.constant 0 : i32
      %cond3A_821 = arith.cmpi ne, %convert_element_type3A, %cond3A : i32
      scf.if %cond3A_821 {
        %add3A_837 = arith.constant 2 : i32
        %add3A_838 = arith.addi %mul3A_794, %add3A_837 : i32
        %mul3A_839 = arith.constant 12544 : i32
        %mul3A_840 = arith.muli %arg1, %mul3A_839 : i32
        %mul3A_841 = arith.constant 784 : i32
        %mul3A_842 = arith.muli %add3A_838, %mul3A_841 : i32
        %add3A_843 = arith.addi %mul3A_840, %mul3A_842 : i32
        %dma_start3A_844 = arith.constant 0 : i32
        %dma_start3A_845 = tpu.memref_slice %arg2[%add3A_843, %dma_start3A_844] : memref<200704x8xf32, #tpu.memory_space<hbm>> -> memref<784x8xf32, #tpu.memory_space<hbm>>
        %dma_start3A_846 = arith.constant 0 : i32
        %dma_start3A_847 = tpu.memref_slice %arg2[%add3A_843, %dma_start3A_846] : memref<200704x8xf32, #tpu.memory_space<hbm>> -> memref<784x8xf32, #tpu.memory_space<hbm>>
        tpu.enqueue_dma source(%dma_start3A_847 : memref<784x8xf32, #tpu.memory_space<hbm>>) target(%arg10 : memref<784x8xf32, #tpu.memory_space<vmem>>) target_semaphore(%arg24 : memref<!tpu.dma_semaphore, #tpu.memory_space<semaphore_mem>>)
      } else {
      }
      %mul3A_822 = arith.constant 12544 : i32
      %mul3A_823 = arith.muli %arg1, %mul3A_822 : i32
      %add3A_824 = arith.constant 0 : i32
      %add3A_825 = arith.addi %mul3A_823, %add3A_824 : i32
      %dma_wait3A_826 = arith.constant 0 : i32
      %dma_wait3A_827 = tpu.memref_slice %arg2[%add3A_825, %dma_wait3A_826] : memref<200704x8xf32, #tpu.memory_space<hbm>> -> memref<784x8xf32, #tpu.memory_space<hbm>>
      %dma_wait3A_828 = arith.constant 0 : i32
      %dma_wait3A_829 = tpu.memref_slice %arg2[%add3A_825, %dma_wait3A_828] : memref<200704x8xf32, #tpu.memory_space<hbm>> -> memref<784x8xf32, #tpu.memory_space<hbm>>
      tpu.wait_dma2 semaphore(%arg25 : memref<!tpu.dma_semaphore, #tpu.memory_space<semaphore_mem>>) src(%dma_wait3A_829 : memref<784x8xf32, #tpu.memory_space<hbm>>) dst(%arg11 : memref<784x8xf32, #tpu.memory_space<vmem>>)
      %add3A_830 = arith.constant 1 : i32
      %add3A_831 = arith.addi %mul3A_794, %add3A_830 : i32
      %scan3A_832 = arith.constant 0 : i32
      %scan3A_833 = arith.constant 49 : i32
      %scan3A_834 = arith.addi %scan3A_832, %scan3A_833 : i32
      %scan3A_835 = arith.constant 1 : i32
      scf.for %scan3A_837 = %scan3A_832 to %scan3A_834 step %scan3A_835  : i32 {
        %mul3A_838 = arith.constant 16 : i32
        %mul3A_839 = arith.muli %scan3A_837, %mul3A_838 : i32
        %add3A_840 = vector.broadcast %mul3A_839 : i32 to vector<16xi32>
        %add3A_841 = arith.addi %add3A_840, %iota3A : vector<16xi32>
        %gather3A_842 = tpu.vector_load_idx %arg11[%add3A_841, %broadcast_in_dim3A_2] : memref<784x8xf32, #tpu.memory_space<vmem>>[vector<16xi32>, vector<16xi32>], vector<16xf32>,
        %add3A_843 = arith.constant 1 : i32
        %add3A_844 = vector.broadcast %add3A_843 : i32 to vector<16xi32>
        %add3A_845 = arith.addi %broadcast_in_dim3A_2, %add3A_844 : vector<16xi32>
        %gather3A_846 = tpu.vector_load_idx %arg11[%add3A_841, %add3A_845] : memref<784x8xf32, #tpu.memory_space<vmem>>[vector<16xi32>, vector<16xi32>], vector<16xf32>,
        %add3A_847 = arith.constant 2 : i32
        %add3A_848 = vector.broadcast %add3A_847 : i32 to vector<16xi32>
        %add3A_849 = arith.addi %broadcast_in_dim3A_2, %add3A_848 : vector<16xi32>
        %gather3A_850 = tpu.vector_load_idx %arg11[%add3A_841, %add3A_849] : memref<784x8xf32, #tpu.memory_space<vmem>>[vector<16xi32>, vector<16xi32>], vector<16xf32>,
        %div3A = vector.broadcast %scan3A_139 : f32 to vector<16xf32>
        %div3A_851 = arith.divf %gather3A_842, %div3A : vector<16xf32>
        %convert_element_type3A_852 = arith.fptosi %div3A_851 : vector<16xf32> to vector<16xi32>
        %div3A_853 = vector.broadcast %scan3A_139 : f32 to vector<16xf32>
        %div3A_854 = arith.divf %gather3A_846, %div3A_853 : vector<16xf32>
        %convert_element_type3A_855 = arith.fptosi %div3A_854 : vector<16xf32> to vector<16xi32>
        %div3A_856 = vector.broadcast %scan3A_140 : f32 to vector<16xf32>
        %div3A_857 = arith.divf %gather3A_850, %div3A_856 : vector<16xf32>
        %convert_element_type3A_858 = arith.fptosi %div3A_857 : vector<16xf32> to vector<16xi32>
        %ge3A = arith.constant 0 : i32
        %ge3A_859 = vector.broadcast %ge3A : i32 to vector<16xi32>
        %ge3A_860 = arith.cmpi sge, %convert_element_type3A_852, %ge3A_859 : vector<16xi32>
        %lt3A_861 = arith.constant 50 : i32
        %lt3A_862 = vector.broadcast %lt3A_861 : i32 to vector<16xi32>
        %lt3A_863 = arith.cmpi slt, %convert_element_type3A_852, %lt3A_862 : vector<16xi32>
        %and3A = arith.andi %ge3A_860, %lt3A_863 : vector<16xi1>
        %ge3A_864 = arith.constant 0 : i32
        %ge3A_865 = vector.broadcast %ge3A_864 : i32 to vector<16xi32>
        %ge3A_866 = arith.cmpi sge, %convert_element_type3A_855, %ge3A_865 : vector<16xi32>
        %and3A_867 = arith.andi %and3A, %ge3A_866 : vector<16xi1>
        %lt3A_868 = arith.constant 50 : i32
        %lt3A_869 = vector.broadcast %lt3A_868 : i32 to vector<16xi32>
        %lt3A_870 = arith.cmpi slt, %convert_element_type3A_855, %lt3A_869 : vector<16xi32>
        %and3A_871 = arith.andi %and3A_867, %lt3A_870 : vector<16xi1>
        %ge3A_872 = arith.constant 0 : i32
        %ge3A_873 = vector.broadcast %ge3A_872 : i32 to vector<16xi32>
        %ge3A_874 = arith.cmpi sge, %convert_element_type3A_858, %ge3A_873 : vector<16xi32>
        %and3A_875 = arith.andi %and3A_871, %ge3A_874 : vector<16xi1>
        %lt3A_876 = arith.constant 10 : i32
        %lt3A_877 = vector.broadcast %lt3A_876 : i32 to vector<16xi32>
        %lt3A_878 = arith.cmpi slt, %convert_element_type3A_858, %lt3A_877 : vector<16xi32>
        %and3A_879 = arith.andi %and3A_875, %lt3A_878 : vector<16xi1>
        %mul3A_880 = arith.constant 2500 : i32
        %mul3A_881 = vector.broadcast %mul3A_880 : i32 to vector<16xi32>
        %mul3A_882 = arith.muli %convert_element_type3A_858, %mul3A_881 : vector<16xi32>
        %mul3A_883 = arith.constant 50 : i32
        %mul3A_884 = vector.broadcast %mul3A_883 : i32 to vector<16xi32>
        %mul3A_885 = arith.muli %convert_element_type3A_855, %mul3A_884 : vector<16xi32>
        %add3A_886 = arith.addi %mul3A_882, %mul3A_885 : vector<16xi32>
        %add3A_887 = arith.addi %add3A_886, %convert_element_type3A_852 : vector<16xi32>
        %jit3A_888 = arith.constant 26623 : i32
        %broadcast_in_dim3A_889 = vector.broadcast %jit3A_888 : i32 to vector<16xi32>
        %select_n3A_890 = arith.select %and3A_879, %add3A_887, %broadcast_in_dim3A_889 : vector<16xi1>, vector<16xi32>
        %broadcast_in_dim3A_891 = arith.constant true
        %broadcast_in_dim3A_892 = vector.broadcast %broadcast_in_dim3A_891 : i1 to vector<16xi1>
        %unique3A, %unique3A_893 = tpu.scan_count mask(%broadcast_in_dim3A_892 : vector<16xi1>) value(%select_n3A_890 : vector<16xi32>) : vector<16xi1>, vector<16xi32>
        %gather3A_894 = tpu.vector_load_idx %arg7[%select_n3A_890] : memref<26624xi32, #tpu.memory_space<vmem>>[vector<16xi32>], vector<16xi32>,
        %add3A_895 = arith.addi %gather3A_894, %unique3A_893 : vector<16xi32>
        %min3A = arith.constant 7 : i32
        %min3A_896 = vector.broadcast %min3A : i32 to vector<16xi32>
        %min3A_897 = arith.minsi %add3A_895, %min3A_896 : vector<16xi32>
        tpu.vector_store_idx %arg7[%select_n3A_890], %min3A_897 masked %unique3A : memref<26624xi32, #tpu.memory_space<vmem>>[vector<16xi32>], vector<16xi32>, vector<16xi1>
        %mul3A_898 = arith.constant 16384 : i32
        %mul3A_899 = vector.broadcast %mul3A_898 : i32 to vector<16xi32>
        %mul3A_900 = arith.muli %select_n3A_890, %mul3A_899 : vector<16xi32>
        %add3A_901 = arith.addi %gather3A_894, %unique3A_893 : vector<16xi32>
        %sub3A_902 = arith.constant 1 : i32
        %sub3A_903 = vector.broadcast %sub3A_902 : i32 to vector<16xi32>
        %sub3A_904 = arith.subi %add3A_901, %sub3A_903 : vector<16xi32>
        %add3A_905 = arith.addi %mul3A_900, %sub3A_904 : vector<16xi32>
        %mul3A_906 = arith.constant 49 : i32
        %mul3A_907 = arith.muli %add3A_831, %mul3A_906 : i32
        %add3A_908 = arith.addi %mul3A_907, %scan3A_837 : i32
        %mul3A_909 = arith.constant 16 : i32
        %mul3A_910 = arith.muli %add3A_908, %mul3A_909 : i32
        %swap3A_911 = arith.index_cast %mul3A_910 : i32 to index
        %swap3A_912 = tpu.vector_load %arg12[%swap3A_911] {strides = array<i32>} : memref<12544xi32, #tpu.memory_space<vmem>>, vector<16xi32>,
        tpu.vector_store %arg12[%swap3A_911], %add3A_905 {strides = array<i32>} : memref<12544xi32, #tpu.memory_space<vmem>>, vector<16xi32>,
      }
      %scan3A_836 = arith.constant 49 : i32
    }
    %scan3A_145 = arith.constant 8 : i32
    %scan3A_146 = arith.constant 0 : i32
    %scan3A_147 = arith.constant 0 : i32
    %scan3A_148 = arith.constant 104 : i32
    %scan3A_149 = arith.addi %scan3A_147, %scan3A_148 : i32
    %scan3A_150 = arith.constant 1 : i32
    scf.for %scan3A_792 = %scan3A_147 to %scan3A_149 step %scan3A_150  : i32 {
      %mul3A_793 = arith.constant 4 : i32
      %mul3A_794 = arith.muli %scan3A_792, %mul3A_793 : i32
      %add3A_795 = arith.constant 0 : i32
      %add3A_796 = arith.addi %mul3A_794, %add3A_795 : i32
      %mul3A_797 = arith.constant 16 : i32
      %mul3A_798 = arith.muli %add3A_796, %mul3A_797 : i32
      %add3A_799 = vector.broadcast %mul3A_798 : i32 to vector<16xi32>
      %add3A_800 = arith.addi %add3A_799, %iota3A : vector<16xi32>
      %mul3A_801 = arith.constant 4 : i32
      %mul3A_802 = vector.broadcast %mul3A_801 : i32 to vector<16xi32>
      %mul3A_803 = arith.muli %add3A_800, %mul3A_802 : vector<16xi32>
      %gather3A_804 = tpu.vector_load_idx %arg7[%mul3A_803] : memref<26624xi32, #tpu.memory_space<vmem>>[vector<16xi32>], vector<16xi32>,
      %add3A_805 = arith.constant 1 : i32
      %add3A_806 = vector.broadcast %add3A_805 : i32 to vector<16xi32>
      %add3A_807 = arith.addi %mul3A_803, %add3A_806 : vector<16xi32>
      %gather3A_808 = tpu.vector_load_idx %arg7[%add3A_807] : memref<26624xi32, #tpu.memory_space<vmem>>[vector<16xi32>], vector<16xi32>,
      %add3A_809 = arith.constant 2 : i32
      %add3A_810 = vector.broadcast %add3A_809 : i32 to vector<16xi32>
      %add3A_811 = arith.addi %mul3A_803, %add3A_810 : vector<16xi32>
      %gather3A_812 = tpu.vector_load_idx %arg7[%add3A_811] : memref<26624xi32, #tpu.memory_space<vmem>>[vector<16xi32>], vector<16xi32>,
      %add3A_813 = arith.constant 3 : i32
      %add3A_814 = vector.broadcast %add3A_813 : i32 to vector<16xi32>
      %add3A_815 = arith.addi %mul3A_803, %add3A_814 : vector<16xi32>
      %gather3A_816 = tpu.vector_load_idx %arg7[%add3A_815] : memref<26624xi32, #tpu.memory_space<vmem>>[vector<16xi32>], vector<16xi32>,
      %shift_left3A = arith.constant 8 : i32
      %shift_left3A_817 = vector.broadcast %shift_left3A : i32 to vector<16xi32>
      %shift_left3A_818 = arith.shli %gather3A_808, %shift_left3A_817 : vector<16xi32>
      %or3A = arith.ori %gather3A_804, %shift_left3A_818 : vector<16xi32>
      %shift_left3A_819 = arith.constant 16 : i32
      %shift_left3A_820 = vector.broadcast %shift_left3A_819 : i32 to vector<16xi32>
      %shift_left3A_821 = arith.shli %gather3A_812, %shift_left3A_820 : vector<16xi32>
      %or3A_822 = arith.ori %or3A, %shift_left3A_821 : vector<16xi32>
      %shift_left3A_823 = arith.constant 24 : i32
      %shift_left3A_824 = vector.broadcast %shift_left3A_823 : i32 to vector<16xi32>
      %shift_left3A_825 = arith.shli %gather3A_816, %shift_left3A_824 : vector<16xi32>
      %or3A_826 = arith.ori %or3A_822, %shift_left3A_825 : vector<16xi32>
      %mul3A_827 = arith.constant 16 : i32
      %mul3A_828 = arith.muli %add3A_796, %mul3A_827 : i32
      %swap3A_829 = arith.index_cast %mul3A_828 : i32 to index
      %swap3A_830 = tpu.vector_load %arg8[%swap3A_829] {strides = array<i32>} : memref<6656xi32, #tpu.memory_space<vmem>>, vector<16xi32>,
      tpu.vector_store %arg8[%swap3A_829], %or3A_826 {strides = array<i32>} : memref<6656xi32, #tpu.memory_space<vmem>>, vector<16xi32>,
      %mul3A_831 = arith.constant 4 : i32
      %mul3A_832 = arith.muli %scan3A_792, %mul3A_831 : i32
      %add3A_833 = arith.constant 1 : i32
      %add3A_834 = arith.addi %mul3A_832, %add3A_833 : i32
      %mul3A_835 = arith.constant 16 : i32
      %mul3A_836 = arith.muli %add3A_834, %mul3A_835 : i32
      %add3A_837 = vector.broadcast %mul3A_836 : i32 to vector<16xi32>
      %add3A_838 = arith.addi %add3A_837, %iota3A : vector<16xi32>
      %mul3A_839 = arith.constant 4 : i32
      %mul3A_840 = vector.broadcast %mul3A_839 : i32 to vector<16xi32>
      %mul3A_841 = arith.muli %add3A_838, %mul3A_840 : vector<16xi32>
      %gather3A_842 = tpu.vector_load_idx %arg7[%mul3A_841] : memref<26624xi32, #tpu.memory_space<vmem>>[vector<16xi32>], vector<16xi32>,
      %add3A_843 = arith.constant 1 : i32
      %add3A_844 = vector.broadcast %add3A_843 : i32 to vector<16xi32>
      %add3A_845 = arith.addi %mul3A_841, %add3A_844 : vector<16xi32>
      %gather3A_846 = tpu.vector_load_idx %arg7[%add3A_845] : memref<26624xi32, #tpu.memory_space<vmem>>[vector<16xi32>], vector<16xi32>,
      %add3A_847 = arith.constant 2 : i32
      %add3A_848 = vector.broadcast %add3A_847 : i32 to vector<16xi32>
      %add3A_849 = arith.addi %mul3A_841, %add3A_848 : vector<16xi32>
      %gather3A_850 = tpu.vector_load_idx %arg7[%add3A_849] : memref<26624xi32, #tpu.memory_space<vmem>>[vector<16xi32>], vector<16xi32>,
      %add3A_851 = arith.constant 3 : i32
      %add3A_852 = vector.broadcast %add3A_851 : i32 to vector<16xi32>
      %add3A_853 = arith.addi %mul3A_841, %add3A_852 : vector<16xi32>
      %gather3A_854 = tpu.vector_load_idx %arg7[%add3A_853] : memref<26624xi32, #tpu.memory_space<vmem>>[vector<16xi32>], vector<16xi32>,
      %shift_left3A_855 = arith.constant 8 : i32
      %shift_left3A_856 = vector.broadcast %shift_left3A_855 : i32 to vector<16xi32>
      %shift_left3A_857 = arith.shli %gather3A_846, %shift_left3A_856 : vector<16xi32>
      %or3A_858 = arith.ori %gather3A_842, %shift_left3A_857 : vector<16xi32>
      %shift_left3A_859 = arith.constant 16 : i32
      %shift_left3A_860 = vector.broadcast %shift_left3A_859 : i32 to vector<16xi32>
      %shift_left3A_861 = arith.shli %gather3A_850, %shift_left3A_860 : vector<16xi32>
      %or3A_862 = arith.ori %or3A_858, %shift_left3A_861 : vector<16xi32>
      %shift_left3A_863 = arith.constant 24 : i32
      %shift_left3A_864 = vector.broadcast %shift_left3A_863 : i32 to vector<16xi32>
      %shift_left3A_865 = arith.shli %gather3A_854, %shift_left3A_864 : vector<16xi32>
      %or3A_866 = arith.ori %or3A_862, %shift_left3A_865 : vector<16xi32>
      %mul3A_867 = arith.constant 16 : i32
      %mul3A_868 = arith.muli %add3A_834, %mul3A_867 : i32
      %swap3A_869 = arith.index_cast %mul3A_868 : i32 to index
      %swap3A_870 = tpu.vector_load %arg8[%swap3A_869] {strides = array<i32>} : memref<6656xi32, #tpu.memory_space<vmem>>, vector<16xi32>,
      tpu.vector_store %arg8[%swap3A_869], %or3A_866 {strides = array<i32>} : memref<6656xi32, #tpu.memory_space<vmem>>, vector<16xi32>,
      %mul3A_871 = arith.constant 4 : i32
      %mul3A_872 = arith.muli %scan3A_792, %mul3A_871 : i32
      %add3A_873 = arith.constant 2 : i32
      %add3A_874 = arith.addi %mul3A_872, %add3A_873 : i32
      %mul3A_875 = arith.constant 16 : i32
      %mul3A_876 = arith.muli %add3A_874, %mul3A_875 : i32
      %add3A_877 = vector.broadcast %mul3A_876 : i32 to vector<16xi32>
      %add3A_878 = arith.addi %add3A_877, %iota3A : vector<16xi32>
      %mul3A_879 = arith.constant 4 : i32
      %mul3A_880 = vector.broadcast %mul3A_879 : i32 to vector<16xi32>
      %mul3A_881 = arith.muli %add3A_878, %mul3A_880 : vector<16xi32>
      %gather3A_882 = tpu.vector_load_idx %arg7[%mul3A_881] : memref<26624xi32, #tpu.memory_space<vmem>>[vector<16xi32>], vector<16xi32>,
      %add3A_883 = arith.constant 1 : i32
      %add3A_884 = vector.broadcast %add3A_883 : i32 to vector<16xi32>
      %add3A_885 = arith.addi %mul3A_881, %add3A_884 : vector<16xi32>
      %gather3A_886 = tpu.vector_load_idx %arg7[%add3A_885] : memref<26624xi32, #tpu.memory_space<vmem>>[vector<16xi32>], vector<16xi32>,
      %add3A_887 = arith.constant 2 : i32
      %add3A_888 = vector.broadcast %add3A_887 : i32 to vector<16xi32>
      %add3A_889 = arith.addi %mul3A_881, %add3A_888 : vector<16xi32>
      %gather3A_890 = tpu.vector_load_idx %arg7[%add3A_889] : memref<26624xi32, #tpu.memory_space<vmem>>[vector<16xi32>], vector<16xi32>,
      %add3A_891 = arith.constant 3 : i32
      %add3A_892 = vector.broadcast %add3A_891 : i32 to vector<16xi32>
      %add3A_893 = arith.addi %mul3A_881, %add3A_892 : vector<16xi32>
      %gather3A_894 = tpu.vector_load_idx %arg7[%add3A_893] : memref<26624xi32, #tpu.memory_space<vmem>>[vector<16xi32>], vector<16xi32>,
      %shift_left3A_895 = arith.constant 8 : i32
      %shift_left3A_896 = vector.broadcast %shift_left3A_895 : i32 to vector<16xi32>
      %shift_left3A_897 = arith.shli %gather3A_886, %shift_left3A_896 : vector<16xi32>
      %or3A_898 = arith.ori %gather3A_882, %shift_left3A_897 : vector<16xi32>
      %shift_left3A_899 = arith.constant 16 : i32
      %shift_left3A_900 = vector.broadcast %shift_left3A_899 : i32 to vector<16xi32>
      %shift_left3A_901 = arith.shli %gather3A_890, %shift_left3A_900 : vector<16xi32>
      %or3A_902 = arith.ori %or3A_898, %shift_left3A_901 : vector<16xi32>
      %shift_left3A_903 = arith.constant 24 : i32
      %shift_left3A_904 = vector.broadcast %shift_left3A_903 : i32 to vector<16xi32>
      %shift_left3A_905 = arith.shli %gather3A_894, %shift_left3A_904 : vector<16xi32>
      %or3A_906 = arith.ori %or3A_902, %shift_left3A_905 : vector<16xi32>
      %mul3A_907 = arith.constant 16 : i32
      %mul3A_908 = arith.muli %add3A_874, %mul3A_907 : i32
      %swap3A_909 = arith.index_cast %mul3A_908 : i32 to index
      %swap3A_910 = tpu.vector_load %arg8[%swap3A_909] {strides = array<i32>} : memref<6656xi32, #tpu.memory_space<vmem>>, vector<16xi32>,
      tpu.vector_store %arg8[%swap3A_909], %or3A_906 {strides = array<i32>} : memref<6656xi32, #tpu.memory_space<vmem>>, vector<16xi32>,
      %mul3A_911 = arith.constant 4 : i32
      %mul3A_912 = arith.muli %scan3A_792, %mul3A_911 : i32
      %add3A_913 = arith.constant 3 : i32
      %add3A_914 = arith.addi %mul3A_912, %add3A_913 : i32
      %mul3A_915 = arith.constant 16 : i32
      %mul3A_916 = arith.muli %add3A_914, %mul3A_915 : i32
      %add3A_917 = vector.broadcast %mul3A_916 : i32 to vector<16xi32>
      %add3A_918 = arith.addi %add3A_917, %iota3A : vector<16xi32>
      %mul3A_919 = arith.constant 4 : i32
      %mul3A_920 = vector.broadcast %mul3A_919 : i32 to vector<16xi32>
      %mul3A_921 = arith.muli %add3A_918, %mul3A_920 : vector<16xi32>
      %gather3A_922 = tpu.vector_load_idx %arg7[%mul3A_921] : memref<26624xi32, #tpu.memory_space<vmem>>[vector<16xi32>], vector<16xi32>,
      %add3A_923 = arith.constant 1 : i32
      %add3A_924 = vector.broadcast %add3A_923 : i32 to vector<16xi32>
      %add3A_925 = arith.addi %mul3A_921, %add3A_924 : vector<16xi32>
      %gather3A_926 = tpu.vector_load_idx %arg7[%add3A_925] : memref<26624xi32, #tpu.memory_space<vmem>>[vector<16xi32>], vector<16xi32>,
      %add3A_927 = arith.constant 2 : i32
      %add3A_928 = vector.broadcast %add3A_927 : i32 to vector<16xi32>
      %add3A_929 = arith.addi %mul3A_921, %add3A_928 : vector<16xi32>
      %gather3A_930 = tpu.vector_load_idx %arg7[%add3A_929] : memref<26624xi32, #tpu.memory_space<vmem>>[vector<16xi32>], vector<16xi32>,
      %add3A_931 = arith.constant 3 : i32
      %add3A_932 = vector.broadcast %add3A_931 : i32 to vector<16xi32>
      %add3A_933 = arith.addi %mul3A_921, %add3A_932 : vector<16xi32>
      %gather3A_934 = tpu.vector_load_idx %arg7[%add3A_933] : memref<26624xi32, #tpu.memory_space<vmem>>[vector<16xi32>], vector<16xi32>,
      %shift_left3A_935 = arith.constant 8 : i32
      %shift_left3A_936 = vector.broadcast %shift_left3A_935 : i32 to vector<16xi32>
      %shift_left3A_937 = arith.shli %gather3A_926, %shift_left3A_936 : vector<16xi32>
      %or3A_938 = arith.ori %gather3A_922, %shift_left3A_937 : vector<16xi32>
      %shift_left3A_939 = arith.constant 16 : i32
      %shift_left3A_940 = vector.broadcast %shift_left3A_939 : i32 to vector<16xi32>
      %shift_left3A_941 = arith.shli %gather3A_930, %shift_left3A_940 : vector<16xi32>
      %or3A_942 = arith.ori %or3A_938, %shift_left3A_941 : vector<16xi32>
      %shift_left3A_943 = arith.constant 24 : i32
      %shift_left3A_944 = vector.broadcast %shift_left3A_943 : i32 to vector<16xi32>
      %shift_left3A_945 = arith.shli %gather3A_934, %shift_left3A_944 : vector<16xi32>
      %or3A_946 = arith.ori %or3A_942, %shift_left3A_945 : vector<16xi32>
      %mul3A_947 = arith.constant 16 : i32
      %mul3A_948 = arith.muli %add3A_914, %mul3A_947 : i32
      %swap3A_949 = arith.index_cast %mul3A_948 : i32 to index
      %swap3A_950 = tpu.vector_load %arg8[%swap3A_949] {strides = array<i32>} : memref<6656xi32, #tpu.memory_space<vmem>>, vector<16xi32>,
      tpu.vector_store %arg8[%swap3A_949], %or3A_946 {strides = array<i32>} : memref<6656xi32, #tpu.memory_space<vmem>>, vector<16xi32>,
    }
    %scan3A_151 = arith.constant 104 : i32
    %mul3A_152 = arith.constant 6656 : i32
    %mul3A_153 = arith.muli %arg1, %mul3A_152 : i32
    "tpu.region"() ({
      %run_scoped3A = tpu.sem_alloc : memref<!tpu.dma_semaphore, #tpu.memory_space<semaphore_mem>>
      %dma_start3A_792 = arith.constant 0 : i32
      %dma_start3A_793 = tpu.memref_slice %arg8[%dma_start3A_792] : memref<6656xi32, #tpu.memory_space<vmem>> -> memref<6656xi32, #tpu.memory_space<vmem>>
      %dma_start3A_794 = tpu.memref_slice %arg6[%mul3A_153] : memref<106496xi32, #tpu.memory_space<hbm>> -> memref<6656xi32, #tpu.memory_space<hbm>>
      %dma_start3A_795 = tpu.memref_slice %arg6[%mul3A_153] : memref<106496xi32, #tpu.memory_space<hbm>> -> memref<6656xi32, #tpu.memory_space<hbm>>
      %dma_start3A_796 = arith.constant 0 : i32
      %dma_start3A_797 = tpu.memref_slice %arg8[%dma_start3A_796] : memref<6656xi32, #tpu.memory_space<vmem>> -> memref<6656xi32, #tpu.memory_space<vmem>>
      tpu.enqueue_dma source(%dma_start3A_797 : memref<6656xi32, #tpu.memory_space<vmem>>) target(%dma_start3A_795 : memref<6656xi32, #tpu.memory_space<hbm>>) target_semaphore(%run_scoped3A : memref<!tpu.dma_semaphore, #tpu.memory_space<semaphore_mem>>)
      %dma_wait3A_798 = arith.constant 0 : i32
      %dma_wait3A_799 = tpu.memref_slice %arg8[%dma_wait3A_798] : memref<6656xi32, #tpu.memory_space<vmem>> -> memref<6656xi32, #tpu.memory_space<vmem>>
      %dma_wait3A_800 = tpu.memref_slice %arg6[%mul3A_153] : memref<106496xi32, #tpu.memory_space<hbm>> -> memref<6656xi32, #tpu.memory_space<hbm>>
      %dma_wait3A_801 = tpu.memref_slice %arg6[%mul3A_153] : memref<106496xi32, #tpu.memory_space<hbm>> -> memref<6656xi32, #tpu.memory_space<hbm>>
      %dma_wait3A_802 = arith.constant 0 : i32
      %dma_wait3A_803 = tpu.memref_slice %arg8[%dma_wait3A_802] : memref<6656xi32, #tpu.memory_space<vmem>> -> memref<6656xi32, #tpu.memory_space<vmem>>
      tpu.wait_dma2 semaphore(%run_scoped3A : memref<!tpu.dma_semaphore, #tpu.memory_space<semaphore_mem>>) src(%dma_wait3A_803 : memref<6656xi32, #tpu.memory_space<vmem>>) dst(%dma_wait3A_801 : memref<6656xi32, #tpu.memory_space<hbm>>)
      tpu.yield
    }) : () -> ()
    %dma_wait3A = arith.constant 0 : i32
    %dma_wait3A_154 = arith.constant 0 : i32
    %dma_wait3A_155 = tpu.memref_slice %arg20[%dma_wait3A, %dma_wait3A_154] : memref<784x8xf32, #tpu.memory_space<vmem>> -> memref<784x8xf32, #tpu.memory_space<vmem>>
    %dma_wait3A_156 = arith.constant 0 : i32
    %dma_wait3A_157 = tpu.memref_slice %arg3[%add3A_29, %dma_wait3A_156] : memref<80800x8xf32, #tpu.memory_space<hbm>> -> memref<784x8xf32, #tpu.memory_space<hbm>>
    %dma_wait3A_158 = arith.constant 0 : i32
    %dma_wait3A_159 = tpu.memref_slice %arg3[%add3A_29, %dma_wait3A_158] : memref<80800x8xf32, #tpu.memory_space<hbm>> -> memref<784x8xf32, #tpu.memory_space<hbm>>
    %dma_wait3A_160 = arith.constant 0 : i32
    %dma_wait3A_161 = arith.constant 0 : i32
    %dma_wait3A_162 = tpu.memref_slice %arg20[%dma_wait3A_160, %dma_wait3A_161] : memref<784x8xf32, #tpu.memory_space<vmem>> -> memref<784x8xf32, #tpu.memory_space<vmem>>
    tpu.wait_dma2 semaphore(%arg26 : memref<!tpu.dma_semaphore, #tpu.memory_space<semaphore_mem>>) src(%dma_wait3A_162 : memref<784x8xf32, #tpu.memory_space<vmem>>) dst(%dma_wait3A_159 : memref<784x8xf32, #tpu.memory_space<hbm>>)
    %dma_wait3A_163 = arith.constant 0 : i32
    %dma_wait3A_164 = arith.constant 0 : i32
    %dma_wait3A_165 = tpu.memref_slice %arg20[%dma_wait3A_163, %dma_wait3A_164] : memref<784x8xf32, #tpu.memory_space<vmem>> -> memref<784x8xf32, #tpu.memory_space<vmem>>
    %dma_wait3A_166 = arith.constant 0 : i32
    %dma_wait3A_167 = tpu.memref_slice %arg3[%add3A_40, %dma_wait3A_166] : memref<80800x8xf32, #tpu.memory_space<hbm>> -> memref<784x8xf32, #tpu.memory_space<hbm>>
    %dma_wait3A_168 = arith.constant 0 : i32
    %dma_wait3A_169 = tpu.memref_slice %arg3[%add3A_40, %dma_wait3A_168] : memref<80800x8xf32, #tpu.memory_space<hbm>> -> memref<784x8xf32, #tpu.memory_space<hbm>>
    %dma_wait3A_170 = arith.constant 0 : i32
    %dma_wait3A_171 = arith.constant 0 : i32
    %dma_wait3A_172 = tpu.memref_slice %arg20[%dma_wait3A_170, %dma_wait3A_171] : memref<784x8xf32, #tpu.memory_space<vmem>> -> memref<784x8xf32, #tpu.memory_space<vmem>>
    tpu.wait_dma2 semaphore(%arg26 : memref<!tpu.dma_semaphore, #tpu.memory_space<semaphore_mem>>) src(%dma_wait3A_172 : memref<784x8xf32, #tpu.memory_space<vmem>>) dst(%dma_wait3A_169 : memref<784x8xf32, #tpu.memory_space<hbm>>)
    %dma_wait3A_173 = arith.constant 0 : i32
    %dma_wait3A_174 = arith.constant 0 : i32
    %dma_wait3A_175 = tpu.memref_slice %arg20[%dma_wait3A_173, %dma_wait3A_174] : memref<784x8xf32, #tpu.memory_space<vmem>> -> memref<784x8xf32, #tpu.memory_space<vmem>>
    %dma_wait3A_176 = arith.constant 0 : i32
    %dma_wait3A_177 = tpu.memref_slice %arg3[%add3A_52, %dma_wait3A_176] : memref<80800x8xf32, #tpu.memory_space<hbm>> -> memref<784x8xf32, #tpu.memory_space<hbm>>
    %dma_wait3A_178 = arith.constant 0 : i32
    %dma_wait3A_179 = tpu.memref_slice %arg3[%add3A_52, %dma_wait3A_178] : memref<80800x8xf32, #tpu.memory_space<hbm>> -> memref<784x8xf32, #tpu.memory_space<hbm>>
    %dma_wait3A_180 = arith.constant 0 : i32
    %dma_wait3A_181 = arith.constant 0 : i32
    %dma_wait3A_182 = tpu.memref_slice %arg20[%dma_wait3A_180, %dma_wait3A_181] : memref<784x8xf32, #tpu.memory_space<vmem>> -> memref<784x8xf32, #tpu.memory_space<vmem>>
    tpu.wait_dma2 semaphore(%arg26 : memref<!tpu.dma_semaphore, #tpu.memory_space<semaphore_mem>>) src(%dma_wait3A_182 : memref<784x8xf32, #tpu.memory_space<vmem>>) dst(%dma_wait3A_179 : memref<784x8xf32, #tpu.memory_space<hbm>>)
    %dma_wait3A_183 = arith.constant 0 : i32
    %dma_wait3A_184 = arith.constant 0 : i32
    %dma_wait3A_185 = tpu.memref_slice %arg20[%dma_wait3A_183, %dma_wait3A_184] : memref<784x8xf32, #tpu.memory_space<vmem>> -> memref<784x8xf32, #tpu.memory_space<vmem>>
    %dma_wait3A_186 = arith.constant 0 : i32
    %dma_wait3A_187 = tpu.memref_slice %arg3[%add3A_64, %dma_wait3A_186] : memref<80800x8xf32, #tpu.memory_space<hbm>> -> memref<784x8xf32, #tpu.memory_space<hbm>>
    %dma_wait3A_188 = arith.constant 0 : i32
    %dma_wait3A_189 = tpu.memref_slice %arg3[%add3A_64, %dma_wait3A_188] : memref<80800x8xf32, #tpu.memory_space<hbm>> -> memref<784x8xf32, #tpu.memory_space<hbm>>
    %dma_wait3A_190 = arith.constant 0 : i32
    %dma_wait3A_191 = arith.constant 0 : i32
    %dma_wait3A_192 = tpu.memref_slice %arg20[%dma_wait3A_190, %dma_wait3A_191] : memref<784x8xf32, #tpu.memory_space<vmem>> -> memref<784x8xf32, #tpu.memory_space<vmem>>
    tpu.wait_dma2 semaphore(%arg26 : memref<!tpu.dma_semaphore, #tpu.memory_space<semaphore_mem>>) src(%dma_wait3A_192 : memref<784x8xf32, #tpu.memory_space<vmem>>) dst(%dma_wait3A_189 : memref<784x8xf32, #tpu.memory_space<hbm>>)
    %dma_wait3A_193 = arith.constant 0 : i32
    %dma_wait3A_194 = arith.constant 0 : i32
    %dma_wait3A_195 = tpu.memref_slice %arg20[%dma_wait3A_193, %dma_wait3A_194] : memref<784x8xf32, #tpu.memory_space<vmem>> -> memref<784x8xf32, #tpu.memory_space<vmem>>
    %dma_wait3A_196 = arith.constant 0 : i32
    %dma_wait3A_197 = tpu.memref_slice %arg3[%add3A_76, %dma_wait3A_196] : memref<80800x8xf32, #tpu.memory_space<hbm>> -> memref<784x8xf32, #tpu.memory_space<hbm>>
    %dma_wait3A_198 = arith.constant 0 : i32
    %dma_wait3A_199 = tpu.memref_slice %arg3[%add3A_76, %dma_wait3A_198] : memref<80800x8xf32, #tpu.memory_space<hbm>> -> memref<784x8xf32, #tpu.memory_space<hbm>>
    %dma_wait3A_200 = arith.constant 0 : i32
    %dma_wait3A_201 = arith.constant 0 : i32
    %dma_wait3A_202 = tpu.memref_slice %arg20[%dma_wait3A_200, %dma_wait3A_201] : memref<784x8xf32, #tpu.memory_space<vmem>> -> memref<784x8xf32, #tpu.memory_space<vmem>>
    tpu.wait_dma2 semaphore(%arg26 : memref<!tpu.dma_semaphore, #tpu.memory_space<semaphore_mem>>) src(%dma_wait3A_202 : memref<784x8xf32, #tpu.memory_space<vmem>>) dst(%dma_wait3A_199 : memref<784x8xf32, #tpu.memory_space<hbm>>)
    %dma_wait3A_203 = arith.constant 0 : i32
    %dma_wait3A_204 = arith.constant 0 : i32
    %dma_wait3A_205 = tpu.memref_slice %arg20[%dma_wait3A_203, %dma_wait3A_204] : memref<784x8xf32, #tpu.memory_space<vmem>> -> memref<784x8xf32, #tpu.memory_space<vmem>>
    %dma_wait3A_206 = arith.constant 0 : i32
    %dma_wait3A_207 = tpu.memref_slice %arg3[%add3A_88, %dma_wait3A_206] : memref<80800x8xf32, #tpu.memory_space<hbm>> -> memref<784x8xf32, #tpu.memory_space<hbm>>
    %dma_wait3A_208 = arith.constant 0 : i32
    %dma_wait3A_209 = tpu.memref_slice %arg3[%add3A_88, %dma_wait3A_208] : memref<80800x8xf32, #tpu.memory_space<hbm>> -> memref<784x8xf32, #tpu.memory_space<hbm>>
    %dma_wait3A_210 = arith.constant 0 : i32
    %dma_wait3A_211 = arith.constant 0 : i32
    %dma_wait3A_212 = tpu.memref_slice %arg20[%dma_wait3A_210, %dma_wait3A_211] : memref<784x8xf32, #tpu.memory_space<vmem>> -> memref<784x8xf32, #tpu.memory_space<vmem>>
    tpu.wait_dma2 semaphore(%arg26 : memref<!tpu.dma_semaphore, #tpu.memory_space<semaphore_mem>>) src(%dma_wait3A_212 : memref<784x8xf32, #tpu.memory_space<vmem>>) dst(%dma_wait3A_209 : memref<784x8xf32, #tpu.memory_space<hbm>>)
    %dma_wait3A_213 = arith.constant 0 : i32
    %dma_wait3A_214 = arith.constant 0 : i32
    %dma_wait3A_215 = tpu.memref_slice %arg20[%dma_wait3A_213, %dma_wait3A_214] : memref<784x8xf32, #tpu.memory_space<vmem>> -> memref<296x8xf32, #tpu.memory_space<vmem>>
    %dma_wait3A_216 = arith.constant 0 : i32
    %dma_wait3A_217 = tpu.memref_slice %arg3[%sub3A_101, %dma_wait3A_216] : memref<80800x8xf32, #tpu.memory_space<hbm>> -> memref<296x8xf32, #tpu.memory_space<hbm>>
    %dma_wait3A_218 = arith.constant 0 : i32
    %dma_wait3A_219 = tpu.memref_slice %arg3[%sub3A_101, %dma_wait3A_218] : memref<80800x8xf32, #tpu.memory_space<hbm>> -> memref<296x8xf32, #tpu.memory_space<hbm>>
    %dma_wait3A_220 = arith.constant 0 : i32
    %dma_wait3A_221 = arith.constant 0 : i32
    %dma_wait3A_222 = tpu.memref_slice %arg20[%dma_wait3A_220, %dma_wait3A_221] : memref<784x8xf32, #tpu.memory_space<vmem>> -> memref<296x8xf32, #tpu.memory_space<vmem>>
    tpu.wait_dma2 semaphore(%arg26 : memref<!tpu.dma_semaphore, #tpu.memory_space<semaphore_mem>>) src(%dma_wait3A_222 : memref<296x8xf32, #tpu.memory_space<vmem>>) dst(%dma_wait3A_219 : memref<296x8xf32, #tpu.memory_space<hbm>>)
    %dma_wait3A_223 = arith.constant 0 : i32
    %dma_wait3A_224 = tpu.memref_slice %arg16[%dma_wait3A_223] : memref<1664xi32, #tpu.memory_space<vmem>> -> memref<1104xi32, #tpu.memory_space<vmem>>
    %dma_wait3A_225 = tpu.memref_slice %arg4[%mul3A_113] : memref<17664xi32, #tpu.memory_space<hbm>> -> memref<1104xi32, #tpu.memory_space<hbm>>
    %dma_wait3A_226 = tpu.memref_slice %arg4[%mul3A_113] : memref<17664xi32, #tpu.memory_space<hbm>> -> memref<1104xi32, #tpu.memory_space<hbm>>
    %dma_wait3A_227 = arith.constant 0 : i32
    %dma_wait3A_228 = tpu.memref_slice %arg16[%dma_wait3A_227] : memref<1664xi32, #tpu.memory_space<vmem>> -> memref<1104xi32, #tpu.memory_space<vmem>>
    tpu.wait_dma2 semaphore(%arg26 : memref<!tpu.dma_semaphore, #tpu.memory_space<semaphore_mem>>) src(%dma_wait3A_228 : memref<1104xi32, #tpu.memory_space<vmem>>) dst(%dma_wait3A_226 : memref<1104xi32, #tpu.memory_space<hbm>>)
    %dma_wait3A_229 = arith.constant 0 : i32
    %dma_wait3A_230 = arith.constant 0 : i32
    %dma_wait3A_231 = tpu.memref_slice %arg18[%dma_wait3A_229, %dma_wait3A_230] : memref<1664x8xi32, #tpu.memory_space<vmem>> -> memref<1104x8xi32, #tpu.memory_space<vmem>>
    %dma_wait3A_232 = arith.constant 0 : i32
    %dma_wait3A_233 = tpu.memref_slice %arg5[%mul3A_113, %dma_wait3A_232] : memref<17664x8xi32, #tpu.memory_space<hbm>> -> memref<1104x8xi32, #tpu.memory_space<hbm>>
    %dma_wait3A_234 = arith.constant 0 : i32
    %dma_wait3A_235 = tpu.memref_slice %arg5[%mul3A_113, %dma_wait3A_234] : memref<17664x8xi32, #tpu.memory_space<hbm>> -> memref<1104x8xi32, #tpu.memory_space<hbm>>
    %dma_wait3A_236 = arith.constant 0 : i32
    %dma_wait3A_237 = arith.constant 0 : i32
    %dma_wait3A_238 = tpu.memref_slice %arg18[%dma_wait3A_236, %dma_wait3A_237] : memref<1664x8xi32, #tpu.memory_space<vmem>> -> memref<1104x8xi32, #tpu.memory_space<vmem>>
    tpu.wait_dma2 semaphore(%arg26 : memref<!tpu.dma_semaphore, #tpu.memory_space<semaphore_mem>>) src(%dma_wait3A_238 : memref<1104x8xi32, #tpu.memory_space<vmem>>) dst(%dma_wait3A_235 : memref<1104x8xi32, #tpu.memory_space<hbm>>)
    %barrier3A = arith.constant 0 : index
    tpu.barrier barrier_id(%barrier3A)
    %mul3A_239 = arith.constant 416 : i32
    %mul3A_240 = arith.muli %arg1, %mul3A_239 : i32
    %add3A_241 = arith.constant 0 : i32
    %add3A_242 = arith.addi %add3A_241, %mul3A_240 : i32
    %dma_start3A_243 = arith.constant 0 : i32
    %dma_start3A_244 = tpu.memref_slice %arg8[%dma_start3A_243] : memref<6656xi32, #tpu.memory_space<vmem>> -> memref<416xi32, #tpu.memory_space<vmem>>
    %dma_start3A_245 = tpu.memref_slice %arg6[%add3A_242] : memref<106496xi32, #tpu.memory_space<hbm>> -> memref<416xi32, #tpu.memory_space<hbm>>
    %dma_start3A_246 = arith.constant 0 : i32
    %dma_start3A_247 = tpu.memref_slice %arg8[%dma_start3A_246] : memref<6656xi32, #tpu.memory_space<vmem>> -> memref<416xi32, #tpu.memory_space<vmem>>
    %dma_start3A_248 = tpu.memref_slice %arg6[%add3A_242] : memref<106496xi32, #tpu.memory_space<hbm>> -> memref<416xi32, #tpu.memory_space<hbm>>
    tpu.enqueue_dma source(%dma_start3A_248 : memref<416xi32, #tpu.memory_space<hbm>>) target(%dma_start3A_247 : memref<416xi32, #tpu.memory_space<vmem>>) target_semaphore(%arg23 : memref<!tpu.dma_semaphore, #tpu.memory_space<semaphore_mem>>)
    %add3A_249 = arith.constant 6656 : i32
    %add3A_250 = arith.addi %add3A_249, %mul3A_240 : i32
    %dma_start3A_251 = arith.constant 416 : i32
    %dma_start3A_252 = tpu.memref_slice %arg8[%dma_start3A_251] : memref<6656xi32, #tpu.memory_space<vmem>> -> memref<416xi32, #tpu.memory_space<vmem>>
    %dma_start3A_253 = tpu.memref_slice %arg6[%add3A_250] : memref<106496xi32, #tpu.memory_space<hbm>> -> memref<416xi32, #tpu.memory_space<hbm>>
    %dma_start3A_254 = arith.constant 416 : i32
    %dma_start3A_255 = tpu.memref_slice %arg8[%dma_start3A_254] : memref<6656xi32, #tpu.memory_space<vmem>> -> memref<416xi32, #tpu.memory_space<vmem>>
    %dma_start3A_256 = tpu.memref_slice %arg6[%add3A_250] : memref<106496xi32, #tpu.memory_space<hbm>> -> memref<416xi32, #tpu.memory_space<hbm>>
    tpu.enqueue_dma source(%dma_start3A_256 : memref<416xi32, #tpu.memory_space<hbm>>) target(%dma_start3A_255 : memref<416xi32, #tpu.memory_space<vmem>>) target_semaphore(%arg23 : memref<!tpu.dma_semaphore, #tpu.memory_space<semaphore_mem>>)
    %add3A_257 = arith.constant 13312 : i32
    %add3A_258 = arith.addi %add3A_257, %mul3A_240 : i32
    %dma_start3A_259 = arith.constant 832 : i32
    %dma_start3A_260 = tpu.memref_slice %arg8[%dma_start3A_259] : memref<6656xi32, #tpu.memory_space<vmem>> -> memref<416xi32, #tpu.memory_space<vmem>>
    %dma_start3A_261 = tpu.memref_slice %arg6[%add3A_258] : memref<106496xi32, #tpu.memory_space<hbm>> -> memref<416xi32, #tpu.memory_space<hbm>>
    %dma_start3A_262 = arith.constant 832 : i32
    %dma_start3A_263 = tpu.memref_slice %arg8[%dma_start3A_262] : memref<6656xi32, #tpu.memory_space<vmem>> -> memref<416xi32, #tpu.memory_space<vmem>>
    %dma_start3A_264 = tpu.memref_slice %arg6[%add3A_258] : memref<106496xi32, #tpu.memory_space<hbm>> -> memref<416xi32, #tpu.memory_space<hbm>>
    tpu.enqueue_dma source(%dma_start3A_264 : memref<416xi32, #tpu.memory_space<hbm>>) target(%dma_start3A_263 : memref<416xi32, #tpu.memory_space<vmem>>) target_semaphore(%arg23 : memref<!tpu.dma_semaphore, #tpu.memory_space<semaphore_mem>>)
    %add3A_265 = arith.constant 19968 : i32
    %add3A_266 = arith.addi %add3A_265, %mul3A_240 : i32
    %dma_start3A_267 = arith.constant 1248 : i32
    %dma_start3A_268 = tpu.memref_slice %arg8[%dma_start3A_267] : memref<6656xi32, #tpu.memory_space<vmem>> -> memref<416xi32, #tpu.memory_space<vmem>>
    %dma_start3A_269 = tpu.memref_slice %arg6[%add3A_266] : memref<106496xi32, #tpu.memory_space<hbm>> -> memref<416xi32, #tpu.memory_space<hbm>>
    %dma_start3A_270 = arith.constant 1248 : i32
    %dma_start3A_271 = tpu.memref_slice %arg8[%dma_start3A_270] : memref<6656xi32, #tpu.memory_space<vmem>> -> memref<416xi32, #tpu.memory_space<vmem>>
    %dma_start3A_272 = tpu.memref_slice %arg6[%add3A_266] : memref<106496xi32, #tpu.memory_space<hbm>> -> memref<416xi32, #tpu.memory_space<hbm>>
    tpu.enqueue_dma source(%dma_start3A_272 : memref<416xi32, #tpu.memory_space<hbm>>) target(%dma_start3A_271 : memref<416xi32, #tpu.memory_space<vmem>>) target_semaphore(%arg23 : memref<!tpu.dma_semaphore, #tpu.memory_space<semaphore_mem>>)
    %add3A_273 = arith.constant 26624 : i32
    %add3A_274 = arith.addi %add3A_273, %mul3A_240 : i32
    %dma_start3A_275 = arith.constant 1664 : i32
    %dma_start3A_276 = tpu.memref_slice %arg8[%dma_start3A_275] : memref<6656xi32, #tpu.memory_space<vmem>> -> memref<416xi32, #tpu.memory_space<vmem>>
    %dma_start3A_277 = tpu.memref_slice %arg6[%add3A_274] : memref<106496xi32, #tpu.memory_space<hbm>> -> memref<416xi32, #tpu.memory_space<hbm>>
    %dma_start3A_278 = arith.constant 1664 : i32
    %dma_start3A_279 = tpu.memref_slice %arg8[%dma_start3A_278] : memref<6656xi32, #tpu.memory_space<vmem>> -> memref<416xi32, #tpu.memory_space<vmem>>
    %dma_start3A_280 = tpu.memref_slice %arg6[%add3A_274] : memref<106496xi32, #tpu.memory_space<hbm>> -> memref<416xi32, #tpu.memory_space<hbm>>
    tpu.enqueue_dma source(%dma_start3A_280 : memref<416xi32, #tpu.memory_space<hbm>>) target(%dma_start3A_279 : memref<416xi32, #tpu.memory_space<vmem>>) target_semaphore(%arg23 : memref<!tpu.dma_semaphore, #tpu.memory_space<semaphore_mem>>)
    %add3A_281 = arith.constant 33280 : i32
    %add3A_282 = arith.addi %add3A_281, %mul3A_240 : i32
    %dma_start3A_283 = arith.constant 2080 : i32
    %dma_start3A_284 = tpu.memref_slice %arg8[%dma_start3A_283] : memref<6656xi32, #tpu.memory_space<vmem>> -> memref<416xi32, #tpu.memory_space<vmem>>
    %dma_start3A_285 = tpu.memref_slice %arg6[%add3A_282] : memref<106496xi32, #tpu.memory_space<hbm>> -> memref<416xi32, #tpu.memory_space<hbm>>
    %dma_start3A_286 = arith.constant 2080 : i32
    %dma_start3A_287 = tpu.memref_slice %arg8[%dma_start3A_286] : memref<6656xi32, #tpu.memory_space<vmem>> -> memref<416xi32, #tpu.memory_space<vmem>>
    %dma_start3A_288 = tpu.memref_slice %arg6[%add3A_282] : memref<106496xi32, #tpu.memory_space<hbm>> -> memref<416xi32, #tpu.memory_space<hbm>>
    tpu.enqueue_dma source(%dma_start3A_288 : memref<416xi32, #tpu.memory_space<hbm>>) target(%dma_start3A_287 : memref<416xi32, #tpu.memory_space<vmem>>) target_semaphore(%arg23 : memref<!tpu.dma_semaphore, #tpu.memory_space<semaphore_mem>>)
    %add3A_289 = arith.constant 39936 : i32
    %add3A_290 = arith.addi %add3A_289, %mul3A_240 : i32
    %dma_start3A_291 = arith.constant 2496 : i32
    %dma_start3A_292 = tpu.memref_slice %arg8[%dma_start3A_291] : memref<6656xi32, #tpu.memory_space<vmem>> -> memref<416xi32, #tpu.memory_space<vmem>>
    %dma_start3A_293 = tpu.memref_slice %arg6[%add3A_290] : memref<106496xi32, #tpu.memory_space<hbm>> -> memref<416xi32, #tpu.memory_space<hbm>>
    %dma_start3A_294 = arith.constant 2496 : i32
    %dma_start3A_295 = tpu.memref_slice %arg8[%dma_start3A_294] : memref<6656xi32, #tpu.memory_space<vmem>> -> memref<416xi32, #tpu.memory_space<vmem>>
    %dma_start3A_296 = tpu.memref_slice %arg6[%add3A_290] : memref<106496xi32, #tpu.memory_space<hbm>> -> memref<416xi32, #tpu.memory_space<hbm>>
    tpu.enqueue_dma source(%dma_start3A_296 : memref<416xi32, #tpu.memory_space<hbm>>) target(%dma_start3A_295 : memref<416xi32, #tpu.memory_space<vmem>>) target_semaphore(%arg23 : memref<!tpu.dma_semaphore, #tpu.memory_space<semaphore_mem>>)
    %add3A_297 = arith.constant 46592 : i32
    %add3A_298 = arith.addi %add3A_297, %mul3A_240 : i32
    %dma_start3A_299 = arith.constant 2912 : i32
    %dma_start3A_300 = tpu.memref_slice %arg8[%dma_start3A_299] : memref<6656xi32, #tpu.memory_space<vmem>> -> memref<416xi32, #tpu.memory_space<vmem>>
    %dma_start3A_301 = tpu.memref_slice %arg6[%add3A_298] : memref<106496xi32, #tpu.memory_space<hbm>> -> memref<416xi32, #tpu.memory_space<hbm>>
    %dma_start3A_302 = arith.constant 2912 : i32
    %dma_start3A_303 = tpu.memref_slice %arg8[%dma_start3A_302] : memref<6656xi32, #tpu.memory_space<vmem>> -> memref<416xi32, #tpu.memory_space<vmem>>
    %dma_start3A_304 = tpu.memref_slice %arg6[%add3A_298] : memref<106496xi32, #tpu.memory_space<hbm>> -> memref<416xi32, #tpu.memory_space<hbm>>
    tpu.enqueue_dma source(%dma_start3A_304 : memref<416xi32, #tpu.memory_space<hbm>>) target(%dma_start3A_303 : memref<416xi32, #tpu.memory_space<vmem>>) target_semaphore(%arg23 : memref<!tpu.dma_semaphore, #tpu.memory_space<semaphore_mem>>)
    %add3A_305 = arith.constant 53248 : i32
    %add3A_306 = arith.addi %add3A_305, %mul3A_240 : i32
    %dma_start3A_307 = arith.constant 3328 : i32
    %dma_start3A_308 = tpu.memref_slice %arg8[%dma_start3A_307] : memref<6656xi32, #tpu.memory_space<vmem>> -> memref<416xi32, #tpu.memory_space<vmem>>
    %dma_start3A_309 = tpu.memref_slice %arg6[%add3A_306] : memref<106496xi32, #tpu.memory_space<hbm>> -> memref<416xi32, #tpu.memory_space<hbm>>
    %dma_start3A_310 = arith.constant 3328 : i32
    %dma_start3A_311 = tpu.memref_slice %arg8[%dma_start3A_310] : memref<6656xi32, #tpu.memory_space<vmem>> -> memref<416xi32, #tpu.memory_space<vmem>>
    %dma_start3A_312 = tpu.memref_slice %arg6[%add3A_306] : memref<106496xi32, #tpu.memory_space<hbm>> -> memref<416xi32, #tpu.memory_space<hbm>>
    tpu.enqueue_dma source(%dma_start3A_312 : memref<416xi32, #tpu.memory_space<hbm>>) target(%dma_start3A_311 : memref<416xi32, #tpu.memory_space<vmem>>) target_semaphore(%arg23 : memref<!tpu.dma_semaphore, #tpu.memory_space<semaphore_mem>>)
    %add3A_313 = arith.constant 59904 : i32
    %add3A_314 = arith.addi %add3A_313, %mul3A_240 : i32
    %dma_start3A_315 = arith.constant 3744 : i32
    %dma_start3A_316 = tpu.memref_slice %arg8[%dma_start3A_315] : memref<6656xi32, #tpu.memory_space<vmem>> -> memref<416xi32, #tpu.memory_space<vmem>>
    %dma_start3A_317 = tpu.memref_slice %arg6[%add3A_314] : memref<106496xi32, #tpu.memory_space<hbm>> -> memref<416xi32, #tpu.memory_space<hbm>>
    %dma_start3A_318 = arith.constant 3744 : i32
    %dma_start3A_319 = tpu.memref_slice %arg8[%dma_start3A_318] : memref<6656xi32, #tpu.memory_space<vmem>> -> memref<416xi32, #tpu.memory_space<vmem>>
    %dma_start3A_320 = tpu.memref_slice %arg6[%add3A_314] : memref<106496xi32, #tpu.memory_space<hbm>> -> memref<416xi32, #tpu.memory_space<hbm>>
    tpu.enqueue_dma source(%dma_start3A_320 : memref<416xi32, #tpu.memory_space<hbm>>) target(%dma_start3A_319 : memref<416xi32, #tpu.memory_space<vmem>>) target_semaphore(%arg23 : memref<!tpu.dma_semaphore, #tpu.memory_space<semaphore_mem>>)
    %add3A_321 = arith.constant 66560 : i32
    %add3A_322 = arith.addi %add3A_321, %mul3A_240 : i32
    %dma_start3A_323 = arith.constant 4160 : i32
    %dma_start3A_324 = tpu.memref_slice %arg8[%dma_start3A_323] : memref<6656xi32, #tpu.memory_space<vmem>> -> memref<416xi32, #tpu.memory_space<vmem>>
    %dma_start3A_325 = tpu.memref_slice %arg6[%add3A_322] : memref<106496xi32, #tpu.memory_space<hbm>> -> memref<416xi32, #tpu.memory_space<hbm>>
    %dma_start3A_326 = arith.constant 4160 : i32
    %dma_start3A_327 = tpu.memref_slice %arg8[%dma_start3A_326] : memref<6656xi32, #tpu.memory_space<vmem>> -> memref<416xi32, #tpu.memory_space<vmem>>
    %dma_start3A_328 = tpu.memref_slice %arg6[%add3A_322] : memref<106496xi32, #tpu.memory_space<hbm>> -> memref<416xi32, #tpu.memory_space<hbm>>
    tpu.enqueue_dma source(%dma_start3A_328 : memref<416xi32, #tpu.memory_space<hbm>>) target(%dma_start3A_327 : memref<416xi32, #tpu.memory_space<vmem>>) target_semaphore(%arg23 : memref<!tpu.dma_semaphore, #tpu.memory_space<semaphore_mem>>)
    %add3A_329 = arith.constant 73216 : i32
    %add3A_330 = arith.addi %add3A_329, %mul3A_240 : i32
    %dma_start3A_331 = arith.constant 4576 : i32
    %dma_start3A_332 = tpu.memref_slice %arg8[%dma_start3A_331] : memref<6656xi32, #tpu.memory_space<vmem>> -> memref<416xi32, #tpu.memory_space<vmem>>
    %dma_start3A_333 = tpu.memref_slice %arg6[%add3A_330] : memref<106496xi32, #tpu.memory_space<hbm>> -> memref<416xi32, #tpu.memory_space<hbm>>
    %dma_start3A_334 = arith.constant 4576 : i32
    %dma_start3A_335 = tpu.memref_slice %arg8[%dma_start3A_334] : memref<6656xi32, #tpu.memory_space<vmem>> -> memref<416xi32, #tpu.memory_space<vmem>>
    %dma_start3A_336 = tpu.memref_slice %arg6[%add3A_330] : memref<106496xi32, #tpu.memory_space<hbm>> -> memref<416xi32, #tpu.memory_space<hbm>>
    tpu.enqueue_dma source(%dma_start3A_336 : memref<416xi32, #tpu.memory_space<hbm>>) target(%dma_start3A_335 : memref<416xi32, #tpu.memory_space<vmem>>) target_semaphore(%arg23 : memref<!tpu.dma_semaphore, #tpu.memory_space<semaphore_mem>>)
    %add3A_337 = arith.constant 79872 : i32
    %add3A_338 = arith.addi %add3A_337, %mul3A_240 : i32
    %dma_start3A_339 = arith.constant 4992 : i32
    %dma_start3A_340 = tpu.memref_slice %arg8[%dma_start3A_339] : memref<6656xi32, #tpu.memory_space<vmem>> -> memref<416xi32, #tpu.memory_space<vmem>>
    %dma_start3A_341 = tpu.memref_slice %arg6[%add3A_338] : memref<106496xi32, #tpu.memory_space<hbm>> -> memref<416xi32, #tpu.memory_space<hbm>>
    %dma_start3A_342 = arith.constant 4992 : i32
    %dma_start3A_343 = tpu.memref_slice %arg8[%dma_start3A_342] : memref<6656xi32, #tpu.memory_space<vmem>> -> memref<416xi32, #tpu.memory_space<vmem>>
    %dma_start3A_344 = tpu.memref_slice %arg6[%add3A_338] : memref<106496xi32, #tpu.memory_space<hbm>> -> memref<416xi32, #tpu.memory_space<hbm>>
    tpu.enqueue_dma source(%dma_start3A_344 : memref<416xi32, #tpu.memory_space<hbm>>) target(%dma_start3A_343 : memref<416xi32, #tpu.memory_space<vmem>>) target_semaphore(%arg23 : memref<!tpu.dma_semaphore, #tpu.memory_space<semaphore_mem>>)
    %add3A_345 = arith.constant 86528 : i32
    %add3A_346 = arith.addi %add3A_345, %mul3A_240 : i32
    %dma_start3A_347 = arith.constant 5408 : i32
    %dma_start3A_348 = tpu.memref_slice %arg8[%dma_start3A_347] : memref<6656xi32, #tpu.memory_space<vmem>> -> memref<416xi32, #tpu.memory_space<vmem>>
    %dma_start3A_349 = tpu.memref_slice %arg6[%add3A_346] : memref<106496xi32, #tpu.memory_space<hbm>> -> memref<416xi32, #tpu.memory_space<hbm>>
    %dma_start3A_350 = arith.constant 5408 : i32
    %dma_start3A_351 = tpu.memref_slice %arg8[%dma_start3A_350] : memref<6656xi32, #tpu.memory_space<vmem>> -> memref<416xi32, #tpu.memory_space<vmem>>
    %dma_start3A_352 = tpu.memref_slice %arg6[%add3A_346] : memref<106496xi32, #tpu.memory_space<hbm>> -> memref<416xi32, #tpu.memory_space<hbm>>
    tpu.enqueue_dma source(%dma_start3A_352 : memref<416xi32, #tpu.memory_space<hbm>>) target(%dma_start3A_351 : memref<416xi32, #tpu.memory_space<vmem>>) target_semaphore(%arg23 : memref<!tpu.dma_semaphore, #tpu.memory_space<semaphore_mem>>)
    %add3A_353 = arith.constant 93184 : i32
    %add3A_354 = arith.addi %add3A_353, %mul3A_240 : i32
    %dma_start3A_355 = arith.constant 5824 : i32
    %dma_start3A_356 = tpu.memref_slice %arg8[%dma_start3A_355] : memref<6656xi32, #tpu.memory_space<vmem>> -> memref<416xi32, #tpu.memory_space<vmem>>
    %dma_start3A_357 = tpu.memref_slice %arg6[%add3A_354] : memref<106496xi32, #tpu.memory_space<hbm>> -> memref<416xi32, #tpu.memory_space<hbm>>
    %dma_start3A_358 = arith.constant 5824 : i32
    %dma_start3A_359 = tpu.memref_slice %arg8[%dma_start3A_358] : memref<6656xi32, #tpu.memory_space<vmem>> -> memref<416xi32, #tpu.memory_space<vmem>>
    %dma_start3A_360 = tpu.memref_slice %arg6[%add3A_354] : memref<106496xi32, #tpu.memory_space<hbm>> -> memref<416xi32, #tpu.memory_space<hbm>>
    tpu.enqueue_dma source(%dma_start3A_360 : memref<416xi32, #tpu.memory_space<hbm>>) target(%dma_start3A_359 : memref<416xi32, #tpu.memory_space<vmem>>) target_semaphore(%arg23 : memref<!tpu.dma_semaphore, #tpu.memory_space<semaphore_mem>>)
    %add3A_361 = arith.constant 99840 : i32
    %add3A_362 = arith.addi %add3A_361, %mul3A_240 : i32
    %dma_start3A_363 = arith.constant 6240 : i32
    %dma_start3A_364 = tpu.memref_slice %arg8[%dma_start3A_363] : memref<6656xi32, #tpu.memory_space<vmem>> -> memref<416xi32, #tpu.memory_space<vmem>>
    %dma_start3A_365 = tpu.memref_slice %arg6[%add3A_362] : memref<106496xi32, #tpu.memory_space<hbm>> -> memref<416xi32, #tpu.memory_space<hbm>>
    %dma_start3A_366 = arith.constant 6240 : i32
    %dma_start3A_367 = tpu.memref_slice %arg8[%dma_start3A_366] : memref<6656xi32, #tpu.memory_space<vmem>> -> memref<416xi32, #tpu.memory_space<vmem>>
    %dma_start3A_368 = tpu.memref_slice %arg6[%add3A_362] : memref<106496xi32, #tpu.memory_space<hbm>> -> memref<416xi32, #tpu.memory_space<hbm>>
    tpu.enqueue_dma source(%dma_start3A_368 : memref<416xi32, #tpu.memory_space<hbm>>) target(%dma_start3A_367 : memref<416xi32, #tpu.memory_space<vmem>>) target_semaphore(%arg23 : memref<!tpu.dma_semaphore, #tpu.memory_space<semaphore_mem>>)
    %dma_wait3A_369 = arith.constant 0 : i32
    %dma_wait3A_370 = tpu.memref_slice %arg8[%dma_wait3A_369] : memref<6656xi32, #tpu.memory_space<vmem>> -> memref<416xi32, #tpu.memory_space<vmem>>
    %dma_wait3A_371 = tpu.memref_slice %arg6[%add3A_242] : memref<106496xi32, #tpu.memory_space<hbm>> -> memref<416xi32, #tpu.memory_space<hbm>>
    %dma_wait3A_372 = arith.constant 0 : i32
    %dma_wait3A_373 = tpu.memref_slice %arg8[%dma_wait3A_372] : memref<6656xi32, #tpu.memory_space<vmem>> -> memref<416xi32, #tpu.memory_space<vmem>>
    %dma_wait3A_374 = tpu.memref_slice %arg6[%add3A_242] : memref<106496xi32, #tpu.memory_space<hbm>> -> memref<416xi32, #tpu.memory_space<hbm>>
    tpu.wait_dma2 semaphore(%arg23 : memref<!tpu.dma_semaphore, #tpu.memory_space<semaphore_mem>>) src(%dma_wait3A_374 : memref<416xi32, #tpu.memory_space<hbm>>) dst(%dma_wait3A_373 : memref<416xi32, #tpu.memory_space<vmem>>)
    %dma_wait3A_375 = arith.constant 416 : i32
    %dma_wait3A_376 = tpu.memref_slice %arg8[%dma_wait3A_375] : memref<6656xi32, #tpu.memory_space<vmem>> -> memref<416xi32, #tpu.memory_space<vmem>>
    %dma_wait3A_377 = tpu.memref_slice %arg6[%add3A_250] : memref<106496xi32, #tpu.memory_space<hbm>> -> memref<416xi32, #tpu.memory_space<hbm>>
    %dma_wait3A_378 = arith.constant 416 : i32
    %dma_wait3A_379 = tpu.memref_slice %arg8[%dma_wait3A_378] : memref<6656xi32, #tpu.memory_space<vmem>> -> memref<416xi32, #tpu.memory_space<vmem>>
    %dma_wait3A_380 = tpu.memref_slice %arg6[%add3A_250] : memref<106496xi32, #tpu.memory_space<hbm>> -> memref<416xi32, #tpu.memory_space<hbm>>
    tpu.wait_dma2 semaphore(%arg23 : memref<!tpu.dma_semaphore, #tpu.memory_space<semaphore_mem>>) src(%dma_wait3A_380 : memref<416xi32, #tpu.memory_space<hbm>>) dst(%dma_wait3A_379 : memref<416xi32, #tpu.memory_space<vmem>>)
    %dma_wait3A_381 = arith.constant 832 : i32
    %dma_wait3A_382 = tpu.memref_slice %arg8[%dma_wait3A_381] : memref<6656xi32, #tpu.memory_space<vmem>> -> memref<416xi32, #tpu.memory_space<vmem>>
    %dma_wait3A_383 = tpu.memref_slice %arg6[%add3A_258] : memref<106496xi32, #tpu.memory_space<hbm>> -> memref<416xi32, #tpu.memory_space<hbm>>
    %dma_wait3A_384 = arith.constant 832 : i32
    %dma_wait3A_385 = tpu.memref_slice %arg8[%dma_wait3A_384] : memref<6656xi32, #tpu.memory_space<vmem>> -> memref<416xi32, #tpu.memory_space<vmem>>
    %dma_wait3A_386 = tpu.memref_slice %arg6[%add3A_258] : memref<106496xi32, #tpu.memory_space<hbm>> -> memref<416xi32, #tpu.memory_space<hbm>>
    tpu.wait_dma2 semaphore(%arg23 : memref<!tpu.dma_semaphore, #tpu.memory_space<semaphore_mem>>) src(%dma_wait3A_386 : memref<416xi32, #tpu.memory_space<hbm>>) dst(%dma_wait3A_385 : memref<416xi32, #tpu.memory_space<vmem>>)
    %dma_wait3A_387 = arith.constant 1248 : i32
    %dma_wait3A_388 = tpu.memref_slice %arg8[%dma_wait3A_387] : memref<6656xi32, #tpu.memory_space<vmem>> -> memref<416xi32, #tpu.memory_space<vmem>>
    %dma_wait3A_389 = tpu.memref_slice %arg6[%add3A_266] : memref<106496xi32, #tpu.memory_space<hbm>> -> memref<416xi32, #tpu.memory_space<hbm>>
    %dma_wait3A_390 = arith.constant 1248 : i32
    %dma_wait3A_391 = tpu.memref_slice %arg8[%dma_wait3A_390] : memref<6656xi32, #tpu.memory_space<vmem>> -> memref<416xi32, #tpu.memory_space<vmem>>
    %dma_wait3A_392 = tpu.memref_slice %arg6[%add3A_266] : memref<106496xi32, #tpu.memory_space<hbm>> -> memref<416xi32, #tpu.memory_space<hbm>>
    tpu.wait_dma2 semaphore(%arg23 : memref<!tpu.dma_semaphore, #tpu.memory_space<semaphore_mem>>) src(%dma_wait3A_392 : memref<416xi32, #tpu.memory_space<hbm>>) dst(%dma_wait3A_391 : memref<416xi32, #tpu.memory_space<vmem>>)
    %dma_wait3A_393 = arith.constant 1664 : i32
    %dma_wait3A_394 = tpu.memref_slice %arg8[%dma_wait3A_393] : memref<6656xi32, #tpu.memory_space<vmem>> -> memref<416xi32, #tpu.memory_space<vmem>>
    %dma_wait3A_395 = tpu.memref_slice %arg6[%add3A_274] : memref<106496xi32, #tpu.memory_space<hbm>> -> memref<416xi32, #tpu.memory_space<hbm>>
    %dma_wait3A_396 = arith.constant 1664 : i32
    %dma_wait3A_397 = tpu.memref_slice %arg8[%dma_wait3A_396] : memref<6656xi32, #tpu.memory_space<vmem>> -> memref<416xi32, #tpu.memory_space<vmem>>
    %dma_wait3A_398 = tpu.memref_slice %arg6[%add3A_274] : memref<106496xi32, #tpu.memory_space<hbm>> -> memref<416xi32, #tpu.memory_space<hbm>>
    tpu.wait_dma2 semaphore(%arg23 : memref<!tpu.dma_semaphore, #tpu.memory_space<semaphore_mem>>) src(%dma_wait3A_398 : memref<416xi32, #tpu.memory_space<hbm>>) dst(%dma_wait3A_397 : memref<416xi32, #tpu.memory_space<vmem>>)
    %dma_wait3A_399 = arith.constant 2080 : i32
    %dma_wait3A_400 = tpu.memref_slice %arg8[%dma_wait3A_399] : memref<6656xi32, #tpu.memory_space<vmem>> -> memref<416xi32, #tpu.memory_space<vmem>>
    %dma_wait3A_401 = tpu.memref_slice %arg6[%add3A_282] : memref<106496xi32, #tpu.memory_space<hbm>> -> memref<416xi32, #tpu.memory_space<hbm>>
    %dma_wait3A_402 = arith.constant 2080 : i32
    %dma_wait3A_403 = tpu.memref_slice %arg8[%dma_wait3A_402] : memref<6656xi32, #tpu.memory_space<vmem>> -> memref<416xi32, #tpu.memory_space<vmem>>
    %dma_wait3A_404 = tpu.memref_slice %arg6[%add3A_282] : memref<106496xi32, #tpu.memory_space<hbm>> -> memref<416xi32, #tpu.memory_space<hbm>>
    tpu.wait_dma2 semaphore(%arg23 : memref<!tpu.dma_semaphore, #tpu.memory_space<semaphore_mem>>) src(%dma_wait3A_404 : memref<416xi32, #tpu.memory_space<hbm>>) dst(%dma_wait3A_403 : memref<416xi32, #tpu.memory_space<vmem>>)
    %dma_wait3A_405 = arith.constant 2496 : i32
    %dma_wait3A_406 = tpu.memref_slice %arg8[%dma_wait3A_405] : memref<6656xi32, #tpu.memory_space<vmem>> -> memref<416xi32, #tpu.memory_space<vmem>>
    %dma_wait3A_407 = tpu.memref_slice %arg6[%add3A_290] : memref<106496xi32, #tpu.memory_space<hbm>> -> memref<416xi32, #tpu.memory_space<hbm>>
    %dma_wait3A_408 = arith.constant 2496 : i32
    %dma_wait3A_409 = tpu.memref_slice %arg8[%dma_wait3A_408] : memref<6656xi32, #tpu.memory_space<vmem>> -> memref<416xi32, #tpu.memory_space<vmem>>
    %dma_wait3A_410 = tpu.memref_slice %arg6[%add3A_290] : memref<106496xi32, #tpu.memory_space<hbm>> -> memref<416xi32, #tpu.memory_space<hbm>>
    tpu.wait_dma2 semaphore(%arg23 : memref<!tpu.dma_semaphore, #tpu.memory_space<semaphore_mem>>) src(%dma_wait3A_410 : memref<416xi32, #tpu.memory_space<hbm>>) dst(%dma_wait3A_409 : memref<416xi32, #tpu.memory_space<vmem>>)
    %dma_wait3A_411 = arith.constant 2912 : i32
    %dma_wait3A_412 = tpu.memref_slice %arg8[%dma_wait3A_411] : memref<6656xi32, #tpu.memory_space<vmem>> -> memref<416xi32, #tpu.memory_space<vmem>>
    %dma_wait3A_413 = tpu.memref_slice %arg6[%add3A_298] : memref<106496xi32, #tpu.memory_space<hbm>> -> memref<416xi32, #tpu.memory_space<hbm>>
    %dma_wait3A_414 = arith.constant 2912 : i32
    %dma_wait3A_415 = tpu.memref_slice %arg8[%dma_wait3A_414] : memref<6656xi32, #tpu.memory_space<vmem>> -> memref<416xi32, #tpu.memory_space<vmem>>
    %dma_wait3A_416 = tpu.memref_slice %arg6[%add3A_298] : memref<106496xi32, #tpu.memory_space<hbm>> -> memref<416xi32, #tpu.memory_space<hbm>>
    tpu.wait_dma2 semaphore(%arg23 : memref<!tpu.dma_semaphore, #tpu.memory_space<semaphore_mem>>) src(%dma_wait3A_416 : memref<416xi32, #tpu.memory_space<hbm>>) dst(%dma_wait3A_415 : memref<416xi32, #tpu.memory_space<vmem>>)
    %dma_wait3A_417 = arith.constant 3328 : i32
    %dma_wait3A_418 = tpu.memref_slice %arg8[%dma_wait3A_417] : memref<6656xi32, #tpu.memory_space<vmem>> -> memref<416xi32, #tpu.memory_space<vmem>>
    %dma_wait3A_419 = tpu.memref_slice %arg6[%add3A_306] : memref<106496xi32, #tpu.memory_space<hbm>> -> memref<416xi32, #tpu.memory_space<hbm>>
    %dma_wait3A_420 = arith.constant 3328 : i32
    %dma_wait3A_421 = tpu.memref_slice %arg8[%dma_wait3A_420] : memref<6656xi32, #tpu.memory_space<vmem>> -> memref<416xi32, #tpu.memory_space<vmem>>
    %dma_wait3A_422 = tpu.memref_slice %arg6[%add3A_306] : memref<106496xi32, #tpu.memory_space<hbm>> -> memref<416xi32, #tpu.memory_space<hbm>>
    tpu.wait_dma2 semaphore(%arg23 : memref<!tpu.dma_semaphore, #tpu.memory_space<semaphore_mem>>) src(%dma_wait3A_422 : memref<416xi32, #tpu.memory_space<hbm>>) dst(%dma_wait3A_421 : memref<416xi32, #tpu.memory_space<vmem>>)
    %dma_wait3A_423 = arith.constant 3744 : i32
    %dma_wait3A_424 = tpu.memref_slice %arg8[%dma_wait3A_423] : memref<6656xi32, #tpu.memory_space<vmem>> -> memref<416xi32, #tpu.memory_space<vmem>>
    %dma_wait3A_425 = tpu.memref_slice %arg6[%add3A_314] : memref<106496xi32, #tpu.memory_space<hbm>> -> memref<416xi32, #tpu.memory_space<hbm>>
    %dma_wait3A_426 = arith.constant 3744 : i32
    %dma_wait3A_427 = tpu.memref_slice %arg8[%dma_wait3A_426] : memref<6656xi32, #tpu.memory_space<vmem>> -> memref<416xi32, #tpu.memory_space<vmem>>
    %dma_wait3A_428 = tpu.memref_slice %arg6[%add3A_314] : memref<106496xi32, #tpu.memory_space<hbm>> -> memref<416xi32, #tpu.memory_space<hbm>>
    tpu.wait_dma2 semaphore(%arg23 : memref<!tpu.dma_semaphore, #tpu.memory_space<semaphore_mem>>) src(%dma_wait3A_428 : memref<416xi32, #tpu.memory_space<hbm>>) dst(%dma_wait3A_427 : memref<416xi32, #tpu.memory_space<vmem>>)
    %dma_wait3A_429 = arith.constant 4160 : i32
    %dma_wait3A_430 = tpu.memref_slice %arg8[%dma_wait3A_429] : memref<6656xi32, #tpu.memory_space<vmem>> -> memref<416xi32, #tpu.memory_space<vmem>>
    %dma_wait3A_431 = tpu.memref_slice %arg6[%add3A_322] : memref<106496xi32, #tpu.memory_space<hbm>> -> memref<416xi32, #tpu.memory_space<hbm>>
    %dma_wait3A_432 = arith.constant 4160 : i32
    %dma_wait3A_433 = tpu.memref_slice %arg8[%dma_wait3A_432] : memref<6656xi32, #tpu.memory_space<vmem>> -> memref<416xi32, #tpu.memory_space<vmem>>
    %dma_wait3A_434 = tpu.memref_slice %arg6[%add3A_322] : memref<106496xi32, #tpu.memory_space<hbm>> -> memref<416xi32, #tpu.memory_space<hbm>>
    tpu.wait_dma2 semaphore(%arg23 : memref<!tpu.dma_semaphore, #tpu.memory_space<semaphore_mem>>) src(%dma_wait3A_434 : memref<416xi32, #tpu.memory_space<hbm>>) dst(%dma_wait3A_433 : memref<416xi32, #tpu.memory_space<vmem>>)
    %dma_wait3A_435 = arith.constant 4576 : i32
    %dma_wait3A_436 = tpu.memref_slice %arg8[%dma_wait3A_435] : memref<6656xi32, #tpu.memory_space<vmem>> -> memref<416xi32, #tpu.memory_space<vmem>>
    %dma_wait3A_437 = tpu.memref_slice %arg6[%add3A_330] : memref<106496xi32, #tpu.memory_space<hbm>> -> memref<416xi32, #tpu.memory_space<hbm>>
    %dma_wait3A_438 = arith.constant 4576 : i32
    %dma_wait3A_439 = tpu.memref_slice %arg8[%dma_wait3A_438] : memref<6656xi32, #tpu.memory_space<vmem>> -> memref<416xi32, #tpu.memory_space<vmem>>
    %dma_wait3A_440 = tpu.memref_slice %arg6[%add3A_330] : memref<106496xi32, #tpu.memory_space<hbm>> -> memref<416xi32, #tpu.memory_space<hbm>>
    tpu.wait_dma2 semaphore(%arg23 : memref<!tpu.dma_semaphore, #tpu.memory_space<semaphore_mem>>) src(%dma_wait3A_440 : memref<416xi32, #tpu.memory_space<hbm>>) dst(%dma_wait3A_439 : memref<416xi32, #tpu.memory_space<vmem>>)
    %dma_wait3A_441 = arith.constant 4992 : i32
    %dma_wait3A_442 = tpu.memref_slice %arg8[%dma_wait3A_441] : memref<6656xi32, #tpu.memory_space<vmem>> -> memref<416xi32, #tpu.memory_space<vmem>>
    %dma_wait3A_443 = tpu.memref_slice %arg6[%add3A_338] : memref<106496xi32, #tpu.memory_space<hbm>> -> memref<416xi32, #tpu.memory_space<hbm>>
    %dma_wait3A_444 = arith.constant 4992 : i32
    %dma_wait3A_445 = tpu.memref_slice %arg8[%dma_wait3A_444] : memref<6656xi32, #tpu.memory_space<vmem>> -> memref<416xi32, #tpu.memory_space<vmem>>
    %dma_wait3A_446 = tpu.memref_slice %arg6[%add3A_338] : memref<106496xi32, #tpu.memory_space<hbm>> -> memref<416xi32, #tpu.memory_space<hbm>>
    tpu.wait_dma2 semaphore(%arg23 : memref<!tpu.dma_semaphore, #tpu.memory_space<semaphore_mem>>) src(%dma_wait3A_446 : memref<416xi32, #tpu.memory_space<hbm>>) dst(%dma_wait3A_445 : memref<416xi32, #tpu.memory_space<vmem>>)
    %dma_wait3A_447 = arith.constant 5408 : i32
    %dma_wait3A_448 = tpu.memref_slice %arg8[%dma_wait3A_447] : memref<6656xi32, #tpu.memory_space<vmem>> -> memref<416xi32, #tpu.memory_space<vmem>>
    %dma_wait3A_449 = tpu.memref_slice %arg6[%add3A_346] : memref<106496xi32, #tpu.memory_space<hbm>> -> memref<416xi32, #tpu.memory_space<hbm>>
    %dma_wait3A_450 = arith.constant 5408 : i32
    %dma_wait3A_451 = tpu.memref_slice %arg8[%dma_wait3A_450] : memref<6656xi32, #tpu.memory_space<vmem>> -> memref<416xi32, #tpu.memory_space<vmem>>
    %dma_wait3A_452 = tpu.memref_slice %arg6[%add3A_346] : memref<106496xi32, #tpu.memory_space<hbm>> -> memref<416xi32, #tpu.memory_space<hbm>>
    tpu.wait_dma2 semaphore(%arg23 : memref<!tpu.dma_semaphore, #tpu.memory_space<semaphore_mem>>) src(%dma_wait3A_452 : memref<416xi32, #tpu.memory_space<hbm>>) dst(%dma_wait3A_451 : memref<416xi32, #tpu.memory_space<vmem>>)
    %dma_wait3A_453 = arith.constant 5824 : i32
    %dma_wait3A_454 = tpu.memref_slice %arg8[%dma_wait3A_453] : memref<6656xi32, #tpu.memory_space<vmem>> -> memref<416xi32, #tpu.memory_space<vmem>>
    %dma_wait3A_455 = tpu.memref_slice %arg6[%add3A_354] : memref<106496xi32, #tpu.memory_space<hbm>> -> memref<416xi32, #tpu.memory_space<hbm>>
    %dma_wait3A_456 = arith.constant 5824 : i32
    %dma_wait3A_457 = tpu.memref_slice %arg8[%dma_wait3A_456] : memref<6656xi32, #tpu.memory_space<vmem>> -> memref<416xi32, #tpu.memory_space<vmem>>
    %dma_wait3A_458 = tpu.memref_slice %arg6[%add3A_354] : memref<106496xi32, #tpu.memory_space<hbm>> -> memref<416xi32, #tpu.memory_space<hbm>>
    tpu.wait_dma2 semaphore(%arg23 : memref<!tpu.dma_semaphore, #tpu.memory_space<semaphore_mem>>) src(%dma_wait3A_458 : memref<416xi32, #tpu.memory_space<hbm>>) dst(%dma_wait3A_457 : memref<416xi32, #tpu.memory_space<vmem>>)
    %dma_wait3A_459 = arith.constant 6240 : i32
    %dma_wait3A_460 = tpu.memref_slice %arg8[%dma_wait3A_459] : memref<6656xi32, #tpu.memory_space<vmem>> -> memref<416xi32, #tpu.memory_space<vmem>>
    %dma_wait3A_461 = tpu.memref_slice %arg6[%add3A_362] : memref<106496xi32, #tpu.memory_space<hbm>> -> memref<416xi32, #tpu.memory_space<hbm>>
    %dma_wait3A_462 = arith.constant 6240 : i32
    %dma_wait3A_463 = tpu.memref_slice %arg8[%dma_wait3A_462] : memref<6656xi32, #tpu.memory_space<vmem>> -> memref<416xi32, #tpu.memory_space<vmem>>
    %dma_wait3A_464 = tpu.memref_slice %arg6[%add3A_362] : memref<106496xi32, #tpu.memory_space<hbm>> -> memref<416xi32, #tpu.memory_space<hbm>>
    tpu.wait_dma2 semaphore(%arg23 : memref<!tpu.dma_semaphore, #tpu.memory_space<semaphore_mem>>) src(%dma_wait3A_464 : memref<416xi32, #tpu.memory_space<hbm>>) dst(%dma_wait3A_463 : memref<416xi32, #tpu.memory_space<vmem>>)
    %scan3A_465 = arith.constant 0 : i32
    %scan3A_466 = arith.constant 0 : i32
    %scan3A_467 = arith.constant 26 : i32
    %scan3A_468 = arith.addi %scan3A_466, %scan3A_467 : i32
    %scan3A_469 = arith.constant 1 : i32
    scf.for %scan3A_792 = %scan3A_466 to %scan3A_468 step %scan3A_469  : i32 {
      %mul3A_793 = arith.constant 16 : i32
      %mul3A_794 = arith.muli %scan3A_792, %mul3A_793 : i32
      %add3A_795 = arith.constant 0 : i32
      %add3A_796 = arith.addi %add3A_795, %mul3A_794 : i32
      %get3A = arith.index_cast %add3A_796 : i32 to index
      %get3A_797 = tpu.vector_load %arg8[%get3A] {strides = array<i32>} : memref<6656xi32, #tpu.memory_space<vmem>>, vector<16xi32>,
      %and3A = arith.constant 255 : i32
      %and3A_798 = vector.broadcast %and3A : i32 to vector<16xi32>
      %and3A_799 = arith.andi %get3A_797, %and3A_798 : vector<16xi32>
      %shift_right_arithmetic3A = arith.constant 8 : i32
      %shift_right_arithmetic3A_800 = vector.broadcast %shift_right_arithmetic3A : i32 to vector<16xi32>
      %shift_right_arithmetic3A_801 = arith.shrsi %get3A_797, %shift_right_arithmetic3A_800 : vector<16xi32>
      %and3A_802 = arith.constant 255 : i32
      %and3A_803 = vector.broadcast %and3A_802 : i32 to vector<16xi32>
      %and3A_804 = arith.andi %shift_right_arithmetic3A_801, %and3A_803 : vector<16xi32>
      %shift_right_arithmetic3A_805 = arith.constant 16 : i32
      %shift_right_arithmetic3A_806 = vector.broadcast %shift_right_arithmetic3A_805 : i32 to vector<16xi32>
      %shift_right_arithmetic3A_807 = arith.shrsi %get3A_797, %shift_right_arithmetic3A_806 : vector<16xi32>
      %and3A_808 = arith.constant 255 : i32
      %and3A_809 = vector.broadcast %and3A_808 : i32 to vector<16xi32>
      %and3A_810 = arith.andi %shift_right_arithmetic3A_807, %and3A_809 : vector<16xi32>
      %shift_right_arithmetic3A_811 = arith.constant 24 : i32
      %shift_right_arithmetic3A_812 = vector.broadcast %shift_right_arithmetic3A_811 : i32 to vector<16xi32>
      %shift_right_arithmetic3A_813 = arith.shrsi %get3A_797, %shift_right_arithmetic3A_812 : vector<16xi32>
      %and3A_814 = arith.constant 255 : i32
      %and3A_815 = vector.broadcast %and3A_814 : i32 to vector<16xi32>
      %and3A_816 = arith.andi %shift_right_arithmetic3A_813, %and3A_815 : vector<16xi32>
      %shift_left3A = arith.constant 8 : i32
      %shift_left3A_817 = vector.broadcast %shift_left3A : i32 to vector<16xi32>
      %shift_left3A_818 = arith.shli %broadcast_in_dim3A_2, %shift_left3A_817 : vector<16xi32>
      %or3A = arith.ori %broadcast_in_dim3A_2, %shift_left3A_818 : vector<16xi32>
      %shift_left3A_819 = arith.constant 16 : i32
      %shift_left3A_820 = vector.broadcast %shift_left3A_819 : i32 to vector<16xi32>
      %shift_left3A_821 = arith.shli %broadcast_in_dim3A_2, %shift_left3A_820 : vector<16xi32>
      %or3A_822 = arith.ori %or3A, %shift_left3A_821 : vector<16xi32>
      %shift_left3A_823 = arith.constant 24 : i32
      %shift_left3A_824 = vector.broadcast %shift_left3A_823 : i32 to vector<16xi32>
      %shift_left3A_825 = arith.shli %broadcast_in_dim3A_2, %shift_left3A_824 : vector<16xi32>
      %or3A_826 = arith.ori %or3A_822, %shift_left3A_825 : vector<16xi32>
      %mul3A_827 = arith.constant 16 : i32
      %mul3A_828 = arith.muli %scan3A_792, %mul3A_827 : i32
      %add3A_829 = arith.constant 0 : i32
      %add3A_830 = arith.addi %add3A_829, %mul3A_828 : i32
      %swap3A_831 = arith.index_cast %add3A_830 : i32 to index
      %swap3A_832 = tpu.vector_load %arg8[%swap3A_831] {strides = array<i32>} : memref<6656xi32, #tpu.memory_space<vmem>>, vector<16xi32>,
      tpu.vector_store %arg8[%swap3A_831], %or3A_826 {strides = array<i32>} : memref<6656xi32, #tpu.memory_space<vmem>>, vector<16xi32>,
      %add3A_833 = arith.addi %broadcast_in_dim3A_2, %and3A_799 : vector<16xi32>
      %add3A_834 = arith.addi %broadcast_in_dim3A_2, %and3A_804 : vector<16xi32>
      %add3A_835 = arith.addi %broadcast_in_dim3A_2, %and3A_810 : vector<16xi32>
      %add3A_836 = arith.addi %broadcast_in_dim3A_2, %and3A_816 : vector<16xi32>
      %mul3A_837 = arith.constant 16 : i32
      %mul3A_838 = arith.muli %scan3A_792, %mul3A_837 : i32
      %add3A_839 = arith.constant 416 : i32
      %add3A_840 = arith.addi %add3A_839, %mul3A_838 : i32
      %get3A_841 = arith.index_cast %add3A_840 : i32 to index
      %get3A_842 = tpu.vector_load %arg8[%get3A_841] {strides = array<i32>} : memref<6656xi32, #tpu.memory_space<vmem>>, vector<16xi32>,
      %and3A_843 = arith.constant 255 : i32
      %and3A_844 = vector.broadcast %and3A_843 : i32 to vector<16xi32>
      %and3A_845 = arith.andi %get3A_842, %and3A_844 : vector<16xi32>
      %shift_right_arithmetic3A_846 = arith.constant 8 : i32
      %shift_right_arithmetic3A_847 = vector.broadcast %shift_right_arithmetic3A_846 : i32 to vector<16xi32>
      %shift_right_arithmetic3A_848 = arith.shrsi %get3A_842, %shift_right_arithmetic3A_847 : vector<16xi32>
      %and3A_849 = arith.constant 255 : i32
      %and3A_850 = vector.broadcast %and3A_849 : i32 to vector<16xi32>
      %and3A_851 = arith.andi %shift_right_arithmetic3A_848, %and3A_850 : vector<16xi32>
      %shift_right_arithmetic3A_852 = arith.constant 16 : i32
      %shift_right_arithmetic3A_853 = vector.broadcast %shift_right_arithmetic3A_852 : i32 to vector<16xi32>
      %shift_right_arithmetic3A_854 = arith.shrsi %get3A_842, %shift_right_arithmetic3A_853 : vector<16xi32>
      %and3A_855 = arith.constant 255 : i32
      %and3A_856 = vector.broadcast %and3A_855 : i32 to vector<16xi32>
      %and3A_857 = arith.andi %shift_right_arithmetic3A_854, %and3A_856 : vector<16xi32>
      %shift_right_arithmetic3A_858 = arith.constant 24 : i32
      %shift_right_arithmetic3A_859 = vector.broadcast %shift_right_arithmetic3A_858 : i32 to vector<16xi32>
      %shift_right_arithmetic3A_860 = arith.shrsi %get3A_842, %shift_right_arithmetic3A_859 : vector<16xi32>
      %and3A_861 = arith.constant 255 : i32
      %and3A_862 = vector.broadcast %and3A_861 : i32 to vector<16xi32>
      %and3A_863 = arith.andi %shift_right_arithmetic3A_860, %and3A_862 : vector<16xi32>
      %shift_left3A_864 = arith.constant 8 : i32
      %shift_left3A_865 = vector.broadcast %shift_left3A_864 : i32 to vector<16xi32>
      %shift_left3A_866 = arith.shli %add3A_834, %shift_left3A_865 : vector<16xi32>
      %or3A_867 = arith.ori %add3A_833, %shift_left3A_866 : vector<16xi32>
      %shift_left3A_868 = arith.constant 16 : i32
      %shift_left3A_869 = vector.broadcast %shift_left3A_868 : i32 to vector<16xi32>
      %shift_left3A_870 = arith.shli %add3A_835, %shift_left3A_869 : vector<16xi32>
      %or3A_871 = arith.ori %or3A_867, %shift_left3A_870 : vector<16xi32>
      %shift_left3A_872 = arith.constant 24 : i32
      %shift_left3A_873 = vector.broadcast %shift_left3A_872 : i32 to vector<16xi32>
      %shift_left3A_874 = arith.shli %add3A_836, %shift_left3A_873 : vector<16xi32>
      %or3A_875 = arith.ori %or3A_871, %shift_left3A_874 : vector<16xi32>
      %mul3A_876 = arith.constant 16 : i32
      %mul3A_877 = arith.muli %scan3A_792, %mul3A_876 : i32
      %add3A_878 = arith.constant 416 : i32
      %add3A_879 = arith.addi %add3A_878, %mul3A_877 : i32
      %swap3A_880 = arith.index_cast %add3A_879 : i32 to index
      %swap3A_881 = tpu.vector_load %arg8[%swap3A_880] {strides = array<i32>} : memref<6656xi32, #tpu.memory_space<vmem>>, vector<16xi32>,
      tpu.vector_store %arg8[%swap3A_880], %or3A_875 {strides = array<i32>} : memref<6656xi32, #tpu.memory_space<vmem>>, vector<16xi32>,
      %add3A_882 = arith.addi %add3A_833, %and3A_845 : vector<16xi32>
      %add3A_883 = arith.addi %add3A_834, %and3A_851 : vector<16xi32>
      %add3A_884 = arith.addi %add3A_835, %and3A_857 : vector<16xi32>
      %add3A_885 = arith.addi %add3A_836, %and3A_863 : vector<16xi32>
      %mul3A_886 = arith.constant 16 : i32
      %mul3A_887 = arith.muli %scan3A_792, %mul3A_886 : i32
      %add3A_888 = arith.constant 832 : i32
      %add3A_889 = arith.addi %add3A_888, %mul3A_887 : i32
      %get3A_890 = arith.index_cast %add3A_889 : i32 to index
      %get3A_891 = tpu.vector_load %arg8[%get3A_890] {strides = array<i32>} : memref<6656xi32, #tpu.memory_space<vmem>>, vector<16xi32>,
      %and3A_892 = arith.constant 255 : i32
      %and3A_893 = vector.broadcast %and3A_892 : i32 to vector<16xi32>
      %and3A_894 = arith.andi %get3A_891, %and3A_893 : vector<16xi32>
      %shift_right_arithmetic3A_895 = arith.constant 8 : i32
      %shift_right_arithmetic3A_896 = vector.broadcast %shift_right_arithmetic3A_895 : i32 to vector<16xi32>
      %shift_right_arithmetic3A_897 = arith.shrsi %get3A_891, %shift_right_arithmetic3A_896 : vector<16xi32>
      %and3A_898 = arith.constant 255 : i32
      %and3A_899 = vector.broadcast %and3A_898 : i32 to vector<16xi32>
      %and3A_900 = arith.andi %shift_right_arithmetic3A_897, %and3A_899 : vector<16xi32>
      %shift_right_arithmetic3A_901 = arith.constant 16 : i32
      %shift_right_arithmetic3A_902 = vector.broadcast %shift_right_arithmetic3A_901 : i32 to vector<16xi32>
      %shift_right_arithmetic3A_903 = arith.shrsi %get3A_891, %shift_right_arithmetic3A_902 : vector<16xi32>
      %and3A_904 = arith.constant 255 : i32
      %and3A_905 = vector.broadcast %and3A_904 : i32 to vector<16xi32>
      %and3A_906 = arith.andi %shift_right_arithmetic3A_903, %and3A_905 : vector<16xi32>
      %shift_right_arithmetic3A_907 = arith.constant 24 : i32
      %shift_right_arithmetic3A_908 = vector.broadcast %shift_right_arithmetic3A_907 : i32 to vector<16xi32>
      %shift_right_arithmetic3A_909 = arith.shrsi %get3A_891, %shift_right_arithmetic3A_908 : vector<16xi32>
      %and3A_910 = arith.constant 255 : i32
      %and3A_911 = vector.broadcast %and3A_910 : i32 to vector<16xi32>
      %and3A_912 = arith.andi %shift_right_arithmetic3A_909, %and3A_911 : vector<16xi32>
      %shift_left3A_913 = arith.constant 8 : i32
      %shift_left3A_914 = vector.broadcast %shift_left3A_913 : i32 to vector<16xi32>
      %shift_left3A_915 = arith.shli %add3A_883, %shift_left3A_914 : vector<16xi32>
      %or3A_916 = arith.ori %add3A_882, %shift_left3A_915 : vector<16xi32>
      %shift_left3A_917 = arith.constant 16 : i32
      %shift_left3A_918 = vector.broadcast %shift_left3A_917 : i32 to vector<16xi32>
      %shift_left3A_919 = arith.shli %add3A_884, %shift_left3A_918 : vector<16xi32>
      %or3A_920 = arith.ori %or3A_916, %shift_left3A_919 : vector<16xi32>
      %shift_left3A_921 = arith.constant 24 : i32
      %shift_left3A_922 = vector.broadcast %shift_left3A_921 : i32 to vector<16xi32>
      %shift_left3A_923 = arith.shli %add3A_885, %shift_left3A_922 : vector<16xi32>
      %or3A_924 = arith.ori %or3A_920, %shift_left3A_923 : vector<16xi32>
      %mul3A_925 = arith.constant 16 : i32
      %mul3A_926 = arith.muli %scan3A_792, %mul3A_925 : i32
      %add3A_927 = arith.constant 832 : i32
      %add3A_928 = arith.addi %add3A_927, %mul3A_926 : i32
      %swap3A_929 = arith.index_cast %add3A_928 : i32 to index
      %swap3A_930 = tpu.vector_load %arg8[%swap3A_929] {strides = array<i32>} : memref<6656xi32, #tpu.memory_space<vmem>>, vector<16xi32>,
      tpu.vector_store %arg8[%swap3A_929], %or3A_924 {strides = array<i32>} : memref<6656xi32, #tpu.memory_space<vmem>>, vector<16xi32>,
      %add3A_931 = arith.addi %add3A_882, %and3A_894 : vector<16xi32>
      %add3A_932 = arith.addi %add3A_883, %and3A_900 : vector<16xi32>
      %add3A_933 = arith.addi %add3A_884, %and3A_906 : vector<16xi32>
      %add3A_934 = arith.addi %add3A_885, %and3A_912 : vector<16xi32>
      %mul3A_935 = arith.constant 16 : i32
      %mul3A_936 = arith.muli %scan3A_792, %mul3A_935 : i32
      %add3A_937 = arith.constant 1248 : i32
      %add3A_938 = arith.addi %add3A_937, %mul3A_936 : i32
      %get3A_939 = arith.index_cast %add3A_938 : i32 to index
      %get3A_940 = tpu.vector_load %arg8[%get3A_939] {strides = array<i32>} : memref<6656xi32, #tpu.memory_space<vmem>>, vector<16xi32>,
      %and3A_941 = arith.constant 255 : i32
      %and3A_942 = vector.broadcast %and3A_941 : i32 to vector<16xi32>
      %and3A_943 = arith.andi %get3A_940, %and3A_942 : vector<16xi32>
      %shift_right_arithmetic3A_944 = arith.constant 8 : i32
      %shift_right_arithmetic3A_945 = vector.broadcast %shift_right_arithmetic3A_944 : i32 to vector<16xi32>
      %shift_right_arithmetic3A_946 = arith.shrsi %get3A_940, %shift_right_arithmetic3A_945 : vector<16xi32>
      %and3A_947 = arith.constant 255 : i32
      %and3A_948 = vector.broadcast %and3A_947 : i32 to vector<16xi32>
      %and3A_949 = arith.andi %shift_right_arithmetic3A_946, %and3A_948 : vector<16xi32>
      %shift_right_arithmetic3A_950 = arith.constant 16 : i32
      %shift_right_arithmetic3A_951 = vector.broadcast %shift_right_arithmetic3A_950 : i32 to vector<16xi32>
      %shift_right_arithmetic3A_952 = arith.shrsi %get3A_940, %shift_right_arithmetic3A_951 : vector<16xi32>
      %and3A_953 = arith.constant 255 : i32
      %and3A_954 = vector.broadcast %and3A_953 : i32 to vector<16xi32>
      %and3A_955 = arith.andi %shift_right_arithmetic3A_952, %and3A_954 : vector<16xi32>
      %shift_right_arithmetic3A_956 = arith.constant 24 : i32
      %shift_right_arithmetic3A_957 = vector.broadcast %shift_right_arithmetic3A_956 : i32 to vector<16xi32>
      %shift_right_arithmetic3A_958 = arith.shrsi %get3A_940, %shift_right_arithmetic3A_957 : vector<16xi32>
      %and3A_959 = arith.constant 255 : i32
      %and3A_960 = vector.broadcast %and3A_959 : i32 to vector<16xi32>
      %and3A_961 = arith.andi %shift_right_arithmetic3A_958, %and3A_960 : vector<16xi32>
      %shift_left3A_962 = arith.constant 8 : i32
      %shift_left3A_963 = vector.broadcast %shift_left3A_962 : i32 to vector<16xi32>
      %shift_left3A_964 = arith.shli %add3A_932, %shift_left3A_963 : vector<16xi32>
      %or3A_965 = arith.ori %add3A_931, %shift_left3A_964 : vector<16xi32>
      %shift_left3A_966 = arith.constant 16 : i32
      %shift_left3A_967 = vector.broadcast %shift_left3A_966 : i32 to vector<16xi32>
      %shift_left3A_968 = arith.shli %add3A_933, %shift_left3A_967 : vector<16xi32>
      %or3A_969 = arith.ori %or3A_965, %shift_left3A_968 : vector<16xi32>
      %shift_left3A_970 = arith.constant 24 : i32
      %shift_left3A_971 = vector.broadcast %shift_left3A_970 : i32 to vector<16xi32>
      %shift_left3A_972 = arith.shli %add3A_934, %shift_left3A_971 : vector<16xi32>
      %or3A_973 = arith.ori %or3A_969, %shift_left3A_972 : vector<16xi32>
      %mul3A_974 = arith.constant 16 : i32
      %mul3A_975 = arith.muli %scan3A_792, %mul3A_974 : i32
      %add3A_976 = arith.constant 1248 : i32
      %add3A_977 = arith.addi %add3A_976, %mul3A_975 : i32
      %swap3A_978 = arith.index_cast %add3A_977 : i32 to index
      %swap3A_979 = tpu.vector_load %arg8[%swap3A_978] {strides = array<i32>} : memref<6656xi32, #tpu.memory_space<vmem>>, vector<16xi32>,
      tpu.vector_store %arg8[%swap3A_978], %or3A_973 {strides = array<i32>} : memref<6656xi32, #tpu.memory_space<vmem>>, vector<16xi32>,
      %add3A_980 = arith.addi %add3A_931, %and3A_943 : vector<16xi32>
      %add3A_981 = arith.addi %add3A_932, %and3A_949 : vector<16xi32>
      %add3A_982 = arith.addi %add3A_933, %and3A_955 : vector<16xi32>
      %add3A_983 = arith.addi %add3A_934, %and3A_961 : vector<16xi32>
      %mul3A_984 = arith.constant 16 : i32
      %mul3A_985 = arith.muli %scan3A_792, %mul3A_984 : i32
      %add3A_986 = arith.constant 1664 : i32
      %add3A_987 = arith.addi %add3A_986, %mul3A_985 : i32
      %get3A_988 = arith.index_cast %add3A_987 : i32 to index
      %get3A_989 = tpu.vector_load %arg8[%get3A_988] {strides = array<i32>} : memref<6656xi32, #tpu.memory_space<vmem>>, vector<16xi32>,
      %and3A_990 = arith.constant 255 : i32
      %and3A_991 = vector.broadcast %and3A_990 : i32 to vector<16xi32>
      %and3A_992 = arith.andi %get3A_989, %and3A_991 : vector<16xi32>
      %shift_right_arithmetic3A_993 = arith.constant 8 : i32
      %shift_right_arithmetic3A_994 = vector.broadcast %shift_right_arithmetic3A_993 : i32 to vector<16xi32>
      %shift_right_arithmetic3A_995 = arith.shrsi %get3A_989, %shift_right_arithmetic3A_994 : vector<16xi32>
      %and3A_996 = arith.constant 255 : i32
      %and3A_997 = vector.broadcast %and3A_996 : i32 to vector<16xi32>
      %and3A_998 = arith.andi %shift_right_arithmetic3A_995, %and3A_997 : vector<16xi32>
      %shift_right_arithmetic3A_999 = arith.constant 16 : i32
      %shift_right_arithmetic3A_1000 = vector.broadcast %shift_right_arithmetic3A_999 : i32 to vector<16xi32>
      %shift_right_arithmetic3A_1001 = arith.shrsi %get3A_989, %shift_right_arithmetic3A_1000 : vector<16xi32>
      %and3A_1002 = arith.constant 255 : i32
      %and3A_1003 = vector.broadcast %and3A_1002 : i32 to vector<16xi32>
      %and3A_1004 = arith.andi %shift_right_arithmetic3A_1001, %and3A_1003 : vector<16xi32>
      %shift_right_arithmetic3A_1005 = arith.constant 24 : i32
      %shift_right_arithmetic3A_1006 = vector.broadcast %shift_right_arithmetic3A_1005 : i32 to vector<16xi32>
      %shift_right_arithmetic3A_1007 = arith.shrsi %get3A_989, %shift_right_arithmetic3A_1006 : vector<16xi32>
      %and3A_1008 = arith.constant 255 : i32
      %and3A_1009 = vector.broadcast %and3A_1008 : i32 to vector<16xi32>
      %and3A_1010 = arith.andi %shift_right_arithmetic3A_1007, %and3A_1009 : vector<16xi32>
      %shift_left3A_1011 = arith.constant 8 : i32
      %shift_left3A_1012 = vector.broadcast %shift_left3A_1011 : i32 to vector<16xi32>
      %shift_left3A_1013 = arith.shli %add3A_981, %shift_left3A_1012 : vector<16xi32>
      %or3A_1014 = arith.ori %add3A_980, %shift_left3A_1013 : vector<16xi32>
      %shift_left3A_1015 = arith.constant 16 : i32
      %shift_left3A_1016 = vector.broadcast %shift_left3A_1015 : i32 to vector<16xi32>
      %shift_left3A_1017 = arith.shli %add3A_982, %shift_left3A_1016 : vector<16xi32>
      %or3A_1018 = arith.ori %or3A_1014, %shift_left3A_1017 : vector<16xi32>
      %shift_left3A_1019 = arith.constant 24 : i32
      %shift_left3A_1020 = vector.broadcast %shift_left3A_1019 : i32 to vector<16xi32>
      %shift_left3A_1021 = arith.shli %add3A_983, %shift_left3A_1020 : vector<16xi32>
      %or3A_1022 = arith.ori %or3A_1018, %shift_left3A_1021 : vector<16xi32>
      %mul3A_1023 = arith.constant 16 : i32
      %mul3A_1024 = arith.muli %scan3A_792, %mul3A_1023 : i32
      %add3A_1025 = arith.constant 1664 : i32
      %add3A_1026 = arith.addi %add3A_1025, %mul3A_1024 : i32
      %swap3A_1027 = arith.index_cast %add3A_1026 : i32 to index
      %swap3A_1028 = tpu.vector_load %arg8[%swap3A_1027] {strides = array<i32>} : memref<6656xi32, #tpu.memory_space<vmem>>, vector<16xi32>,
      tpu.vector_store %arg8[%swap3A_1027], %or3A_1022 {strides = array<i32>} : memref<6656xi32, #tpu.memory_space<vmem>>, vector<16xi32>,
      %add3A_1029 = arith.addi %add3A_980, %and3A_992 : vector<16xi32>
      %add3A_1030 = arith.addi %add3A_981, %and3A_998 : vector<16xi32>
      %add3A_1031 = arith.addi %add3A_982, %and3A_1004 : vector<16xi32>
      %add3A_1032 = arith.addi %add3A_983, %and3A_1010 : vector<16xi32>
      %mul3A_1033 = arith.constant 16 : i32
      %mul3A_1034 = arith.muli %scan3A_792, %mul3A_1033 : i32
      %add3A_1035 = arith.constant 2080 : i32
      %add3A_1036 = arith.addi %add3A_1035, %mul3A_1034 : i32
      %get3A_1037 = arith.index_cast %add3A_1036 : i32 to index
      %get3A_1038 = tpu.vector_load %arg8[%get3A_1037] {strides = array<i32>} : memref<6656xi32, #tpu.memory_space<vmem>>, vector<16xi32>,
      %and3A_1039 = arith.constant 255 : i32
      %and3A_1040 = vector.broadcast %and3A_1039 : i32 to vector<16xi32>
      %and3A_1041 = arith.andi %get3A_1038, %and3A_1040 : vector<16xi32>
      %shift_right_arithmetic3A_1042 = arith.constant 8 : i32
      %shift_right_arithmetic3A_1043 = vector.broadcast %shift_right_arithmetic3A_1042 : i32 to vector<16xi32>
      %shift_right_arithmetic3A_1044 = arith.shrsi %get3A_1038, %shift_right_arithmetic3A_1043 : vector<16xi32>
      %and3A_1045 = arith.constant 255 : i32
      %and3A_1046 = vector.broadcast %and3A_1045 : i32 to vector<16xi32>
      %and3A_1047 = arith.andi %shift_right_arithmetic3A_1044, %and3A_1046 : vector<16xi32>
      %shift_right_arithmetic3A_1048 = arith.constant 16 : i32
      %shift_right_arithmetic3A_1049 = vector.broadcast %shift_right_arithmetic3A_1048 : i32 to vector<16xi32>
      %shift_right_arithmetic3A_1050 = arith.shrsi %get3A_1038, %shift_right_arithmetic3A_1049 : vector<16xi32>
      %and3A_1051 = arith.constant 255 : i32
      %and3A_1052 = vector.broadcast %and3A_1051 : i32 to vector<16xi32>
      %and3A_1053 = arith.andi %shift_right_arithmetic3A_1050, %and3A_1052 : vector<16xi32>
      %shift_right_arithmetic3A_1054 = arith.constant 24 : i32
      %shift_right_arithmetic3A_1055 = vector.broadcast %shift_right_arithmetic3A_1054 : i32 to vector<16xi32>
      %shift_right_arithmetic3A_1056 = arith.shrsi %get3A_1038, %shift_right_arithmetic3A_1055 : vector<16xi32>
      %and3A_1057 = arith.constant 255 : i32
      %and3A_1058 = vector.broadcast %and3A_1057 : i32 to vector<16xi32>
      %and3A_1059 = arith.andi %shift_right_arithmetic3A_1056, %and3A_1058 : vector<16xi32>
      %shift_left3A_1060 = arith.constant 8 : i32
      %shift_left3A_1061 = vector.broadcast %shift_left3A_1060 : i32 to vector<16xi32>
      %shift_left3A_1062 = arith.shli %add3A_1030, %shift_left3A_1061 : vector<16xi32>
      %or3A_1063 = arith.ori %add3A_1029, %shift_left3A_1062 : vector<16xi32>
      %shift_left3A_1064 = arith.constant 16 : i32
      %shift_left3A_1065 = vector.broadcast %shift_left3A_1064 : i32 to vector<16xi32>
      %shift_left3A_1066 = arith.shli %add3A_1031, %shift_left3A_1065 : vector<16xi32>
      %or3A_1067 = arith.ori %or3A_1063, %shift_left3A_1066 : vector<16xi32>
      %shift_left3A_1068 = arith.constant 24 : i32
      %shift_left3A_1069 = vector.broadcast %shift_left3A_1068 : i32 to vector<16xi32>
      %shift_left3A_1070 = arith.shli %add3A_1032, %shift_left3A_1069 : vector<16xi32>
      %or3A_1071 = arith.ori %or3A_1067, %shift_left3A_1070 : vector<16xi32>
      %mul3A_1072 = arith.constant 16 : i32
      %mul3A_1073 = arith.muli %scan3A_792, %mul3A_1072 : i32
      %add3A_1074 = arith.constant 2080 : i32
      %add3A_1075 = arith.addi %add3A_1074, %mul3A_1073 : i32
      %swap3A_1076 = arith.index_cast %add3A_1075 : i32 to index
      %swap3A_1077 = tpu.vector_load %arg8[%swap3A_1076] {strides = array<i32>} : memref<6656xi32, #tpu.memory_space<vmem>>, vector<16xi32>,
      tpu.vector_store %arg8[%swap3A_1076], %or3A_1071 {strides = array<i32>} : memref<6656xi32, #tpu.memory_space<vmem>>, vector<16xi32>,
      %add3A_1078 = arith.addi %add3A_1029, %and3A_1041 : vector<16xi32>
      %add3A_1079 = arith.addi %add3A_1030, %and3A_1047 : vector<16xi32>
      %add3A_1080 = arith.addi %add3A_1031, %and3A_1053 : vector<16xi32>
      %add3A_1081 = arith.addi %add3A_1032, %and3A_1059 : vector<16xi32>
      %mul3A_1082 = arith.constant 16 : i32
      %mul3A_1083 = arith.muli %scan3A_792, %mul3A_1082 : i32
      %add3A_1084 = arith.constant 2496 : i32
      %add3A_1085 = arith.addi %add3A_1084, %mul3A_1083 : i32
      %get3A_1086 = arith.index_cast %add3A_1085 : i32 to index
      %get3A_1087 = tpu.vector_load %arg8[%get3A_1086] {strides = array<i32>} : memref<6656xi32, #tpu.memory_space<vmem>>, vector<16xi32>,
      %and3A_1088 = arith.constant 255 : i32
      %and3A_1089 = vector.broadcast %and3A_1088 : i32 to vector<16xi32>
      %and3A_1090 = arith.andi %get3A_1087, %and3A_1089 : vector<16xi32>
      %shift_right_arithmetic3A_1091 = arith.constant 8 : i32
      %shift_right_arithmetic3A_1092 = vector.broadcast %shift_right_arithmetic3A_1091 : i32 to vector<16xi32>
      %shift_right_arithmetic3A_1093 = arith.shrsi %get3A_1087, %shift_right_arithmetic3A_1092 : vector<16xi32>
      %and3A_1094 = arith.constant 255 : i32
      %and3A_1095 = vector.broadcast %and3A_1094 : i32 to vector<16xi32>
      %and3A_1096 = arith.andi %shift_right_arithmetic3A_1093, %and3A_1095 : vector<16xi32>
      %shift_right_arithmetic3A_1097 = arith.constant 16 : i32
      %shift_right_arithmetic3A_1098 = vector.broadcast %shift_right_arithmetic3A_1097 : i32 to vector<16xi32>
      %shift_right_arithmetic3A_1099 = arith.shrsi %get3A_1087, %shift_right_arithmetic3A_1098 : vector<16xi32>
      %and3A_1100 = arith.constant 255 : i32
      %and3A_1101 = vector.broadcast %and3A_1100 : i32 to vector<16xi32>
      %and3A_1102 = arith.andi %shift_right_arithmetic3A_1099, %and3A_1101 : vector<16xi32>
      %shift_right_arithmetic3A_1103 = arith.constant 24 : i32
      %shift_right_arithmetic3A_1104 = vector.broadcast %shift_right_arithmetic3A_1103 : i32 to vector<16xi32>
      %shift_right_arithmetic3A_1105 = arith.shrsi %get3A_1087, %shift_right_arithmetic3A_1104 : vector<16xi32>
      %and3A_1106 = arith.constant 255 : i32
      %and3A_1107 = vector.broadcast %and3A_1106 : i32 to vector<16xi32>
      %and3A_1108 = arith.andi %shift_right_arithmetic3A_1105, %and3A_1107 : vector<16xi32>
      %shift_left3A_1109 = arith.constant 8 : i32
      %shift_left3A_1110 = vector.broadcast %shift_left3A_1109 : i32 to vector<16xi32>
      %shift_left3A_1111 = arith.shli %add3A_1079, %shift_left3A_1110 : vector<16xi32>
      %or3A_1112 = arith.ori %add3A_1078, %shift_left3A_1111 : vector<16xi32>
      %shift_left3A_1113 = arith.constant 16 : i32
      %shift_left3A_1114 = vector.broadcast %shift_left3A_1113 : i32 to vector<16xi32>
      %shift_left3A_1115 = arith.shli %add3A_1080, %shift_left3A_1114 : vector<16xi32>
      %or3A_1116 = arith.ori %or3A_1112, %shift_left3A_1115 : vector<16xi32>
      %shift_left3A_1117 = arith.constant 24 : i32
      %shift_left3A_1118 = vector.broadcast %shift_left3A_1117 : i32 to vector<16xi32>
      %shift_left3A_1119 = arith.shli %add3A_1081, %shift_left3A_1118 : vector<16xi32>
      %or3A_1120 = arith.ori %or3A_1116, %shift_left3A_1119 : vector<16xi32>
      %mul3A_1121 = arith.constant 16 : i32
      %mul3A_1122 = arith.muli %scan3A_792, %mul3A_1121 : i32
      %add3A_1123 = arith.constant 2496 : i32
      %add3A_1124 = arith.addi %add3A_1123, %mul3A_1122 : i32
      %swap3A_1125 = arith.index_cast %add3A_1124 : i32 to index
      %swap3A_1126 = tpu.vector_load %arg8[%swap3A_1125] {strides = array<i32>} : memref<6656xi32, #tpu.memory_space<vmem>>, vector<16xi32>,
      tpu.vector_store %arg8[%swap3A_1125], %or3A_1120 {strides = array<i32>} : memref<6656xi32, #tpu.memory_space<vmem>>, vector<16xi32>,
      %add3A_1127 = arith.addi %add3A_1078, %and3A_1090 : vector<16xi32>
      %add3A_1128 = arith.addi %add3A_1079, %and3A_1096 : vector<16xi32>
      %add3A_1129 = arith.addi %add3A_1080, %and3A_1102 : vector<16xi32>
      %add3A_1130 = arith.addi %add3A_1081, %and3A_1108 : vector<16xi32>
      %mul3A_1131 = arith.constant 16 : i32
      %mul3A_1132 = arith.muli %scan3A_792, %mul3A_1131 : i32
      %add3A_1133 = arith.constant 2912 : i32
      %add3A_1134 = arith.addi %add3A_1133, %mul3A_1132 : i32
      %get3A_1135 = arith.index_cast %add3A_1134 : i32 to index
      %get3A_1136 = tpu.vector_load %arg8[%get3A_1135] {strides = array<i32>} : memref<6656xi32, #tpu.memory_space<vmem>>, vector<16xi32>,
      %and3A_1137 = arith.constant 255 : i32
      %and3A_1138 = vector.broadcast %and3A_1137 : i32 to vector<16xi32>
      %and3A_1139 = arith.andi %get3A_1136, %and3A_1138 : vector<16xi32>
      %shift_right_arithmetic3A_1140 = arith.constant 8 : i32
      %shift_right_arithmetic3A_1141 = vector.broadcast %shift_right_arithmetic3A_1140 : i32 to vector<16xi32>
      %shift_right_arithmetic3A_1142 = arith.shrsi %get3A_1136, %shift_right_arithmetic3A_1141 : vector<16xi32>
      %and3A_1143 = arith.constant 255 : i32
      %and3A_1144 = vector.broadcast %and3A_1143 : i32 to vector<16xi32>
      %and3A_1145 = arith.andi %shift_right_arithmetic3A_1142, %and3A_1144 : vector<16xi32>
      %shift_right_arithmetic3A_1146 = arith.constant 16 : i32
      %shift_right_arithmetic3A_1147 = vector.broadcast %shift_right_arithmetic3A_1146 : i32 to vector<16xi32>
      %shift_right_arithmetic3A_1148 = arith.shrsi %get3A_1136, %shift_right_arithmetic3A_1147 : vector<16xi32>
      %and3A_1149 = arith.constant 255 : i32
      %and3A_1150 = vector.broadcast %and3A_1149 : i32 to vector<16xi32>
      %and3A_1151 = arith.andi %shift_right_arithmetic3A_1148, %and3A_1150 : vector<16xi32>
      %shift_right_arithmetic3A_1152 = arith.constant 24 : i32
      %shift_right_arithmetic3A_1153 = vector.broadcast %shift_right_arithmetic3A_1152 : i32 to vector<16xi32>
      %shift_right_arithmetic3A_1154 = arith.shrsi %get3A_1136, %shift_right_arithmetic3A_1153 : vector<16xi32>
      %and3A_1155 = arith.constant 255 : i32
      %and3A_1156 = vector.broadcast %and3A_1155 : i32 to vector<16xi32>
      %and3A_1157 = arith.andi %shift_right_arithmetic3A_1154, %and3A_1156 : vector<16xi32>
      %shift_left3A_1158 = arith.constant 8 : i32
      %shift_left3A_1159 = vector.broadcast %shift_left3A_1158 : i32 to vector<16xi32>
      %shift_left3A_1160 = arith.shli %add3A_1128, %shift_left3A_1159 : vector<16xi32>
      %or3A_1161 = arith.ori %add3A_1127, %shift_left3A_1160 : vector<16xi32>
      %shift_left3A_1162 = arith.constant 16 : i32
      %shift_left3A_1163 = vector.broadcast %shift_left3A_1162 : i32 to vector<16xi32>
      %shift_left3A_1164 = arith.shli %add3A_1129, %shift_left3A_1163 : vector<16xi32>
      %or3A_1165 = arith.ori %or3A_1161, %shift_left3A_1164 : vector<16xi32>
      %shift_left3A_1166 = arith.constant 24 : i32
      %shift_left3A_1167 = vector.broadcast %shift_left3A_1166 : i32 to vector<16xi32>
      %shift_left3A_1168 = arith.shli %add3A_1130, %shift_left3A_1167 : vector<16xi32>
      %or3A_1169 = arith.ori %or3A_1165, %shift_left3A_1168 : vector<16xi32>
      %mul3A_1170 = arith.constant 16 : i32
      %mul3A_1171 = arith.muli %scan3A_792, %mul3A_1170 : i32
      %add3A_1172 = arith.constant 2912 : i32
      %add3A_1173 = arith.addi %add3A_1172, %mul3A_1171 : i32
      %swap3A_1174 = arith.index_cast %add3A_1173 : i32 to index
      %swap3A_1175 = tpu.vector_load %arg8[%swap3A_1174] {strides = array<i32>} : memref<6656xi32, #tpu.memory_space<vmem>>, vector<16xi32>,
      tpu.vector_store %arg8[%swap3A_1174], %or3A_1169 {strides = array<i32>} : memref<6656xi32, #tpu.memory_space<vmem>>, vector<16xi32>,
      %add3A_1176 = arith.addi %add3A_1127, %and3A_1139 : vector<16xi32>
      %add3A_1177 = arith.addi %add3A_1128, %and3A_1145 : vector<16xi32>
      %add3A_1178 = arith.addi %add3A_1129, %and3A_1151 : vector<16xi32>
      %add3A_1179 = arith.addi %add3A_1130, %and3A_1157 : vector<16xi32>
      %mul3A_1180 = arith.constant 16 : i32
      %mul3A_1181 = arith.muli %scan3A_792, %mul3A_1180 : i32
      %add3A_1182 = arith.constant 3328 : i32
      %add3A_1183 = arith.addi %add3A_1182, %mul3A_1181 : i32
      %get3A_1184 = arith.index_cast %add3A_1183 : i32 to index
      %get3A_1185 = tpu.vector_load %arg8[%get3A_1184] {strides = array<i32>} : memref<6656xi32, #tpu.memory_space<vmem>>, vector<16xi32>,
      %and3A_1186 = arith.constant 255 : i32
      %and3A_1187 = vector.broadcast %and3A_1186 : i32 to vector<16xi32>
      %and3A_1188 = arith.andi %get3A_1185, %and3A_1187 : vector<16xi32>
      %shift_right_arithmetic3A_1189 = arith.constant 8 : i32
      %shift_right_arithmetic3A_1190 = vector.broadcast %shift_right_arithmetic3A_1189 : i32 to vector<16xi32>
      %shift_right_arithmetic3A_1191 = arith.shrsi %get3A_1185, %shift_right_arithmetic3A_1190 : vector<16xi32>
      %and3A_1192 = arith.constant 255 : i32
      %and3A_1193 = vector.broadcast %and3A_1192 : i32 to vector<16xi32>
      %and3A_1194 = arith.andi %shift_right_arithmetic3A_1191, %and3A_1193 : vector<16xi32>
      %shift_right_arithmetic3A_1195 = arith.constant 16 : i32
      %shift_right_arithmetic3A_1196 = vector.broadcast %shift_right_arithmetic3A_1195 : i32 to vector<16xi32>
      %shift_right_arithmetic3A_1197 = arith.shrsi %get3A_1185, %shift_right_arithmetic3A_1196 : vector<16xi32>
      %and3A_1198 = arith.constant 255 : i32
      %and3A_1199 = vector.broadcast %and3A_1198 : i32 to vector<16xi32>
      %and3A_1200 = arith.andi %shift_right_arithmetic3A_1197, %and3A_1199 : vector<16xi32>
      %shift_right_arithmetic3A_1201 = arith.constant 24 : i32
      %shift_right_arithmetic3A_1202 = vector.broadcast %shift_right_arithmetic3A_1201 : i32 to vector<16xi32>
      %shift_right_arithmetic3A_1203 = arith.shrsi %get3A_1185, %shift_right_arithmetic3A_1202 : vector<16xi32>
      %and3A_1204 = arith.constant 255 : i32
      %and3A_1205 = vector.broadcast %and3A_1204 : i32 to vector<16xi32>
      %and3A_1206 = arith.andi %shift_right_arithmetic3A_1203, %and3A_1205 : vector<16xi32>
      %shift_left3A_1207 = arith.constant 8 : i32
      %shift_left3A_1208 = vector.broadcast %shift_left3A_1207 : i32 to vector<16xi32>
      %shift_left3A_1209 = arith.shli %add3A_1177, %shift_left3A_1208 : vector<16xi32>
      %or3A_1210 = arith.ori %add3A_1176, %shift_left3A_1209 : vector<16xi32>
      %shift_left3A_1211 = arith.constant 16 : i32
      %shift_left3A_1212 = vector.broadcast %shift_left3A_1211 : i32 to vector<16xi32>
      %shift_left3A_1213 = arith.shli %add3A_1178, %shift_left3A_1212 : vector<16xi32>
      %or3A_1214 = arith.ori %or3A_1210, %shift_left3A_1213 : vector<16xi32>
      %shift_left3A_1215 = arith.constant 24 : i32
      %shift_left3A_1216 = vector.broadcast %shift_left3A_1215 : i32 to vector<16xi32>
      %shift_left3A_1217 = arith.shli %add3A_1179, %shift_left3A_1216 : vector<16xi32>
      %or3A_1218 = arith.ori %or3A_1214, %shift_left3A_1217 : vector<16xi32>
      %mul3A_1219 = arith.constant 16 : i32
      %mul3A_1220 = arith.muli %scan3A_792, %mul3A_1219 : i32
      %add3A_1221 = arith.constant 3328 : i32
      %add3A_1222 = arith.addi %add3A_1221, %mul3A_1220 : i32
      %swap3A_1223 = arith.index_cast %add3A_1222 : i32 to index
      %swap3A_1224 = tpu.vector_load %arg8[%swap3A_1223] {strides = array<i32>} : memref<6656xi32, #tpu.memory_space<vmem>>, vector<16xi32>,
      tpu.vector_store %arg8[%swap3A_1223], %or3A_1218 {strides = array<i32>} : memref<6656xi32, #tpu.memory_space<vmem>>, vector<16xi32>,
      %add3A_1225 = arith.addi %add3A_1176, %and3A_1188 : vector<16xi32>
      %add3A_1226 = arith.addi %add3A_1177, %and3A_1194 : vector<16xi32>
      %add3A_1227 = arith.addi %add3A_1178, %and3A_1200 : vector<16xi32>
      %add3A_1228 = arith.addi %add3A_1179, %and3A_1206 : vector<16xi32>
      %mul3A_1229 = arith.constant 16 : i32
      %mul3A_1230 = arith.muli %scan3A_792, %mul3A_1229 : i32
      %add3A_1231 = arith.constant 3744 : i32
      %add3A_1232 = arith.addi %add3A_1231, %mul3A_1230 : i32
      %get3A_1233 = arith.index_cast %add3A_1232 : i32 to index
      %get3A_1234 = tpu.vector_load %arg8[%get3A_1233] {strides = array<i32>} : memref<6656xi32, #tpu.memory_space<vmem>>, vector<16xi32>,
      %and3A_1235 = arith.constant 255 : i32
      %and3A_1236 = vector.broadcast %and3A_1235 : i32 to vector<16xi32>
      %and3A_1237 = arith.andi %get3A_1234, %and3A_1236 : vector<16xi32>
      %shift_right_arithmetic3A_1238 = arith.constant 8 : i32
      %shift_right_arithmetic3A_1239 = vector.broadcast %shift_right_arithmetic3A_1238 : i32 to vector<16xi32>
      %shift_right_arithmetic3A_1240 = arith.shrsi %get3A_1234, %shift_right_arithmetic3A_1239 : vector<16xi32>
      %and3A_1241 = arith.constant 255 : i32
      %and3A_1242 = vector.broadcast %and3A_1241 : i32 to vector<16xi32>
      %and3A_1243 = arith.andi %shift_right_arithmetic3A_1240, %and3A_1242 : vector<16xi32>
      %shift_right_arithmetic3A_1244 = arith.constant 16 : i32
      %shift_right_arithmetic3A_1245 = vector.broadcast %shift_right_arithmetic3A_1244 : i32 to vector<16xi32>
      %shift_right_arithmetic3A_1246 = arith.shrsi %get3A_1234, %shift_right_arithmetic3A_1245 : vector<16xi32>
      %and3A_1247 = arith.constant 255 : i32
      %and3A_1248 = vector.broadcast %and3A_1247 : i32 to vector<16xi32>
      %and3A_1249 = arith.andi %shift_right_arithmetic3A_1246, %and3A_1248 : vector<16xi32>
      %shift_right_arithmetic3A_1250 = arith.constant 24 : i32
      %shift_right_arithmetic3A_1251 = vector.broadcast %shift_right_arithmetic3A_1250 : i32 to vector<16xi32>
      %shift_right_arithmetic3A_1252 = arith.shrsi %get3A_1234, %shift_right_arithmetic3A_1251 : vector<16xi32>
      %and3A_1253 = arith.constant 255 : i32
      %and3A_1254 = vector.broadcast %and3A_1253 : i32 to vector<16xi32>
      %and3A_1255 = arith.andi %shift_right_arithmetic3A_1252, %and3A_1254 : vector<16xi32>
      %shift_left3A_1256 = arith.constant 8 : i32
      %shift_left3A_1257 = vector.broadcast %shift_left3A_1256 : i32 to vector<16xi32>
      %shift_left3A_1258 = arith.shli %add3A_1226, %shift_left3A_1257 : vector<16xi32>
      %or3A_1259 = arith.ori %add3A_1225, %shift_left3A_1258 : vector<16xi32>
      %shift_left3A_1260 = arith.constant 16 : i32
      %shift_left3A_1261 = vector.broadcast %shift_left3A_1260 : i32 to vector<16xi32>
      %shift_left3A_1262 = arith.shli %add3A_1227, %shift_left3A_1261 : vector<16xi32>
      %or3A_1263 = arith.ori %or3A_1259, %shift_left3A_1262 : vector<16xi32>
      %shift_left3A_1264 = arith.constant 24 : i32
      %shift_left3A_1265 = vector.broadcast %shift_left3A_1264 : i32 to vector<16xi32>
      %shift_left3A_1266 = arith.shli %add3A_1228, %shift_left3A_1265 : vector<16xi32>
      %or3A_1267 = arith.ori %or3A_1263, %shift_left3A_1266 : vector<16xi32>
      %mul3A_1268 = arith.constant 16 : i32
      %mul3A_1269 = arith.muli %scan3A_792, %mul3A_1268 : i32
      %add3A_1270 = arith.constant 3744 : i32
      %add3A_1271 = arith.addi %add3A_1270, %mul3A_1269 : i32
      %swap3A_1272 = arith.index_cast %add3A_1271 : i32 to index
      %swap3A_1273 = tpu.vector_load %arg8[%swap3A_1272] {strides = array<i32>} : memref<6656xi32, #tpu.memory_space<vmem>>, vector<16xi32>,
      tpu.vector_store %arg8[%swap3A_1272], %or3A_1267 {strides = array<i32>} : memref<6656xi32, #tpu.memory_space<vmem>>, vector<16xi32>,
      %add3A_1274 = arith.addi %add3A_1225, %and3A_1237 : vector<16xi32>
      %add3A_1275 = arith.addi %add3A_1226, %and3A_1243 : vector<16xi32>
      %add3A_1276 = arith.addi %add3A_1227, %and3A_1249 : vector<16xi32>
      %add3A_1277 = arith.addi %add3A_1228, %and3A_1255 : vector<16xi32>
      %mul3A_1278 = arith.constant 16 : i32
      %mul3A_1279 = arith.muli %scan3A_792, %mul3A_1278 : i32
      %add3A_1280 = arith.constant 4160 : i32
      %add3A_1281 = arith.addi %add3A_1280, %mul3A_1279 : i32
      %get3A_1282 = arith.index_cast %add3A_1281 : i32 to index
      %get3A_1283 = tpu.vector_load %arg8[%get3A_1282] {strides = array<i32>} : memref<6656xi32, #tpu.memory_space<vmem>>, vector<16xi32>,
      %and3A_1284 = arith.constant 255 : i32
      %and3A_1285 = vector.broadcast %and3A_1284 : i32 to vector<16xi32>
      %and3A_1286 = arith.andi %get3A_1283, %and3A_1285 : vector<16xi32>
      %shift_right_arithmetic3A_1287 = arith.constant 8 : i32
      %shift_right_arithmetic3A_1288 = vector.broadcast %shift_right_arithmetic3A_1287 : i32 to vector<16xi32>
      %shift_right_arithmetic3A_1289 = arith.shrsi %get3A_1283, %shift_right_arithmetic3A_1288 : vector<16xi32>
      %and3A_1290 = arith.constant 255 : i32
      %and3A_1291 = vector.broadcast %and3A_1290 : i32 to vector<16xi32>
      %and3A_1292 = arith.andi %shift_right_arithmetic3A_1289, %and3A_1291 : vector<16xi32>
      %shift_right_arithmetic3A_1293 = arith.constant 16 : i32
      %shift_right_arithmetic3A_1294 = vector.broadcast %shift_right_arithmetic3A_1293 : i32 to vector<16xi32>
      %shift_right_arithmetic3A_1295 = arith.shrsi %get3A_1283, %shift_right_arithmetic3A_1294 : vector<16xi32>
      %and3A_1296 = arith.constant 255 : i32
      %and3A_1297 = vector.broadcast %and3A_1296 : i32 to vector<16xi32>
      %and3A_1298 = arith.andi %shift_right_arithmetic3A_1295, %and3A_1297 : vector<16xi32>
      %shift_right_arithmetic3A_1299 = arith.constant 24 : i32
      %shift_right_arithmetic3A_1300 = vector.broadcast %shift_right_arithmetic3A_1299 : i32 to vector<16xi32>
      %shift_right_arithmetic3A_1301 = arith.shrsi %get3A_1283, %shift_right_arithmetic3A_1300 : vector<16xi32>
      %and3A_1302 = arith.constant 255 : i32
      %and3A_1303 = vector.broadcast %and3A_1302 : i32 to vector<16xi32>
      %and3A_1304 = arith.andi %shift_right_arithmetic3A_1301, %and3A_1303 : vector<16xi32>
      %shift_left3A_1305 = arith.constant 8 : i32
      %shift_left3A_1306 = vector.broadcast %shift_left3A_1305 : i32 to vector<16xi32>
      %shift_left3A_1307 = arith.shli %add3A_1275, %shift_left3A_1306 : vector<16xi32>
      %or3A_1308 = arith.ori %add3A_1274, %shift_left3A_1307 : vector<16xi32>
      %shift_left3A_1309 = arith.constant 16 : i32
      %shift_left3A_1310 = vector.broadcast %shift_left3A_1309 : i32 to vector<16xi32>
      %shift_left3A_1311 = arith.shli %add3A_1276, %shift_left3A_1310 : vector<16xi32>
      %or3A_1312 = arith.ori %or3A_1308, %shift_left3A_1311 : vector<16xi32>
      %shift_left3A_1313 = arith.constant 24 : i32
      %shift_left3A_1314 = vector.broadcast %shift_left3A_1313 : i32 to vector<16xi32>
      %shift_left3A_1315 = arith.shli %add3A_1277, %shift_left3A_1314 : vector<16xi32>
      %or3A_1316 = arith.ori %or3A_1312, %shift_left3A_1315 : vector<16xi32>
      %mul3A_1317 = arith.constant 16 : i32
      %mul3A_1318 = arith.muli %scan3A_792, %mul3A_1317 : i32
      %add3A_1319 = arith.constant 4160 : i32
      %add3A_1320 = arith.addi %add3A_1319, %mul3A_1318 : i32
      %swap3A_1321 = arith.index_cast %add3A_1320 : i32 to index
      %swap3A_1322 = tpu.vector_load %arg8[%swap3A_1321] {strides = array<i32>} : memref<6656xi32, #tpu.memory_space<vmem>>, vector<16xi32>,
      tpu.vector_store %arg8[%swap3A_1321], %or3A_1316 {strides = array<i32>} : memref<6656xi32, #tpu.memory_space<vmem>>, vector<16xi32>,
      %add3A_1323 = arith.addi %add3A_1274, %and3A_1286 : vector<16xi32>
      %add3A_1324 = arith.addi %add3A_1275, %and3A_1292 : vector<16xi32>
      %add3A_1325 = arith.addi %add3A_1276, %and3A_1298 : vector<16xi32>
      %add3A_1326 = arith.addi %add3A_1277, %and3A_1304 : vector<16xi32>
      %mul3A_1327 = arith.constant 16 : i32
      %mul3A_1328 = arith.muli %scan3A_792, %mul3A_1327 : i32
      %add3A_1329 = arith.constant 4576 : i32
      %add3A_1330 = arith.addi %add3A_1329, %mul3A_1328 : i32
      %get3A_1331 = arith.index_cast %add3A_1330 : i32 to index
      %get3A_1332 = tpu.vector_load %arg8[%get3A_1331] {strides = array<i32>} : memref<6656xi32, #tpu.memory_space<vmem>>, vector<16xi32>,
      %and3A_1333 = arith.constant 255 : i32
      %and3A_1334 = vector.broadcast %and3A_1333 : i32 to vector<16xi32>
      %and3A_1335 = arith.andi %get3A_1332, %and3A_1334 : vector<16xi32>
      %shift_right_arithmetic3A_1336 = arith.constant 8 : i32
      %shift_right_arithmetic3A_1337 = vector.broadcast %shift_right_arithmetic3A_1336 : i32 to vector<16xi32>
      %shift_right_arithmetic3A_1338 = arith.shrsi %get3A_1332, %shift_right_arithmetic3A_1337 : vector<16xi32>
      %and3A_1339 = arith.constant 255 : i32
      %and3A_1340 = vector.broadcast %and3A_1339 : i32 to vector<16xi32>
      %and3A_1341 = arith.andi %shift_right_arithmetic3A_1338, %and3A_1340 : vector<16xi32>
      %shift_right_arithmetic3A_1342 = arith.constant 16 : i32
      %shift_right_arithmetic3A_1343 = vector.broadcast %shift_right_arithmetic3A_1342 : i32 to vector<16xi32>
      %shift_right_arithmetic3A_1344 = arith.shrsi %get3A_1332, %shift_right_arithmetic3A_1343 : vector<16xi32>
      %and3A_1345 = arith.constant 255 : i32
      %and3A_1346 = vector.broadcast %and3A_1345 : i32 to vector<16xi32>
      %and3A_1347 = arith.andi %shift_right_arithmetic3A_1344, %and3A_1346 : vector<16xi32>
      %shift_right_arithmetic3A_1348 = arith.constant 24 : i32
      %shift_right_arithmetic3A_1349 = vector.broadcast %shift_right_arithmetic3A_1348 : i32 to vector<16xi32>
      %shift_right_arithmetic3A_1350 = arith.shrsi %get3A_1332, %shift_right_arithmetic3A_1349 : vector<16xi32>
      %and3A_1351 = arith.constant 255 : i32
      %and3A_1352 = vector.broadcast %and3A_1351 : i32 to vector<16xi32>
      %and3A_1353 = arith.andi %shift_right_arithmetic3A_1350, %and3A_1352 : vector<16xi32>
      %shift_left3A_1354 = arith.constant 8 : i32
      %shift_left3A_1355 = vector.broadcast %shift_left3A_1354 : i32 to vector<16xi32>
      %shift_left3A_1356 = arith.shli %add3A_1324, %shift_left3A_1355 : vector<16xi32>
      %or3A_1357 = arith.ori %add3A_1323, %shift_left3A_1356 : vector<16xi32>
      %shift_left3A_1358 = arith.constant 16 : i32
      %shift_left3A_1359 = vector.broadcast %shift_left3A_1358 : i32 to vector<16xi32>
      %shift_left3A_1360 = arith.shli %add3A_1325, %shift_left3A_1359 : vector<16xi32>
      %or3A_1361 = arith.ori %or3A_1357, %shift_left3A_1360 : vector<16xi32>
      %shift_left3A_1362 = arith.constant 24 : i32
      %shift_left3A_1363 = vector.broadcast %shift_left3A_1362 : i32 to vector<16xi32>
      %shift_left3A_1364 = arith.shli %add3A_1326, %shift_left3A_1363 : vector<16xi32>
      %or3A_1365 = arith.ori %or3A_1361, %shift_left3A_1364 : vector<16xi32>
      %mul3A_1366 = arith.constant 16 : i32
      %mul3A_1367 = arith.muli %scan3A_792, %mul3A_1366 : i32
      %add3A_1368 = arith.constant 4576 : i32
      %add3A_1369 = arith.addi %add3A_1368, %mul3A_1367 : i32
      %swap3A_1370 = arith.index_cast %add3A_1369 : i32 to index
      %swap3A_1371 = tpu.vector_load %arg8[%swap3A_1370] {strides = array<i32>} : memref<6656xi32, #tpu.memory_space<vmem>>, vector<16xi32>,
      tpu.vector_store %arg8[%swap3A_1370], %or3A_1365 {strides = array<i32>} : memref<6656xi32, #tpu.memory_space<vmem>>, vector<16xi32>,
      %add3A_1372 = arith.addi %add3A_1323, %and3A_1335 : vector<16xi32>
      %add3A_1373 = arith.addi %add3A_1324, %and3A_1341 : vector<16xi32>
      %add3A_1374 = arith.addi %add3A_1325, %and3A_1347 : vector<16xi32>
      %add3A_1375 = arith.addi %add3A_1326, %and3A_1353 : vector<16xi32>
      %mul3A_1376 = arith.constant 16 : i32
      %mul3A_1377 = arith.muli %scan3A_792, %mul3A_1376 : i32
      %add3A_1378 = arith.constant 4992 : i32
      %add3A_1379 = arith.addi %add3A_1378, %mul3A_1377 : i32
      %get3A_1380 = arith.index_cast %add3A_1379 : i32 to index
      %get3A_1381 = tpu.vector_load %arg8[%get3A_1380] {strides = array<i32>} : memref<6656xi32, #tpu.memory_space<vmem>>, vector<16xi32>,
      %and3A_1382 = arith.constant 255 : i32
      %and3A_1383 = vector.broadcast %and3A_1382 : i32 to vector<16xi32>
      %and3A_1384 = arith.andi %get3A_1381, %and3A_1383 : vector<16xi32>
      %shift_right_arithmetic3A_1385 = arith.constant 8 : i32
      %shift_right_arithmetic3A_1386 = vector.broadcast %shift_right_arithmetic3A_1385 : i32 to vector<16xi32>
      %shift_right_arithmetic3A_1387 = arith.shrsi %get3A_1381, %shift_right_arithmetic3A_1386 : vector<16xi32>
      %and3A_1388 = arith.constant 255 : i32
      %and3A_1389 = vector.broadcast %and3A_1388 : i32 to vector<16xi32>
      %and3A_1390 = arith.andi %shift_right_arithmetic3A_1387, %and3A_1389 : vector<16xi32>
      %shift_right_arithmetic3A_1391 = arith.constant 16 : i32
      %shift_right_arithmetic3A_1392 = vector.broadcast %shift_right_arithmetic3A_1391 : i32 to vector<16xi32>
      %shift_right_arithmetic3A_1393 = arith.shrsi %get3A_1381, %shift_right_arithmetic3A_1392 : vector<16xi32>
      %and3A_1394 = arith.constant 255 : i32
      %and3A_1395 = vector.broadcast %and3A_1394 : i32 to vector<16xi32>
      %and3A_1396 = arith.andi %shift_right_arithmetic3A_1393, %and3A_1395 : vector<16xi32>
      %shift_right_arithmetic3A_1397 = arith.constant 24 : i32
      %shift_right_arithmetic3A_1398 = vector.broadcast %shift_right_arithmetic3A_1397 : i32 to vector<16xi32>
      %shift_right_arithmetic3A_1399 = arith.shrsi %get3A_1381, %shift_right_arithmetic3A_1398 : vector<16xi32>
      %and3A_1400 = arith.constant 255 : i32
      %and3A_1401 = vector.broadcast %and3A_1400 : i32 to vector<16xi32>
      %and3A_1402 = arith.andi %shift_right_arithmetic3A_1399, %and3A_1401 : vector<16xi32>
      %shift_left3A_1403 = arith.constant 8 : i32
      %shift_left3A_1404 = vector.broadcast %shift_left3A_1403 : i32 to vector<16xi32>
      %shift_left3A_1405 = arith.shli %add3A_1373, %shift_left3A_1404 : vector<16xi32>
      %or3A_1406 = arith.ori %add3A_1372, %shift_left3A_1405 : vector<16xi32>
      %shift_left3A_1407 = arith.constant 16 : i32
      %shift_left3A_1408 = vector.broadcast %shift_left3A_1407 : i32 to vector<16xi32>
      %shift_left3A_1409 = arith.shli %add3A_1374, %shift_left3A_1408 : vector<16xi32>
      %or3A_1410 = arith.ori %or3A_1406, %shift_left3A_1409 : vector<16xi32>
      %shift_left3A_1411 = arith.constant 24 : i32
      %shift_left3A_1412 = vector.broadcast %shift_left3A_1411 : i32 to vector<16xi32>
      %shift_left3A_1413 = arith.shli %add3A_1375, %shift_left3A_1412 : vector<16xi32>
      %or3A_1414 = arith.ori %or3A_1410, %shift_left3A_1413 : vector<16xi32>
      %mul3A_1415 = arith.constant 16 : i32
      %mul3A_1416 = arith.muli %scan3A_792, %mul3A_1415 : i32
      %add3A_1417 = arith.constant 4992 : i32
      %add3A_1418 = arith.addi %add3A_1417, %mul3A_1416 : i32
      %swap3A_1419 = arith.index_cast %add3A_1418 : i32 to index
      %swap3A_1420 = tpu.vector_load %arg8[%swap3A_1419] {strides = array<i32>} : memref<6656xi32, #tpu.memory_space<vmem>>, vector<16xi32>,
      tpu.vector_store %arg8[%swap3A_1419], %or3A_1414 {strides = array<i32>} : memref<6656xi32, #tpu.memory_space<vmem>>, vector<16xi32>,
      %add3A_1421 = arith.addi %add3A_1372, %and3A_1384 : vector<16xi32>
      %add3A_1422 = arith.addi %add3A_1373, %and3A_1390 : vector<16xi32>
      %add3A_1423 = arith.addi %add3A_1374, %and3A_1396 : vector<16xi32>
      %add3A_1424 = arith.addi %add3A_1375, %and3A_1402 : vector<16xi32>
      %mul3A_1425 = arith.constant 16 : i32
      %mul3A_1426 = arith.muli %scan3A_792, %mul3A_1425 : i32
      %add3A_1427 = arith.constant 5408 : i32
      %add3A_1428 = arith.addi %add3A_1427, %mul3A_1426 : i32
      %get3A_1429 = arith.index_cast %add3A_1428 : i32 to index
      %get3A_1430 = tpu.vector_load %arg8[%get3A_1429] {strides = array<i32>} : memref<6656xi32, #tpu.memory_space<vmem>>, vector<16xi32>,
      %and3A_1431 = arith.constant 255 : i32
      %and3A_1432 = vector.broadcast %and3A_1431 : i32 to vector<16xi32>
      %and3A_1433 = arith.andi %get3A_1430, %and3A_1432 : vector<16xi32>
      %shift_right_arithmetic3A_1434 = arith.constant 8 : i32
      %shift_right_arithmetic3A_1435 = vector.broadcast %shift_right_arithmetic3A_1434 : i32 to vector<16xi32>
      %shift_right_arithmetic3A_1436 = arith.shrsi %get3A_1430, %shift_right_arithmetic3A_1435 : vector<16xi32>
      %and3A_1437 = arith.constant 255 : i32
      %and3A_1438 = vector.broadcast %and3A_1437 : i32 to vector<16xi32>
      %and3A_1439 = arith.andi %shift_right_arithmetic3A_1436, %and3A_1438 : vector<16xi32>
      %shift_right_arithmetic3A_1440 = arith.constant 16 : i32
      %shift_right_arithmetic3A_1441 = vector.broadcast %shift_right_arithmetic3A_1440 : i32 to vector<16xi32>
      %shift_right_arithmetic3A_1442 = arith.shrsi %get3A_1430, %shift_right_arithmetic3A_1441 : vector<16xi32>
      %and3A_1443 = arith.constant 255 : i32
      %and3A_1444 = vector.broadcast %and3A_1443 : i32 to vector<16xi32>
      %and3A_1445 = arith.andi %shift_right_arithmetic3A_1442, %and3A_1444 : vector<16xi32>
      %shift_right_arithmetic3A_1446 = arith.constant 24 : i32
      %shift_right_arithmetic3A_1447 = vector.broadcast %shift_right_arithmetic3A_1446 : i32 to vector<16xi32>
      %shift_right_arithmetic3A_1448 = arith.shrsi %get3A_1430, %shift_right_arithmetic3A_1447 : vector<16xi32>
      %and3A_1449 = arith.constant 255 : i32
      %and3A_1450 = vector.broadcast %and3A_1449 : i32 to vector<16xi32>
      %and3A_1451 = arith.andi %shift_right_arithmetic3A_1448, %and3A_1450 : vector<16xi32>
      %shift_left3A_1452 = arith.constant 8 : i32
      %shift_left3A_1453 = vector.broadcast %shift_left3A_1452 : i32 to vector<16xi32>
      %shift_left3A_1454 = arith.shli %add3A_1422, %shift_left3A_1453 : vector<16xi32>
      %or3A_1455 = arith.ori %add3A_1421, %shift_left3A_1454 : vector<16xi32>
      %shift_left3A_1456 = arith.constant 16 : i32
      %shift_left3A_1457 = vector.broadcast %shift_left3A_1456 : i32 to vector<16xi32>
      %shift_left3A_1458 = arith.shli %add3A_1423, %shift_left3A_1457 : vector<16xi32>
      %or3A_1459 = arith.ori %or3A_1455, %shift_left3A_1458 : vector<16xi32>
      %shift_left3A_1460 = arith.constant 24 : i32
      %shift_left3A_1461 = vector.broadcast %shift_left3A_1460 : i32 to vector<16xi32>
      %shift_left3A_1462 = arith.shli %add3A_1424, %shift_left3A_1461 : vector<16xi32>
      %or3A_1463 = arith.ori %or3A_1459, %shift_left3A_1462 : vector<16xi32>
      %mul3A_1464 = arith.constant 16 : i32
      %mul3A_1465 = arith.muli %scan3A_792, %mul3A_1464 : i32
      %add3A_1466 = arith.constant 5408 : i32
      %add3A_1467 = arith.addi %add3A_1466, %mul3A_1465 : i32
      %swap3A_1468 = arith.index_cast %add3A_1467 : i32 to index
      %swap3A_1469 = tpu.vector_load %arg8[%swap3A_1468] {strides = array<i32>} : memref<6656xi32, #tpu.memory_space<vmem>>, vector<16xi32>,
      tpu.vector_store %arg8[%swap3A_1468], %or3A_1463 {strides = array<i32>} : memref<6656xi32, #tpu.memory_space<vmem>>, vector<16xi32>,
      %add3A_1470 = arith.addi %add3A_1421, %and3A_1433 : vector<16xi32>
      %add3A_1471 = arith.addi %add3A_1422, %and3A_1439 : vector<16xi32>
      %add3A_1472 = arith.addi %add3A_1423, %and3A_1445 : vector<16xi32>
      %add3A_1473 = arith.addi %add3A_1424, %and3A_1451 : vector<16xi32>
      %mul3A_1474 = arith.constant 16 : i32
      %mul3A_1475 = arith.muli %scan3A_792, %mul3A_1474 : i32
      %add3A_1476 = arith.constant 5824 : i32
      %add3A_1477 = arith.addi %add3A_1476, %mul3A_1475 : i32
      %get3A_1478 = arith.index_cast %add3A_1477 : i32 to index
      %get3A_1479 = tpu.vector_load %arg8[%get3A_1478] {strides = array<i32>} : memref<6656xi32, #tpu.memory_space<vmem>>, vector<16xi32>,
      %and3A_1480 = arith.constant 255 : i32
      %and3A_1481 = vector.broadcast %and3A_1480 : i32 to vector<16xi32>
      %and3A_1482 = arith.andi %get3A_1479, %and3A_1481 : vector<16xi32>
      %shift_right_arithmetic3A_1483 = arith.constant 8 : i32
      %shift_right_arithmetic3A_1484 = vector.broadcast %shift_right_arithmetic3A_1483 : i32 to vector<16xi32>
      %shift_right_arithmetic3A_1485 = arith.shrsi %get3A_1479, %shift_right_arithmetic3A_1484 : vector<16xi32>
      %and3A_1486 = arith.constant 255 : i32
      %and3A_1487 = vector.broadcast %and3A_1486 : i32 to vector<16xi32>
      %and3A_1488 = arith.andi %shift_right_arithmetic3A_1485, %and3A_1487 : vector<16xi32>
      %shift_right_arithmetic3A_1489 = arith.constant 16 : i32
      %shift_right_arithmetic3A_1490 = vector.broadcast %shift_right_arithmetic3A_1489 : i32 to vector<16xi32>
      %shift_right_arithmetic3A_1491 = arith.shrsi %get3A_1479, %shift_right_arithmetic3A_1490 : vector<16xi32>
      %and3A_1492 = arith.constant 255 : i32
      %and3A_1493 = vector.broadcast %and3A_1492 : i32 to vector<16xi32>
      %and3A_1494 = arith.andi %shift_right_arithmetic3A_1491, %and3A_1493 : vector<16xi32>
      %shift_right_arithmetic3A_1495 = arith.constant 24 : i32
      %shift_right_arithmetic3A_1496 = vector.broadcast %shift_right_arithmetic3A_1495 : i32 to vector<16xi32>
      %shift_right_arithmetic3A_1497 = arith.shrsi %get3A_1479, %shift_right_arithmetic3A_1496 : vector<16xi32>
      %and3A_1498 = arith.constant 255 : i32
      %and3A_1499 = vector.broadcast %and3A_1498 : i32 to vector<16xi32>
      %and3A_1500 = arith.andi %shift_right_arithmetic3A_1497, %and3A_1499 : vector<16xi32>
      %shift_left3A_1501 = arith.constant 8 : i32
      %shift_left3A_1502 = vector.broadcast %shift_left3A_1501 : i32 to vector<16xi32>
      %shift_left3A_1503 = arith.shli %add3A_1471, %shift_left3A_1502 : vector<16xi32>
      %or3A_1504 = arith.ori %add3A_1470, %shift_left3A_1503 : vector<16xi32>
      %shift_left3A_1505 = arith.constant 16 : i32
      %shift_left3A_1506 = vector.broadcast %shift_left3A_1505 : i32 to vector<16xi32>
      %shift_left3A_1507 = arith.shli %add3A_1472, %shift_left3A_1506 : vector<16xi32>
      %or3A_1508 = arith.ori %or3A_1504, %shift_left3A_1507 : vector<16xi32>
      %shift_left3A_1509 = arith.constant 24 : i32
      %shift_left3A_1510 = vector.broadcast %shift_left3A_1509 : i32 to vector<16xi32>
      %shift_left3A_1511 = arith.shli %add3A_1473, %shift_left3A_1510 : vector<16xi32>
      %or3A_1512 = arith.ori %or3A_1508, %shift_left3A_1511 : vector<16xi32>
      %mul3A_1513 = arith.constant 16 : i32
      %mul3A_1514 = arith.muli %scan3A_792, %mul3A_1513 : i32
      %add3A_1515 = arith.constant 5824 : i32
      %add3A_1516 = arith.addi %add3A_1515, %mul3A_1514 : i32
      %swap3A_1517 = arith.index_cast %add3A_1516 : i32 to index
      %swap3A_1518 = tpu.vector_load %arg8[%swap3A_1517] {strides = array<i32>} : memref<6656xi32, #tpu.memory_space<vmem>>, vector<16xi32>,
      tpu.vector_store %arg8[%swap3A_1517], %or3A_1512 {strides = array<i32>} : memref<6656xi32, #tpu.memory_space<vmem>>, vector<16xi32>,
      %add3A_1519 = arith.addi %add3A_1470, %and3A_1482 : vector<16xi32>
      %add3A_1520 = arith.addi %add3A_1471, %and3A_1488 : vector<16xi32>
      %add3A_1521 = arith.addi %add3A_1472, %and3A_1494 : vector<16xi32>
      %add3A_1522 = arith.addi %add3A_1473, %and3A_1500 : vector<16xi32>
      %mul3A_1523 = arith.constant 16 : i32
      %mul3A_1524 = arith.muli %scan3A_792, %mul3A_1523 : i32
      %add3A_1525 = arith.constant 6240 : i32
      %add3A_1526 = arith.addi %add3A_1525, %mul3A_1524 : i32
      %get3A_1527 = arith.index_cast %add3A_1526 : i32 to index
      %get3A_1528 = tpu.vector_load %arg8[%get3A_1527] {strides = array<i32>} : memref<6656xi32, #tpu.memory_space<vmem>>, vector<16xi32>,
      %and3A_1529 = arith.constant 255 : i32
      %and3A_1530 = vector.broadcast %and3A_1529 : i32 to vector<16xi32>
      %and3A_1531 = arith.andi %get3A_1528, %and3A_1530 : vector<16xi32>
      %shift_right_arithmetic3A_1532 = arith.constant 8 : i32
      %shift_right_arithmetic3A_1533 = vector.broadcast %shift_right_arithmetic3A_1532 : i32 to vector<16xi32>
      %shift_right_arithmetic3A_1534 = arith.shrsi %get3A_1528, %shift_right_arithmetic3A_1533 : vector<16xi32>
      %and3A_1535 = arith.constant 255 : i32
      %and3A_1536 = vector.broadcast %and3A_1535 : i32 to vector<16xi32>
      %and3A_1537 = arith.andi %shift_right_arithmetic3A_1534, %and3A_1536 : vector<16xi32>
      %shift_right_arithmetic3A_1538 = arith.constant 16 : i32
      %shift_right_arithmetic3A_1539 = vector.broadcast %shift_right_arithmetic3A_1538 : i32 to vector<16xi32>
      %shift_right_arithmetic3A_1540 = arith.shrsi %get3A_1528, %shift_right_arithmetic3A_1539 : vector<16xi32>
      %and3A_1541 = arith.constant 255 : i32
      %and3A_1542 = vector.broadcast %and3A_1541 : i32 to vector<16xi32>
      %and3A_1543 = arith.andi %shift_right_arithmetic3A_1540, %and3A_1542 : vector<16xi32>
      %shift_right_arithmetic3A_1544 = arith.constant 24 : i32
      %shift_right_arithmetic3A_1545 = vector.broadcast %shift_right_arithmetic3A_1544 : i32 to vector<16xi32>
      %shift_right_arithmetic3A_1546 = arith.shrsi %get3A_1528, %shift_right_arithmetic3A_1545 : vector<16xi32>
      %and3A_1547 = arith.constant 255 : i32
      %and3A_1548 = vector.broadcast %and3A_1547 : i32 to vector<16xi32>
      %and3A_1549 = arith.andi %shift_right_arithmetic3A_1546, %and3A_1548 : vector<16xi32>
      %shift_left3A_1550 = arith.constant 8 : i32
      %shift_left3A_1551 = vector.broadcast %shift_left3A_1550 : i32 to vector<16xi32>
      %shift_left3A_1552 = arith.shli %add3A_1520, %shift_left3A_1551 : vector<16xi32>
      %or3A_1553 = arith.ori %add3A_1519, %shift_left3A_1552 : vector<16xi32>
      %shift_left3A_1554 = arith.constant 16 : i32
      %shift_left3A_1555 = vector.broadcast %shift_left3A_1554 : i32 to vector<16xi32>
      %shift_left3A_1556 = arith.shli %add3A_1521, %shift_left3A_1555 : vector<16xi32>
      %or3A_1557 = arith.ori %or3A_1553, %shift_left3A_1556 : vector<16xi32>
      %shift_left3A_1558 = arith.constant 24 : i32
      %shift_left3A_1559 = vector.broadcast %shift_left3A_1558 : i32 to vector<16xi32>
      %shift_left3A_1560 = arith.shli %add3A_1522, %shift_left3A_1559 : vector<16xi32>
      %or3A_1561 = arith.ori %or3A_1557, %shift_left3A_1560 : vector<16xi32>
      %mul3A_1562 = arith.constant 16 : i32
      %mul3A_1563 = arith.muli %scan3A_792, %mul3A_1562 : i32
      %add3A_1564 = arith.constant 6240 : i32
      %add3A_1565 = arith.addi %add3A_1564, %mul3A_1563 : i32
      %swap3A_1566 = arith.index_cast %add3A_1565 : i32 to index
      %swap3A_1567 = tpu.vector_load %arg8[%swap3A_1566] {strides = array<i32>} : memref<6656xi32, #tpu.memory_space<vmem>>, vector<16xi32>,
      tpu.vector_store %arg8[%swap3A_1566], %or3A_1561 {strides = array<i32>} : memref<6656xi32, #tpu.memory_space<vmem>>, vector<16xi32>,
      %add3A_1568 = arith.addi %add3A_1519, %and3A_1531 : vector<16xi32>
      %add3A_1569 = arith.addi %add3A_1520, %and3A_1537 : vector<16xi32>
      %add3A_1570 = arith.addi %add3A_1521, %and3A_1543 : vector<16xi32>
      %add3A_1571 = arith.addi %add3A_1522, %and3A_1549 : vector<16xi32>
      %mul3A_1572 = arith.constant 16 : i32
      %mul3A_1573 = arith.muli %scan3A_792, %mul3A_1572 : i32
      %add3A_1574 = vector.broadcast %mul3A_1573 : i32 to vector<16xi32>
      %add3A_1575 = arith.addi %add3A_1574, %iota3A : vector<16xi32>
      %mul3A_1576 = arith.constant 4 : i32
      %mul3A_1577 = vector.broadcast %mul3A_1576 : i32 to vector<16xi32>
      %mul3A_1578 = arith.muli %add3A_1575, %mul3A_1577 : vector<16xi32>
      tpu.vector_store_idx %arg13[%mul3A_1578], %add3A_1568 : memref<1664xi32, #tpu.memory_space<vmem>>[vector<16xi32>], vector<16xi32>,
      %add3A_1579 = arith.constant 1 : i32
      %add3A_1580 = vector.broadcast %add3A_1579 : i32 to vector<16xi32>
      %add3A_1581 = arith.addi %mul3A_1578, %add3A_1580 : vector<16xi32>
      tpu.vector_store_idx %arg13[%add3A_1581], %add3A_1569 : memref<1664xi32, #tpu.memory_space<vmem>>[vector<16xi32>], vector<16xi32>,
      %add3A_1582 = arith.constant 2 : i32
      %add3A_1583 = vector.broadcast %add3A_1582 : i32 to vector<16xi32>
      %add3A_1584 = arith.addi %mul3A_1578, %add3A_1583 : vector<16xi32>
      tpu.vector_store_idx %arg13[%add3A_1584], %add3A_1570 : memref<1664xi32, #tpu.memory_space<vmem>>[vector<16xi32>], vector<16xi32>,
      %add3A_1585 = arith.constant 3 : i32
      %add3A_1586 = vector.broadcast %add3A_1585 : i32 to vector<16xi32>
      %add3A_1587 = arith.addi %mul3A_1578, %add3A_1586 : vector<16xi32>
      tpu.vector_store_idx %arg13[%add3A_1587], %add3A_1571 : memref<1664xi32, #tpu.memory_space<vmem>>[vector<16xi32>], vector<16xi32>,
    }
    %scan3A_470 = arith.constant 26 : i32
    %add3A_471 = arith.constant 0 : i32
    %add3A_472 = arith.addi %add3A_471, %mul3A_240 : i32
    %dma_start3A_473 = arith.constant 0 : i32
    %dma_start3A_474 = tpu.memref_slice %arg8[%dma_start3A_473] : memref<6656xi32, #tpu.memory_space<vmem>> -> memref<416xi32, #tpu.memory_space<vmem>>
    %dma_start3A_475 = tpu.memref_slice %arg6[%add3A_472] : memref<106496xi32, #tpu.memory_space<hbm>> -> memref<416xi32, #tpu.memory_space<hbm>>
    %dma_start3A_476 = tpu.memref_slice %arg6[%add3A_472] : memref<106496xi32, #tpu.memory_space<hbm>> -> memref<416xi32, #tpu.memory_space<hbm>>
    %dma_start3A_477 = arith.constant 0 : i32
    %dma_start3A_478 = tpu.memref_slice %arg8[%dma_start3A_477] : memref<6656xi32, #tpu.memory_space<vmem>> -> memref<416xi32, #tpu.memory_space<vmem>>
    tpu.enqueue_dma source(%dma_start3A_478 : memref<416xi32, #tpu.memory_space<vmem>>) target(%dma_start3A_476 : memref<416xi32, #tpu.memory_space<hbm>>) target_semaphore(%arg23 : memref<!tpu.dma_semaphore, #tpu.memory_space<semaphore_mem>>)
    %add3A_479 = arith.constant 6656 : i32
    %add3A_480 = arith.addi %add3A_479, %mul3A_240 : i32
    %dma_start3A_481 = arith.constant 416 : i32
    %dma_start3A_482 = tpu.memref_slice %arg8[%dma_start3A_481] : memref<6656xi32, #tpu.memory_space<vmem>> -> memref<416xi32, #tpu.memory_space<vmem>>
    %dma_start3A_483 = tpu.memref_slice %arg6[%add3A_480] : memref<106496xi32, #tpu.memory_space<hbm>> -> memref<416xi32, #tpu.memory_space<hbm>>
    %dma_start3A_484 = tpu.memref_slice %arg6[%add3A_480] : memref<106496xi32, #tpu.memory_space<hbm>> -> memref<416xi32, #tpu.memory_space<hbm>>
    %dma_start3A_485 = arith.constant 416 : i32
    %dma_start3A_486 = tpu.memref_slice %arg8[%dma_start3A_485] : memref<6656xi32, #tpu.memory_space<vmem>> -> memref<416xi32, #tpu.memory_space<vmem>>
    tpu.enqueue_dma source(%dma_start3A_486 : memref<416xi32, #tpu.memory_space<vmem>>) target(%dma_start3A_484 : memref<416xi32, #tpu.memory_space<hbm>>) target_semaphore(%arg23 : memref<!tpu.dma_semaphore, #tpu.memory_space<semaphore_mem>>)
    %add3A_487 = arith.constant 13312 : i32
    %add3A_488 = arith.addi %add3A_487, %mul3A_240 : i32
    %dma_start3A_489 = arith.constant 832 : i32
    %dma_start3A_490 = tpu.memref_slice %arg8[%dma_start3A_489] : memref<6656xi32, #tpu.memory_space<vmem>> -> memref<416xi32, #tpu.memory_space<vmem>>
    %dma_start3A_491 = tpu.memref_slice %arg6[%add3A_488] : memref<106496xi32, #tpu.memory_space<hbm>> -> memref<416xi32, #tpu.memory_space<hbm>>
    %dma_start3A_492 = tpu.memref_slice %arg6[%add3A_488] : memref<106496xi32, #tpu.memory_space<hbm>> -> memref<416xi32, #tpu.memory_space<hbm>>
    %dma_start3A_493 = arith.constant 832 : i32
    %dma_start3A_494 = tpu.memref_slice %arg8[%dma_start3A_493] : memref<6656xi32, #tpu.memory_space<vmem>> -> memref<416xi32, #tpu.memory_space<vmem>>
    tpu.enqueue_dma source(%dma_start3A_494 : memref<416xi32, #tpu.memory_space<vmem>>) target(%dma_start3A_492 : memref<416xi32, #tpu.memory_space<hbm>>) target_semaphore(%arg23 : memref<!tpu.dma_semaphore, #tpu.memory_space<semaphore_mem>>)
    %add3A_495 = arith.constant 19968 : i32
    %add3A_496 = arith.addi %add3A_495, %mul3A_240 : i32
    %dma_start3A_497 = arith.constant 1248 : i32
    %dma_start3A_498 = tpu.memref_slice %arg8[%dma_start3A_497] : memref<6656xi32, #tpu.memory_space<vmem>> -> memref<416xi32, #tpu.memory_space<vmem>>
    %dma_start3A_499 = tpu.memref_slice %arg6[%add3A_496] : memref<106496xi32, #tpu.memory_space<hbm>> -> memref<416xi32, #tpu.memory_space<hbm>>
    %dma_start3A_500 = tpu.memref_slice %arg6[%add3A_496] : memref<106496xi32, #tpu.memory_space<hbm>> -> memref<416xi32, #tpu.memory_space<hbm>>
    %dma_start3A_501 = arith.constant 1248 : i32
    %dma_start3A_502 = tpu.memref_slice %arg8[%dma_start3A_501] : memref<6656xi32, #tpu.memory_space<vmem>> -> memref<416xi32, #tpu.memory_space<vmem>>
    tpu.enqueue_dma source(%dma_start3A_502 : memref<416xi32, #tpu.memory_space<vmem>>) target(%dma_start3A_500 : memref<416xi32, #tpu.memory_space<hbm>>) target_semaphore(%arg23 : memref<!tpu.dma_semaphore, #tpu.memory_space<semaphore_mem>>)
    %add3A_503 = arith.constant 26624 : i32
    %add3A_504 = arith.addi %add3A_503, %mul3A_240 : i32
    %dma_start3A_505 = arith.constant 1664 : i32
    %dma_start3A_506 = tpu.memref_slice %arg8[%dma_start3A_505] : memref<6656xi32, #tpu.memory_space<vmem>> -> memref<416xi32, #tpu.memory_space<vmem>>
    %dma_start3A_507 = tpu.memref_slice %arg6[%add3A_504] : memref<106496xi32, #tpu.memory_space<hbm>> -> memref<416xi32, #tpu.memory_space<hbm>>
    %dma_start3A_508 = tpu.memref_slice %arg6[%add3A_504] : memref<106496xi32, #tpu.memory_space<hbm>> -> memref<416xi32, #tpu.memory_space<hbm>>
    %dma_start3A_509 = arith.constant 1664 : i32
    %dma_start3A_510 = tpu.memref_slice %arg8[%dma_start3A_509] : memref<6656xi32, #tpu.memory_space<vmem>> -> memref<416xi32, #tpu.memory_space<vmem>>
    tpu.enqueue_dma source(%dma_start3A_510 : memref<416xi32, #tpu.memory_space<vmem>>) target(%dma_start3A_508 : memref<416xi32, #tpu.memory_space<hbm>>) target_semaphore(%arg23 : memref<!tpu.dma_semaphore, #tpu.memory_space<semaphore_mem>>)
    %add3A_511 = arith.constant 33280 : i32
    %add3A_512 = arith.addi %add3A_511, %mul3A_240 : i32
    %dma_start3A_513 = arith.constant 2080 : i32
    %dma_start3A_514 = tpu.memref_slice %arg8[%dma_start3A_513] : memref<6656xi32, #tpu.memory_space<vmem>> -> memref<416xi32, #tpu.memory_space<vmem>>
    %dma_start3A_515 = tpu.memref_slice %arg6[%add3A_512] : memref<106496xi32, #tpu.memory_space<hbm>> -> memref<416xi32, #tpu.memory_space<hbm>>
    %dma_start3A_516 = tpu.memref_slice %arg6[%add3A_512] : memref<106496xi32, #tpu.memory_space<hbm>> -> memref<416xi32, #tpu.memory_space<hbm>>
    %dma_start3A_517 = arith.constant 2080 : i32
    %dma_start3A_518 = tpu.memref_slice %arg8[%dma_start3A_517] : memref<6656xi32, #tpu.memory_space<vmem>> -> memref<416xi32, #tpu.memory_space<vmem>>
    tpu.enqueue_dma source(%dma_start3A_518 : memref<416xi32, #tpu.memory_space<vmem>>) target(%dma_start3A_516 : memref<416xi32, #tpu.memory_space<hbm>>) target_semaphore(%arg23 : memref<!tpu.dma_semaphore, #tpu.memory_space<semaphore_mem>>)
    %add3A_519 = arith.constant 39936 : i32
    %add3A_520 = arith.addi %add3A_519, %mul3A_240 : i32
    %dma_start3A_521 = arith.constant 2496 : i32
    %dma_start3A_522 = tpu.memref_slice %arg8[%dma_start3A_521] : memref<6656xi32, #tpu.memory_space<vmem>> -> memref<416xi32, #tpu.memory_space<vmem>>
    %dma_start3A_523 = tpu.memref_slice %arg6[%add3A_520] : memref<106496xi32, #tpu.memory_space<hbm>> -> memref<416xi32, #tpu.memory_space<hbm>>
    %dma_start3A_524 = tpu.memref_slice %arg6[%add3A_520] : memref<106496xi32, #tpu.memory_space<hbm>> -> memref<416xi32, #tpu.memory_space<hbm>>
    %dma_start3A_525 = arith.constant 2496 : i32
    %dma_start3A_526 = tpu.memref_slice %arg8[%dma_start3A_525] : memref<6656xi32, #tpu.memory_space<vmem>> -> memref<416xi32, #tpu.memory_space<vmem>>
    tpu.enqueue_dma source(%dma_start3A_526 : memref<416xi32, #tpu.memory_space<vmem>>) target(%dma_start3A_524 : memref<416xi32, #tpu.memory_space<hbm>>) target_semaphore(%arg23 : memref<!tpu.dma_semaphore, #tpu.memory_space<semaphore_mem>>)
    %add3A_527 = arith.constant 46592 : i32
    %add3A_528 = arith.addi %add3A_527, %mul3A_240 : i32
    %dma_start3A_529 = arith.constant 2912 : i32
    %dma_start3A_530 = tpu.memref_slice %arg8[%dma_start3A_529] : memref<6656xi32, #tpu.memory_space<vmem>> -> memref<416xi32, #tpu.memory_space<vmem>>
    %dma_start3A_531 = tpu.memref_slice %arg6[%add3A_528] : memref<106496xi32, #tpu.memory_space<hbm>> -> memref<416xi32, #tpu.memory_space<hbm>>
    %dma_start3A_532 = tpu.memref_slice %arg6[%add3A_528] : memref<106496xi32, #tpu.memory_space<hbm>> -> memref<416xi32, #tpu.memory_space<hbm>>
    %dma_start3A_533 = arith.constant 2912 : i32
    %dma_start3A_534 = tpu.memref_slice %arg8[%dma_start3A_533] : memref<6656xi32, #tpu.memory_space<vmem>> -> memref<416xi32, #tpu.memory_space<vmem>>
    tpu.enqueue_dma source(%dma_start3A_534 : memref<416xi32, #tpu.memory_space<vmem>>) target(%dma_start3A_532 : memref<416xi32, #tpu.memory_space<hbm>>) target_semaphore(%arg23 : memref<!tpu.dma_semaphore, #tpu.memory_space<semaphore_mem>>)
    %add3A_535 = arith.constant 53248 : i32
    %add3A_536 = arith.addi %add3A_535, %mul3A_240 : i32
    %dma_start3A_537 = arith.constant 3328 : i32
    %dma_start3A_538 = tpu.memref_slice %arg8[%dma_start3A_537] : memref<6656xi32, #tpu.memory_space<vmem>> -> memref<416xi32, #tpu.memory_space<vmem>>
    %dma_start3A_539 = tpu.memref_slice %arg6[%add3A_536] : memref<106496xi32, #tpu.memory_space<hbm>> -> memref<416xi32, #tpu.memory_space<hbm>>
    %dma_start3A_540 = tpu.memref_slice %arg6[%add3A_536] : memref<106496xi32, #tpu.memory_space<hbm>> -> memref<416xi32, #tpu.memory_space<hbm>>
    %dma_start3A_541 = arith.constant 3328 : i32
    %dma_start3A_542 = tpu.memref_slice %arg8[%dma_start3A_541] : memref<6656xi32, #tpu.memory_space<vmem>> -> memref<416xi32, #tpu.memory_space<vmem>>
    tpu.enqueue_dma source(%dma_start3A_542 : memref<416xi32, #tpu.memory_space<vmem>>) target(%dma_start3A_540 : memref<416xi32, #tpu.memory_space<hbm>>) target_semaphore(%arg23 : memref<!tpu.dma_semaphore, #tpu.memory_space<semaphore_mem>>)
    %add3A_543 = arith.constant 59904 : i32
    %add3A_544 = arith.addi %add3A_543, %mul3A_240 : i32
    %dma_start3A_545 = arith.constant 3744 : i32
    %dma_start3A_546 = tpu.memref_slice %arg8[%dma_start3A_545] : memref<6656xi32, #tpu.memory_space<vmem>> -> memref<416xi32, #tpu.memory_space<vmem>>
    %dma_start3A_547 = tpu.memref_slice %arg6[%add3A_544] : memref<106496xi32, #tpu.memory_space<hbm>> -> memref<416xi32, #tpu.memory_space<hbm>>
    %dma_start3A_548 = tpu.memref_slice %arg6[%add3A_544] : memref<106496xi32, #tpu.memory_space<hbm>> -> memref<416xi32, #tpu.memory_space<hbm>>
    %dma_start3A_549 = arith.constant 3744 : i32
    %dma_start3A_550 = tpu.memref_slice %arg8[%dma_start3A_549] : memref<6656xi32, #tpu.memory_space<vmem>> -> memref<416xi32, #tpu.memory_space<vmem>>
    tpu.enqueue_dma source(%dma_start3A_550 : memref<416xi32, #tpu.memory_space<vmem>>) target(%dma_start3A_548 : memref<416xi32, #tpu.memory_space<hbm>>) target_semaphore(%arg23 : memref<!tpu.dma_semaphore, #tpu.memory_space<semaphore_mem>>)
    %add3A_551 = arith.constant 66560 : i32
    %add3A_552 = arith.addi %add3A_551, %mul3A_240 : i32
    %dma_start3A_553 = arith.constant 4160 : i32
    %dma_start3A_554 = tpu.memref_slice %arg8[%dma_start3A_553] : memref<6656xi32, #tpu.memory_space<vmem>> -> memref<416xi32, #tpu.memory_space<vmem>>
    %dma_start3A_555 = tpu.memref_slice %arg6[%add3A_552] : memref<106496xi32, #tpu.memory_space<hbm>> -> memref<416xi32, #tpu.memory_space<hbm>>
    %dma_start3A_556 = tpu.memref_slice %arg6[%add3A_552] : memref<106496xi32, #tpu.memory_space<hbm>> -> memref<416xi32, #tpu.memory_space<hbm>>
    %dma_start3A_557 = arith.constant 4160 : i32
    %dma_start3A_558 = tpu.memref_slice %arg8[%dma_start3A_557] : memref<6656xi32, #tpu.memory_space<vmem>> -> memref<416xi32, #tpu.memory_space<vmem>>
    tpu.enqueue_dma source(%dma_start3A_558 : memref<416xi32, #tpu.memory_space<vmem>>) target(%dma_start3A_556 : memref<416xi32, #tpu.memory_space<hbm>>) target_semaphore(%arg23 : memref<!tpu.dma_semaphore, #tpu.memory_space<semaphore_mem>>)
    %add3A_559 = arith.constant 73216 : i32
    %add3A_560 = arith.addi %add3A_559, %mul3A_240 : i32
    %dma_start3A_561 = arith.constant 4576 : i32
    %dma_start3A_562 = tpu.memref_slice %arg8[%dma_start3A_561] : memref<6656xi32, #tpu.memory_space<vmem>> -> memref<416xi32, #tpu.memory_space<vmem>>
    %dma_start3A_563 = tpu.memref_slice %arg6[%add3A_560] : memref<106496xi32, #tpu.memory_space<hbm>> -> memref<416xi32, #tpu.memory_space<hbm>>
    %dma_start3A_564 = tpu.memref_slice %arg6[%add3A_560] : memref<106496xi32, #tpu.memory_space<hbm>> -> memref<416xi32, #tpu.memory_space<hbm>>
    %dma_start3A_565 = arith.constant 4576 : i32
    %dma_start3A_566 = tpu.memref_slice %arg8[%dma_start3A_565] : memref<6656xi32, #tpu.memory_space<vmem>> -> memref<416xi32, #tpu.memory_space<vmem>>
    tpu.enqueue_dma source(%dma_start3A_566 : memref<416xi32, #tpu.memory_space<vmem>>) target(%dma_start3A_564 : memref<416xi32, #tpu.memory_space<hbm>>) target_semaphore(%arg23 : memref<!tpu.dma_semaphore, #tpu.memory_space<semaphore_mem>>)
    %add3A_567 = arith.constant 79872 : i32
    %add3A_568 = arith.addi %add3A_567, %mul3A_240 : i32
    %dma_start3A_569 = arith.constant 4992 : i32
    %dma_start3A_570 = tpu.memref_slice %arg8[%dma_start3A_569] : memref<6656xi32, #tpu.memory_space<vmem>> -> memref<416xi32, #tpu.memory_space<vmem>>
    %dma_start3A_571 = tpu.memref_slice %arg6[%add3A_568] : memref<106496xi32, #tpu.memory_space<hbm>> -> memref<416xi32, #tpu.memory_space<hbm>>
    %dma_start3A_572 = tpu.memref_slice %arg6[%add3A_568] : memref<106496xi32, #tpu.memory_space<hbm>> -> memref<416xi32, #tpu.memory_space<hbm>>
    %dma_start3A_573 = arith.constant 4992 : i32
    %dma_start3A_574 = tpu.memref_slice %arg8[%dma_start3A_573] : memref<6656xi32, #tpu.memory_space<vmem>> -> memref<416xi32, #tpu.memory_space<vmem>>
    tpu.enqueue_dma source(%dma_start3A_574 : memref<416xi32, #tpu.memory_space<vmem>>) target(%dma_start3A_572 : memref<416xi32, #tpu.memory_space<hbm>>) target_semaphore(%arg23 : memref<!tpu.dma_semaphore, #tpu.memory_space<semaphore_mem>>)
    %add3A_575 = arith.constant 86528 : i32
    %add3A_576 = arith.addi %add3A_575, %mul3A_240 : i32
    %dma_start3A_577 = arith.constant 5408 : i32
    %dma_start3A_578 = tpu.memref_slice %arg8[%dma_start3A_577] : memref<6656xi32, #tpu.memory_space<vmem>> -> memref<416xi32, #tpu.memory_space<vmem>>
    %dma_start3A_579 = tpu.memref_slice %arg6[%add3A_576] : memref<106496xi32, #tpu.memory_space<hbm>> -> memref<416xi32, #tpu.memory_space<hbm>>
    %dma_start3A_580 = tpu.memref_slice %arg6[%add3A_576] : memref<106496xi32, #tpu.memory_space<hbm>> -> memref<416xi32, #tpu.memory_space<hbm>>
    %dma_start3A_581 = arith.constant 5408 : i32
    %dma_start3A_582 = tpu.memref_slice %arg8[%dma_start3A_581] : memref<6656xi32, #tpu.memory_space<vmem>> -> memref<416xi32, #tpu.memory_space<vmem>>
    tpu.enqueue_dma source(%dma_start3A_582 : memref<416xi32, #tpu.memory_space<vmem>>) target(%dma_start3A_580 : memref<416xi32, #tpu.memory_space<hbm>>) target_semaphore(%arg23 : memref<!tpu.dma_semaphore, #tpu.memory_space<semaphore_mem>>)
    %add3A_583 = arith.constant 93184 : i32
    %add3A_584 = arith.addi %add3A_583, %mul3A_240 : i32
    %dma_start3A_585 = arith.constant 5824 : i32
    %dma_start3A_586 = tpu.memref_slice %arg8[%dma_start3A_585] : memref<6656xi32, #tpu.memory_space<vmem>> -> memref<416xi32, #tpu.memory_space<vmem>>
    %dma_start3A_587 = tpu.memref_slice %arg6[%add3A_584] : memref<106496xi32, #tpu.memory_space<hbm>> -> memref<416xi32, #tpu.memory_space<hbm>>
    %dma_start3A_588 = tpu.memref_slice %arg6[%add3A_584] : memref<106496xi32, #tpu.memory_space<hbm>> -> memref<416xi32, #tpu.memory_space<hbm>>
    %dma_start3A_589 = arith.constant 5824 : i32
    %dma_start3A_590 = tpu.memref_slice %arg8[%dma_start3A_589] : memref<6656xi32, #tpu.memory_space<vmem>> -> memref<416xi32, #tpu.memory_space<vmem>>
    tpu.enqueue_dma source(%dma_start3A_590 : memref<416xi32, #tpu.memory_space<vmem>>) target(%dma_start3A_588 : memref<416xi32, #tpu.memory_space<hbm>>) target_semaphore(%arg23 : memref<!tpu.dma_semaphore, #tpu.memory_space<semaphore_mem>>)
    %add3A_591 = arith.constant 99840 : i32
    %add3A_592 = arith.addi %add3A_591, %mul3A_240 : i32
    %dma_start3A_593 = arith.constant 6240 : i32
    %dma_start3A_594 = tpu.memref_slice %arg8[%dma_start3A_593] : memref<6656xi32, #tpu.memory_space<vmem>> -> memref<416xi32, #tpu.memory_space<vmem>>
    %dma_start3A_595 = tpu.memref_slice %arg6[%add3A_592] : memref<106496xi32, #tpu.memory_space<hbm>> -> memref<416xi32, #tpu.memory_space<hbm>>
    %dma_start3A_596 = tpu.memref_slice %arg6[%add3A_592] : memref<106496xi32, #tpu.memory_space<hbm>> -> memref<416xi32, #tpu.memory_space<hbm>>
    %dma_start3A_597 = arith.constant 6240 : i32
    %dma_start3A_598 = tpu.memref_slice %arg8[%dma_start3A_597] : memref<6656xi32, #tpu.memory_space<vmem>> -> memref<416xi32, #tpu.memory_space<vmem>>
    tpu.enqueue_dma source(%dma_start3A_598 : memref<416xi32, #tpu.memory_space<vmem>>) target(%dma_start3A_596 : memref<416xi32, #tpu.memory_space<hbm>>) target_semaphore(%arg23 : memref<!tpu.dma_semaphore, #tpu.memory_space<semaphore_mem>>)
    %dma_wait3A_599 = arith.constant 0 : i32
    %dma_wait3A_600 = tpu.memref_slice %arg8[%dma_wait3A_599] : memref<6656xi32, #tpu.memory_space<vmem>> -> memref<416xi32, #tpu.memory_space<vmem>>
    %dma_wait3A_601 = tpu.memref_slice %arg6[%add3A_472] : memref<106496xi32, #tpu.memory_space<hbm>> -> memref<416xi32, #tpu.memory_space<hbm>>
    %dma_wait3A_602 = tpu.memref_slice %arg6[%add3A_472] : memref<106496xi32, #tpu.memory_space<hbm>> -> memref<416xi32, #tpu.memory_space<hbm>>
    %dma_wait3A_603 = arith.constant 0 : i32
    %dma_wait3A_604 = tpu.memref_slice %arg8[%dma_wait3A_603] : memref<6656xi32, #tpu.memory_space<vmem>> -> memref<416xi32, #tpu.memory_space<vmem>>
    tpu.wait_dma2 semaphore(%arg23 : memref<!tpu.dma_semaphore, #tpu.memory_space<semaphore_mem>>) src(%dma_wait3A_604 : memref<416xi32, #tpu.memory_space<vmem>>) dst(%dma_wait3A_602 : memref<416xi32, #tpu.memory_space<hbm>>)
    %dma_wait3A_605 = arith.constant 416 : i32
    %dma_wait3A_606 = tpu.memref_slice %arg8[%dma_wait3A_605] : memref<6656xi32, #tpu.memory_space<vmem>> -> memref<416xi32, #tpu.memory_space<vmem>>
    %dma_wait3A_607 = tpu.memref_slice %arg6[%add3A_480] : memref<106496xi32, #tpu.memory_space<hbm>> -> memref<416xi32, #tpu.memory_space<hbm>>
    %dma_wait3A_608 = tpu.memref_slice %arg6[%add3A_480] : memref<106496xi32, #tpu.memory_space<hbm>> -> memref<416xi32, #tpu.memory_space<hbm>>
    %dma_wait3A_609 = arith.constant 416 : i32
    %dma_wait3A_610 = tpu.memref_slice %arg8[%dma_wait3A_609] : memref<6656xi32, #tpu.memory_space<vmem>> -> memref<416xi32, #tpu.memory_space<vmem>>
    tpu.wait_dma2 semaphore(%arg23 : memref<!tpu.dma_semaphore, #tpu.memory_space<semaphore_mem>>) src(%dma_wait3A_610 : memref<416xi32, #tpu.memory_space<vmem>>) dst(%dma_wait3A_608 : memref<416xi32, #tpu.memory_space<hbm>>)
    %dma_wait3A_611 = arith.constant 832 : i32
    %dma_wait3A_612 = tpu.memref_slice %arg8[%dma_wait3A_611] : memref<6656xi32, #tpu.memory_space<vmem>> -> memref<416xi32, #tpu.memory_space<vmem>>
    %dma_wait3A_613 = tpu.memref_slice %arg6[%add3A_488] : memref<106496xi32, #tpu.memory_space<hbm>> -> memref<416xi32, #tpu.memory_space<hbm>>
    %dma_wait3A_614 = tpu.memref_slice %arg6[%add3A_488] : memref<106496xi32, #tpu.memory_space<hbm>> -> memref<416xi32, #tpu.memory_space<hbm>>
    %dma_wait3A_615 = arith.constant 832 : i32
    %dma_wait3A_616 = tpu.memref_slice %arg8[%dma_wait3A_615] : memref<6656xi32, #tpu.memory_space<vmem>> -> memref<416xi32, #tpu.memory_space<vmem>>
    tpu.wait_dma2 semaphore(%arg23 : memref<!tpu.dma_semaphore, #tpu.memory_space<semaphore_mem>>) src(%dma_wait3A_616 : memref<416xi32, #tpu.memory_space<vmem>>) dst(%dma_wait3A_614 : memref<416xi32, #tpu.memory_space<hbm>>)
    %dma_wait3A_617 = arith.constant 1248 : i32
    %dma_wait3A_618 = tpu.memref_slice %arg8[%dma_wait3A_617] : memref<6656xi32, #tpu.memory_space<vmem>> -> memref<416xi32, #tpu.memory_space<vmem>>
    %dma_wait3A_619 = tpu.memref_slice %arg6[%add3A_496] : memref<106496xi32, #tpu.memory_space<hbm>> -> memref<416xi32, #tpu.memory_space<hbm>>
    %dma_wait3A_620 = tpu.memref_slice %arg6[%add3A_496] : memref<106496xi32, #tpu.memory_space<hbm>> -> memref<416xi32, #tpu.memory_space<hbm>>
    %dma_wait3A_621 = arith.constant 1248 : i32
    %dma_wait3A_622 = tpu.memref_slice %arg8[%dma_wait3A_621] : memref<6656xi32, #tpu.memory_space<vmem>> -> memref<416xi32, #tpu.memory_space<vmem>>
    tpu.wait_dma2 semaphore(%arg23 : memref<!tpu.dma_semaphore, #tpu.memory_space<semaphore_mem>>) src(%dma_wait3A_622 : memref<416xi32, #tpu.memory_space<vmem>>) dst(%dma_wait3A_620 : memref<416xi32, #tpu.memory_space<hbm>>)
    %dma_wait3A_623 = arith.constant 1664 : i32
    %dma_wait3A_624 = tpu.memref_slice %arg8[%dma_wait3A_623] : memref<6656xi32, #tpu.memory_space<vmem>> -> memref<416xi32, #tpu.memory_space<vmem>>
    %dma_wait3A_625 = tpu.memref_slice %arg6[%add3A_504] : memref<106496xi32, #tpu.memory_space<hbm>> -> memref<416xi32, #tpu.memory_space<hbm>>
    %dma_wait3A_626 = tpu.memref_slice %arg6[%add3A_504] : memref<106496xi32, #tpu.memory_space<hbm>> -> memref<416xi32, #tpu.memory_space<hbm>>
    %dma_wait3A_627 = arith.constant 1664 : i32
    %dma_wait3A_628 = tpu.memref_slice %arg8[%dma_wait3A_627] : memref<6656xi32, #tpu.memory_space<vmem>> -> memref<416xi32, #tpu.memory_space<vmem>>
    tpu.wait_dma2 semaphore(%arg23 : memref<!tpu.dma_semaphore, #tpu.memory_space<semaphore_mem>>) src(%dma_wait3A_628 : memref<416xi32, #tpu.memory_space<vmem>>) dst(%dma_wait3A_626 : memref<416xi32, #tpu.memory_space<hbm>>)
    %dma_wait3A_629 = arith.constant 2080 : i32
    %dma_wait3A_630 = tpu.memref_slice %arg8[%dma_wait3A_629] : memref<6656xi32, #tpu.memory_space<vmem>> -> memref<416xi32, #tpu.memory_space<vmem>>
    %dma_wait3A_631 = tpu.memref_slice %arg6[%add3A_512] : memref<106496xi32, #tpu.memory_space<hbm>> -> memref<416xi32, #tpu.memory_space<hbm>>
    %dma_wait3A_632 = tpu.memref_slice %arg6[%add3A_512] : memref<106496xi32, #tpu.memory_space<hbm>> -> memref<416xi32, #tpu.memory_space<hbm>>
    %dma_wait3A_633 = arith.constant 2080 : i32
    %dma_wait3A_634 = tpu.memref_slice %arg8[%dma_wait3A_633] : memref<6656xi32, #tpu.memory_space<vmem>> -> memref<416xi32, #tpu.memory_space<vmem>>
    tpu.wait_dma2 semaphore(%arg23 : memref<!tpu.dma_semaphore, #tpu.memory_space<semaphore_mem>>) src(%dma_wait3A_634 : memref<416xi32, #tpu.memory_space<vmem>>) dst(%dma_wait3A_632 : memref<416xi32, #tpu.memory_space<hbm>>)
    %dma_wait3A_635 = arith.constant 2496 : i32
    %dma_wait3A_636 = tpu.memref_slice %arg8[%dma_wait3A_635] : memref<6656xi32, #tpu.memory_space<vmem>> -> memref<416xi32, #tpu.memory_space<vmem>>
    %dma_wait3A_637 = tpu.memref_slice %arg6[%add3A_520] : memref<106496xi32, #tpu.memory_space<hbm>> -> memref<416xi32, #tpu.memory_space<hbm>>
    %dma_wait3A_638 = tpu.memref_slice %arg6[%add3A_520] : memref<106496xi32, #tpu.memory_space<hbm>> -> memref<416xi32, #tpu.memory_space<hbm>>
    %dma_wait3A_639 = arith.constant 2496 : i32
    %dma_wait3A_640 = tpu.memref_slice %arg8[%dma_wait3A_639] : memref<6656xi32, #tpu.memory_space<vmem>> -> memref<416xi32, #tpu.memory_space<vmem>>
    tpu.wait_dma2 semaphore(%arg23 : memref<!tpu.dma_semaphore, #tpu.memory_space<semaphore_mem>>) src(%dma_wait3A_640 : memref<416xi32, #tpu.memory_space<vmem>>) dst(%dma_wait3A_638 : memref<416xi32, #tpu.memory_space<hbm>>)
    %dma_wait3A_641 = arith.constant 2912 : i32
    %dma_wait3A_642 = tpu.memref_slice %arg8[%dma_wait3A_641] : memref<6656xi32, #tpu.memory_space<vmem>> -> memref<416xi32, #tpu.memory_space<vmem>>
    %dma_wait3A_643 = tpu.memref_slice %arg6[%add3A_528] : memref<106496xi32, #tpu.memory_space<hbm>> -> memref<416xi32, #tpu.memory_space<hbm>>
    %dma_wait3A_644 = tpu.memref_slice %arg6[%add3A_528] : memref<106496xi32, #tpu.memory_space<hbm>> -> memref<416xi32, #tpu.memory_space<hbm>>
    %dma_wait3A_645 = arith.constant 2912 : i32
    %dma_wait3A_646 = tpu.memref_slice %arg8[%dma_wait3A_645] : memref<6656xi32, #tpu.memory_space<vmem>> -> memref<416xi32, #tpu.memory_space<vmem>>
    tpu.wait_dma2 semaphore(%arg23 : memref<!tpu.dma_semaphore, #tpu.memory_space<semaphore_mem>>) src(%dma_wait3A_646 : memref<416xi32, #tpu.memory_space<vmem>>) dst(%dma_wait3A_644 : memref<416xi32, #tpu.memory_space<hbm>>)
    %dma_wait3A_647 = arith.constant 3328 : i32
    %dma_wait3A_648 = tpu.memref_slice %arg8[%dma_wait3A_647] : memref<6656xi32, #tpu.memory_space<vmem>> -> memref<416xi32, #tpu.memory_space<vmem>>
    %dma_wait3A_649 = tpu.memref_slice %arg6[%add3A_536] : memref<106496xi32, #tpu.memory_space<hbm>> -> memref<416xi32, #tpu.memory_space<hbm>>
    %dma_wait3A_650 = tpu.memref_slice %arg6[%add3A_536] : memref<106496xi32, #tpu.memory_space<hbm>> -> memref<416xi32, #tpu.memory_space<hbm>>
    %dma_wait3A_651 = arith.constant 3328 : i32
    %dma_wait3A_652 = tpu.memref_slice %arg8[%dma_wait3A_651] : memref<6656xi32, #tpu.memory_space<vmem>> -> memref<416xi32, #tpu.memory_space<vmem>>
    tpu.wait_dma2 semaphore(%arg23 : memref<!tpu.dma_semaphore, #tpu.memory_space<semaphore_mem>>) src(%dma_wait3A_652 : memref<416xi32, #tpu.memory_space<vmem>>) dst(%dma_wait3A_650 : memref<416xi32, #tpu.memory_space<hbm>>)
    %dma_wait3A_653 = arith.constant 3744 : i32
    %dma_wait3A_654 = tpu.memref_slice %arg8[%dma_wait3A_653] : memref<6656xi32, #tpu.memory_space<vmem>> -> memref<416xi32, #tpu.memory_space<vmem>>
    %dma_wait3A_655 = tpu.memref_slice %arg6[%add3A_544] : memref<106496xi32, #tpu.memory_space<hbm>> -> memref<416xi32, #tpu.memory_space<hbm>>
    %dma_wait3A_656 = tpu.memref_slice %arg6[%add3A_544] : memref<106496xi32, #tpu.memory_space<hbm>> -> memref<416xi32, #tpu.memory_space<hbm>>
    %dma_wait3A_657 = arith.constant 3744 : i32
    %dma_wait3A_658 = tpu.memref_slice %arg8[%dma_wait3A_657] : memref<6656xi32, #tpu.memory_space<vmem>> -> memref<416xi32, #tpu.memory_space<vmem>>
    tpu.wait_dma2 semaphore(%arg23 : memref<!tpu.dma_semaphore, #tpu.memory_space<semaphore_mem>>) src(%dma_wait3A_658 : memref<416xi32, #tpu.memory_space<vmem>>) dst(%dma_wait3A_656 : memref<416xi32, #tpu.memory_space<hbm>>)
    %dma_wait3A_659 = arith.constant 4160 : i32
    %dma_wait3A_660 = tpu.memref_slice %arg8[%dma_wait3A_659] : memref<6656xi32, #tpu.memory_space<vmem>> -> memref<416xi32, #tpu.memory_space<vmem>>
    %dma_wait3A_661 = tpu.memref_slice %arg6[%add3A_552] : memref<106496xi32, #tpu.memory_space<hbm>> -> memref<416xi32, #tpu.memory_space<hbm>>
    %dma_wait3A_662 = tpu.memref_slice %arg6[%add3A_552] : memref<106496xi32, #tpu.memory_space<hbm>> -> memref<416xi32, #tpu.memory_space<hbm>>
    %dma_wait3A_663 = arith.constant 4160 : i32
    %dma_wait3A_664 = tpu.memref_slice %arg8[%dma_wait3A_663] : memref<6656xi32, #tpu.memory_space<vmem>> -> memref<416xi32, #tpu.memory_space<vmem>>
    tpu.wait_dma2 semaphore(%arg23 : memref<!tpu.dma_semaphore, #tpu.memory_space<semaphore_mem>>) src(%dma_wait3A_664 : memref<416xi32, #tpu.memory_space<vmem>>) dst(%dma_wait3A_662 : memref<416xi32, #tpu.memory_space<hbm>>)
    %dma_wait3A_665 = arith.constant 4576 : i32
    %dma_wait3A_666 = tpu.memref_slice %arg8[%dma_wait3A_665] : memref<6656xi32, #tpu.memory_space<vmem>> -> memref<416xi32, #tpu.memory_space<vmem>>
    %dma_wait3A_667 = tpu.memref_slice %arg6[%add3A_560] : memref<106496xi32, #tpu.memory_space<hbm>> -> memref<416xi32, #tpu.memory_space<hbm>>
    %dma_wait3A_668 = tpu.memref_slice %arg6[%add3A_560] : memref<106496xi32, #tpu.memory_space<hbm>> -> memref<416xi32, #tpu.memory_space<hbm>>
    %dma_wait3A_669 = arith.constant 4576 : i32
    %dma_wait3A_670 = tpu.memref_slice %arg8[%dma_wait3A_669] : memref<6656xi32, #tpu.memory_space<vmem>> -> memref<416xi32, #tpu.memory_space<vmem>>
    tpu.wait_dma2 semaphore(%arg23 : memref<!tpu.dma_semaphore, #tpu.memory_space<semaphore_mem>>) src(%dma_wait3A_670 : memref<416xi32, #tpu.memory_space<vmem>>) dst(%dma_wait3A_668 : memref<416xi32, #tpu.memory_space<hbm>>)
    %dma_wait3A_671 = arith.constant 4992 : i32
    %dma_wait3A_672 = tpu.memref_slice %arg8[%dma_wait3A_671] : memref<6656xi32, #tpu.memory_space<vmem>> -> memref<416xi32, #tpu.memory_space<vmem>>
    %dma_wait3A_673 = tpu.memref_slice %arg6[%add3A_568] : memref<106496xi32, #tpu.memory_space<hbm>> -> memref<416xi32, #tpu.memory_space<hbm>>
    %dma_wait3A_674 = tpu.memref_slice %arg6[%add3A_568] : memref<106496xi32, #tpu.memory_space<hbm>> -> memref<416xi32, #tpu.memory_space<hbm>>
    %dma_wait3A_675 = arith.constant 4992 : i32
    %dma_wait3A_676 = tpu.memref_slice %arg8[%dma_wait3A_675] : memref<6656xi32, #tpu.memory_space<vmem>> -> memref<416xi32, #tpu.memory_space<vmem>>
    tpu.wait_dma2 semaphore(%arg23 : memref<!tpu.dma_semaphore, #tpu.memory_space<semaphore_mem>>) src(%dma_wait3A_676 : memref<416xi32, #tpu.memory_space<vmem>>) dst(%dma_wait3A_674 : memref<416xi32, #tpu.memory_space<hbm>>)
    %dma_wait3A_677 = arith.constant 5408 : i32
    %dma_wait3A_678 = tpu.memref_slice %arg8[%dma_wait3A_677] : memref<6656xi32, #tpu.memory_space<vmem>> -> memref<416xi32, #tpu.memory_space<vmem>>
    %dma_wait3A_679 = tpu.memref_slice %arg6[%add3A_576] : memref<106496xi32, #tpu.memory_space<hbm>> -> memref<416xi32, #tpu.memory_space<hbm>>
    %dma_wait3A_680 = tpu.memref_slice %arg6[%add3A_576] : memref<106496xi32, #tpu.memory_space<hbm>> -> memref<416xi32, #tpu.memory_space<hbm>>
    %dma_wait3A_681 = arith.constant 5408 : i32
    %dma_wait3A_682 = tpu.memref_slice %arg8[%dma_wait3A_681] : memref<6656xi32, #tpu.memory_space<vmem>> -> memref<416xi32, #tpu.memory_space<vmem>>
    tpu.wait_dma2 semaphore(%arg23 : memref<!tpu.dma_semaphore, #tpu.memory_space<semaphore_mem>>) src(%dma_wait3A_682 : memref<416xi32, #tpu.memory_space<vmem>>) dst(%dma_wait3A_680 : memref<416xi32, #tpu.memory_space<hbm>>)
    %dma_wait3A_683 = arith.constant 5824 : i32
    %dma_wait3A_684 = tpu.memref_slice %arg8[%dma_wait3A_683] : memref<6656xi32, #tpu.memory_space<vmem>> -> memref<416xi32, #tpu.memory_space<vmem>>
    %dma_wait3A_685 = tpu.memref_slice %arg6[%add3A_584] : memref<106496xi32, #tpu.memory_space<hbm>> -> memref<416xi32, #tpu.memory_space<hbm>>
    %dma_wait3A_686 = tpu.memref_slice %arg6[%add3A_584] : memref<106496xi32, #tpu.memory_space<hbm>> -> memref<416xi32, #tpu.memory_space<hbm>>
    %dma_wait3A_687 = arith.constant 5824 : i32
    %dma_wait3A_688 = tpu.memref_slice %arg8[%dma_wait3A_687] : memref<6656xi32, #tpu.memory_space<vmem>> -> memref<416xi32, #tpu.memory_space<vmem>>
    tpu.wait_dma2 semaphore(%arg23 : memref<!tpu.dma_semaphore, #tpu.memory_space<semaphore_mem>>) src(%dma_wait3A_688 : memref<416xi32, #tpu.memory_space<vmem>>) dst(%dma_wait3A_686 : memref<416xi32, #tpu.memory_space<hbm>>)
    %dma_wait3A_689 = arith.constant 6240 : i32
    %dma_wait3A_690 = tpu.memref_slice %arg8[%dma_wait3A_689] : memref<6656xi32, #tpu.memory_space<vmem>> -> memref<416xi32, #tpu.memory_space<vmem>>
    %dma_wait3A_691 = tpu.memref_slice %arg6[%add3A_592] : memref<106496xi32, #tpu.memory_space<hbm>> -> memref<416xi32, #tpu.memory_space<hbm>>
    %dma_wait3A_692 = tpu.memref_slice %arg6[%add3A_592] : memref<106496xi32, #tpu.memory_space<hbm>> -> memref<416xi32, #tpu.memory_space<hbm>>
    %dma_wait3A_693 = arith.constant 6240 : i32
    %dma_wait3A_694 = tpu.memref_slice %arg8[%dma_wait3A_693] : memref<6656xi32, #tpu.memory_space<vmem>> -> memref<416xi32, #tpu.memory_space<vmem>>
    tpu.wait_dma2 semaphore(%arg23 : memref<!tpu.dma_semaphore, #tpu.memory_space<semaphore_mem>>) src(%dma_wait3A_694 : memref<416xi32, #tpu.memory_space<vmem>>) dst(%dma_wait3A_692 : memref<416xi32, #tpu.memory_space<hbm>>)
    %mul3A_695 = arith.constant 1664 : i32
    %mul3A_696 = arith.muli %arg1, %mul3A_695 : i32
    %scan3A_697 = arith.constant 0 : i32
    %scan3A_698 = arith.constant 0 : i32
    %scan3A_699 = arith.constant 104 : i32
    %scan3A_700 = arith.addi %scan3A_698, %scan3A_699 : i32
    %scan3A_701 = arith.constant 1 : i32
    %scan3A_702 = scf.for %scan3A_792 = %scan3A_698 to %scan3A_700 step %scan3A_701 iter_args(%scan3A_793 = %scan3A_697) -> (i32)  : i32 {
      %mul3A_794 = arith.constant 16 : i32
      %mul3A_795 = arith.muli %scan3A_792, %mul3A_794 : i32
      %get3A = arith.index_cast %mul3A_795 : i32 to index
      %get3A_796 = tpu.vector_load %arg13[%get3A] {strides = array<i32>} : memref<1664xi32, #tpu.memory_space<vmem>>, vector<16xi32>,
      %mul3A_797 = arith.constant 16 : i32
      %mul3A_798 = arith.muli %scan3A_792, %mul3A_797 : i32
      %add3A_799 = arith.addi %mul3A_696, %mul3A_798 : i32
      %add3A_800 = vector.broadcast %add3A_799 : i32 to vector<16xi32>
      %add3A_801 = arith.addi %add3A_800, %iota3A : vector<16xi32>
      %gt3A = arith.constant 0 : i32
      %gt3A_802 = vector.broadcast %gt3A : i32 to vector<16xi32>
      %gt3A_803 = arith.cmpi sgt, %get3A_796, %gt3A_802 : vector<16xi32>
      %lt3A_804 = arith.constant 25000 : i32
      %lt3A_805 = vector.broadcast %lt3A_804 : i32 to vector<16xi32>
      %lt3A_806 = arith.cmpi slt, %add3A_801, %lt3A_805 : vector<16xi32>
      %and3A = arith.andi %gt3A_803, %lt3A_806 : vector<16xi1>
      %masked_cumsum3A = tpu.scan <sum>, %broadcast_in_dim3A_0 masked %and3A : vector<16xi32>, vector<16xi1> -> vector<16xi32>
      %add3A_807 = vector.broadcast %scan3A_793 : i32 to vector<16xi32>
      %add3A_808 = arith.addi %masked_cumsum3A, %add3A_807 : vector<16xi32>
      %mul3A_809 = arith.constant 16 : i32
      %mul3A_810 = arith.muli %scan3A_792, %mul3A_809 : i32
      %swap3A_811 = arith.index_cast %mul3A_810 : i32 to index
      %swap3A_812 = tpu.vector_load %arg14[%swap3A_811] {strides = array<i32>} : memref<1664xi32, #tpu.memory_space<vmem>>, vector<16xi32>,
      tpu.vector_store %arg14[%swap3A_811], %add3A_808 {strides = array<i32>} : memref<1664xi32, #tpu.memory_space<vmem>>, vector<16xi32>,
      %reduce_max3A = arith.constant true
      %reduce_max3A_813 = vector.broadcast %reduce_max3A : i1 to vector<16xi1>
      %reduce_max3A_814 = arith.constant -2147483648 : i32
      %reduce_max3A_815 = vector.broadcast %reduce_max3A_814 : i32 to vector<16xi32>
      %reduce_max3A_816 = arith.xori %add3A_808, %reduce_max3A_815 : vector<16xi32>
      %reduce_max3A_817 = tpu.scan <max>, %reduce_max3A_816 masked %reduce_max3A_813 : vector<16xi32>, vector<16xi1> -> vector<16xi32>
      %reduce_max3A_818 = arith.xori %reduce_max3A_817, %reduce_max3A_815 : vector<16xi32>
      %reduce_max3A_819 = vector.extract %reduce_max3A_818[15] : i32 from vector<16xi32>
      scf.yield %reduce_max3A_819 : i32
    }
    %scan3A_703 = arith.constant 104 : i32
    %add3A_704 = vector.broadcast %scan3A_702 : i32 to vector<16xi32>
    %add3A_705 = arith.addi %broadcast_in_dim3A_2, %add3A_704 : vector<16xi32>
    %swap3A = arith.constant 0 : index
    %swap3A_706 = tpu.vector_load %arg15[%swap3A] {strides = array<i32>} : memref<256xi32, #tpu.memory_space<vmem>>, vector<16xi32>,
    tpu.vector_store %arg15[%swap3A], %add3A_705 {strides = array<i32>} : memref<256xi32, #tpu.memory_space<vmem>>, vector<16xi32>,
    %mul3A_707 = arith.constant 16 : i32
    %mul3A_708 = arith.muli %arg1, %mul3A_707 : i32
    "tpu.region"() ({
      %run_scoped3A = tpu.sem_alloc : memref<!tpu.dma_semaphore, #tpu.memory_space<semaphore_mem>>
      %dma_start3A_792 = arith.constant 0 : i32
      %dma_start3A_793 = tpu.memref_slice %arg15[%dma_start3A_792] : memref<256xi32, #tpu.memory_space<vmem>> -> memref<16xi32, #tpu.memory_space<vmem>>
      %dma_start3A_794 = tpu.memref_slice %arg22[%mul3A_708] : memref<256xi32, #tpu.memory_space<vmem_shared>> -> memref<16xi32, #tpu.memory_space<vmem_shared>>
      %dma_start3A_795 = tpu.memref_slice %arg22[%mul3A_708] : memref<256xi32, #tpu.memory_space<vmem_shared>> -> memref<16xi32, #tpu.memory_space<vmem_shared>>
      %dma_start3A_796 = arith.constant 0 : i32
      %dma_start3A_797 = tpu.memref_slice %arg15[%dma_start3A_796] : memref<256xi32, #tpu.memory_space<vmem>> -> memref<16xi32, #tpu.memory_space<vmem>>
      tpu.enqueue_dma source(%dma_start3A_797 : memref<16xi32, #tpu.memory_space<vmem>>) target(%dma_start3A_795 : memref<16xi32, #tpu.memory_space<vmem_shared>>) target_semaphore(%run_scoped3A : memref<!tpu.dma_semaphore, #tpu.memory_space<semaphore_mem>>)
      %dma_wait3A_798 = arith.constant 0 : i32
      %dma_wait3A_799 = tpu.memref_slice %arg15[%dma_wait3A_798] : memref<256xi32, #tpu.memory_space<vmem>> -> memref<16xi32, #tpu.memory_space<vmem>>
      %dma_wait3A_800 = tpu.memref_slice %arg22[%mul3A_708] : memref<256xi32, #tpu.memory_space<vmem_shared>> -> memref<16xi32, #tpu.memory_space<vmem_shared>>
      %dma_wait3A_801 = tpu.memref_slice %arg22[%mul3A_708] : memref<256xi32, #tpu.memory_space<vmem_shared>> -> memref<16xi32, #tpu.memory_space<vmem_shared>>
      %dma_wait3A_802 = arith.constant 0 : i32
      %dma_wait3A_803 = tpu.memref_slice %arg15[%dma_wait3A_802] : memref<256xi32, #tpu.memory_space<vmem>> -> memref<16xi32, #tpu.memory_space<vmem>>
      tpu.wait_dma2 semaphore(%run_scoped3A : memref<!tpu.dma_semaphore, #tpu.memory_space<semaphore_mem>>) src(%dma_wait3A_803 : memref<16xi32, #tpu.memory_space<vmem>>) dst(%dma_wait3A_801 : memref<16xi32, #tpu.memory_space<vmem_shared>>)
      tpu.yield
    }) : () -> ()
    %barrier3A_709 = arith.constant 0 : index
    tpu.barrier barrier_id(%barrier3A_709)
    "tpu.region"() ({
      %run_scoped3A = tpu.sem_alloc : memref<!tpu.dma_semaphore, #tpu.memory_space<semaphore_mem>>
      tpu.enqueue_dma source(%arg22 : memref<256xi32, #tpu.memory_space<vmem_shared>>) target(%arg15 : memref<256xi32, #tpu.memory_space<vmem>>) target_semaphore(%run_scoped3A : memref<!tpu.dma_semaphore, #tpu.memory_space<semaphore_mem>>)
      tpu.wait_dma2 semaphore(%run_scoped3A : memref<!tpu.dma_semaphore, #tpu.memory_space<semaphore_mem>>) src(%arg22 : memref<256xi32, #tpu.memory_space<vmem_shared>>) dst(%arg15 : memref<256xi32, #tpu.memory_space<vmem>>)
      tpu.yield
    }) : () -> ()
    %mul3A_710 = arith.constant 16 : i32
    %mul3A_711 = vector.broadcast %mul3A_710 : i32 to vector<16xi32>
    %mul3A_712 = arith.muli %iota3A, %mul3A_711 : vector<16xi32>
    %add3A_713 = arith.addi %mul3A_712, %iota3A : vector<16xi32>
    %gather3A = tpu.vector_load_idx %arg15[%add3A_713] : memref<256xi32, #tpu.memory_space<vmem>>[vector<16xi32>], vector<16xi32>,
    %lt3A = vector.broadcast %arg1 : i32 to vector<16xi32>
    %lt3A_714 = arith.cmpi slt, %iota3A, %lt3A : vector<16xi32>
    %jit3A = arith.constant 0 : i32
    %broadcast_in_dim3A_715 = vector.broadcast %jit3A : i32 to vector<16xi32>
    %select_n3A = arith.select %lt3A_714, %gather3A, %broadcast_in_dim3A_715 : vector<16xi1>, vector<16xi32>
    %reduce_sum3A = arith.constant true
    %reduce_sum3A_716 = vector.broadcast %reduce_sum3A : i1 to vector<16xi1>
    %reduce_sum3A_717 = tpu.scan <sum>, %select_n3A masked %reduce_sum3A_716 : vector<16xi32>, vector<16xi1> -> vector<16xi32>
    %reduce_sum3A_718 = vector.extract %reduce_sum3A_717[15] : i32 from vector<16xi32>
    %scan3A_719 = arith.constant 0 : i32
    %scan3A_720 = arith.constant 0 : i32
    %scan3A_721 = arith.constant 104 : i32
    %scan3A_722 = arith.addi %scan3A_720, %scan3A_721 : i32
    %scan3A_723 = arith.constant 1 : i32
    scf.for %scan3A_792 = %scan3A_720 to %scan3A_722 step %scan3A_723  : i32 {
      %mul3A_793 = arith.constant 16 : i32
      %mul3A_794 = arith.muli %scan3A_792, %mul3A_793 : i32
      %get3A = arith.index_cast %mul3A_794 : i32 to index
      %get3A_795 = tpu.vector_load %arg14[%get3A] {strides = array<i32>} : memref<1664xi32, #tpu.memory_space<vmem>>, vector<16xi32>,
      %mul3A_796 = arith.constant 16 : i32
      %mul3A_797 = arith.muli %scan3A_792, %mul3A_796 : i32
      %get3A_798 = arith.index_cast %mul3A_797 : i32 to index
      %get3A_799 = tpu.vector_load %arg13[%get3A_798] {strides = array<i32>} : memref<1664xi32, #tpu.memory_space<vmem>>, vector<16xi32>,
      %mul3A_800 = arith.constant 16 : i32
      %mul3A_801 = arith.muli %scan3A_792, %mul3A_800 : i32
      %add3A_802 = vector.broadcast %mul3A_801 : i32 to vector<16xi32>
      %add3A_803 = arith.addi %add3A_802, %iota3A : vector<16xi32>
      %add3A_804 = vector.broadcast %mul3A_696 : i32 to vector<16xi32>
      %add3A_805 = arith.addi %add3A_804, %add3A_803 : vector<16xi32>
      %gt3A = arith.constant 0 : i32
      %gt3A_806 = vector.broadcast %gt3A : i32 to vector<16xi32>
      %gt3A_807 = arith.cmpi sgt, %get3A_799, %gt3A_806 : vector<16xi32>
      %lt3A_808 = arith.constant 25000 : i32
      %lt3A_809 = vector.broadcast %lt3A_808 : i32 to vector<16xi32>
      %lt3A_810 = arith.cmpi slt, %add3A_805, %lt3A_809 : vector<16xi32>
      %and3A = arith.andi %gt3A_807, %lt3A_810 : vector<16xi1>
      %add3A_811 = vector.broadcast %reduce_sum3A_718 : i32 to vector<16xi32>
      %add3A_812 = arith.addi %add3A_811, %get3A_795 : vector<16xi32>
      %convert_element_type3A = arith.extui %and3A : vector<16xi1> to vector<16xi32>
      %sub3A_813 = arith.subi %add3A_812, %convert_element_type3A : vector<16xi32>
      %and3A_814 = arith.constant 3 : i32
      %and3A_815 = vector.broadcast %and3A_814 : i32 to vector<16xi32>
      %and3A_816 = arith.andi %add3A_803, %and3A_815 : vector<16xi32>
      %mul3A_817 = arith.constant 416 : i32
      %mul3A_818 = vector.broadcast %mul3A_817 : i32 to vector<16xi32>
      %mul3A_819 = arith.muli %and3A_816, %mul3A_818 : vector<16xi32>
      %shift_right_arithmetic3A = arith.constant 2 : i32
      %shift_right_arithmetic3A_820 = vector.broadcast %shift_right_arithmetic3A : i32 to vector<16xi32>
      %shift_right_arithmetic3A_821 = arith.shrsi %add3A_803, %shift_right_arithmetic3A_820 : vector<16xi32>
      %add3A_822 = arith.addi %mul3A_819, %shift_right_arithmetic3A_821 : vector<16xi32>
      tpu.vector_store_idx %arg8[%add3A_822], %sub3A_813 : memref<6656xi32, #tpu.memory_space<vmem>>[vector<16xi32>], vector<16xi32>,
      %lt3A_823 = arith.constant 16000 : i32
      %lt3A_824 = vector.broadcast %lt3A_823 : i32 to vector<16xi32>
      %lt3A_825 = arith.cmpi slt, %sub3A_813, %lt3A_824 : vector<16xi32>
      %and3A_826 = arith.andi %and3A, %lt3A_825 : vector<16xi1>
      %min3A = arith.constant 5 : i32
      %min3A_827 = vector.broadcast %min3A : i32 to vector<16xi32>
      %min3A_828 = arith.minsi %get3A_799, %min3A_827 : vector<16xi32>
      %div3A = arith.constant 2500 : i32
      %div3A_829 = vector.broadcast %div3A : i32 to vector<16xi32>
      %div3A_830 = arith.divsi %add3A_805, %div3A_829 : vector<16xi32>
      %mul3A_831 = arith.constant 2500 : i32
      %mul3A_832 = vector.broadcast %mul3A_831 : i32 to vector<16xi32>
      %mul3A_833 = arith.muli %div3A_830, %mul3A_832 : vector<16xi32>
      %sub3A_834 = arith.subi %add3A_805, %mul3A_833 : vector<16xi32>
      %div3A_835 = arith.constant 50 : i32
      %div3A_836 = vector.broadcast %div3A_835 : i32 to vector<16xi32>
      %div3A_837 = arith.divsi %sub3A_834, %div3A_836 : vector<16xi32>
      %mul3A_838 = arith.constant 50 : i32
      %mul3A_839 = vector.broadcast %mul3A_838 : i32 to vector<16xi32>
      %mul3A_840 = arith.muli %div3A_837, %mul3A_839 : vector<16xi32>
      %sub3A_841 = arith.subi %sub3A_834, %mul3A_840 : vector<16xi32>
      %add3A_842 = arith.constant 16000 : i32
      %add3A_843 = vector.broadcast %add3A_842 : i32 to vector<16xi32>
      %add3A_844 = arith.addi %add3A_843, %add3A_803 : vector<16xi32>
      %select_n3A_845 = arith.select %and3A_826, %sub3A_813, %add3A_844 : vector<16xi1>, vector<16xi32>
      %mul3A_846 = arith.constant 16 : i32
      %mul3A_847 = arith.muli %scan3A_792, %mul3A_846 : i32
      %swap3A_848 = arith.index_cast %mul3A_847 : i32 to index
      %swap3A_849 = tpu.vector_load %arg17[%swap3A_848] {strides = array<i32>} : memref<1664xi32, #tpu.memory_space<vmem>>, vector<16xi32>,
      tpu.vector_store %arg17[%swap3A_848], %select_n3A_845 {strides = array<i32>} : memref<1664xi32, #tpu.memory_space<vmem>>, vector<16xi32>,
      %mul3A_850 = arith.constant 16 : i32
      %mul3A_851 = arith.muli %scan3A_792, %mul3A_850 : i32
      %swap3A_852 = arith.index_cast %mul3A_851 : i32 to index
      %swap3A_853 = tpu.vector_load %arg16[%swap3A_852] {strides = array<i32>} : memref<1664xi32, #tpu.memory_space<vmem>>, vector<16xi32>,
      tpu.vector_store %arg16[%swap3A_852], %min3A_828 {strides = array<i32>} : memref<1664xi32, #tpu.memory_space<vmem>>, vector<16xi32>,
      tpu.vector_store_idx %arg18[%add3A_803, %broadcast_in_dim3A_2], %broadcast_in_dim3A_2 : memref<1664x8xi32, #tpu.memory_space<vmem>>[vector<16xi32>, vector<16xi32>], vector<16xi32>,
      %add3A_854 = arith.constant 1 : i32
      %add3A_855 = vector.broadcast %add3A_854 : i32 to vector<16xi32>
      %add3A_856 = arith.addi %broadcast_in_dim3A_2, %add3A_855 : vector<16xi32>
      tpu.vector_store_idx %arg18[%add3A_803, %add3A_856], %div3A_830 : memref<1664x8xi32, #tpu.memory_space<vmem>>[vector<16xi32>, vector<16xi32>], vector<16xi32>,
      %add3A_857 = arith.constant 2 : i32
      %add3A_858 = vector.broadcast %add3A_857 : i32 to vector<16xi32>
      %add3A_859 = arith.addi %broadcast_in_dim3A_2, %add3A_858 : vector<16xi32>
      tpu.vector_store_idx %arg18[%add3A_803, %add3A_859], %div3A_837 : memref<1664x8xi32, #tpu.memory_space<vmem>>[vector<16xi32>, vector<16xi32>], vector<16xi32>,
      %add3A_860 = arith.constant 3 : i32
      %add3A_861 = vector.broadcast %add3A_860 : i32 to vector<16xi32>
      %add3A_862 = arith.addi %broadcast_in_dim3A_2, %add3A_861 : vector<16xi32>
      tpu.vector_store_idx %arg18[%add3A_803, %add3A_862], %sub3A_841 : memref<1664x8xi32, #tpu.memory_space<vmem>>[vector<16xi32>, vector<16xi32>], vector<16xi32>,
    }
    %scan3A_724 = arith.constant 104 : i32
    %mul3A_725 = arith.constant 416 : i32
    %mul3A_726 = arith.muli %arg1, %mul3A_725 : i32
    %add3A_727 = arith.constant 0 : i32
    %add3A_728 = arith.addi %add3A_727, %mul3A_726 : i32
    "tpu.region"() ({
      %run_scoped3A = tpu.sem_alloc : memref<!tpu.dma_semaphore, #tpu.memory_space<semaphore_mem>>
      %dma_start3A_792 = arith.constant 0 : i32
      %dma_start3A_793 = tpu.memref_slice %arg8[%dma_start3A_792] : memref<6656xi32, #tpu.memory_space<vmem>> -> memref<416xi32, #tpu.memory_space<vmem>>
      %dma_start3A_794 = tpu.memref_slice %arg21[%add3A_728] : memref<26624xi32, #tpu.memory_space<vmem_shared>> -> memref<416xi32, #tpu.memory_space<vmem_shared>>
      %dma_start3A_795 = tpu.memref_slice %arg21[%add3A_728] : memref<26624xi32, #tpu.memory_space<vmem_shared>> -> memref<416xi32, #tpu.memory_space<vmem_shared>>
      %dma_start3A_796 = arith.constant 0 : i32
      %dma_start3A_797 = tpu.memref_slice %arg8[%dma_start3A_796] : memref<6656xi32, #tpu.memory_space<vmem>> -> memref<416xi32, #tpu.memory_space<vmem>>
      tpu.enqueue_dma source(%dma_start3A_797 : memref<416xi32, #tpu.memory_space<vmem>>) target(%dma_start3A_795 : memref<416xi32, #tpu.memory_space<vmem_shared>>) target_semaphore(%run_scoped3A : memref<!tpu.dma_semaphore, #tpu.memory_space<semaphore_mem>>)
      %dma_wait3A_798 = arith.constant 0 : i32
      %dma_wait3A_799 = tpu.memref_slice %arg8[%dma_wait3A_798] : memref<6656xi32, #tpu.memory_space<vmem>> -> memref<416xi32, #tpu.memory_space<vmem>>
      %dma_wait3A_800 = tpu.memref_slice %arg21[%add3A_728] : memref<26624xi32, #tpu.memory_space<vmem_shared>> -> memref<416xi32, #tpu.memory_space<vmem_shared>>
      %dma_wait3A_801 = tpu.memref_slice %arg21[%add3A_728] : memref<26624xi32, #tpu.memory_space<vmem_shared>> -> memref<416xi32, #tpu.memory_space<vmem_shared>>
      %dma_wait3A_802 = arith.constant 0 : i32
      %dma_wait3A_803 = tpu.memref_slice %arg8[%dma_wait3A_802] : memref<6656xi32, #tpu.memory_space<vmem>> -> memref<416xi32, #tpu.memory_space<vmem>>
      tpu.wait_dma2 semaphore(%run_scoped3A : memref<!tpu.dma_semaphore, #tpu.memory_space<semaphore_mem>>) src(%dma_wait3A_803 : memref<416xi32, #tpu.memory_space<vmem>>) dst(%dma_wait3A_801 : memref<416xi32, #tpu.memory_space<vmem_shared>>)
      tpu.yield
    }) : () -> ()
    %mul3A_729 = arith.constant 416 : i32
    %mul3A_730 = arith.muli %arg1, %mul3A_729 : i32
    %add3A_731 = arith.constant 6656 : i32
    %add3A_732 = arith.addi %add3A_731, %mul3A_730 : i32
    "tpu.region"() ({
      %run_scoped3A = tpu.sem_alloc : memref<!tpu.dma_semaphore, #tpu.memory_space<semaphore_mem>>
      %dma_start3A_792 = arith.constant 416 : i32
      %dma_start3A_793 = tpu.memref_slice %arg8[%dma_start3A_792] : memref<6656xi32, #tpu.memory_space<vmem>> -> memref<416xi32, #tpu.memory_space<vmem>>
      %dma_start3A_794 = tpu.memref_slice %arg21[%add3A_732] : memref<26624xi32, #tpu.memory_space<vmem_shared>> -> memref<416xi32, #tpu.memory_space<vmem_shared>>
      %dma_start3A_795 = tpu.memref_slice %arg21[%add3A_732] : memref<26624xi32, #tpu.memory_space<vmem_shared>> -> memref<416xi32, #tpu.memory_space<vmem_shared>>
      %dma_start3A_796 = arith.constant 416 : i32
      %dma_start3A_797 = tpu.memref_slice %arg8[%dma_start3A_796] : memref<6656xi32, #tpu.memory_space<vmem>> -> memref<416xi32, #tpu.memory_space<vmem>>
      tpu.enqueue_dma source(%dma_start3A_797 : memref<416xi32, #tpu.memory_space<vmem>>) target(%dma_start3A_795 : memref<416xi32, #tpu.memory_space<vmem_shared>>) target_semaphore(%run_scoped3A : memref<!tpu.dma_semaphore, #tpu.memory_space<semaphore_mem>>)
      %dma_wait3A_798 = arith.constant 416 : i32
      %dma_wait3A_799 = tpu.memref_slice %arg8[%dma_wait3A_798] : memref<6656xi32, #tpu.memory_space<vmem>> -> memref<416xi32, #tpu.memory_space<vmem>>
      %dma_wait3A_800 = tpu.memref_slice %arg21[%add3A_732] : memref<26624xi32, #tpu.memory_space<vmem_shared>> -> memref<416xi32, #tpu.memory_space<vmem_shared>>
      %dma_wait3A_801 = tpu.memref_slice %arg21[%add3A_732] : memref<26624xi32, #tpu.memory_space<vmem_shared>> -> memref<416xi32, #tpu.memory_space<vmem_shared>>
      %dma_wait3A_802 = arith.constant 416 : i32
      %dma_wait3A_803 = tpu.memref_slice %arg8[%dma_wait3A_802] : memref<6656xi32, #tpu.memory_space<vmem>> -> memref<416xi32, #tpu.memory_space<vmem>>
      tpu.wait_dma2 semaphore(%run_scoped3A : memref<!tpu.dma_semaphore, #tpu.memory_space<semaphore_mem>>) src(%dma_wait3A_803 : memref<416xi32, #tpu.memory_space<vmem>>) dst(%dma_wait3A_801 : memref<416xi32, #tpu.memory_space<vmem_shared>>)
      tpu.yield
    }) : () -> ()
    %mul3A_733 = arith.constant 416 : i32
    %mul3A_734 = arith.muli %arg1, %mul3A_733 : i32
    %add3A_735 = arith.constant 13312 : i32
    %add3A_736 = arith.addi %add3A_735, %mul3A_734 : i32
    "tpu.region"() ({
      %run_scoped3A = tpu.sem_alloc : memref<!tpu.dma_semaphore, #tpu.memory_space<semaphore_mem>>
      %dma_start3A_792 = arith.constant 832 : i32
      %dma_start3A_793 = tpu.memref_slice %arg8[%dma_start3A_792] : memref<6656xi32, #tpu.memory_space<vmem>> -> memref<416xi32, #tpu.memory_space<vmem>>
      %dma_start3A_794 = tpu.memref_slice %arg21[%add3A_736] : memref<26624xi32, #tpu.memory_space<vmem_shared>> -> memref<416xi32, #tpu.memory_space<vmem_shared>>
      %dma_start3A_795 = tpu.memref_slice %arg21[%add3A_736] : memref<26624xi32, #tpu.memory_space<vmem_shared>> -> memref<416xi32, #tpu.memory_space<vmem_shared>>
      %dma_start3A_796 = arith.constant 832 : i32
      %dma_start3A_797 = tpu.memref_slice %arg8[%dma_start3A_796] : memref<6656xi32, #tpu.memory_space<vmem>> -> memref<416xi32, #tpu.memory_space<vmem>>
      tpu.enqueue_dma source(%dma_start3A_797 : memref<416xi32, #tpu.memory_space<vmem>>) target(%dma_start3A_795 : memref<416xi32, #tpu.memory_space<vmem_shared>>) target_semaphore(%run_scoped3A : memref<!tpu.dma_semaphore, #tpu.memory_space<semaphore_mem>>)
      %dma_wait3A_798 = arith.constant 832 : i32
      %dma_wait3A_799 = tpu.memref_slice %arg8[%dma_wait3A_798] : memref<6656xi32, #tpu.memory_space<vmem>> -> memref<416xi32, #tpu.memory_space<vmem>>
      %dma_wait3A_800 = tpu.memref_slice %arg21[%add3A_736] : memref<26624xi32, #tpu.memory_space<vmem_shared>> -> memref<416xi32, #tpu.memory_space<vmem_shared>>
      %dma_wait3A_801 = tpu.memref_slice %arg21[%add3A_736] : memref<26624xi32, #tpu.memory_space<vmem_shared>> -> memref<416xi32, #tpu.memory_space<vmem_shared>>
      %dma_wait3A_802 = arith.constant 832 : i32
      %dma_wait3A_803 = tpu.memref_slice %arg8[%dma_wait3A_802] : memref<6656xi32, #tpu.memory_space<vmem>> -> memref<416xi32, #tpu.memory_space<vmem>>
      tpu.wait_dma2 semaphore(%run_scoped3A : memref<!tpu.dma_semaphore, #tpu.memory_space<semaphore_mem>>) src(%dma_wait3A_803 : memref<416xi32, #tpu.memory_space<vmem>>) dst(%dma_wait3A_801 : memref<416xi32, #tpu.memory_space<vmem_shared>>)
      tpu.yield
    }) : () -> ()
    %mul3A_737 = arith.constant 416 : i32
    %mul3A_738 = arith.muli %arg1, %mul3A_737 : i32
    %add3A_739 = arith.constant 19968 : i32
    %add3A_740 = arith.addi %add3A_739, %mul3A_738 : i32
    "tpu.region"() ({
      %run_scoped3A = tpu.sem_alloc : memref<!tpu.dma_semaphore, #tpu.memory_space<semaphore_mem>>
      %dma_start3A_792 = arith.constant 1248 : i32
      %dma_start3A_793 = tpu.memref_slice %arg8[%dma_start3A_792] : memref<6656xi32, #tpu.memory_space<vmem>> -> memref<416xi32, #tpu.memory_space<vmem>>
      %dma_start3A_794 = tpu.memref_slice %arg21[%add3A_740] : memref<26624xi32, #tpu.memory_space<vmem_shared>> -> memref<416xi32, #tpu.memory_space<vmem_shared>>
      %dma_start3A_795 = tpu.memref_slice %arg21[%add3A_740] : memref<26624xi32, #tpu.memory_space<vmem_shared>> -> memref<416xi32, #tpu.memory_space<vmem_shared>>
      %dma_start3A_796 = arith.constant 1248 : i32
      %dma_start3A_797 = tpu.memref_slice %arg8[%dma_start3A_796] : memref<6656xi32, #tpu.memory_space<vmem>> -> memref<416xi32, #tpu.memory_space<vmem>>
      tpu.enqueue_dma source(%dma_start3A_797 : memref<416xi32, #tpu.memory_space<vmem>>) target(%dma_start3A_795 : memref<416xi32, #tpu.memory_space<vmem_shared>>) target_semaphore(%run_scoped3A : memref<!tpu.dma_semaphore, #tpu.memory_space<semaphore_mem>>)
      %dma_wait3A_798 = arith.constant 1248 : i32
      %dma_wait3A_799 = tpu.memref_slice %arg8[%dma_wait3A_798] : memref<6656xi32, #tpu.memory_space<vmem>> -> memref<416xi32, #tpu.memory_space<vmem>>
      %dma_wait3A_800 = tpu.memref_slice %arg21[%add3A_740] : memref<26624xi32, #tpu.memory_space<vmem_shared>> -> memref<416xi32, #tpu.memory_space<vmem_shared>>
      %dma_wait3A_801 = tpu.memref_slice %arg21[%add3A_740] : memref<26624xi32, #tpu.memory_space<vmem_shared>> -> memref<416xi32, #tpu.memory_space<vmem_shared>>
      %dma_wait3A_802 = arith.constant 1248 : i32
      %dma_wait3A_803 = tpu.memref_slice %arg8[%dma_wait3A_802] : memref<6656xi32, #tpu.memory_space<vmem>> -> memref<416xi32, #tpu.memory_space<vmem>>
      tpu.wait_dma2 semaphore(%run_scoped3A : memref<!tpu.dma_semaphore, #tpu.memory_space<semaphore_mem>>) src(%dma_wait3A_803 : memref<416xi32, #tpu.memory_space<vmem>>) dst(%dma_wait3A_801 : memref<416xi32, #tpu.memory_space<vmem_shared>>)
      tpu.yield
    }) : () -> ()
    %dma_start3A_741 = arith.constant 0 : i32
    %dma_start3A_742 = tpu.memref_slice %arg4[%dma_start3A_741] : memref<17664xi32, #tpu.memory_space<hbm>> -> memref<17664xi32, #tpu.memory_space<hbm>>
    tpu.enqueue_indirect_dma source(%arg16 : memref<1664xi32, #tpu.memory_space<vmem>>) target(%dma_start3A_742 : memref<17664xi32, #tpu.memory_space<hbm>>) offsets(%arg17 : memref<1664xi32, #tpu.memory_space<vmem>>) semaphore(%arg23 : memref<!tpu.dma_semaphore, #tpu.memory_space<semaphore_mem>>)
    %dma_wait3A_743 = arith.constant 0 : i32
    %dma_wait3A_744 = tpu.memref_slice %arg4[%dma_wait3A_743] : memref<17664xi32, #tpu.memory_space<hbm>> -> memref<17664xi32, #tpu.memory_space<hbm>>
    tpu.wait_indirect_dma semaphore(%arg23 : memref<!tpu.dma_semaphore, #tpu.memory_space<semaphore_mem>>) src(%arg16 : memref<1664xi32, #tpu.memory_space<vmem>>) dst(%dma_wait3A_744 : memref<17664xi32, #tpu.memory_space<hbm>>)
    %dma_start3A_745 = arith.constant 0 : i32
    %dma_start3A_746 = arith.constant 0 : i32
    %dma_start3A_747 = tpu.memref_slice %arg5[%dma_start3A_745, %dma_start3A_746] : memref<17664x8xi32, #tpu.memory_space<hbm>> -> memref<17664x8xi32, #tpu.memory_space<hbm>>
    tpu.enqueue_indirect_dma source(%arg18 : memref<1664x8xi32, #tpu.memory_space<vmem>>) target(%dma_start3A_747 : memref<17664x8xi32, #tpu.memory_space<hbm>>) offsets(%arg17 : memref<1664xi32, #tpu.memory_space<vmem>>) semaphore(%arg23 : memref<!tpu.dma_semaphore, #tpu.memory_space<semaphore_mem>>)
    %dma_wait3A_748 = arith.constant 0 : i32
    %dma_wait3A_749 = arith.constant 0 : i32
    %dma_wait3A_750 = tpu.memref_slice %arg5[%dma_wait3A_748, %dma_wait3A_749] : memref<17664x8xi32, #tpu.memory_space<hbm>> -> memref<17664x8xi32, #tpu.memory_space<hbm>>
    tpu.wait_indirect_dma semaphore(%arg23 : memref<!tpu.dma_semaphore, #tpu.memory_space<semaphore_mem>>) src(%arg18 : memref<1664x8xi32, #tpu.memory_space<vmem>>) dst(%dma_wait3A_750 : memref<17664x8xi32, #tpu.memory_space<hbm>>)
    %barrier3A_751 = arith.constant 0 : index
    tpu.barrier barrier_id(%barrier3A_751)
    %mul3A_752 = arith.constant 6656 : i32
    %mul3A_753 = arith.muli %arg1, %mul3A_752 : i32
    "tpu.region"() ({
      %run_scoped3A = tpu.sem_alloc : memref<!tpu.dma_semaphore, #tpu.memory_space<semaphore_mem>>
      %dma_start3A_792 = arith.constant 0 : i32
      %dma_start3A_793 = tpu.memref_slice %arg8[%dma_start3A_792] : memref<6656xi32, #tpu.memory_space<vmem>> -> memref<6656xi32, #tpu.memory_space<vmem>>
      %dma_start3A_794 = tpu.memref_slice %arg6[%mul3A_753] : memref<106496xi32, #tpu.memory_space<hbm>> -> memref<6656xi32, #tpu.memory_space<hbm>>
      %dma_start3A_795 = arith.constant 0 : i32
      %dma_start3A_796 = tpu.memref_slice %arg8[%dma_start3A_795] : memref<6656xi32, #tpu.memory_space<vmem>> -> memref<6656xi32, #tpu.memory_space<vmem>>
      %dma_start3A_797 = tpu.memref_slice %arg6[%mul3A_753] : memref<106496xi32, #tpu.memory_space<hbm>> -> memref<6656xi32, #tpu.memory_space<hbm>>
      tpu.enqueue_dma source(%dma_start3A_797 : memref<6656xi32, #tpu.memory_space<hbm>>) target(%dma_start3A_796 : memref<6656xi32, #tpu.memory_space<vmem>>) target_semaphore(%run_scoped3A : memref<!tpu.dma_semaphore, #tpu.memory_space<semaphore_mem>>)
      %dma_wait3A_798 = arith.constant 0 : i32
      %dma_wait3A_799 = tpu.memref_slice %arg8[%dma_wait3A_798] : memref<6656xi32, #tpu.memory_space<vmem>> -> memref<6656xi32, #tpu.memory_space<vmem>>
      %dma_wait3A_800 = tpu.memref_slice %arg6[%mul3A_753] : memref<106496xi32, #tpu.memory_space<hbm>> -> memref<6656xi32, #tpu.memory_space<hbm>>
      %dma_wait3A_801 = arith.constant 0 : i32
      %dma_wait3A_802 = tpu.memref_slice %arg8[%dma_wait3A_801] : memref<6656xi32, #tpu.memory_space<vmem>> -> memref<6656xi32, #tpu.memory_space<vmem>>
      %dma_wait3A_803 = tpu.memref_slice %arg6[%mul3A_753] : memref<106496xi32, #tpu.memory_space<hbm>> -> memref<6656xi32, #tpu.memory_space<hbm>>
      tpu.wait_dma2 semaphore(%run_scoped3A : memref<!tpu.dma_semaphore, #tpu.memory_space<semaphore_mem>>) src(%dma_wait3A_803 : memref<6656xi32, #tpu.memory_space<hbm>>) dst(%dma_wait3A_802 : memref<6656xi32, #tpu.memory_space<vmem>>)
      tpu.yield
    }) : () -> ()
    "tpu.region"() ({
      %run_scoped3A = tpu.sem_alloc : memref<!tpu.dma_semaphore, #tpu.memory_space<semaphore_mem>>
      %dma_start3A_792 = arith.constant 0 : i32
      %dma_start3A_793 = tpu.memref_slice %arg21[%dma_start3A_792] : memref<26624xi32, #tpu.memory_space<vmem_shared>> -> memref<6656xi32, #tpu.memory_space<vmem_shared>>
      %dma_start3A_794 = arith.constant 0 : i32
      %dma_start3A_795 = tpu.memref_slice %arg21[%dma_start3A_794] : memref<26624xi32, #tpu.memory_space<vmem_shared>> -> memref<6656xi32, #tpu.memory_space<vmem_shared>>
      tpu.enqueue_dma source(%dma_start3A_795 : memref<6656xi32, #tpu.memory_space<vmem_shared>>) target(%arg9 : memref<6656xi32, #tpu.memory_space<vmem>>) target_semaphore(%run_scoped3A : memref<!tpu.dma_semaphore, #tpu.memory_space<semaphore_mem>>)
      %dma_wait3A_796 = arith.constant 0 : i32
      %dma_wait3A_797 = tpu.memref_slice %arg21[%dma_wait3A_796] : memref<26624xi32, #tpu.memory_space<vmem_shared>> -> memref<6656xi32, #tpu.memory_space<vmem_shared>>
      %dma_wait3A_798 = arith.constant 0 : i32
      %dma_wait3A_799 = tpu.memref_slice %arg21[%dma_wait3A_798] : memref<26624xi32, #tpu.memory_space<vmem_shared>> -> memref<6656xi32, #tpu.memory_space<vmem_shared>>
      tpu.wait_dma2 semaphore(%run_scoped3A : memref<!tpu.dma_semaphore, #tpu.memory_space<semaphore_mem>>) src(%dma_wait3A_799 : memref<6656xi32, #tpu.memory_space<vmem_shared>>) dst(%arg9 : memref<6656xi32, #tpu.memory_space<vmem>>)
      tpu.yield
    }) : () -> ()
    %scan3A_754 = arith.constant 0 : i32
    %scan3A_755 = arith.constant 0 : i32
    %scan3A_756 = arith.constant 104 : i32
    %scan3A_757 = arith.addi %scan3A_755, %scan3A_756 : i32
    %scan3A_758 = arith.constant 1 : i32
    scf.for %scan3A_792 = %scan3A_755 to %scan3A_757 step %scan3A_758  : i32 {
      %mul3A_793 = arith.constant 4 : i32
      %mul3A_794 = arith.muli %scan3A_792, %mul3A_793 : i32
      %add3A_795 = arith.constant 0 : i32
      %add3A_796 = arith.addi %mul3A_794, %add3A_795 : i32
      %mul3A_797 = arith.constant 16 : i32
      %mul3A_798 = arith.muli %add3A_796, %mul3A_797 : i32
      %get3A = arith.index_cast %mul3A_798 : i32 to index
      %get3A_799 = tpu.vector_load %arg8[%get3A] {strides = array<i32>} : memref<6656xi32, #tpu.memory_space<vmem>>, vector<16xi32>,
      %mul3A_800 = arith.constant 16 : i32
      %mul3A_801 = arith.muli %add3A_796, %mul3A_800 : i32
      %get3A_802 = arith.index_cast %mul3A_801 : i32 to index
      %get3A_803 = tpu.vector_load %arg9[%get3A_802] {strides = array<i32>} : memref<6656xi32, #tpu.memory_space<vmem>>, vector<16xi32>,
      %mul3A_804 = arith.constant 128 : i32
      %mul3A_805 = vector.broadcast %mul3A_804 : i32 to vector<16xi32>
      %mul3A_806 = arith.muli %get3A_803, %mul3A_805 : vector<16xi32>
      %shift_right_arithmetic3A = arith.constant 0 : i32
      %shift_right_arithmetic3A_807 = vector.broadcast %shift_right_arithmetic3A : i32 to vector<16xi32>
      %shift_right_arithmetic3A_808 = arith.shrsi %get3A_799, %shift_right_arithmetic3A_807 : vector<16xi32>
      %and3A = arith.constant 255 : i32
      %and3A_809 = vector.broadcast %and3A : i32 to vector<16xi32>
      %and3A_810 = arith.andi %shift_right_arithmetic3A_808, %and3A_809 : vector<16xi32>
      %add3A_811 = arith.addi %mul3A_806, %and3A_810 : vector<16xi32>
      %mul3A_812 = arith.constant 16 : i32
      %mul3A_813 = arith.muli %add3A_796, %mul3A_812 : i32
      %add3A_814 = arith.constant 0 : i32
      %add3A_815 = arith.addi %add3A_814, %mul3A_813 : i32
      %swap3A_816 = arith.index_cast %add3A_815 : i32 to index
      %swap3A_817 = tpu.vector_load %arg7[%swap3A_816] {strides = array<i32>} : memref<26624xi32, #tpu.memory_space<vmem>>, vector<16xi32>,
      tpu.vector_store %arg7[%swap3A_816], %add3A_811 {strides = array<i32>} : memref<26624xi32, #tpu.memory_space<vmem>>, vector<16xi32>,
      %mul3A_818 = arith.constant 4 : i32
      %mul3A_819 = arith.muli %scan3A_792, %mul3A_818 : i32
      %add3A_820 = arith.constant 1 : i32
      %add3A_821 = arith.addi %mul3A_819, %add3A_820 : i32
      %mul3A_822 = arith.constant 16 : i32
      %mul3A_823 = arith.muli %add3A_821, %mul3A_822 : i32
      %get3A_824 = arith.index_cast %mul3A_823 : i32 to index
      %get3A_825 = tpu.vector_load %arg8[%get3A_824] {strides = array<i32>} : memref<6656xi32, #tpu.memory_space<vmem>>, vector<16xi32>,
      %mul3A_826 = arith.constant 16 : i32
      %mul3A_827 = arith.muli %add3A_821, %mul3A_826 : i32
      %get3A_828 = arith.index_cast %mul3A_827 : i32 to index
      %get3A_829 = tpu.vector_load %arg9[%get3A_828] {strides = array<i32>} : memref<6656xi32, #tpu.memory_space<vmem>>, vector<16xi32>,
      %mul3A_830 = arith.constant 128 : i32
      %mul3A_831 = vector.broadcast %mul3A_830 : i32 to vector<16xi32>
      %mul3A_832 = arith.muli %get3A_829, %mul3A_831 : vector<16xi32>
      %shift_right_arithmetic3A_833 = arith.constant 0 : i32
      %shift_right_arithmetic3A_834 = vector.broadcast %shift_right_arithmetic3A_833 : i32 to vector<16xi32>
      %shift_right_arithmetic3A_835 = arith.shrsi %get3A_825, %shift_right_arithmetic3A_834 : vector<16xi32>
      %and3A_836 = arith.constant 255 : i32
      %and3A_837 = vector.broadcast %and3A_836 : i32 to vector<16xi32>
      %and3A_838 = arith.andi %shift_right_arithmetic3A_835, %and3A_837 : vector<16xi32>
      %add3A_839 = arith.addi %mul3A_832, %and3A_838 : vector<16xi32>
      %mul3A_840 = arith.constant 16 : i32
      %mul3A_841 = arith.muli %add3A_821, %mul3A_840 : i32
      %add3A_842 = arith.constant 0 : i32
      %add3A_843 = arith.addi %add3A_842, %mul3A_841 : i32
      %swap3A_844 = arith.index_cast %add3A_843 : i32 to index
      %swap3A_845 = tpu.vector_load %arg7[%swap3A_844] {strides = array<i32>} : memref<26624xi32, #tpu.memory_space<vmem>>, vector<16xi32>,
      tpu.vector_store %arg7[%swap3A_844], %add3A_839 {strides = array<i32>} : memref<26624xi32, #tpu.memory_space<vmem>>, vector<16xi32>,
      %mul3A_846 = arith.constant 4 : i32
      %mul3A_847 = arith.muli %scan3A_792, %mul3A_846 : i32
      %add3A_848 = arith.constant 2 : i32
      %add3A_849 = arith.addi %mul3A_847, %add3A_848 : i32
      %mul3A_850 = arith.constant 16 : i32
      %mul3A_851 = arith.muli %add3A_849, %mul3A_850 : i32
      %get3A_852 = arith.index_cast %mul3A_851 : i32 to index
      %get3A_853 = tpu.vector_load %arg8[%get3A_852] {strides = array<i32>} : memref<6656xi32, #tpu.memory_space<vmem>>, vector<16xi32>,
      %mul3A_854 = arith.constant 16 : i32
      %mul3A_855 = arith.muli %add3A_849, %mul3A_854 : i32
      %get3A_856 = arith.index_cast %mul3A_855 : i32 to index
      %get3A_857 = tpu.vector_load %arg9[%get3A_856] {strides = array<i32>} : memref<6656xi32, #tpu.memory_space<vmem>>, vector<16xi32>,
      %mul3A_858 = arith.constant 128 : i32
      %mul3A_859 = vector.broadcast %mul3A_858 : i32 to vector<16xi32>
      %mul3A_860 = arith.muli %get3A_857, %mul3A_859 : vector<16xi32>
      %shift_right_arithmetic3A_861 = arith.constant 0 : i32
      %shift_right_arithmetic3A_862 = vector.broadcast %shift_right_arithmetic3A_861 : i32 to vector<16xi32>
      %shift_right_arithmetic3A_863 = arith.shrsi %get3A_853, %shift_right_arithmetic3A_862 : vector<16xi32>
      %and3A_864 = arith.constant 255 : i32
      %and3A_865 = vector.broadcast %and3A_864 : i32 to vector<16xi32>
      %and3A_866 = arith.andi %shift_right_arithmetic3A_863, %and3A_865 : vector<16xi32>
      %add3A_867 = arith.addi %mul3A_860, %and3A_866 : vector<16xi32>
      %mul3A_868 = arith.constant 16 : i32
      %mul3A_869 = arith.muli %add3A_849, %mul3A_868 : i32
      %add3A_870 = arith.constant 0 : i32
      %add3A_871 = arith.addi %add3A_870, %mul3A_869 : i32
      %swap3A_872 = arith.index_cast %add3A_871 : i32 to index
      %swap3A_873 = tpu.vector_load %arg7[%swap3A_872] {strides = array<i32>} : memref<26624xi32, #tpu.memory_space<vmem>>, vector<16xi32>,
      tpu.vector_store %arg7[%swap3A_872], %add3A_867 {strides = array<i32>} : memref<26624xi32, #tpu.memory_space<vmem>>, vector<16xi32>,
      %mul3A_874 = arith.constant 4 : i32
      %mul3A_875 = arith.muli %scan3A_792, %mul3A_874 : i32
      %add3A_876 = arith.constant 3 : i32
      %add3A_877 = arith.addi %mul3A_875, %add3A_876 : i32
      %mul3A_878 = arith.constant 16 : i32
      %mul3A_879 = arith.muli %add3A_877, %mul3A_878 : i32
      %get3A_880 = arith.index_cast %mul3A_879 : i32 to index
      %get3A_881 = tpu.vector_load %arg8[%get3A_880] {strides = array<i32>} : memref<6656xi32, #tpu.memory_space<vmem>>, vector<16xi32>,
      %mul3A_882 = arith.constant 16 : i32
      %mul3A_883 = arith.muli %add3A_877, %mul3A_882 : i32
      %get3A_884 = arith.index_cast %mul3A_883 : i32 to index
      %get3A_885 = tpu.vector_load %arg9[%get3A_884] {strides = array<i32>} : memref<6656xi32, #tpu.memory_space<vmem>>, vector<16xi32>,
      %mul3A_886 = arith.constant 128 : i32
      %mul3A_887 = vector.broadcast %mul3A_886 : i32 to vector<16xi32>
      %mul3A_888 = arith.muli %get3A_885, %mul3A_887 : vector<16xi32>
      %shift_right_arithmetic3A_889 = arith.constant 0 : i32
      %shift_right_arithmetic3A_890 = vector.broadcast %shift_right_arithmetic3A_889 : i32 to vector<16xi32>
      %shift_right_arithmetic3A_891 = arith.shrsi %get3A_881, %shift_right_arithmetic3A_890 : vector<16xi32>
      %and3A_892 = arith.constant 255 : i32
      %and3A_893 = vector.broadcast %and3A_892 : i32 to vector<16xi32>
      %and3A_894 = arith.andi %shift_right_arithmetic3A_891, %and3A_893 : vector<16xi32>
      %add3A_895 = arith.addi %mul3A_888, %and3A_894 : vector<16xi32>
      %mul3A_896 = arith.constant 16 : i32
      %mul3A_897 = arith.muli %add3A_877, %mul3A_896 : i32
      %add3A_898 = arith.constant 0 : i32
      %add3A_899 = arith.addi %add3A_898, %mul3A_897 : i32
      %swap3A_900 = arith.index_cast %add3A_899 : i32 to index
      %swap3A_901 = tpu.vector_load %arg7[%swap3A_900] {strides = array<i32>} : memref<26624xi32, #tpu.memory_space<vmem>>, vector<16xi32>,
      tpu.vector_store %arg7[%swap3A_900], %add3A_895 {strides = array<i32>} : memref<26624xi32, #tpu.memory_space<vmem>>, vector<16xi32>,
    }
    %scan3A_759 = arith.constant 104 : i32
    "tpu.region"() ({
      %run_scoped3A = tpu.sem_alloc : memref<!tpu.dma_semaphore, #tpu.memory_space<semaphore_mem>>
      %dma_start3A_792 = arith.constant 6656 : i32
      %dma_start3A_793 = tpu.memref_slice %arg21[%dma_start3A_792] : memref<26624xi32, #tpu.memory_space<vmem_shared>> -> memref<6656xi32, #tpu.memory_space<vmem_shared>>
      %dma_start3A_794 = arith.constant 6656 : i32
      %dma_start3A_795 = tpu.memref_slice %arg21[%dma_start3A_794] : memref<26624xi32, #tpu.memory_space<vmem_shared>> -> memref<6656xi32, #tpu.memory_space<vmem_shared>>
      tpu.enqueue_dma source(%dma_start3A_795 : memref<6656xi32, #tpu.memory_space<vmem_shared>>) target(%arg9 : memref<6656xi32, #tpu.memory_space<vmem>>) target_semaphore(%run_scoped3A : memref<!tpu.dma_semaphore, #tpu.memory_space<semaphore_mem>>)
      %dma_wait3A_796 = arith.constant 6656 : i32
      %dma_wait3A_797 = tpu.memref_slice %arg21[%dma_wait3A_796] : memref<26624xi32, #tpu.memory_space<vmem_shared>> -> memref<6656xi32, #tpu.memory_space<vmem_shared>>
      %dma_wait3A_798 = arith.constant 6656 : i32
      %dma_wait3A_799 = tpu.memref_slice %arg21[%dma_wait3A_798] : memref<26624xi32, #tpu.memory_space<vmem_shared>> -> memref<6656xi32, #tpu.memory_space<vmem_shared>>
      tpu.wait_dma2 semaphore(%run_scoped3A : memref<!tpu.dma_semaphore, #tpu.memory_space<semaphore_mem>>) src(%dma_wait3A_799 : memref<6656xi32, #tpu.memory_space<vmem_shared>>) dst(%arg9 : memref<6656xi32, #tpu.memory_space<vmem>>)
      tpu.yield
    }) : () -> ()
    %scan3A_760 = arith.constant 0 : i32
    %scan3A_761 = arith.constant 0 : i32
    %scan3A_762 = arith.constant 104 : i32
    %scan3A_763 = arith.addi %scan3A_761, %scan3A_762 : i32
    %scan3A_764 = arith.constant 1 : i32
    scf.for %scan3A_792 = %scan3A_761 to %scan3A_763 step %scan3A_764  : i32 {
      %mul3A_793 = arith.constant 4 : i32
      %mul3A_794 = arith.muli %scan3A_792, %mul3A_793 : i32
      %add3A_795 = arith.constant 0 : i32
      %add3A_796 = arith.addi %mul3A_794, %add3A_795 : i32
      %mul3A_797 = arith.constant 16 : i32
      %mul3A_798 = arith.muli %add3A_796, %mul3A_797 : i32
      %get3A = arith.index_cast %mul3A_798 : i32 to index
      %get3A_799 = tpu.vector_load %arg8[%get3A] {strides = array<i32>} : memref<6656xi32, #tpu.memory_space<vmem>>, vector<16xi32>,
      %mul3A_800 = arith.constant 16 : i32
      %mul3A_801 = arith.muli %add3A_796, %mul3A_800 : i32
      %get3A_802 = arith.index_cast %mul3A_801 : i32 to index
      %get3A_803 = tpu.vector_load %arg9[%get3A_802] {strides = array<i32>} : memref<6656xi32, #tpu.memory_space<vmem>>, vector<16xi32>,
      %mul3A_804 = arith.constant 128 : i32
      %mul3A_805 = vector.broadcast %mul3A_804 : i32 to vector<16xi32>
      %mul3A_806 = arith.muli %get3A_803, %mul3A_805 : vector<16xi32>
      %shift_right_arithmetic3A = arith.constant 8 : i32
      %shift_right_arithmetic3A_807 = vector.broadcast %shift_right_arithmetic3A : i32 to vector<16xi32>
      %shift_right_arithmetic3A_808 = arith.shrsi %get3A_799, %shift_right_arithmetic3A_807 : vector<16xi32>
      %and3A = arith.constant 255 : i32
      %and3A_809 = vector.broadcast %and3A : i32 to vector<16xi32>
      %and3A_810 = arith.andi %shift_right_arithmetic3A_808, %and3A_809 : vector<16xi32>
      %add3A_811 = arith.addi %mul3A_806, %and3A_810 : vector<16xi32>
      %mul3A_812 = arith.constant 16 : i32
      %mul3A_813 = arith.muli %add3A_796, %mul3A_812 : i32
      %add3A_814 = arith.constant 6656 : i32
      %add3A_815 = arith.addi %add3A_814, %mul3A_813 : i32
      %swap3A_816 = arith.index_cast %add3A_815 : i32 to index
      %swap3A_817 = tpu.vector_load %arg7[%swap3A_816] {strides = array<i32>} : memref<26624xi32, #tpu.memory_space<vmem>>, vector<16xi32>,
      tpu.vector_store %arg7[%swap3A_816], %add3A_811 {strides = array<i32>} : memref<26624xi32, #tpu.memory_space<vmem>>, vector<16xi32>,
      %mul3A_818 = arith.constant 4 : i32
      %mul3A_819 = arith.muli %scan3A_792, %mul3A_818 : i32
      %add3A_820 = arith.constant 1 : i32
      %add3A_821 = arith.addi %mul3A_819, %add3A_820 : i32
      %mul3A_822 = arith.constant 16 : i32
      %mul3A_823 = arith.muli %add3A_821, %mul3A_822 : i32
      %get3A_824 = arith.index_cast %mul3A_823 : i32 to index
      %get3A_825 = tpu.vector_load %arg8[%get3A_824] {strides = array<i32>} : memref<6656xi32, #tpu.memory_space<vmem>>, vector<16xi32>,
      %mul3A_826 = arith.constant 16 : i32
      %mul3A_827 = arith.muli %add3A_821, %mul3A_826 : i32
      %get3A_828 = arith.index_cast %mul3A_827 : i32 to index
      %get3A_829 = tpu.vector_load %arg9[%get3A_828] {strides = array<i32>} : memref<6656xi32, #tpu.memory_space<vmem>>, vector<16xi32>,
      %mul3A_830 = arith.constant 128 : i32
      %mul3A_831 = vector.broadcast %mul3A_830 : i32 to vector<16xi32>
      %mul3A_832 = arith.muli %get3A_829, %mul3A_831 : vector<16xi32>
      %shift_right_arithmetic3A_833 = arith.constant 8 : i32
      %shift_right_arithmetic3A_834 = vector.broadcast %shift_right_arithmetic3A_833 : i32 to vector<16xi32>
      %shift_right_arithmetic3A_835 = arith.shrsi %get3A_825, %shift_right_arithmetic3A_834 : vector<16xi32>
      %and3A_836 = arith.constant 255 : i32
      %and3A_837 = vector.broadcast %and3A_836 : i32 to vector<16xi32>
      %and3A_838 = arith.andi %shift_right_arithmetic3A_835, %and3A_837 : vector<16xi32>
      %add3A_839 = arith.addi %mul3A_832, %and3A_838 : vector<16xi32>
      %mul3A_840 = arith.constant 16 : i32
      %mul3A_841 = arith.muli %add3A_821, %mul3A_840 : i32
      %add3A_842 = arith.constant 6656 : i32
      %add3A_843 = arith.addi %add3A_842, %mul3A_841 : i32
      %swap3A_844 = arith.index_cast %add3A_843 : i32 to index
      %swap3A_845 = tpu.vector_load %arg7[%swap3A_844] {strides = array<i32>} : memref<26624xi32, #tpu.memory_space<vmem>>, vector<16xi32>,
      tpu.vector_store %arg7[%swap3A_844], %add3A_839 {strides = array<i32>} : memref<26624xi32, #tpu.memory_space<vmem>>, vector<16xi32>,
      %mul3A_846 = arith.constant 4 : i32
      %mul3A_847 = arith.muli %scan3A_792, %mul3A_846 : i32
      %add3A_848 = arith.constant 2 : i32
      %add3A_849 = arith.addi %mul3A_847, %add3A_848 : i32
      %mul3A_850 = arith.constant 16 : i32
      %mul3A_851 = arith.muli %add3A_849, %mul3A_850 : i32
      %get3A_852 = arith.index_cast %mul3A_851 : i32 to index
      %get3A_853 = tpu.vector_load %arg8[%get3A_852] {strides = array<i32>} : memref<6656xi32, #tpu.memory_space<vmem>>, vector<16xi32>,
      %mul3A_854 = arith.constant 16 : i32
      %mul3A_855 = arith.muli %add3A_849, %mul3A_854 : i32
      %get3A_856 = arith.index_cast %mul3A_855 : i32 to index
      %get3A_857 = tpu.vector_load %arg9[%get3A_856] {strides = array<i32>} : memref<6656xi32, #tpu.memory_space<vmem>>, vector<16xi32>,
      %mul3A_858 = arith.constant 128 : i32
      %mul3A_859 = vector.broadcast %mul3A_858 : i32 to vector<16xi32>
      %mul3A_860 = arith.muli %get3A_857, %mul3A_859 : vector<16xi32>
      %shift_right_arithmetic3A_861 = arith.constant 8 : i32
      %shift_right_arithmetic3A_862 = vector.broadcast %shift_right_arithmetic3A_861 : i32 to vector<16xi32>
      %shift_right_arithmetic3A_863 = arith.shrsi %get3A_853, %shift_right_arithmetic3A_862 : vector<16xi32>
      %and3A_864 = arith.constant 255 : i32
      %and3A_865 = vector.broadcast %and3A_864 : i32 to vector<16xi32>
      %and3A_866 = arith.andi %shift_right_arithmetic3A_863, %and3A_865 : vector<16xi32>
      %add3A_867 = arith.addi %mul3A_860, %and3A_866 : vector<16xi32>
      %mul3A_868 = arith.constant 16 : i32
      %mul3A_869 = arith.muli %add3A_849, %mul3A_868 : i32
      %add3A_870 = arith.constant 6656 : i32
      %add3A_871 = arith.addi %add3A_870, %mul3A_869 : i32
      %swap3A_872 = arith.index_cast %add3A_871 : i32 to index
      %swap3A_873 = tpu.vector_load %arg7[%swap3A_872] {strides = array<i32>} : memref<26624xi32, #tpu.memory_space<vmem>>, vector<16xi32>,
      tpu.vector_store %arg7[%swap3A_872], %add3A_867 {strides = array<i32>} : memref<26624xi32, #tpu.memory_space<vmem>>, vector<16xi32>,
      %mul3A_874 = arith.constant 4 : i32
      %mul3A_875 = arith.muli %scan3A_792, %mul3A_874 : i32
      %add3A_876 = arith.constant 3 : i32
      %add3A_877 = arith.addi %mul3A_875, %add3A_876 : i32
      %mul3A_878 = arith.constant 16 : i32
      %mul3A_879 = arith.muli %add3A_877, %mul3A_878 : i32
      %get3A_880 = arith.index_cast %mul3A_879 : i32 to index
      %get3A_881 = tpu.vector_load %arg8[%get3A_880] {strides = array<i32>} : memref<6656xi32, #tpu.memory_space<vmem>>, vector<16xi32>,
      %mul3A_882 = arith.constant 16 : i32
      %mul3A_883 = arith.muli %add3A_877, %mul3A_882 : i32
      %get3A_884 = arith.index_cast %mul3A_883 : i32 to index
      %get3A_885 = tpu.vector_load %arg9[%get3A_884] {strides = array<i32>} : memref<6656xi32, #tpu.memory_space<vmem>>, vector<16xi32>,
      %mul3A_886 = arith.constant 128 : i32
      %mul3A_887 = vector.broadcast %mul3A_886 : i32 to vector<16xi32>
      %mul3A_888 = arith.muli %get3A_885, %mul3A_887 : vector<16xi32>
      %shift_right_arithmetic3A_889 = arith.constant 8 : i32
      %shift_right_arithmetic3A_890 = vector.broadcast %shift_right_arithmetic3A_889 : i32 to vector<16xi32>
      %shift_right_arithmetic3A_891 = arith.shrsi %get3A_881, %shift_right_arithmetic3A_890 : vector<16xi32>
      %and3A_892 = arith.constant 255 : i32
      %and3A_893 = vector.broadcast %and3A_892 : i32 to vector<16xi32>
      %and3A_894 = arith.andi %shift_right_arithmetic3A_891, %and3A_893 : vector<16xi32>
      %add3A_895 = arith.addi %mul3A_888, %and3A_894 : vector<16xi32>
      %mul3A_896 = arith.constant 16 : i32
      %mul3A_897 = arith.muli %add3A_877, %mul3A_896 : i32
      %add3A_898 = arith.constant 6656 : i32
      %add3A_899 = arith.addi %add3A_898, %mul3A_897 : i32
      %swap3A_900 = arith.index_cast %add3A_899 : i32 to index
      %swap3A_901 = tpu.vector_load %arg7[%swap3A_900] {strides = array<i32>} : memref<26624xi32, #tpu.memory_space<vmem>>, vector<16xi32>,
      tpu.vector_store %arg7[%swap3A_900], %add3A_895 {strides = array<i32>} : memref<26624xi32, #tpu.memory_space<vmem>>, vector<16xi32>,
    }
    %scan3A_765 = arith.constant 104 : i32
    "tpu.region"() ({
      %run_scoped3A = tpu.sem_alloc : memref<!tpu.dma_semaphore, #tpu.memory_space<semaphore_mem>>
      %dma_start3A_792 = arith.constant 13312 : i32
      %dma_start3A_793 = tpu.memref_slice %arg21[%dma_start3A_792] : memref<26624xi32, #tpu.memory_space<vmem_shared>> -> memref<6656xi32, #tpu.memory_space<vmem_shared>>
      %dma_start3A_794 = arith.constant 13312 : i32
      %dma_start3A_795 = tpu.memref_slice %arg21[%dma_start3A_794] : memref<26624xi32, #tpu.memory_space<vmem_shared>> -> memref<6656xi32, #tpu.memory_space<vmem_shared>>
      tpu.enqueue_dma source(%dma_start3A_795 : memref<6656xi32, #tpu.memory_space<vmem_shared>>) target(%arg9 : memref<6656xi32, #tpu.memory_space<vmem>>) target_semaphore(%run_scoped3A : memref<!tpu.dma_semaphore, #tpu.memory_space<semaphore_mem>>)
      %dma_wait3A_796 = arith.constant 13312 : i32
      %dma_wait3A_797 = tpu.memref_slice %arg21[%dma_wait3A_796] : memref<26624xi32, #tpu.memory_space<vmem_shared>> -> memref<6656xi32, #tpu.memory_space<vmem_shared>>
      %dma_wait3A_798 = arith.constant 13312 : i32
      %dma_wait3A_799 = tpu.memref_slice %arg21[%dma_wait3A_798] : memref<26624xi32, #tpu.memory_space<vmem_shared>> -> memref<6656xi32, #tpu.memory_space<vmem_shared>>
      tpu.wait_dma2 semaphore(%run_scoped3A : memref<!tpu.dma_semaphore, #tpu.memory_space<semaphore_mem>>) src(%dma_wait3A_799 : memref<6656xi32, #tpu.memory_space<vmem_shared>>) dst(%arg9 : memref<6656xi32, #tpu.memory_space<vmem>>)
      tpu.yield
    }) : () -> ()
    %scan3A_766 = arith.constant 0 : i32
    %scan3A_767 = arith.constant 0 : i32
    %scan3A_768 = arith.constant 104 : i32
    %scan3A_769 = arith.addi %scan3A_767, %scan3A_768 : i32
    %scan3A_770 = arith.constant 1 : i32
    scf.for %scan3A_792 = %scan3A_767 to %scan3A_769 step %scan3A_770  : i32 {
      %mul3A_793 = arith.constant 4 : i32
      %mul3A_794 = arith.muli %scan3A_792, %mul3A_793 : i32
      %add3A_795 = arith.constant 0 : i32
      %add3A_796 = arith.addi %mul3A_794, %add3A_795 : i32
      %mul3A_797 = arith.constant 16 : i32
      %mul3A_798 = arith.muli %add3A_796, %mul3A_797 : i32
      %get3A = arith.index_cast %mul3A_798 : i32 to index
      %get3A_799 = tpu.vector_load %arg8[%get3A] {strides = array<i32>} : memref<6656xi32, #tpu.memory_space<vmem>>, vector<16xi32>,
      %mul3A_800 = arith.constant 16 : i32
      %mul3A_801 = arith.muli %add3A_796, %mul3A_800 : i32
      %get3A_802 = arith.index_cast %mul3A_801 : i32 to index
      %get3A_803 = tpu.vector_load %arg9[%get3A_802] {strides = array<i32>} : memref<6656xi32, #tpu.memory_space<vmem>>, vector<16xi32>,
      %mul3A_804 = arith.constant 128 : i32
      %mul3A_805 = vector.broadcast %mul3A_804 : i32 to vector<16xi32>
      %mul3A_806 = arith.muli %get3A_803, %mul3A_805 : vector<16xi32>
      %shift_right_arithmetic3A = arith.constant 16 : i32
      %shift_right_arithmetic3A_807 = vector.broadcast %shift_right_arithmetic3A : i32 to vector<16xi32>
      %shift_right_arithmetic3A_808 = arith.shrsi %get3A_799, %shift_right_arithmetic3A_807 : vector<16xi32>
      %and3A = arith.constant 255 : i32
      %and3A_809 = vector.broadcast %and3A : i32 to vector<16xi32>
      %and3A_810 = arith.andi %shift_right_arithmetic3A_808, %and3A_809 : vector<16xi32>
      %add3A_811 = arith.addi %mul3A_806, %and3A_810 : vector<16xi32>
      %mul3A_812 = arith.constant 16 : i32
      %mul3A_813 = arith.muli %add3A_796, %mul3A_812 : i32
      %add3A_814 = arith.constant 13312 : i32
      %add3A_815 = arith.addi %add3A_814, %mul3A_813 : i32
      %swap3A_816 = arith.index_cast %add3A_815 : i32 to index
      %swap3A_817 = tpu.vector_load %arg7[%swap3A_816] {strides = array<i32>} : memref<26624xi32, #tpu.memory_space<vmem>>, vector<16xi32>,
      tpu.vector_store %arg7[%swap3A_816], %add3A_811 {strides = array<i32>} : memref<26624xi32, #tpu.memory_space<vmem>>, vector<16xi32>,
      %mul3A_818 = arith.constant 4 : i32
      %mul3A_819 = arith.muli %scan3A_792, %mul3A_818 : i32
      %add3A_820 = arith.constant 1 : i32
      %add3A_821 = arith.addi %mul3A_819, %add3A_820 : i32
      %mul3A_822 = arith.constant 16 : i32
      %mul3A_823 = arith.muli %add3A_821, %mul3A_822 : i32
      %get3A_824 = arith.index_cast %mul3A_823 : i32 to index
      %get3A_825 = tpu.vector_load %arg8[%get3A_824] {strides = array<i32>} : memref<6656xi32, #tpu.memory_space<vmem>>, vector<16xi32>,
      %mul3A_826 = arith.constant 16 : i32
      %mul3A_827 = arith.muli %add3A_821, %mul3A_826 : i32
      %get3A_828 = arith.index_cast %mul3A_827 : i32 to index
      %get3A_829 = tpu.vector_load %arg9[%get3A_828] {strides = array<i32>} : memref<6656xi32, #tpu.memory_space<vmem>>, vector<16xi32>,
      %mul3A_830 = arith.constant 128 : i32
      %mul3A_831 = vector.broadcast %mul3A_830 : i32 to vector<16xi32>
      %mul3A_832 = arith.muli %get3A_829, %mul3A_831 : vector<16xi32>
      %shift_right_arithmetic3A_833 = arith.constant 16 : i32
      %shift_right_arithmetic3A_834 = vector.broadcast %shift_right_arithmetic3A_833 : i32 to vector<16xi32>
      %shift_right_arithmetic3A_835 = arith.shrsi %get3A_825, %shift_right_arithmetic3A_834 : vector<16xi32>
      %and3A_836 = arith.constant 255 : i32
      %and3A_837 = vector.broadcast %and3A_836 : i32 to vector<16xi32>
      %and3A_838 = arith.andi %shift_right_arithmetic3A_835, %and3A_837 : vector<16xi32>
      %add3A_839 = arith.addi %mul3A_832, %and3A_838 : vector<16xi32>
      %mul3A_840 = arith.constant 16 : i32
      %mul3A_841 = arith.muli %add3A_821, %mul3A_840 : i32
      %add3A_842 = arith.constant 13312 : i32
      %add3A_843 = arith.addi %add3A_842, %mul3A_841 : i32
      %swap3A_844 = arith.index_cast %add3A_843 : i32 to index
      %swap3A_845 = tpu.vector_load %arg7[%swap3A_844] {strides = array<i32>} : memref<26624xi32, #tpu.memory_space<vmem>>, vector<16xi32>,
      tpu.vector_store %arg7[%swap3A_844], %add3A_839 {strides = array<i32>} : memref<26624xi32, #tpu.memory_space<vmem>>, vector<16xi32>,
      %mul3A_846 = arith.constant 4 : i32
      %mul3A_847 = arith.muli %scan3A_792, %mul3A_846 : i32
      %add3A_848 = arith.constant 2 : i32
      %add3A_849 = arith.addi %mul3A_847, %add3A_848 : i32
      %mul3A_850 = arith.constant 16 : i32
      %mul3A_851 = arith.muli %add3A_849, %mul3A_850 : i32
      %get3A_852 = arith.index_cast %mul3A_851 : i32 to index
      %get3A_853 = tpu.vector_load %arg8[%get3A_852] {strides = array<i32>} : memref<6656xi32, #tpu.memory_space<vmem>>, vector<16xi32>,
      %mul3A_854 = arith.constant 16 : i32
      %mul3A_855 = arith.muli %add3A_849, %mul3A_854 : i32
      %get3A_856 = arith.index_cast %mul3A_855 : i32 to index
      %get3A_857 = tpu.vector_load %arg9[%get3A_856] {strides = array<i32>} : memref<6656xi32, #tpu.memory_space<vmem>>, vector<16xi32>,
      %mul3A_858 = arith.constant 128 : i32
      %mul3A_859 = vector.broadcast %mul3A_858 : i32 to vector<16xi32>
      %mul3A_860 = arith.muli %get3A_857, %mul3A_859 : vector<16xi32>
      %shift_right_arithmetic3A_861 = arith.constant 16 : i32
      %shift_right_arithmetic3A_862 = vector.broadcast %shift_right_arithmetic3A_861 : i32 to vector<16xi32>
      %shift_right_arithmetic3A_863 = arith.shrsi %get3A_853, %shift_right_arithmetic3A_862 : vector<16xi32>
      %and3A_864 = arith.constant 255 : i32
      %and3A_865 = vector.broadcast %and3A_864 : i32 to vector<16xi32>
      %and3A_866 = arith.andi %shift_right_arithmetic3A_863, %and3A_865 : vector<16xi32>
      %add3A_867 = arith.addi %mul3A_860, %and3A_866 : vector<16xi32>
      %mul3A_868 = arith.constant 16 : i32
      %mul3A_869 = arith.muli %add3A_849, %mul3A_868 : i32
      %add3A_870 = arith.constant 13312 : i32
      %add3A_871 = arith.addi %add3A_870, %mul3A_869 : i32
      %swap3A_872 = arith.index_cast %add3A_871 : i32 to index
      %swap3A_873 = tpu.vector_load %arg7[%swap3A_872] {strides = array<i32>} : memref<26624xi32, #tpu.memory_space<vmem>>, vector<16xi32>,
      tpu.vector_store %arg7[%swap3A_872], %add3A_867 {strides = array<i32>} : memref<26624xi32, #tpu.memory_space<vmem>>, vector<16xi32>,
      %mul3A_874 = arith.constant 4 : i32
      %mul3A_875 = arith.muli %scan3A_792, %mul3A_874 : i32
      %add3A_876 = arith.constant 3 : i32
      %add3A_877 = arith.addi %mul3A_875, %add3A_876 : i32
      %mul3A_878 = arith.constant 16 : i32
      %mul3A_879 = arith.muli %add3A_877, %mul3A_878 : i32
      %get3A_880 = arith.index_cast %mul3A_879 : i32 to index
      %get3A_881 = tpu.vector_load %arg8[%get3A_880] {strides = array<i32>} : memref<6656xi32, #tpu.memory_space<vmem>>, vector<16xi32>,
      %mul3A_882 = arith.constant 16 : i32
      %mul3A_883 = arith.muli %add3A_877, %mul3A_882 : i32
      %get3A_884 = arith.index_cast %mul3A_883 : i32 to index
      %get3A_885 = tpu.vector_load %arg9[%get3A_884] {strides = array<i32>} : memref<6656xi32, #tpu.memory_space<vmem>>, vector<16xi32>,
      %mul3A_886 = arith.constant 128 : i32
      %mul3A_887 = vector.broadcast %mul3A_886 : i32 to vector<16xi32>
      %mul3A_888 = arith.muli %get3A_885, %mul3A_887 : vector<16xi32>
      %shift_right_arithmetic3A_889 = arith.constant 16 : i32
      %shift_right_arithmetic3A_890 = vector.broadcast %shift_right_arithmetic3A_889 : i32 to vector<16xi32>
      %shift_right_arithmetic3A_891 = arith.shrsi %get3A_881, %shift_right_arithmetic3A_890 : vector<16xi32>
      %and3A_892 = arith.constant 255 : i32
      %and3A_893 = vector.broadcast %and3A_892 : i32 to vector<16xi32>
      %and3A_894 = arith.andi %shift_right_arithmetic3A_891, %and3A_893 : vector<16xi32>
      %add3A_895 = arith.addi %mul3A_888, %and3A_894 : vector<16xi32>
      %mul3A_896 = arith.constant 16 : i32
      %mul3A_897 = arith.muli %add3A_877, %mul3A_896 : i32
      %add3A_898 = arith.constant 13312 : i32
      %add3A_899 = arith.addi %add3A_898, %mul3A_897 : i32
      %swap3A_900 = arith.index_cast %add3A_899 : i32 to index
      %swap3A_901 = tpu.vector_load %arg7[%swap3A_900] {strides = array<i32>} : memref<26624xi32, #tpu.memory_space<vmem>>, vector<16xi32>,
      tpu.vector_store %arg7[%swap3A_900], %add3A_895 {strides = array<i32>} : memref<26624xi32, #tpu.memory_space<vmem>>, vector<16xi32>,
    }
    %scan3A_771 = arith.constant 104 : i32
    "tpu.region"() ({
      %run_scoped3A = tpu.sem_alloc : memref<!tpu.dma_semaphore, #tpu.memory_space<semaphore_mem>>
      %dma_start3A_792 = arith.constant 19968 : i32
      %dma_start3A_793 = tpu.memref_slice %arg21[%dma_start3A_792] : memref<26624xi32, #tpu.memory_space<vmem_shared>> -> memref<6656xi32, #tpu.memory_space<vmem_shared>>
      %dma_start3A_794 = arith.constant 19968 : i32
      %dma_start3A_795 = tpu.memref_slice %arg21[%dma_start3A_794] : memref<26624xi32, #tpu.memory_space<vmem_shared>> -> memref<6656xi32, #tpu.memory_space<vmem_shared>>
      tpu.enqueue_dma source(%dma_start3A_795 : memref<6656xi32, #tpu.memory_space<vmem_shared>>) target(%arg9 : memref<6656xi32, #tpu.memory_space<vmem>>) target_semaphore(%run_scoped3A : memref<!tpu.dma_semaphore, #tpu.memory_space<semaphore_mem>>)
      %dma_wait3A_796 = arith.constant 19968 : i32
      %dma_wait3A_797 = tpu.memref_slice %arg21[%dma_wait3A_796] : memref<26624xi32, #tpu.memory_space<vmem_shared>> -> memref<6656xi32, #tpu.memory_space<vmem_shared>>
      %dma_wait3A_798 = arith.constant 19968 : i32
      %dma_wait3A_799 = tpu.memref_slice %arg21[%dma_wait3A_798] : memref<26624xi32, #tpu.memory_space<vmem_shared>> -> memref<6656xi32, #tpu.memory_space<vmem_shared>>
      tpu.wait_dma2 semaphore(%run_scoped3A : memref<!tpu.dma_semaphore, #tpu.memory_space<semaphore_mem>>) src(%dma_wait3A_799 : memref<6656xi32, #tpu.memory_space<vmem_shared>>) dst(%arg9 : memref<6656xi32, #tpu.memory_space<vmem>>)
      tpu.yield
    }) : () -> ()
    %scan3A_772 = arith.constant 0 : i32
    %scan3A_773 = arith.constant 0 : i32
    %scan3A_774 = arith.constant 104 : i32
    %scan3A_775 = arith.addi %scan3A_773, %scan3A_774 : i32
    %scan3A_776 = arith.constant 1 : i32
    scf.for %scan3A_792 = %scan3A_773 to %scan3A_775 step %scan3A_776  : i32 {
      %mul3A_793 = arith.constant 4 : i32
      %mul3A_794 = arith.muli %scan3A_792, %mul3A_793 : i32
      %add3A_795 = arith.constant 0 : i32
      %add3A_796 = arith.addi %mul3A_794, %add3A_795 : i32
      %mul3A_797 = arith.constant 16 : i32
      %mul3A_798 = arith.muli %add3A_796, %mul3A_797 : i32
      %get3A = arith.index_cast %mul3A_798 : i32 to index
      %get3A_799 = tpu.vector_load %arg8[%get3A] {strides = array<i32>} : memref<6656xi32, #tpu.memory_space<vmem>>, vector<16xi32>,
      %mul3A_800 = arith.constant 16 : i32
      %mul3A_801 = arith.muli %add3A_796, %mul3A_800 : i32
      %get3A_802 = arith.index_cast %mul3A_801 : i32 to index
      %get3A_803 = tpu.vector_load %arg9[%get3A_802] {strides = array<i32>} : memref<6656xi32, #tpu.memory_space<vmem>>, vector<16xi32>,
      %mul3A_804 = arith.constant 128 : i32
      %mul3A_805 = vector.broadcast %mul3A_804 : i32 to vector<16xi32>
      %mul3A_806 = arith.muli %get3A_803, %mul3A_805 : vector<16xi32>
      %shift_right_arithmetic3A = arith.constant 24 : i32
      %shift_right_arithmetic3A_807 = vector.broadcast %shift_right_arithmetic3A : i32 to vector<16xi32>
      %shift_right_arithmetic3A_808 = arith.shrsi %get3A_799, %shift_right_arithmetic3A_807 : vector<16xi32>
      %and3A = arith.constant 255 : i32
      %and3A_809 = vector.broadcast %and3A : i32 to vector<16xi32>
      %and3A_810 = arith.andi %shift_right_arithmetic3A_808, %and3A_809 : vector<16xi32>
      %add3A_811 = arith.addi %mul3A_806, %and3A_810 : vector<16xi32>
      %mul3A_812 = arith.constant 16 : i32
      %mul3A_813 = arith.muli %add3A_796, %mul3A_812 : i32
      %add3A_814 = arith.constant 19968 : i32
      %add3A_815 = arith.addi %add3A_814, %mul3A_813 : i32
      %swap3A_816 = arith.index_cast %add3A_815 : i32 to index
      %swap3A_817 = tpu.vector_load %arg7[%swap3A_816] {strides = array<i32>} : memref<26624xi32, #tpu.memory_space<vmem>>, vector<16xi32>,
      tpu.vector_store %arg7[%swap3A_816], %add3A_811 {strides = array<i32>} : memref<26624xi32, #tpu.memory_space<vmem>>, vector<16xi32>,
      %mul3A_818 = arith.constant 4 : i32
      %mul3A_819 = arith.muli %scan3A_792, %mul3A_818 : i32
      %add3A_820 = arith.constant 1 : i32
      %add3A_821 = arith.addi %mul3A_819, %add3A_820 : i32
      %mul3A_822 = arith.constant 16 : i32
      %mul3A_823 = arith.muli %add3A_821, %mul3A_822 : i32
      %get3A_824 = arith.index_cast %mul3A_823 : i32 to index
      %get3A_825 = tpu.vector_load %arg8[%get3A_824] {strides = array<i32>} : memref<6656xi32, #tpu.memory_space<vmem>>, vector<16xi32>,
      %mul3A_826 = arith.constant 16 : i32
      %mul3A_827 = arith.muli %add3A_821, %mul3A_826 : i32
      %get3A_828 = arith.index_cast %mul3A_827 : i32 to index
      %get3A_829 = tpu.vector_load %arg9[%get3A_828] {strides = array<i32>} : memref<6656xi32, #tpu.memory_space<vmem>>, vector<16xi32>,
      %mul3A_830 = arith.constant 128 : i32
      %mul3A_831 = vector.broadcast %mul3A_830 : i32 to vector<16xi32>
      %mul3A_832 = arith.muli %get3A_829, %mul3A_831 : vector<16xi32>
      %shift_right_arithmetic3A_833 = arith.constant 24 : i32
      %shift_right_arithmetic3A_834 = vector.broadcast %shift_right_arithmetic3A_833 : i32 to vector<16xi32>
      %shift_right_arithmetic3A_835 = arith.shrsi %get3A_825, %shift_right_arithmetic3A_834 : vector<16xi32>
      %and3A_836 = arith.constant 255 : i32
      %and3A_837 = vector.broadcast %and3A_836 : i32 to vector<16xi32>
      %and3A_838 = arith.andi %shift_right_arithmetic3A_835, %and3A_837 : vector<16xi32>
      %add3A_839 = arith.addi %mul3A_832, %and3A_838 : vector<16xi32>
      %mul3A_840 = arith.constant 16 : i32
      %mul3A_841 = arith.muli %add3A_821, %mul3A_840 : i32
      %add3A_842 = arith.constant 19968 : i32
      %add3A_843 = arith.addi %add3A_842, %mul3A_841 : i32
      %swap3A_844 = arith.index_cast %add3A_843 : i32 to index
      %swap3A_845 = tpu.vector_load %arg7[%swap3A_844] {strides = array<i32>} : memref<26624xi32, #tpu.memory_space<vmem>>, vector<16xi32>,
      tpu.vector_store %arg7[%swap3A_844], %add3A_839 {strides = array<i32>} : memref<26624xi32, #tpu.memory_space<vmem>>, vector<16xi32>,
      %mul3A_846 = arith.constant 4 : i32
      %mul3A_847 = arith.muli %scan3A_792, %mul3A_846 : i32
      %add3A_848 = arith.constant 2 : i32
      %add3A_849 = arith.addi %mul3A_847, %add3A_848 : i32
      %mul3A_850 = arith.constant 16 : i32
      %mul3A_851 = arith.muli %add3A_849, %mul3A_850 : i32
      %get3A_852 = arith.index_cast %mul3A_851 : i32 to index
      %get3A_853 = tpu.vector_load %arg8[%get3A_852] {strides = array<i32>} : memref<6656xi32, #tpu.memory_space<vmem>>, vector<16xi32>,
      %mul3A_854 = arith.constant 16 : i32
      %mul3A_855 = arith.muli %add3A_849, %mul3A_854 : i32
      %get3A_856 = arith.index_cast %mul3A_855 : i32 to index
      %get3A_857 = tpu.vector_load %arg9[%get3A_856] {strides = array<i32>} : memref<6656xi32, #tpu.memory_space<vmem>>, vector<16xi32>,
      %mul3A_858 = arith.constant 128 : i32
      %mul3A_859 = vector.broadcast %mul3A_858 : i32 to vector<16xi32>
      %mul3A_860 = arith.muli %get3A_857, %mul3A_859 : vector<16xi32>
      %shift_right_arithmetic3A_861 = arith.constant 24 : i32
      %shift_right_arithmetic3A_862 = vector.broadcast %shift_right_arithmetic3A_861 : i32 to vector<16xi32>
      %shift_right_arithmetic3A_863 = arith.shrsi %get3A_853, %shift_right_arithmetic3A_862 : vector<16xi32>
      %and3A_864 = arith.constant 255 : i32
      %and3A_865 = vector.broadcast %and3A_864 : i32 to vector<16xi32>
      %and3A_866 = arith.andi %shift_right_arithmetic3A_863, %and3A_865 : vector<16xi32>
      %add3A_867 = arith.addi %mul3A_860, %and3A_866 : vector<16xi32>
      %mul3A_868 = arith.constant 16 : i32
      %mul3A_869 = arith.muli %add3A_849, %mul3A_868 : i32
      %add3A_870 = arith.constant 19968 : i32
      %add3A_871 = arith.addi %add3A_870, %mul3A_869 : i32
      %swap3A_872 = arith.index_cast %add3A_871 : i32 to index
      %swap3A_873 = tpu.vector_load %arg7[%swap3A_872] {strides = array<i32>} : memref<26624xi32, #tpu.memory_space<vmem>>, vector<16xi32>,
      tpu.vector_store %arg7[%swap3A_872], %add3A_867 {strides = array<i32>} : memref<26624xi32, #tpu.memory_space<vmem>>, vector<16xi32>,
      %mul3A_874 = arith.constant 4 : i32
      %mul3A_875 = arith.muli %scan3A_792, %mul3A_874 : i32
      %add3A_876 = arith.constant 3 : i32
      %add3A_877 = arith.addi %mul3A_875, %add3A_876 : i32
      %mul3A_878 = arith.constant 16 : i32
      %mul3A_879 = arith.muli %add3A_877, %mul3A_878 : i32
      %get3A_880 = arith.index_cast %mul3A_879 : i32 to index
      %get3A_881 = tpu.vector_load %arg8[%get3A_880] {strides = array<i32>} : memref<6656xi32, #tpu.memory_space<vmem>>, vector<16xi32>,
      %mul3A_882 = arith.constant 16 : i32
      %mul3A_883 = arith.muli %add3A_877, %mul3A_882 : i32
      %get3A_884 = arith.index_cast %mul3A_883 : i32 to index
      %get3A_885 = tpu.vector_load %arg9[%get3A_884] {strides = array<i32>} : memref<6656xi32, #tpu.memory_space<vmem>>, vector<16xi32>,
      %mul3A_886 = arith.constant 128 : i32
      %mul3A_887 = vector.broadcast %mul3A_886 : i32 to vector<16xi32>
      %mul3A_888 = arith.muli %get3A_885, %mul3A_887 : vector<16xi32>
      %shift_right_arithmetic3A_889 = arith.constant 24 : i32
      %shift_right_arithmetic3A_890 = vector.broadcast %shift_right_arithmetic3A_889 : i32 to vector<16xi32>
      %shift_right_arithmetic3A_891 = arith.shrsi %get3A_881, %shift_right_arithmetic3A_890 : vector<16xi32>
      %and3A_892 = arith.constant 255 : i32
      %and3A_893 = vector.broadcast %and3A_892 : i32 to vector<16xi32>
      %and3A_894 = arith.andi %shift_right_arithmetic3A_891, %and3A_893 : vector<16xi32>
      %add3A_895 = arith.addi %mul3A_888, %and3A_894 : vector<16xi32>
      %mul3A_896 = arith.constant 16 : i32
      %mul3A_897 = arith.muli %add3A_877, %mul3A_896 : i32
      %add3A_898 = arith.constant 19968 : i32
      %add3A_899 = arith.addi %add3A_898, %mul3A_897 : i32
      %swap3A_900 = arith.index_cast %add3A_899 : i32 to index
      %swap3A_901 = tpu.vector_load %arg7[%swap3A_900] {strides = array<i32>} : memref<26624xi32, #tpu.memory_space<vmem>>, vector<16xi32>,
      tpu.vector_store %arg7[%swap3A_900], %add3A_895 {strides = array<i32>} : memref<26624xi32, #tpu.memory_space<vmem>>, vector<16xi32>,
    }
    %scan3A_777 = arith.constant 104 : i32
    %mul3A_778 = arith.constant 12544 : i32
    %mul3A_779 = arith.muli %arg1, %mul3A_778 : i32
    %add3A_780 = arith.constant 0 : i32
    %add3A_781 = arith.addi %mul3A_779, %add3A_780 : i32
    %dma_start3A_782 = arith.constant 0 : i32
    %dma_start3A_783 = tpu.memref_slice %arg2[%add3A_781, %dma_start3A_782] : memref<200704x8xf32, #tpu.memory_space<hbm>> -> memref<784x8xf32, #tpu.memory_space<hbm>>
    %dma_start3A_784 = arith.constant 0 : i32
    %dma_start3A_785 = tpu.memref_slice %arg2[%add3A_781, %dma_start3A_784] : memref<200704x8xf32, #tpu.memory_space<hbm>> -> memref<784x8xf32, #tpu.memory_space<hbm>>
    tpu.enqueue_dma source(%dma_start3A_785 : memref<784x8xf32, #tpu.memory_space<hbm>>) target(%arg10 : memref<784x8xf32, #tpu.memory_space<vmem>>) target_semaphore(%arg24 : memref<!tpu.dma_semaphore, #tpu.memory_space<semaphore_mem>>)
    %scan3A_786 = arith.constant 0 : i32
    %scan3A_787 = arith.constant 0 : i32
    %scan3A_788 = arith.constant 8 : i32
    %scan3A_789 = arith.addi %scan3A_787, %scan3A_788 : i32
    %scan3A_790 = arith.constant 1 : i32
    scf.for %scan3A_792 = %scan3A_787 to %scan3A_789 step %scan3A_790  : i32 {
      %mul3A_793 = arith.constant 2 : i32
      %mul3A_794 = arith.muli %scan3A_792, %mul3A_793 : i32
      %add3A_795 = arith.constant 1 : i32
      %add3A_796 = arith.addi %mul3A_794, %add3A_795 : i32
      %mul3A_797 = arith.constant 12544 : i32
      %mul3A_798 = arith.muli %arg1, %mul3A_797 : i32
      %mul3A_799 = arith.constant 784 : i32
      %mul3A_800 = arith.muli %add3A_796, %mul3A_799 : i32
      %add3A_801 = arith.addi %mul3A_798, %mul3A_800 : i32
      %dma_start3A_802 = arith.constant 0 : i32
      %dma_start3A_803 = tpu.memref_slice %arg2[%add3A_801, %dma_start3A_802] : memref<200704x8xf32, #tpu.memory_space<hbm>> -> memref<784x8xf32, #tpu.memory_space<hbm>>
      %dma_start3A_804 = arith.constant 0 : i32
      %dma_start3A_805 = tpu.memref_slice %arg2[%add3A_801, %dma_start3A_804] : memref<200704x8xf32, #tpu.memory_space<hbm>> -> memref<784x8xf32, #tpu.memory_space<hbm>>
      tpu.enqueue_dma source(%dma_start3A_805 : memref<784x8xf32, #tpu.memory_space<hbm>>) target(%arg11 : memref<784x8xf32, #tpu.memory_space<vmem>>) target_semaphore(%arg25 : memref<!tpu.dma_semaphore, #tpu.memory_space<semaphore_mem>>)
      %mul3A_806 = arith.constant 12544 : i32
      %mul3A_807 = arith.muli %arg1, %mul3A_806 : i32
      %add3A_808 = arith.constant 0 : i32
      %add3A_809 = arith.addi %mul3A_807, %add3A_808 : i32
      %dma_wait3A_810 = arith.constant 0 : i32
      %dma_wait3A_811 = tpu.memref_slice %arg2[%add3A_809, %dma_wait3A_810] : memref<200704x8xf32, #tpu.memory_space<hbm>> -> memref<784x8xf32, #tpu.memory_space<hbm>>
      %dma_wait3A_812 = arith.constant 0 : i32
      %dma_wait3A_813 = tpu.memref_slice %arg2[%add3A_809, %dma_wait3A_812] : memref<200704x8xf32, #tpu.memory_space<hbm>> -> memref<784x8xf32, #tpu.memory_space<hbm>>
      tpu.wait_dma2 semaphore(%arg24 : memref<!tpu.dma_semaphore, #tpu.memory_space<semaphore_mem>>) src(%dma_wait3A_813 : memref<784x8xf32, #tpu.memory_space<hbm>>) dst(%arg10 : memref<784x8xf32, #tpu.memory_space<vmem>>)
      %parallel_loop3A = arith.constant 0 : i32
      %parallel_loop3A_814 = arith.constant 49 : i32
      %parallel_loop3A_815 = arith.constant 1 : i32
      scf.for %parallel_loop3A_844 = %parallel_loop3A to %parallel_loop3A_814 step %parallel_loop3A_815  : i32 {
        %parallel_loop3A_845 = arith.constant 49 : i32
        %parallel_loop3A_846 = arith.muli %mul3A_794, %parallel_loop3A_845 : i32
        %parallel_loop3A_847 = arith.addi %parallel_loop3A_846, %parallel_loop3A_844 : i32
        %parallel_loop3A_848 = arith.constant 16 : i32
        %parallel_loop3A_849 = arith.muli %parallel_loop3A_847, %parallel_loop3A_848 : i32
        %parallel_loop3A_850 = arith.index_cast %parallel_loop3A_849 : i32 to index
        %parallel_loop3A_851 = tpu.vector_load %arg12[%parallel_loop3A_850] {strides = array<i32>} : memref<12544xi32, #tpu.memory_space<vmem>>, vector<16xi32>,
        %parallel_loop3A_852 = arith.constant 14 : i32
        %parallel_loop3A_853 = vector.broadcast %parallel_loop3A_852 : i32 to vector<16xi32>
        %parallel_loop3A_854 = arith.shrui %parallel_loop3A_851, %parallel_loop3A_853 : vector<16xi32>
        %parallel_loop3A_855 = arith.constant 16383 : i32
        %parallel_loop3A_856 = vector.broadcast %parallel_loop3A_855 : i32 to vector<16xi32>
        %parallel_loop3A_857 = arith.andi %parallel_loop3A_851, %parallel_loop3A_856 : vector<16xi32>
        %parallel_loop3A_858 = arith.constant 3 : i32
        %parallel_loop3A_859 = vector.broadcast %parallel_loop3A_858 : i32 to vector<16xi32>
        %parallel_loop3A_860 = arith.andi %parallel_loop3A_854, %parallel_loop3A_859 : vector<16xi32>
        %parallel_loop3A_861 = arith.constant 6656 : i32
        %parallel_loop3A_862 = vector.broadcast %parallel_loop3A_861 : i32 to vector<16xi32>
        %parallel_loop3A_863 = arith.muli %parallel_loop3A_860, %parallel_loop3A_862 : vector<16xi32>
        %parallel_loop3A_864 = arith.constant 2 : i32
        %parallel_loop3A_865 = vector.broadcast %parallel_loop3A_864 : i32 to vector<16xi32>
        %parallel_loop3A_866 = arith.shrsi %parallel_loop3A_854, %parallel_loop3A_865 : vector<16xi32>
        %parallel_loop3A_867 = arith.addi %parallel_loop3A_863, %parallel_loop3A_866 : vector<16xi32>
        %parallel_loop3A_868 = tpu.vector_load_idx %arg7[%parallel_loop3A_867] : memref<26624xi32, #tpu.memory_space<vmem>>[vector<16xi32>], vector<16xi32>,
        %parallel_loop3A_869 = arith.constant 127 : i32
        %parallel_loop3A_870 = vector.broadcast %parallel_loop3A_869 : i32 to vector<16xi32>
        %parallel_loop3A_871 = arith.andi %parallel_loop3A_868, %parallel_loop3A_870 : vector<16xi32>
        %parallel_loop3A_872 = arith.addi %parallel_loop3A_871, %parallel_loop3A_857 : vector<16xi32>
        %parallel_loop3A_873 = arith.constant 7 : i32
        %parallel_loop3A_874 = vector.broadcast %parallel_loop3A_873 : i32 to vector<16xi32>
        %parallel_loop3A_875 = arith.shrui %parallel_loop3A_868, %parallel_loop3A_874 : vector<16xi32>
        %parallel_loop3A_876 = arith.constant 25000 : i32
        %parallel_loop3A_877 = vector.broadcast %parallel_loop3A_876 : i32 to vector<16xi32>
        %parallel_loop3A_878 = arith.cmpi slt, %parallel_loop3A_854, %parallel_loop3A_877 : vector<16xi32>
        %parallel_loop3A_879 = arith.constant 5 : i32
        %parallel_loop3A_880 = vector.broadcast %parallel_loop3A_879 : i32 to vector<16xi32>
        %parallel_loop3A_881 = arith.cmpi slt, %parallel_loop3A_872, %parallel_loop3A_880 : vector<16xi32>
        %parallel_loop3A_882 = arith.andi %parallel_loop3A_878, %parallel_loop3A_881 : vector<16xi1>
        %parallel_loop3A_883 = arith.constant 16000 : i32
        %parallel_loop3A_884 = vector.broadcast %parallel_loop3A_883 : i32 to vector<16xi32>
        %parallel_loop3A_885 = arith.cmpi slt, %parallel_loop3A_875, %parallel_loop3A_884 : vector<16xi32>
        %parallel_loop3A_886 = arith.andi %parallel_loop3A_882, %parallel_loop3A_885 : vector<16xi1>
        %parallel_loop3A_887 = arith.constant 5 : i32
        %parallel_loop3A_888 = vector.broadcast %parallel_loop3A_887 : i32 to vector<16xi32>
        %parallel_loop3A_889 = arith.muli %parallel_loop3A_875, %parallel_loop3A_888 : vector<16xi32>
        %parallel_loop3A_890 = arith.addi %parallel_loop3A_889, %parallel_loop3A_872 : vector<16xi32>
        %parallel_loop3A_891 = arith.constant 16 : i32
        %parallel_loop3A_892 = arith.muli %parallel_loop3A_844, %parallel_loop3A_891 : i32
        %parallel_loop3A_893 = arith.constant 80000 : i32
        %parallel_loop3A_894 = arith.addi %parallel_loop3A_893, %parallel_loop3A_892 : i32
        %parallel_loop3A_895 = vector.broadcast %parallel_loop3A_894 : i32 to vector<16xi32>
        %parallel_loop3A_896 = arith.addi %parallel_loop3A_895, %iota3A : vector<16xi32>
        %parallel_loop3A_897 = arith.select %parallel_loop3A_886, %parallel_loop3A_890, %parallel_loop3A_896 : vector<16xi1>, vector<16xi32>
        %parallel_loop3A_898 = arith.constant 16 : i32
        %parallel_loop3A_899 = arith.muli %parallel_loop3A_844, %parallel_loop3A_898 : i32
        %parallel_loop3A_900 = arith.index_cast %parallel_loop3A_899 : i32 to index
        %parallel_loop3A_901 = tpu.vector_load %arg19[%parallel_loop3A_900] {strides = array<i32>} : memref<784xi32, #tpu.memory_space<vmem>>, vector<16xi32>,
        tpu.vector_store %arg19[%parallel_loop3A_900], %parallel_loop3A_897 {strides = array<i32>} : memref<784xi32, #tpu.memory_space<vmem>>, vector<16xi32>,
      } {sc.loop_unroll_factor = 1 : i64, sc.parallel_access}
      %dma_start3A_816 = arith.constant 0 : i32
      %dma_start3A_817 = arith.constant 0 : i32
      %dma_start3A_818 = tpu.memref_slice %arg3[%dma_start3A_816, %dma_start3A_817] : memref<80800x8xf32, #tpu.memory_space<hbm>> -> memref<80800x8xf32, #tpu.memory_space<hbm>>
      tpu.enqueue_indirect_dma source(%arg10 : memref<784x8xf32, #tpu.memory_space<vmem>>) target(%dma_start3A_818 : memref<80800x8xf32, #tpu.memory_space<hbm>>) offsets(%arg19 : memref<784xi32, #tpu.memory_space<vmem>>) semaphore(%arg23 : memref<!tpu.dma_semaphore, #tpu.memory_space<semaphore_mem>>)
      %dma_wait3A_819 = arith.constant 0 : i32
      %dma_wait3A_820 = arith.constant 0 : i32
      %dma_wait3A_821 = tpu.memref_slice %arg3[%dma_wait3A_819, %dma_wait3A_820] : memref<80800x8xf32, #tpu.memory_space<hbm>> -> memref<80800x8xf32, #tpu.memory_space<hbm>>
      tpu.wait_indirect_dma semaphore(%arg23 : memref<!tpu.dma_semaphore, #tpu.memory_space<semaphore_mem>>) src(%arg10 : memref<784x8xf32, #tpu.memory_space<vmem>>) dst(%dma_wait3A_821 : memref<80800x8xf32, #tpu.memory_space<hbm>>)
      %lt3A_822 = arith.constant 7 : i32
      %lt3A_823 = arith.cmpi slt, %scan3A_792, %lt3A_822 : i32
      %convert_element_type3A = arith.extui %lt3A_823 : i1 to i32
      %cond3A = arith.constant 0 : i32
      %cond3A_824 = arith.cmpi ne, %convert_element_type3A, %cond3A : i32
      scf.if %cond3A_824 {
        %add3A_844 = arith.constant 2 : i32
        %add3A_845 = arith.addi %mul3A_794, %add3A_844 : i32
        %mul3A_846 = arith.constant 12544 : i32
        %mul3A_847 = arith.muli %arg1, %mul3A_846 : i32
        %mul3A_848 = arith.constant 784 : i32
        %mul3A_849 = arith.muli %add3A_845, %mul3A_848 : i32
        %add3A_850 = arith.addi %mul3A_847, %mul3A_849 : i32
        %dma_start3A_851 = arith.constant 0 : i32
        %dma_start3A_852 = tpu.memref_slice %arg2[%add3A_850, %dma_start3A_851] : memref<200704x8xf32, #tpu.memory_space<hbm>> -> memref<784x8xf32, #tpu.memory_space<hbm>>
        %dma_start3A_853 = arith.constant 0 : i32
        %dma_start3A_854 = tpu.memref_slice %arg2[%add3A_850, %dma_start3A_853] : memref<200704x8xf32, #tpu.memory_space<hbm>> -> memref<784x8xf32, #tpu.memory_space<hbm>>
        tpu.enqueue_dma source(%dma_start3A_854 : memref<784x8xf32, #tpu.memory_space<hbm>>) target(%arg10 : memref<784x8xf32, #tpu.memory_space<vmem>>) target_semaphore(%arg24 : memref<!tpu.dma_semaphore, #tpu.memory_space<semaphore_mem>>)
      } else {
      }
      %mul3A_825 = arith.constant 12544 : i32
      %mul3A_826 = arith.muli %arg1, %mul3A_825 : i32
      %add3A_827 = arith.constant 0 : i32
      %add3A_828 = arith.addi %mul3A_826, %add3A_827 : i32
      %dma_wait3A_829 = arith.constant 0 : i32
      %dma_wait3A_830 = tpu.memref_slice %arg2[%add3A_828, %dma_wait3A_829] : memref<200704x8xf32, #tpu.memory_space<hbm>> -> memref<784x8xf32, #tpu.memory_space<hbm>>
      %dma_wait3A_831 = arith.constant 0 : i32
      %dma_wait3A_832 = tpu.memref_slice %arg2[%add3A_828, %dma_wait3A_831] : memref<200704x8xf32, #tpu.memory_space<hbm>> -> memref<784x8xf32, #tpu.memory_space<hbm>>
      tpu.wait_dma2 semaphore(%arg25 : memref<!tpu.dma_semaphore, #tpu.memory_space<semaphore_mem>>) src(%dma_wait3A_832 : memref<784x8xf32, #tpu.memory_space<hbm>>) dst(%arg11 : memref<784x8xf32, #tpu.memory_space<vmem>>)
      %add3A_833 = arith.constant 1 : i32
      %add3A_834 = arith.addi %mul3A_794, %add3A_833 : i32
      %parallel_loop3A_835 = arith.constant 0 : i32
      %parallel_loop3A_836 = arith.constant 49 : i32
      %parallel_loop3A_837 = arith.constant 1 : i32
      scf.for %parallel_loop3A_844 = %parallel_loop3A_835 to %parallel_loop3A_836 step %parallel_loop3A_837  : i32 {
        %parallel_loop3A_845 = arith.constant 49 : i32
        %parallel_loop3A_846 = arith.muli %add3A_834, %parallel_loop3A_845 : i32
        %parallel_loop3A_847 = arith.addi %parallel_loop3A_846, %parallel_loop3A_844 : i32
        %parallel_loop3A_848 = arith.constant 16 : i32
        %parallel_loop3A_849 = arith.muli %parallel_loop3A_847, %parallel_loop3A_848 : i32
        %parallel_loop3A_850 = arith.index_cast %parallel_loop3A_849 : i32 to index
        %parallel_loop3A_851 = tpu.vector_load %arg12[%parallel_loop3A_850] {strides = array<i32>} : memref<12544xi32, #tpu.memory_space<vmem>>, vector<16xi32>,
        %parallel_loop3A_852 = arith.constant 14 : i32
        %parallel_loop3A_853 = vector.broadcast %parallel_loop3A_852 : i32 to vector<16xi32>
        %parallel_loop3A_854 = arith.shrui %parallel_loop3A_851, %parallel_loop3A_853 : vector<16xi32>
        %parallel_loop3A_855 = arith.constant 16383 : i32
        %parallel_loop3A_856 = vector.broadcast %parallel_loop3A_855 : i32 to vector<16xi32>
        %parallel_loop3A_857 = arith.andi %parallel_loop3A_851, %parallel_loop3A_856 : vector<16xi32>
        %parallel_loop3A_858 = arith.constant 3 : i32
        %parallel_loop3A_859 = vector.broadcast %parallel_loop3A_858 : i32 to vector<16xi32>
        %parallel_loop3A_860 = arith.andi %parallel_loop3A_854, %parallel_loop3A_859 : vector<16xi32>
        %parallel_loop3A_861 = arith.constant 6656 : i32
        %parallel_loop3A_862 = vector.broadcast %parallel_loop3A_861 : i32 to vector<16xi32>
        %parallel_loop3A_863 = arith.muli %parallel_loop3A_860, %parallel_loop3A_862 : vector<16xi32>
        %parallel_loop3A_864 = arith.constant 2 : i32
        %parallel_loop3A_865 = vector.broadcast %parallel_loop3A_864 : i32 to vector<16xi32>
        %parallel_loop3A_866 = arith.shrsi %parallel_loop3A_854, %parallel_loop3A_865 : vector<16xi32>
        %parallel_loop3A_867 = arith.addi %parallel_loop3A_863, %parallel_loop3A_866 : vector<16xi32>
        %parallel_loop3A_868 = tpu.vector_load_idx %arg7[%parallel_loop3A_867] : memref<26624xi32, #tpu.memory_space<vmem>>[vector<16xi32>], vector<16xi32>,
        %parallel_loop3A_869 = arith.constant 127 : i32
        %parallel_loop3A_870 = vector.broadcast %parallel_loop3A_869 : i32 to vector<16xi32>
        %parallel_loop3A_871 = arith.andi %parallel_loop3A_868, %parallel_loop3A_870 : vector<16xi32>
        %parallel_loop3A_872 = arith.addi %parallel_loop3A_871, %parallel_loop3A_857 : vector<16xi32>
        %parallel_loop3A_873 = arith.constant 7 : i32
        %parallel_loop3A_874 = vector.broadcast %parallel_loop3A_873 : i32 to vector<16xi32>
        %parallel_loop3A_875 = arith.shrui %parallel_loop3A_868, %parallel_loop3A_874 : vector<16xi32>
        %parallel_loop3A_876 = arith.constant 25000 : i32
        %parallel_loop3A_877 = vector.broadcast %parallel_loop3A_876 : i32 to vector<16xi32>
        %parallel_loop3A_878 = arith.cmpi slt, %parallel_loop3A_854, %parallel_loop3A_877 : vector<16xi32>
        %parallel_loop3A_879 = arith.constant 5 : i32
        %parallel_loop3A_880 = vector.broadcast %parallel_loop3A_879 : i32 to vector<16xi32>
        %parallel_loop3A_881 = arith.cmpi slt, %parallel_loop3A_872, %parallel_loop3A_880 : vector<16xi32>
        %parallel_loop3A_882 = arith.andi %parallel_loop3A_878, %parallel_loop3A_881 : vector<16xi1>
        %parallel_loop3A_883 = arith.constant 16000 : i32
        %parallel_loop3A_884 = vector.broadcast %parallel_loop3A_883 : i32 to vector<16xi32>
        %parallel_loop3A_885 = arith.cmpi slt, %parallel_loop3A_875, %parallel_loop3A_884 : vector<16xi32>
        %parallel_loop3A_886 = arith.andi %parallel_loop3A_882, %parallel_loop3A_885 : vector<16xi1>
        %parallel_loop3A_887 = arith.constant 5 : i32
        %parallel_loop3A_888 = vector.broadcast %parallel_loop3A_887 : i32 to vector<16xi32>
        %parallel_loop3A_889 = arith.muli %parallel_loop3A_875, %parallel_loop3A_888 : vector<16xi32>
        %parallel_loop3A_890 = arith.addi %parallel_loop3A_889, %parallel_loop3A_872 : vector<16xi32>
        %parallel_loop3A_891 = arith.constant 16 : i32
        %parallel_loop3A_892 = arith.muli %parallel_loop3A_844, %parallel_loop3A_891 : i32
        %parallel_loop3A_893 = arith.constant 80000 : i32
        %parallel_loop3A_894 = arith.addi %parallel_loop3A_893, %parallel_loop3A_892 : i32
        %parallel_loop3A_895 = vector.broadcast %parallel_loop3A_894 : i32 to vector<16xi32>
        %parallel_loop3A_896 = arith.addi %parallel_loop3A_895, %iota3A : vector<16xi32>
        %parallel_loop3A_897 = arith.select %parallel_loop3A_886, %parallel_loop3A_890, %parallel_loop3A_896 : vector<16xi1>, vector<16xi32>
        %parallel_loop3A_898 = arith.constant 16 : i32
        %parallel_loop3A_899 = arith.muli %parallel_loop3A_844, %parallel_loop3A_898 : i32
        %parallel_loop3A_900 = arith.index_cast %parallel_loop3A_899 : i32 to index
        %parallel_loop3A_901 = tpu.vector_load %arg19[%parallel_loop3A_900] {strides = array<i32>} : memref<784xi32, #tpu.memory_space<vmem>>, vector<16xi32>,
        tpu.vector_store %arg19[%parallel_loop3A_900], %parallel_loop3A_897 {strides = array<i32>} : memref<784xi32, #tpu.memory_space<vmem>>, vector<16xi32>,
      } {sc.loop_unroll_factor = 1 : i64, sc.parallel_access}
      %dma_start3A_838 = arith.constant 0 : i32
      %dma_start3A_839 = arith.constant 0 : i32
      %dma_start3A_840 = tpu.memref_slice %arg3[%dma_start3A_838, %dma_start3A_839] : memref<80800x8xf32, #tpu.memory_space<hbm>> -> memref<80800x8xf32, #tpu.memory_space<hbm>>
      tpu.enqueue_indirect_dma source(%arg11 : memref<784x8xf32, #tpu.memory_space<vmem>>) target(%dma_start3A_840 : memref<80800x8xf32, #tpu.memory_space<hbm>>) offsets(%arg19 : memref<784xi32, #tpu.memory_space<vmem>>) semaphore(%arg23 : memref<!tpu.dma_semaphore, #tpu.memory_space<semaphore_mem>>)
      %dma_wait3A_841 = arith.constant 0 : i32
      %dma_wait3A_842 = arith.constant 0 : i32
      %dma_wait3A_843 = tpu.memref_slice %arg3[%dma_wait3A_841, %dma_wait3A_842] : memref<80800x8xf32, #tpu.memory_space<hbm>> -> memref<80800x8xf32, #tpu.memory_space<hbm>>
      tpu.wait_indirect_dma semaphore(%arg23 : memref<!tpu.dma_semaphore, #tpu.memory_space<semaphore_mem>>) src(%arg11 : memref<784x8xf32, #tpu.memory_space<vmem>>) dst(%dma_wait3A_843 : memref<80800x8xf32, #tpu.memory_space<hbm>>)
    }
    %scan3A_791 = arith.constant 8 : i32
    return
  }
}

</mosaic_0001>

<sc_bundles>
// kernel: kernel.3.cloned.1.call-start
scs
__scs_entry_jumppad:
0x0: {  	(pc) =	sbr.rel $0x88, $3  }
0x1: {  	(tag) =	ssettag $0x0;
	lr =	simm.s32 $0x1  }
0x2: {  	[smem:$0x3FA0] =	sst lr;
	_ =	strace $0xD0000000  }
0x3: {  	_ = 	snop  }
0x4: {  	_ = 	snop  }
0x5: {  	_ = 	snop  }
0x6: {  	_ = 	snop  }
0x7: {  	_ = 	snop  }
__scs_overlays_trampoline_lowered:
0x8: {  	[smem:$0x3FAF] =	sst s0  }
0x9: {  	[smem:$0x3FB0] =	sst s1  }
0xa: {  	[smem:$0x3FB1] =	sst s2  }
0xb: {  	[smem:$0x3FB2] =	sst s3  }
0xc: {  	[smem:$0x3FB3] =	sst s4  }
0xd: {  	[smem:$0x3FB4] =	sst s5  }
0xe: {  	[smem:$0x3FB5] =	sst s6  }
0xf: {  	[smem:$0x3FB6] =	sst s7  }
0x10: {  	[smem:$0x3FB7] =	sst s8  }
0x11: {  	[smem:$0x3FB8] =	sst s9;
	s0 =	simm.s32 @!p0 $0x0  }
0x12: {  	s1 =	sld [smem:$0x3F9E];
	s0 =	simm.s32 @p0 $0x1  }
0x13: {  	[smem:$0x3FB9] =	sst s0;
	s0 =	simm.s32 @!p1 $0x0  }
0x14: {  	s2 =	sld [smem:$0x3F9D];
	s0 =	simm.s32 @p1 $0x1  }
0x15: {  	[smem:$0x3FBA] =	sst s0;
	s0 =	simm.s32 @!p2 $0x0  }
0x16: {  	s3 =	sld [smem:$0x3FDB];
	s0 =	simm.s32 @p2 $0x1  }
0x17: {  	s4 =	simm.s32 $0x1BF5;
	[smem:$0x3FBC] =	sst s0  }
0x18: {  	s0 =	sld [smem:$0x3F9F];
	_ =	swait.ge [sflag:s4], $0x0  }
0x19: {  	s7 =	sld [smem:$0x3FA0]  }
0x1a: {  	s8 =	sadd.s32 $0xFFFFE003, lr  }
0x1b: {  	s9 =	sadd.s32 $0xFFFFFEF7, lr;
	s5 =	simm.s32 $0xFFFFFFFF;
	p2 =	slt.u32 s8, $0xFFFFF086  }
0x1c: {  	p1 =	slt.u32 s9, $0xF7A;
	s5 =	simm.s32 @!p2 $0x0  }
0x1d: {  	s5 =	simm.s32 @p1 $0x1;
	p0 =	seq.s32 s7, s2  }
0x1e: {  	s7 =	smul.u32 @!p0 $0xF7A, s2;
	p2 =	seq.s32 @!p0 s5, $0x0  }
0x1f: {  	s9 =	smul.u32 $0xF7A, s1;
	s8 =	simm.s32 @!p0 $0x1BF5;
	p2 =	por !p2, p0  }
0x20: {  	[sflag:s8] =	ssyncset.s32 @!p0 $0xFFFFF086;
	s6 =	sadd.s32 @!p0 s3, s7;
	s7 =	simm.s32 @!p0 $0x108  }
0x21: {  	s3 =	sadd.s32 s3, s9;
	s6 =	sadd.s32 @!p0 $0x88, s6;
	s7 =	simm.s32 @p2 $0x1082  }
0x22: {  	[simem:s7], [sflag:s8] =	dma.local @!p0 [hbm:s6], $0xF7A  }
0x23: {  	s9 =	sor.u32 $0xD0000000, s2;
	s6 =	simm.s32 $0x108;
	_ =	swait.ge @!p0 [sflag:s8], $0x0  }
0x24: {  	s3 =	sadd.s32 $0x88, s3;
	s6 =	simm.s32 @!p1 $0x1082;
	[sflag:s4] =	ssyncset.s32 $0xFFFFF086  }
0x25: {  	[simem:s6], [sflag:s4] =	dma.local [hbm:s3], $0xF7A  }
0x26: {  	[smem:$0x3FA0] =	sst s1;
	(tag) =	ssettag s2;
	_ =	strace s9  }
0x27: {  	s1 =	sld [smem:$0x3FB0]  }
0x28: {  	s2 =	sld [smem:$0x3FB1]  }
0x29: {  	s4 =	sld [smem:$0x3FB3]  }
0x2a: {  	p0 =	seq.s32 s5, $0x0;
	s5 =	sld [smem:$0x3FB4]  }
0x2b: {  	s6 =	sld [smem:$0x3FB5]  }
0x2c: {  	s7 =	sld [smem:$0x3FB6]  }
0x2d: {  	s3 =	simm.s32 $0x108;
	s8 =	sld [smem:$0x3FB7]  }
0x2e: {  	s3 =	simm.s32 @!p0 $0x1082;
	s9 =	sld [smem:$0x3FB8]  }
0x2f: {  	lr =	sadd.s32 s0, s3;
	s0 =	sld [smem:$0x3FAF]  }
0x30: {  	s3 =	sld [smem:$0x3FB2]  }
0x31: {  	[smem:$0x3FBB] =	sst s10  }
0x32: {  	s10 =	sld [smem:$0x3FB9];
	_ =	sdelay $0x3  }
0x33: {  	p0 =	seq.s32 s10, $0x1;
	s10 =	sld [smem:$0x3FBB];
	_ =	sdelay $0x3  }
0x34: {  	[smem:$0x3FBB] =	sst s10  }
0x35: {  	s10 =	sld [smem:$0x3FBA];
	_ =	sdelay $0x3  }
0x36: {  	p1 =	seq.s32 s10, $0x1;
	s10 =	sld [smem:$0x3FBB];
	_ =	sdelay $0x3  }
0x37: {  	[smem:$0x3FBB] =	sst s10  }
0x38: {  	s10 =	sld [smem:$0x3FBC]  }
0x39: {  	_ = 	snop;
	(pc) =	sbr.ind lr, $3  }
0x3a: {  	_ = 	snop  }
0x3b: {  	_ = 	snop  }
0x3c: {  	p2 =	seq.s32 s10, $0x1;
	s10 =	sld [smem:$0x3FBB]  }
0x3d: {  	_ =	shalt  }
0x3e: {  	_ =	shalt  }
0x3f: {  	_ =	shalt  }
0x40: {  	_ =	shalt  }
0x41: {  	_ =	shalt  }
0x42: {  	_ =	shalt  }
0x43: {  	_ =	shalt  }
0x44: {  	_ =	shalt  }
0x45: {  	_ =	shalt  }
0x46: {  	_ =	shalt  }
0x47: {  	_ =	shalt  }
0x48: {  	_ =	shalt  }
0x49: {  	_ =	shalt  }
0x4a: {  	_ =	shalt  }
0x4b: {  	_ =	shalt  }
0x4c: {  	_ =	shalt  }
0x4d: {  	_ =	shalt  }
0x4e: {  	_ =	shalt  }
0x4f: {  	_ =	shalt  }
0x50: {  	_ =	shalt  }
0x51: {  	_ =	shalt  }
0x52: {  	_ =	shalt  }
0x53: {  	_ =	shalt  }
0x54: {  	_ =	shalt  }
0x55: {  	_ =	shalt  }
0x56: {  	_ =	shalt  }
0x57: {  	_ =	shalt  }
0x58: {  	_ =	shalt  }
0x59: {  	_ =	shalt  }
0x5a: {  	_ =	shalt  }
0x5b: {  	_ =	shalt  }
0x5c: {  	_ =	shalt  }
0x5d: {  	_ =	shalt  }
0x5e: {  	_ =	shalt  }
0x5f: {  	_ =	shalt  }
0x60: {  	_ =	shalt  }
0x61: {  	_ =	shalt  }
0x62: {  	_ =	shalt  }
0x63: {  	_ =	shalt  }
0x64: {  	_ =	shalt  }
0x65: {  	_ =	shalt  }
0x66: {  	_ =	shalt  }
0x67: {  	_ =	shalt  }
0x68: {  	_ =	shalt  }
0x69: {  	_ =	shalt  }
0x6a: {  	_ =	shalt  }
0x6b: {  	_ =	shalt  }
0x6c: {  	_ =	shalt  }
0x6d: {  	_ =	shalt  }
0x6e: {  	_ =	shalt  }
0x6f: {  	_ =	shalt  }
0x70: {  	_ =	shalt  }
0x71: {  	_ =	shalt  }
0x72: {  	_ =	shalt  }
0x73: {  	_ =	shalt  }
0x74: {  	_ =	shalt  }
0x75: {  	_ =	shalt  }
0x76: {  	_ =	shalt  }
0x77: {  	_ =	shalt  }
0x78: {  	_ =	shalt  }
0x79: {  	_ =	shalt  }
0x7a: {  	_ =	shalt  }
0x7b: {  	_ =	shalt  }
0x7c: {  	_ =	shalt  }
0x7d: {  	_ =	shalt  }
0x7e: {  	_ =	shalt  }
0x7f: {  	_ =	shalt  }
0x80: {  	_ =	shalt  }
0x81: {  	_ =	shalt  }
0x82: {  	_ =	shalt  }
0x83: {  	_ =	shalt  }
0x84: {  	_ =	shalt  }
0x85: {  	_ =	shalt  }
0x86: {  	_ =	shalt  }
0x87: {  	_ =	shalt  }
.Lfunc_end0:
.L_simem_size_0:
called_computation_lowered:
.L_overlay_start_0:
0x88: {  	s0 =	sld [smem:$0x3FD9]  }
0x89: {  	s1 =	sld [smem:$0x3FFE];
	_ =	sdelay $0x3  }
0x8a: {  	s0 =	sadd.s32 s1, s0  }
0x8b: {  	[smem:$0x3FC7] =	sst s0  }
0x8c: {  	_ = 	snop  }
0x8d: {  	s0 =	sld [smem:$0x3FD0];
	_ =	sdelay $0x2  }
0x8e: {  	s13 =	simm.s32 $0xA;
	s2 =	simm.s32 $0x10  }
0x8f: {  	[smem:s2], [sflag:s13] =	dma.local [hbm:s0], $0x1  }
0x90: {  	_ =	swait.eq [sflag:s13], $0x1  }
0x91: {  	[sflag:s13] =	ssyncset.done $0x0  }
0x92: {  	s14 =	sld [smem:$0x10];
	[sflag:s13] =	ssyncadd.s32 $0xFFFFFFFF  }
0x93: {  	s15 =	sld [smem:$0x12];
	(tm) =	ssettm $0x1  }
0x94: {  	s16 =	sld [smem:$0x3FFB];
	_ =	sdelay $0x3  }
0x95: {  	_ =	strace s16  }
0x96: {  	s2 =	sld [smem:$0x3FFC];
	_ =	sdelay $0x3  }
0x97: {  	_ =	strace s2  }
0x98: {  	s2 =	sld [smem:$0x3FFD];
	_ =	sdelay $0x3  }
0x99: {  	_ =	strace s2  }
0x9a: {  	_ =	strace $0x8FFFFFFF  }
0x9b: {  	s17 =	sld [smem:$0x3FDB];
	_ =	sdelay $0x1  }
0x9c: {  	s3 =	simm.s32 $_scs_section_size  }
0x9d: {  	s4 =	simm.s32 $_size__tile_overlayer_lowered;
	s5 =	simm.s32 $_tile_overlayer_lowered  }
0x9e: {  	s20 =	simm.s32 $0x1BFF;
	s19 =	sshll.u32 s5, $0x1;
	s2 =	sadd.s32 s3, s17  }
0x9f: {  	s6 =	simm.s32 $0x0;
	s18 =	sshll.u32 s4, $0x1;
	s4 =	sadd.s32 s19, s2  }
0xa0: {  	[timem:s6], [sflag:s20] =	dma.local [hbm:s4], s18  }
0xa1: {  	_ =	swait.ge [sflag:s20], s18  }
0xa2: {  	s3 =	ssub.s32 $0x0, s18;
	[sflag:s20] =	ssyncset.done $0x0  }
0xa3: {  	[sflag:s20] =	ssyncadd.s32 s3;
	_ =	sdelay $0x1  }
0xa4: {  	s21 =	simm.s32 $0x1B8B  }
0xa5: {  	_ =	swait.ge [sflag:s21], $0x1  }
0xa6: {  	[sflag:s21] =	ssyncset.done $0x0  }
0xa7: {  	s23 =	simm.s32 $0x1B8E;
	s22 =	sld [smem:$0x3FFE];
	[sflag:s21] =	ssyncadd.s32 $0xFFFFFFFF  }
0xa8: {  	s24 =	simm.s32 $execute0_lowered;
	[smem:$0x3FD2] =	sst s23  }
0xa9: {  	s4 =	sshll.u32 s24, $0x1;
	_ =	strace $0x80000046;
	[dreg:$0x1] =	wrdreg $0xFFFFFFFF  }
0xaa: {  	s25 =	simm.s32 $_size_execute0_lowered;
	s2 =	sadd.s32 s2, s4;
	[dreg:$0x0] =	wrdreg $0x0  }
0xab: {  	s4 =	sshll.u32 s25, $0x1;
	[dreg:$0x2] =	wrdreg s2  }
0xac: {  	[dreg:$0x3] =	wrdreg s4  }
0xad: {  	[dreg:$0x4] =	wrdreg $0xC0  }
0xae: {  	_ =	task [dreg:s6], $0x5FFFF  }
0xaf: {  	[dreg:$0x1] =	wrdreg $0xFFFFFFFF  }
0xb0: {  	[dreg:$0x0] =	wrdreg $0x60  }
0xb1: {  	[dreg:$0x2] =	wrdreg s22  }
0xb2: {  	[dreg:$0x3] =	wrdreg s15  }
0xb3: {  	[dreg:$0x4] =	wrdreg s14  }
0xb4: {  	[dreg:$0x5] =	wrdreg $0x16F100  }
0xb5: {  	[dreg:$0x6] =	wrdreg $0x168900  }
0xb6: {  	[dreg:$0x7] =	wrdreg $0x9  }
0xb7: {  	_ =	task.clear_ibuf [dreg:s6], $0x8FFFF;
	_ =	strace $0x90000046  }
0xb8: {  	s26 =	simm.s32 $0x9;
	_ =	strace $0x80000048  }
0xb9: {  	_ =	swait.ge [sflag:s26], $0x1  }
0xba: {  	[sflag:s26] =	ssyncadd.s32 $0xFFFFFFFF  }
0xbb: {  	_ =	strace $0x90000048  }
0xbc: {  	_ =	sfence  }
0xbd: {  	s28 =	sld [smem:$0x0];
	_ =	sdelay $0x1  }
0xbe: {  	s29 =	srdreg.scid  }
0xbf: {  	s30 =	sshll.u32 s29, $0xD;
	s31 =	sshrl.u32 s29, $0x2  }
0xc0: {  	s1 =	sand.u32 $0x1, s29;
	s2 =	sand.u32 $0x4000, s30;
	s0 =	sadd.s32 s31, s28  }
0xc1: {  	s1 =	sor.u32 s2, s1;
	s0 =	sshll.u32 s0, $0x11  }
0xc2: {  	s0 =	sor.u32 s0, s1  }
0xc3: {  	s0 =	sadd.s32 $0x8F2B, s0  }
0xc4: {  	[sflag:s0] =	ssyncadd.remote.s32 $0x1  }
0xc5: {  	_ =	sfence.sel $0xFFFF  }
0xc6: {  	[dreg:$0x0] =	wrdreg $0xFFFFFFFF;
	(pc) =	sbr.abs _section_cstart, $3  }
0xc7: {  	[dreg:$0x1] =	wrdreg $0xFFFFFFFF  }
0xc8: {  	_ =	task.clear_ibuf [dreg:s6], $0x2FFFF;
	_ =	strace $0x9FFFFFFF  }
0xc9: {  	(tm) =	ssettm $0x7FFFFFFF  }
tec
execute0_lowered:
.L_overlay_start_1:
0x0: {  	(tag) =	ssettag $0x1  }
0x1: {  	s2 =	rddreg [dreg:$0x0]  }
0x2: {  	s10 =	rddreg [dreg:$0x1]  }
0x3: {  	s7 =	rddreg [dreg:$0x2]  }
0x4: {  	s9 =	rddreg [dreg:$0x3]  }
0x5: {  	s1 =	simm.s32 $0x0;
	v1 =	vlaneseq.u32;
	s5 =	stileid.u32;
	s3 =	simm.s32 $0x0  }
0x6: {  	[smem:$0x7FF] =	sst s1;
	s0 =	sadd.s32 $0xA00, s2;
	s6 =	sadd.s32 $0x34E00, s2;
	v0 =	vshrl.u32 v1, $0x3  }
0x7: {  	v2 =	vimm.f32 $0.0e+00;
	s14 =	sadd.s32 $0x31A00, s2;
	v1 =	vand.u32 $0x7, v1;
	s2 =	simm.s32 $0x15010;
	_ =	strace $0x80000047;
	v0 =	vmul.u32 $0x8, v0  }
.LBB2_1:
0x8: {  	v3 =	vmov s3  }
0x9: {  	v3 =	vshll.u32 v3, $0x3  }
0xa: {  	v3 =	vor.u32 v0, v3  }
0xb: {  	p0 =	sne.s32 s3, $0x30E;
	v3 =	vor.u32 v1, v3  }
.Ltmp0:
0xc: {  	_ = 	snop;
	(pc) =	sbr.rel @p0 .LBB2_1-.Ltmp0, $2  }
0xd: {  	_ =	sdelay $0x2  }
0xe: {  	s3 =	sadd.s32 $0x2, s3;
	[tilespmem:v3+s2+$0x0] =	vst.idx.msk $0xffff, v2  }
0xf: {  	v1 =	vlaneseq.u32  }
0x10: {  	v0 =	vshrl.u32 v1, $0x3  }
0x11: {  	v2 =	vimm.s32 $0x0;
	s2 =	simm.s32 $0x11900;
	v1 =	vand.u32 $0x7, v1;
	v0 =	vmul.u32 $0x8, v0  }
.LBB2_3:
0x12: {  	v3 =	vmov s1  }
0x13: {  	v3 =	vshll.u32 v3, $0x3  }
0x14: {  	v3 =	vor.u32 v0, v3  }
0x15: {  	p0 =	sne.s32 s1, $0x44E;
	v3 =	vor.u32 v1, v3  }
.Ltmp1:
0x16: {  	_ = 	snop;
	(pc) =	sbr.rel @p0 .LBB2_3-.Ltmp1, $2  }
0x17: {  	_ =	sdelay $0x2  }
0x18: {  	s1 =	sadd.s32 $0x2, s1;
	[tilespmem:v3+s2+$0x0] =	vst.idx.msk $0xffff, v2  }
0x19: {  	s1 =	simm.s32 $0x0;
	v0 =	vimm.s32 $0x0  }
.LBB2_5:
0x1a: {  	p0 =	sne.s32 s1, $0x1100  }
.Ltmp2:
0x1b: {  	_ = 	snop;
	(pc) =	sbr.rel @p0 .LBB2_5-.Ltmp2, $3  }
0x1c: {  	_ =	sdelay $0x1  }
0x1d: {  	s2 =	sshra.s32 s1, $0x2  }
0x1e: {  	s1 =	sadd.s32 $0x40, s1;
	[tilespmem:s2+$0x10C00] =	vst v0  }
0x1f: {  	v0 =	vimm.s32 $0x0;
	s2 =	simm.s32 $0x100;
	s1 =	simm.s32 $0x0  }
.LBB2_7:
0x20: {  	p0 =	sne.s32 s2, $0x19F00;
	[tilespmem:s1+$0x30] =	vst v0;
	s3 =	smov.u32 s2;
	s2 =	sadd.s32 $0x100, s2  }
.Ltmp3:
0x21: {  	[tilespmem:s1+$0x20] =	vst v0;
	(pc) =	sbr.rel @p0 .LBB2_7-.Ltmp3, $3  }
0x22: {  	[tilespmem:s1+$0x0] =	vst v0  }
0x23: {  	[tilespmem:s1+$0x10] =	vst v0;
	_ =	sdelay $0x1  }
0x24: {  	s1 =	sshra.s32 s3, $0x2  }
0x25: {  	[tilespmem:s1+$0x30] =	vst v0;
	s3 =	smul.u32 $0x9C40, s5  }
0x26: {  	s2 =	smul.u32 $0x1388, s5;
	[tilespmem:s1+$0x20] =	vst v0  }
0x27: {  	[tilespmem:s1+$0x0] =	vst v0;
	s8 =	simm.s32 $0x0;
	s3 =	sshrl.u32 s3, $0x3  }
0x28: {  	[tilespmem:s1+$0x10] =	vst v0;
	s19 =	simm.s32 $0x15010;
	s2 =	sadd.s32 s6, s2;
	s18 =	sadd.s32 s6, s3  }
0x29: {  	[hbm4b:s2+s8] =	stream.linear.scatter [tilespmem:s19], [sflag:$0x4], $0x1880, $0x38;
	[tilespmem:$0x16F20] =	vst v63  }
0x2a: {  	s20 =	sadd.s32 $0x310, s18  }
0x2b: {  	[hbm4b:s20+s8] =	stream.linear.scatter [tilespmem:s19], [sflag:$0x4], $0x1880, $0x38;
	[tilespmem:$0x16F20] =	vst v63  }
0x2c: {  	s4 =	smul.u32 $0x8A, s5;
	s21 =	sadd.s32 $0x620, s18  }
0x2d: {  	[hbm4b:s21+s8] =	stream.linear.scatter [tilespmem:s19], [sflag:$0x4], $0x1880, $0x38;
	[tilespmem:$0x16F20] =	vst v63  }
0x2e: {  	s25 =	smul.u32 $0x450, s5;
	s22 =	sadd.s32 $0x930, s18  }
0x2f: {  	[hbm4b:s22+s8] =	stream.linear.scatter [tilespmem:s19], [sflag:$0x4], $0x1880, $0x38;
	[tilespmem:$0x16F20] =	vst v63  }
0x30: {  	v0 =	vimm.f32 $1.999999960e-02;
	s28 =	smul.u32 $0x3100, s5;
	s23 =	sadd.s32 $0xC40, s18  }
0x31: {  	(erf) = vrcp.f32 v0;
	v0 =	vimm.f32 $1.000000010e-01;
	[hbm4b:s23+s8] =	stream.linear.scatter [tilespmem:s19], [sflag:$0x4], $0x1880, $0x38;
	[tilespmem:$0x16F20] =	vst v63  }
0x32: {  	s29 =	simm.s32 $0x10C00;
	s31 =	simm.s32 $0x11900;
	(erf) = vrcp.f32 v0;
	s24 =	sadd.s32 $0xF50, s18  }
0x33: {  	[hbm4b:s24+s8] =	stream.linear.scatter [tilespmem:s19], [sflag:$0x4], $0x1880, $0x38;
	[tilespmem:$0x16F20] =	vst v63  }
0x34: {  	s11 =	simm.s32 $0xD010;
	s12 =	simm.s32 $0xB480;
	s1 =	sadd.s32 $0x1260, s18  }
0x35: {  	[hbm4b:s1+s8] =	stream.linear.scatter [tilespmem:s19], [sflag:$0x4], $0x940, $0x38;
	[tilespmem:$0x16F20] =	vst v63  }
0x36: {  	s13 =	simm.s32 $0x2;
	s15 =	simm.s32 $0x3;
	s26 =	sadd.s32 s10, s4  }
0x37: {  	[hbm4b:s26+s8] =	stream.linear.scatter [tilespmem:s29], [sflag:$0x4], $0x450, $0x38;
	[tilespmem:$0x16F20] =	vst v63  }
0x38: {  	s16 =	simm.s32 $0x0;
	s30 =	sadd.s32 s7, s25;
	s4 =	sadd.s32 s0, s28  }
0x39: {  	[hbm4b:s30+s8] =	stream.linear.scatter [tilespmem:s31], [sflag:$0x4], $0x2280, $0x38;
	[tilespmem:$0x16F20] =	vst v63  }
0x3a: {  	v2 =	vlaneseq.u32;
	s10 =	simm.s32 $0x9C00;
	s0 =	simm.s32 $0xCD00;
	s5 =	sadd.s32 $0x620, s4;
	v0 =	vpop (erf)  }
0x3b: {  	v2 =	vmul.u32 $0x8, v2;
	v1 =	vpop (erf);
	[tilespmem:s10], [sflag:$0x2] =	stream.linear.gather [hbm4b:s4+s8], $0x1880, $0x38;
	[tilespmem:$0x16F20] =	vst v63  }
.LBB2_9:
0x3c: {  	s1 =	sshllo.u32 s16, $0x1  }
0x3d: {  	v3 =	vmov s8;
	s1 =	smul.u32 $0x310, s1  }
0x3e: {  	v3 =	vshll.u32 v3, $0x3  }
0x3f: {  	v3 =	vor.u32 v2, v3;
	s1 =	sadd.s32 s1, s4  }
0x40: {  	v4 =	vor.u32 $0x1, v3;
	[tilespmem:s12], [sflag:$0x3] =	stream.linear.gather [hbm4b:s1+s8], $0x1880, $0x38;
	[tilespmem:$0x16F20] =	vst v63  }
0x41: {  	v5 =	vor.u32 $0x2, v3;
	_ =	swait.ge [sflag:s13], $0x1880  }
0x42: {  	[sflag:s13] =	ssyncset.done $0x0  }
0x43: {  	[sflag:s13] =	ssyncadd.s32 $0xFFFFE780  }
0x44: {  	v3 =	vld.idx.msk [tilespmem:v3+s10+$0x0], $0xffff  }
0x45: {  	v4 =	vld.idx.msk [tilespmem:v4+s10+$0x0], $0xffff  }
0x46: {  	v5 =	vld.idx.msk [tilespmem:v5+s10+$0x0], $0xffff;
	_ =	sdelay $0x3  }
0x47: {  	v3 =	vmul.f32 v3, v0;
	v4 =	vmul.f32 v4, v0  }
0x48: {  	v5 =	vmul.f32 v5, v1  }
0x49: {  	v3 =	vtrunc.f32 v3;
	v4 =	vtrunc.f32 v4  }
0x4a: {  	v5 =	vtrunc.f32 v5;
	v4 =	vcvt.f32.s32 v4  }
0x4b: {  	v3 =	vcvt.f32.s32 v3;
	v5 =	vcvt.f32.s32 v5  }
0x4c: {  	v6 =	vmul.u32 $0x32, v4  }
0x4d: {  	vm0 =	vlt.u32 v3, $0x32;
	vm1 =	vlt.u32 v4, $0x32;
	v4 =	vmul.u32 $0x9C4, v5  }
0x4e: {  	vm13 =	vlt.u32 v5, $0xA;
	vm0 =	vmand vm0, vm1;
	v3 =	vadd.s32 v3, v6  }
0x4f: {  	vm0 =	vmand vm0, vm13;
	v3 =	vadd.s32 v4, v3  }
0x50: {  	v6 =	vnsel vm0, $0x67FF, v3  }
0x51: {  	(xrf1) =	vunique.msk.u32 $0xffff, v6;
	_ =	sdelay $0xb  }
0x52: {  	v3 =	vld.idx.msk [tilespmem:v6+s8+$0x0], $0xffff;
	_ =	sdelay $0x1  }
0x53: {  	_, v4, vm14 =	vpop (xrf1)  }
0x54: {  	s31 =	simm.s32 $0x10  }
0x55: {  	v5 =	vmov s31  }
0x56: {  	v5 =	vshll.u32 v5, $0x3;
	v4 =	vadd.s32 v3, v4;
	v3 =	vshll.u32 v6, $0xE  }
0x57: {  	vm15 =	vlt.s32 v4, $0x7;
	v7 =	vadd.s32 v4, v3;
	v3 =	vor.u32 v2, v5  }
0x58: {  	v8 =	vnsel vm15, $0x7, v4;
	v5 =	vor.u32 $0x1, v3  }
0x59: {  	s2 =	simm.s32 $0x20;
	s1 =	smov.u32 s0;
	v4 =	vor.u32 $0x2, v3;
	[tilespmem:v6+s8+$0x0] =	vst.idx.msk vm14, v8;
	v6 =	vadd.s32 $0xFFFFFFFF, v7  }
.LBB2_10:
0x5a: {  	p0 =	sne.s32 s2, $0x300  }
0x5b: {  	[tilespmem:s1+$0x0] =	vst v6;
	s1 =	sadd.s32 $0x10, s1;
	s3 =	smov.u32 s2;
	s2 =	sadd.s32 $0x10, s2  }
0x5c: {  	v3 =	vld.idx.msk [tilespmem:v3+s10+$0x0], $0xffff  }
0x5d: {  	v5 =	vld.idx.msk [tilespmem:v5+s10+$0x0], $0xffff  }
0x5e: {  	v4 =	vld.idx.msk [tilespmem:v4+s10+$0x0], $0xffff;
	_ =	sdelay $0x3  }
0x5f: {  	v3 =	vmul.f32 v3, v0  }
0x60: {  	v5 =	vmul.f32 v5, v0  }
0x61: {  	v3 =	vtrunc.f32 v3;
	v4 =	vmul.f32 v4, v1  }
0x62: {  	v3 =	vcvt.f32.s32 v3;
	v5 =	vtrunc.f32 v5  }
0x63: {  	v5 =	vcvt.f32.s32 v5;
	v4 =	vtrunc.f32 v4  }
0x64: {  	v4 =	vcvt.f32.s32 v4  }
0x65: {  	vm0 =	vlt.u32 v3, $0x32;
	vm1 =	vlt.u32 v5, $0x32;
	v5 =	vmul.u32 $0x32, v5  }
0x66: {  	vm0 =	vmand vm0, vm1;
	vm1 =	vlt.u32 v4, $0xA;
	v4 =	vmul.u32 $0x9C4, v4  }
0x67: {  	vm0 =	vmand vm0, vm1;
	v3 =	vadd.s32 v3, v5  }
0x68: {  	v3 =	vadd.s32 v4, v3  }
0x69: {  	v6 =	vnsel vm0, $0x67FF, v3  }
0x6a: {  	(xrf1) =	vunique.msk.u32 $0xffff, v6;
	_ =	sdelay $0x8  }
0x6b: {  	v3 =	vld.idx.msk [tilespmem:v6+s8+$0x0], $0xffff;
	_ =	sdelay $0x4  }
0x6c: {  	_, v4, vm0 =	vpop (xrf1)  }
0x6d: {  	v5 =	vmov s3;
	v4 =	vadd.s32 v3, v4;
	v3 =	vshll.u32 v6, $0xE  }
.Ltmp4:
0x6e: {  	v5 =	vshll.u32 v5, $0x3;
	vm1 =	vlt.s32 v4, $0x7;
	v7 =	vadd.s32 v4, v3;
	(pc) =	sbr.rel @p0 .LBB2_10-.Ltmp4, $3  }
0x6f: {  	v3 =	vor.u32 v2, v5;
	v8 =	vnsel vm1, $0x7, v4  }
0x70: {  	v5 =	vor.u32 $0x1, v3;
	v4 =	vor.u32 $0x2, v3;
	_ =	sdelay $0x1  }
0x71: {  	[tilespmem:v6+s8+$0x0] =	vst.idx.msk vm0, v8;
	v6 =	vadd.s32 $0xFFFFFFFF, v7  }
0x72: {  	_ =	sdelay $0x2  }
0x73: {  	[tilespmem:s1+$0x0] =	vst v6  }
0x74: {  	v3 =	vld.idx.msk [tilespmem:v3+s10+$0x0], $0xffff  }
0x75: {  	v5 =	vld.idx.msk [tilespmem:v5+s10+$0x0], $0xffff  }
0x76: {  	v4 =	vld.idx.msk [tilespmem:v4+s10+$0x0], $0xffff;
	_ =	sdelay $0x3  }
0x77: {  	v3 =	vmul.f32 v3, v0;
	v5 =	vmul.f32 v5, v0  }
0x78: {  	v4 =	vmul.f32 v4, v1  }
0x79: {  	v3 =	vtrunc.f32 v3;
	v5 =	vtrunc.f32 v5  }
0x7a: {  	v4 =	vtrunc.f32 v4;
	v5 =	vcvt.f32.s32 v5  }
0x7b: {  	v3 =	vcvt.f32.s32 v3;
	v4 =	vcvt.f32.s32 v4  }
0x7c: {  	v6 =	vmul.u32 $0x32, v5  }
0x7d: {  	vm0 =	vlt.u32 v3, $0x32;
	vm1 =	vlt.u32 v5, $0x32;
	v5 =	vmul.u32 $0x9C4, v4  }
0x7e: {  	vm8 =	vlt.u32 v4, $0xA;
	vm0 =	vmand vm0, vm1;
	v3 =	vadd.s32 v3, v6  }
0x7f: {  	vm0 =	vmand vm0, vm8;
	v3 =	vadd.s32 v5, v3  }
0x80: {  	v3 =	vnsel vm0, $0x67FF, v3  }
0x81: {  	(xrf1) =	vunique.msk.u32 $0xffff, v3;
	_ =	sdelay $0xb  }
0x82: {  	v4 =	vld.idx.msk [tilespmem:v3+s8+$0x0], $0xffff;
	_ =	sdelay $0x1  }
0x83: {  	_, v5, vm9 =	vpop (xrf1);
	_ =	sdelay $0x2  }
0x84: {  	v4 =	vadd.s32 v4, v5  }
0x85: {  	p0 =	seq.s32 s16, $0x7;
	s2 =	simm.s32 $0x0;
	v5 =	vshll.u32 v3, $0xE;
	vm10 =	vlt.s32 v4, $0x7  }
0x86: {  	s3 =	smul.u32 @!p0 $0x620, s16;
	v6 =	vmov s2;
	v5 =	vadd.s32 v4, v5;
	v4 =	vnsel vm10, $0x7, v4  }
0x87: {  	s30 =	sadd.s32 $0x10, s1;
	[tilespmem:v3+s8+$0x0] =	vst.idx.msk vm9, v4;
	v3 =	vadd.s32 $0xFFFFFFFF, v5;
	v4 =	vshll.u32 v6, $0x3  }
0x88: {  	s1 =	sadd.s32 @!p0 s3, s5;
	s3 =	simm.s32 @!p0 $0x9C00;
	s2 =	simm.s32 @!p0 $0x0;
	[tilespmem:s30+$0x0] =	vst v3;
	v3 =	vor.u32 v2, v4  }
0x89: {  	[tilespmem:s3], [sflag:$0x2] =	stream.linear.gather @!p0 [hbm4b:s1+s2], $0x1880, $0x38;
	v4 =	vor.u32 $0x1, v3;
	[tilespmem:$0x16F20] =	vst v63  }
0x8a: {  	v5 =	vor.u32 $0x2, v3;
	_ =	swait.ge [sflag:s15], $0x1880  }
0x8b: {  	[sflag:s15] =	ssyncset.done $0x0  }
0x8c: {  	[sflag:s15] =	ssyncadd.s32 $0xFFFFE780  }
0x8d: {  	v3 =	vld.idx.msk [tilespmem:v3+s12+$0x0], $0xffff  }
0x8e: {  	v4 =	vld.idx.msk [tilespmem:v4+s12+$0x0], $0xffff  }
0x8f: {  	v5 =	vld.idx.msk [tilespmem:v5+s12+$0x0], $0xffff;
	_ =	sdelay $0x3  }
0x90: {  	v3 =	vmul.f32 v3, v0;
	v4 =	vmul.f32 v4, v0  }
0x91: {  	v5 =	vmul.f32 v5, v1  }
0x92: {  	v3 =	vtrunc.f32 v3;
	v4 =	vtrunc.f32 v4  }
0x93: {  	v5 =	vtrunc.f32 v5;
	v4 =	vcvt.f32.s32 v4  }
0x94: {  	v3 =	vcvt.f32.s32 v3;
	v5 =	vcvt.f32.s32 v5  }
0x95: {  	v6 =	vmul.u32 $0x32, v4  }
0x96: {  	vm11 =	vlt.u32 v3, $0x32;
	vm12 =	vlt.u32 v4, $0x32;
	v4 =	vmul.u32 $0x9C4, v5  }
0x97: {  	vm13 =	vlt.u32 v5, $0xA;
	vm0 =	vmand vm11, vm12;
	v3 =	vadd.s32 v3, v6  }
0x98: {  	vm0 =	vmand vm0, vm13;
	v3 =	vadd.s32 v4, v3  }
0x99: {  	v6 =	vnsel vm0, $0x67FF, v3  }
0x9a: {  	(xrf1) =	vunique.msk.u32 $0xffff, v6;
	_ =	sdelay $0xb  }
0x9b: {  	v3 =	vld.idx.msk [tilespmem:v6+s8+$0x0], $0xffff;
	_ =	sdelay $0x1  }
0x9c: {  	_, v4, vm14 =	vpop (xrf1)  }
0x9d: {  	s31 =	simm.s32 $0x10  }
0x9e: {  	v5 =	vmov s31  }
0x9f: {  	v5 =	vshll.u32 v5, $0x3;
	v4 =	vadd.s32 v3, v4;
	v3 =	vshll.u32 v6, $0xE  }
0xa0: {  	vm15 =	vlt.s32 v4, $0x7;
	v7 =	vadd.s32 v4, v3;
	v3 =	vor.u32 v2, v5  }
0xa1: {  	v8 =	vnsel vm15, $0x7, v4;
	v5 =	vor.u32 $0x1, v3  }
0xa2: {  	s2 =	simm.s32 $0x20;
	s1 =	smov.u32 s11;
	v4 =	vor.u32 $0x2, v3;
	[tilespmem:v6+s8+$0x0] =	vst.idx.msk vm14, v8;
	v6 =	vadd.s32 $0xFFFFFFFF, v7  }
.LBB2_12:
0xa3: {  	p0 =	sne.s32 s2, $0x300  }
0xa4: {  	[tilespmem:s1+$0x0] =	vst v6;
	s1 =	sadd.s32 $0x10, s1;
	s3 =	smov.u32 s2;
	s2 =	sadd.s32 $0x10, s2  }
0xa5: {  	v3 =	vld.idx.msk [tilespmem:v3+s12+$0x0], $0xffff  }
0xa6: {  	v5 =	vld.idx.msk [tilespmem:v5+s12+$0x0], $0xffff  }
0xa7: {  	v4 =	vld.idx.msk [tilespmem:v4+s12+$0x0], $0xffff;
	_ =	sdelay $0x3  }
0xa8: {  	v3 =	vmul.f32 v3, v0  }
0xa9: {  	v5 =	vmul.f32 v5, v0  }
0xaa: {  	v3 =	vtrunc.f32 v3;
	v4 =	vmul.f32 v4, v1  }
0xab: {  	v3 =	vcvt.f32.s32 v3;
	v5 =	vtrunc.f32 v5  }
0xac: {  	v5 =	vcvt.f32.s32 v5;
	v4 =	vtrunc.f32 v4  }
0xad: {  	v4 =	vcvt.f32.s32 v4  }
0xae: {  	vm0 =	vlt.u32 v3, $0x32;
	vm1 =	vlt.u32 v5, $0x32;
	v5 =	vmul.u32 $0x32, v5  }
0xaf: {  	vm0 =	vmand vm0, vm1;
	vm1 =	vlt.u32 v4, $0xA;
	v4 =	vmul.u32 $0x9C4, v4  }
0xb0: {  	vm0 =	vmand vm0, vm1;
	v3 =	vadd.s32 v3, v5  }
0xb1: {  	v3 =	vadd.s32 v4, v3  }
0xb2: {  	v6 =	vnsel vm0, $0x67FF, v3  }
0xb3: {  	(xrf1) =	vunique.msk.u32 $0xffff, v6;
	_ =	sdelay $0x8  }
0xb4: {  	v3 =	vld.idx.msk [tilespmem:v6+s8+$0x0], $0xffff;
	_ =	sdelay $0x4  }
0xb5: {  	_, v4, vm0 =	vpop (xrf1)  }
0xb6: {  	v5 =	vmov s3;
	v4 =	vadd.s32 v3, v4;
	v3 =	vshll.u32 v6, $0xE  }
.Ltmp5:
0xb7: {  	v5 =	vshll.u32 v5, $0x3;
	vm1 =	vlt.s32 v4, $0x7;
	v7 =	vadd.s32 v4, v3;
	(pc) =	sbr.rel @p0 .LBB2_12-.Ltmp5, $3  }
0xb8: {  	v3 =	vor.u32 v2, v5;
	v8 =	vnsel vm1, $0x7, v4  }
0xb9: {  	v5 =	vor.u32 $0x1, v3;
	v4 =	vor.u32 $0x2, v3;
	_ =	sdelay $0x1  }
0xba: {  	[tilespmem:v6+s8+$0x0] =	vst.idx.msk vm0, v8;
	v6 =	vadd.s32 $0xFFFFFFFF, v7  }
0xbb: {  	_ =	sdelay $0x2  }
0xbc: {  	[tilespmem:s1+$0x0] =	vst v6  }
0xbd: {  	v3 =	vld.idx.msk [tilespmem:v3+s12+$0x0], $0xffff  }
0xbe: {  	v5 =	vld.idx.msk [tilespmem:v5+s12+$0x0], $0xffff  }
0xbf: {  	v4 =	vld.idx.msk [tilespmem:v4+s12+$0x0], $0xffff;
	_ =	sdelay $0x3  }
0xc0: {  	v3 =	vmul.f32 v3, v0;
	v5 =	vmul.f32 v5, v0  }
0xc1: {  	v4 =	vmul.f32 v4, v1  }
0xc2: {  	v3 =	vtrunc.f32 v3;
	v5 =	vtrunc.f32 v5  }
0xc3: {  	v4 =	vtrunc.f32 v4;
	v5 =	vcvt.f32.s32 v5  }
0xc4: {  	v3 =	vcvt.f32.s32 v3;
	v4 =	vcvt.f32.s32 v4  }
0xc5: {  	v59 =	vmul.u32 $0x32, v5  }
0xc6: {  	vm0 =	vlt.u32 v3, $0x32;
	vm1 =	vlt.u32 v5, $0x32;
	v60 =	vmul.u32 $0x9C4, v4  }
0xc7: {  	vm13 =	vlt.u32 v4, $0xA;
	vm0 =	vmand vm0, vm1;
	v3 =	vadd.s32 v3, v59  }
0xc8: {  	vm0 =	vmand vm0, vm13;
	v3 =	vadd.s32 v60, v3  }
0xc9: {  	v3 =	vnsel vm0, $0x67FF, v3  }
0xca: {  	(xrf1) =	vunique.msk.u32 $0xffff, v3;
	_ =	sdelay $0xb  }
0xcb: {  	v61 =	vld.idx.msk [tilespmem:v3+s8+$0x0], $0xffff;
	_ =	sdelay $0x1  }
0xcc: {  	_, v62, vm14 =	vpop (xrf1)  }
0xcd: {  	s16 =	sadd.s32 $0x1, s16  }
0xce: {  	p0 =	sne.s32 s16, $0x8  }
.Ltmp6:
0xcf: {  	v4 =	vadd.s32 v61, v62;
	(pc) =	sbr.rel @p0 .LBB2_9-.Ltmp6, $4  }
0xd0: {  	v63 =	vshll.u32 v3, $0xE;
	vm15 =	vlt.s32 v4, $0x7  }
0xd1: {  	v5 =	vadd.s32 v4, v63;
	v4 =	vnsel vm15, $0x7, v4  }
0xd2: {  	s31 =	sadd.s32 $0x10, s1;
	[tilespmem:v3+s8+$0x0] =	vst.idx.msk vm14, v4;
	v3 =	vadd.s32 $0xFFFFFFFF, v5  }
0xd3: {  	s0 =	sadd.s32 $0x620, s0;
	s11 =	sadd.s32 $0x620, s11;
	[tilespmem:s31+$0x0] =	vst v3  }
0xd4: {  	v0 =	vlaneseq.u32;
	s0 =	simm.s32 $0x0  }
0xd5: {  	v0 =	vmul.u32 $0x4, v0;
	v1 =	vmov s0  }
0xd6: {  	v1 =	vshll.u32 v1, $0x2  }
0xd7: {  	v1 =	vor.u32 v0, v1  }
0xd8: {  	v3 =	vor.u32 $0x1, v1  }
0xd9: {  	v2 =	vor.u32 $0x2, v1  }
0xda: {  	v4 =	vor.u32 $0x3, v1  }
0xdb: {  	s0 =	simm.s32 $0x0  }
0xdc: {  	v1 =	vld.idx.msk [tilespmem:v1+s0+$0x0], $0xffff  }
0xdd: {  	v3 =	vld.idx.msk [tilespmem:v3+s0+$0x0], $0xffff  }
0xde: {  	s1 =	simm.s32 $0x10;
	v2 =	vld.idx.msk [tilespmem:v2+s0+$0x0], $0xffff  }
0xdf: {  	v5 =	vmov s1;
	v4 =	vld.idx.msk [tilespmem:v4+s0+$0x0], $0xffff  }
0xe0: {  	v5 =	vshll.u32 v5, $0x2  }
0xe1: {  	v5 =	vor.u32 v0, v5  }
0xe2: {  	v6 =	vor.u32 $0x2, v5;
	v3 =	vshll.u32 v3, $0x8  }
0xe3: {  	v2 =	vshll.u32 v2, $0x10;
	v1 =	vor.u32 v1, v3;
	v3 =	vor.u32 $0x1, v5  }
0xe4: {  	v1 =	vor.u32 v2, v1;
	v2 =	vshll.u32 v4, $0x18  }
0xe5: {  	[dreg:$0xc] =	wrdreg s6;
	s6 =	simm.s32 $0x6820;
	v1 =	vor.u32 v2, v1;
	v2 =	vor.u32 $0x3, v5  }
0xe6: {  	[tilespmem:s6+$0xFFFFFFE0] =	vst v1  }
0xe7: {  	v1 =	vld.idx.msk [tilespmem:v6+s0+$0x0], $0xffff  }
0xe8: {  	v3 =	vld.idx.msk [tilespmem:v3+s0+$0x0], $0xffff  }
0xe9: {  	s30 =	simm.s32 $0x20;
	v4 =	vld.idx.msk [tilespmem:v5+s0+$0x0], $0xffff  }
0xea: {  	v5 =	vmov s30;
	v2 =	vld.idx.msk [tilespmem:v2+s0+$0x0], $0xffff  }
0xeb: {  	v5 =	vshll.u32 v5, $0x2  }
0xec: {  	v5 =	vor.u32 v0, v5  }
0xed: {  	v6 =	vor.u32 $0x1, v5;
	v3 =	vshll.u32 v3, $0x8  }
0xee: {  	v1 =	vshll.u32 v1, $0x10;
	v3 =	vor.u32 v4, v3  }
0xef: {  	v4 =	vor.u32 $0x3, v5;
	v1 =	vor.u32 v1, v3;
	v2 =	vshll.u32 v2, $0x18  }
0xf0: {  	v3 =	vor.u32 $0x2, v5;
	v1 =	vor.u32 v2, v1  }
0xf1: {  	[tilespmem:s6+$0xFFFFFFF0] =	vst v1  }
0xf2: {  	v2 =	vld.idx.msk [tilespmem:v6+s0+$0x0], $0xffff  }
0xf3: {  	[dreg:$0xe] =	wrdreg s5;
	s31 =	simm.s32 $0x40;
	v1 =	vld.idx.msk [tilespmem:v5+s0+$0x0], $0xffff  }
0xf4: {  	[dreg:$0xd] =	wrdreg s4;
	s5 =	simm.s32 $0x30;
	v5 =	vmov s31;
	v4 =	vld.idx.msk [tilespmem:v4+s0+$0x0], $0xffff  }
0xf5: {  	s8 =	simm.s32 $0x70;
	s7 =	simm.s32 $0xB0;
	s1 =	simm.s32 $0x6820;
	v5 =	vshll.u32 v5, $0x2;
	v3 =	vld.idx.msk [tilespmem:v3+s0+$0x0], $0xffff  }
.LBB2_15:
0xf6: {  	p0 =	sne.s32 s7, $0x19F0;
	s6 =	sadd.s32 $0x40, s6  }
0xf7: {  	v5 =	vor.u32 v0, v5;
	v6 =	vmov s5;
	s5 =	smov.u32 s8;
	s8 =	smov.u32 s7;
	s7 =	sadd.s32 $0x40, s7  }
0xf8: {  	v2 =	vshll.u32 v2, $0x8;
	v7 =	vor.u32 $0x1, v5;
	v8 =	vor.u32 $0x2, v5  }
0xf9: {  	v1 =	vor.u32 v1, v2;
	v2 =	vshll.u32 v6, $0x2  }
0xfa: {  	v6 =	vor.u32 $0x3, v5;
	v3 =	vshll.u32 v3, $0x10;
	v2 =	vor.u32 v0, v2  }
0xfb: {  	v1 =	vor.u32 v3, v1;
	v3 =	vshll.u32 v4, $0x18;
	v4 =	vor.u32 $0x1, v2  }
0xfc: {  	v9 =	vor.u32 $0x3, v2;
	v1 =	vor.u32 v3, v1;
	v3 =	vor.u32 $0x2, v2  }
0xfd: {  	[tilespmem:s1+$0x0] =	vst v1;
	_ =	sdelay $0x1  }
0xfe: {  	v1 =	vld.idx.msk [tilespmem:v2+s0+$0x0], $0xffff  }
0xff: {  	v2 =	vld.idx.msk [tilespmem:v4+s0+$0x0], $0xffff  }
0x100: {  	v3 =	vld.idx.msk [tilespmem:v3+s0+$0x0], $0xffff  }
0x101: {  	v4 =	vld.idx.msk [tilespmem:v9+s0+$0x0], $0xffff;
	_ =	sdelay $0x3  }
0x102: {  	v2 =	vshll.u32 v2, $0x8  }
0x103: {  	v1 =	vor.u32 v1, v2;
	v2 =	vshll.u32 v3, $0x10  }
0x104: {  	v1 =	vor.u32 v2, v1;
	v2 =	vshll.u32 v4, $0x18  }
0x105: {  	v1 =	vor.u32 v2, v1  }
0x106: {  	[tilespmem:s1+$0x10] =	vst v1;
	s1 =	smov.u32 s6  }
0x107: {  	v1 =	vld.idx.msk [tilespmem:v8+s0+$0x0], $0xffff  }
0x108: {  	v2 =	vld.idx.msk [tilespmem:v7+s0+$0x0], $0xffff  }
0x109: {  	v3 =	vld.idx.msk [tilespmem:v5+s0+$0x0], $0xffff  }
0x10a: {  	s2 =	sadd.s32 $0xFFFFFFE0, s5;
	v4 =	vld.idx.msk [tilespmem:v6+s0+$0x0], $0xffff  }
0x10b: {  	v5 =	vmov s2  }
0x10c: {  	v5 =	vshll.u32 v5, $0x2  }
0x10d: {  	v5 =	vor.u32 v0, v5  }
0x10e: {  	v6 =	vor.u32 $0x2, v5;
	v2 =	vshll.u32 v2, $0x8  }
0x10f: {  	v1 =	vshll.u32 v1, $0x10;
	v2 =	vor.u32 v3, v2;
	v3 =	vor.u32 $0x1, v5  }
0x110: {  	v1 =	vor.u32 v1, v2;
	v2 =	vshll.u32 v4, $0x18  }
0x111: {  	v1 =	vor.u32 v2, v1;
	v2 =	vor.u32 $0x3, v5  }
0x112: {  	[tilespmem:s6+$0xFFFFFFE0] =	vst v1  }
0x113: {  	v1 =	vld.idx.msk [tilespmem:v6+s0+$0x0], $0xffff  }
0x114: {  	v3 =	vld.idx.msk [tilespmem:v3+s0+$0x0], $0xffff  }
0x115: {  	v4 =	vld.idx.msk [tilespmem:v5+s0+$0x0], $0xffff  }
0x116: {  	s2 =	sadd.s32 $0xFFFFFFF0, s5;
	v2 =	vld.idx.msk [tilespmem:v2+s0+$0x0], $0xffff  }
0x117: {  	v5 =	vmov s2  }
0x118: {  	v5 =	vshll.u32 v5, $0x2  }
0x119: {  	v5 =	vor.u32 v0, v5  }
0x11a: {  	v6 =	vor.u32 $0x1, v5;
	v3 =	vshll.u32 v3, $0x8  }
0x11b: {  	v1 =	vshll.u32 v1, $0x10;
	v3 =	vor.u32 v4, v3  }
0x11c: {  	v1 =	vor.u32 v1, v3;
	v2 =	vshll.u32 v2, $0x18;
	v3 =	vor.u32 $0x2, v5  }
0x11d: {  	v4 =	vor.u32 $0x3, v5;
	v1 =	vor.u32 v2, v1  }
0x11e: {  	[tilespmem:s6+$0xFFFFFFF0] =	vst v1  }
.Ltmp7:
0x11f: {  	v2 =	vld.idx.msk [tilespmem:v6+s0+$0x0], $0xffff;
	(pc) =	sbr.rel @p0 .LBB2_15-.Ltmp7, $4  }
0x120: {  	v1 =	vld.idx.msk [tilespmem:v5+s0+$0x0], $0xffff  }
0x121: {  	s2 =	sadd.s32 $0xFFFFFFD0, s8;
	v3 =	vld.idx.msk [tilespmem:v3+s0+$0x0], $0xffff  }
0x122: {  	v5 =	vmov s2;
	v4 =	vld.idx.msk [tilespmem:v4+s0+$0x0], $0xffff  }
0x123: {  	v5 =	vshll.u32 v5, $0x2  }
0x124: {  	v6 =	vmov s5  }
0x125: {  	v6 =	vshll.u32 v6, $0x2  }
0x126: {  	v2 =	vshll.u32 v2, $0x8;
	v6 =	vor.u32 v0, v6  }
0x127: {  	v1 =	vor.u32 v1, v2;
	v2 =	vshll.u32 v3, $0x10;
	v3 =	vor.u32 $0x1, v6  }
0x128: {  	v1 =	vor.u32 v2, v1;
	v2 =	vshll.u32 v4, $0x18;
	v52 =	vor.u32 $0x2, v6  }
0x129: {  	v1 =	vor.u32 v2, v1;
	v2 =	vor.u32 $0x3, v6  }
0x12a: {  	[tilespmem:s1+$0x0] =	vst v1  }
0x12b: {  	v1 =	vld.idx.msk [tilespmem:v6+s0+$0x0], $0xffff  }
0x12c: {  	v3 =	vld.idx.msk [tilespmem:v3+s0+$0x0], $0xffff  }
0x12d: {  	v4 =	vld.idx.msk [tilespmem:v52+s0+$0x0], $0xffff  }
0x12e: {  	v2 =	vld.idx.msk [tilespmem:v2+s0+$0x0], $0xffff;
	_ =	sdelay $0x1  }
0x12f: {  	v5 =	vor.u32 v0, v5  }
0x130: {  	v53 =	vor.u32 $0x2, v5;
	v3 =	vshll.u32 v3, $0x8  }
0x131: {  	v7 =	vor.u32 $0x1, v5;
	v1 =	vor.u32 v1, v3;
	v3 =	vshll.u32 v4, $0x10  }
0x132: {  	v2 =	vshll.u32 v2, $0x18;
	v1 =	vor.u32 v3, v1  }
0x133: {  	v3 =	vor.u32 $0x3, v5;
	v1 =	vor.u32 v2, v1  }
0x134: {  	[tilespmem:s1+$0x10] =	vst v1  }
0x135: {  	v1 =	vld.idx.msk [tilespmem:v53+s0+$0x0], $0xffff  }
0x136: {  	v2 =	vld.idx.msk [tilespmem:v7+s0+$0x0], $0xffff  }
0x137: {  	s5 =	sadd.s32 $0xFFFFFFE0, s8;
	v54 =	vld.idx.msk [tilespmem:v5+s0+$0x0], $0xffff  }
0x138: {  	v55 =	vmov s5;
	v3 =	vld.idx.msk [tilespmem:v3+s0+$0x0], $0xffff  }
0x139: {  	v5 =	vshll.u32 v55, $0x2  }
0x13a: {  	v5 =	vor.u32 v0, v5  }
0x13b: {  	v56 =	vor.u32 $0x2, v5;
	v2 =	vshll.u32 v2, $0x8  }
0x13c: {  	v57 =	vor.u32 $0x1, v5;
	v1 =	vshll.u32 v1, $0x10;
	v2 =	vor.u32 v54, v2  }
0x13d: {  	v1 =	vor.u32 v1, v2;
	v2 =	vshll.u32 v3, $0x18  }
0x13e: {  	s6 =	sadd.s32 $0x40, s6;
	v1 =	vor.u32 v2, v1;
	v2 =	vor.u32 $0x3, v5  }
0x13f: {  	[tilespmem:s6+$0xFFFFFFE0] =	vst v1  }
0x140: {  	v1 =	vld.idx.msk [tilespmem:v56+s0+$0x0], $0xffff  }
0x141: {  	v3 =	vld.idx.msk [tilespmem:v57+s0+$0x0], $0xffff  }
0x142: {  	s2 =	sadd.s32 $0xFFFFFFF0, s8;
	v58 =	vld.idx.msk [tilespmem:v5+s0+$0x0], $0xffff  }
0x143: {  	v59 =	vmov s2;
	v2 =	vld.idx.msk [tilespmem:v2+s0+$0x0], $0xffff  }
0x144: {  	v5 =	vshll.u32 v59, $0x2  }
0x145: {  	v5 =	vor.u32 v0, v5  }
0x146: {  	v60 =	vor.u32 $0x1, v5;
	v3 =	vshll.u32 v3, $0x8  }
0x147: {  	v1 =	vshll.u32 v1, $0x10;
	v3 =	vor.u32 v58, v3  }
0x148: {  	v1 =	vor.u32 v1, v3;
	v3 =	vor.u32 $0x2, v5;
	v2 =	vshll.u32 v2, $0x18  }
0x149: {  	v1 =	vor.u32 v2, v1;
	v2 =	vor.u32 $0x3, v5  }
0x14a: {  	[tilespmem:s6+$0xFFFFFFF0] =	vst v1  }
0x14b: {  	v1 =	vld.idx.msk [tilespmem:v60+s0+$0x0], $0xffff  }
0x14c: {  	v61 =	vld.idx.msk [tilespmem:v5+s0+$0x0], $0xffff  }
0x14d: {  	v3 =	vld.idx.msk [tilespmem:v3+s0+$0x0], $0xffff  }
0x14e: {  	v2 =	vld.idx.msk [tilespmem:v2+s0+$0x0], $0xffff  }
0x14f: {  	v62 =	vmov s8  }
0x150: {  	v5 =	vshll.u32 v62, $0x2  }
0x151: {  	v0 =	vor.u32 v0, v5;
	v1 =	vshll.u32 v1, $0x8  }
0x152: {  	v63 =	vor.u32 $0x1, v0;
	v1 =	vor.u32 v61, v1;
	v3 =	vshll.u32 v3, $0x10  }
0x153: {  	v1 =	vor.u32 v3, v1;
	v3 =	vor.u32 $0x2, v0;
	v2 =	vshll.u32 v2, $0x18  }
0x154: {  	v1 =	vor.u32 v2, v1;
	v2 =	vor.u32 $0x3, v0  }
0x155: {  	[tilespmem:s6+$0x0] =	vst v1  }
0x156: {  	v0 =	vld.idx.msk [tilespmem:v0+s0+$0x0], $0xffff  }
0x157: {  	v1 =	vld.idx.msk [tilespmem:v63+s0+$0x0], $0xffff  }
0x158: {  	v3 =	vld.idx.msk [tilespmem:v3+s0+$0x0], $0xffff  }
0x159: {  	v2 =	vld.idx.msk [tilespmem:v2+s0+$0x0], $0xffff;
	_ =	sdelay $0x2  }
0x15a: {  	s11 =	stileid.u32;
	v1 =	vshll.u32 v1, $0x8  }
0x15b: {  	s7 =	smul.u32 $0x340, s11;
	v0 =	vor.u32 v0, v1;
	v1 =	vshll.u32 v3, $0x10  }
0x15c: {  	v0 =	vor.u32 v1, v0;
	v1 =	vshll.u32 v2, $0x18  }
0x15d: {  	s15 =	simm.s32 $0x0;
	s8 =	sadd.s32 s14, s7;
	v0 =	vor.u32 v1, v0  }
0x15e: {  	s10 =	simm.s32 $0x6800;
	s12 =	simm.s32 $0x5;
	[dreg:$0xf] =	wrdreg s8;
	[tilespmem:s6+$0x10] =	vst v0  }
0x15f: {  	[hbm4b:s8+s15] =	stream.linear.scatter [tilespmem:s10], [sflag:$0x5], $0x1A00, $0x38;
	[tilespmem:$0x16F20] =	vst v63  }
0x160: {  	_ =	swait.ge [sflag:s12], $0x1A00  }
0x161: {  	[sflag:s12] =	ssyncset.done $0x0  }
0x162: {  	s13 =	simm.s32 $0x4;
	[sflag:s12] =	ssyncadd.s32 $0xFFFFE600  }
0x163: {  	_ =	swait.ge [sflag:s13], $0x1880  }
0x164: {  	[sflag:s13] =	ssyncset.done $0x0  }
0x165: {  	[sflag:s13] =	ssyncadd.s32 $0xFFFFE780  }
0x166: {  	_ =	swait.ge [sflag:s13], $0x1880  }
0x167: {  	[sflag:s13] =	ssyncset.done $0x0  }
0x168: {  	[sflag:s13] =	ssyncadd.s32 $0xFFFFE780  }
0x169: {  	_ =	swait.ge [sflag:s13], $0x1880  }
0x16a: {  	[sflag:s13] =	ssyncset.done $0x0  }
0x16b: {  	[sflag:s13] =	ssyncadd.s32 $0xFFFFE780  }
0x16c: {  	_ =	swait.ge [sflag:s13], $0x1880  }
0x16d: {  	[sflag:s13] =	ssyncset.done $0x0  }
0x16e: {  	[sflag:s13] =	ssyncadd.s32 $0xFFFFE780  }
0x16f: {  	_ =	swait.ge [sflag:s13], $0x1880  }
0x170: {  	[sflag:s13] =	ssyncset.done $0x0  }
0x171: {  	[sflag:s13] =	ssyncadd.s32 $0xFFFFE780  }
0x172: {  	_ =	swait.ge [sflag:s13], $0x1880  }
0x173: {  	[sflag:s13] =	ssyncset.done $0x0  }
0x174: {  	[sflag:s13] =	ssyncadd.s32 $0xFFFFE780  }
0x175: {  	_ =	swait.ge [sflag:s13], $0x940  }
0x176: {  	[sflag:s13] =	ssyncset.done $0x0  }
0x177: {  	[sflag:s13] =	ssyncadd.s32 $0xFFFFF6C0  }
0x178: {  	_ =	swait.ge [sflag:s13], $0x450  }
0x179: {  	[sflag:s13] =	ssyncset.done $0x0  }
0x17a: {  	s4 =	smul.u32 $0x1A0, s11;
	[sflag:s13] =	ssyncadd.s32 $0xFFFFFBB0  }
0x17b: {  	s22 =	simm.s32 $0x69A0;
	_ =	swait.ge [sflag:s13], $0x2280  }
0x17c: {  	s17 =	sshrl.u32 s4, $0x3;
	s3 =	sadd.s32 $0x1A00, s4;
	[sflag:s13] =	ssyncset.done $0x0  }
0x17d: {  	s19 =	sadd.s32 $0x3400, s4;
	[dreg:$0x11] =	wrdreg s3;
	[sflag:s13] =	ssyncadd.s32 $0xFFFFDD80  }
0x17e: {  	s16 =	sadd.s32 s14, s17;
	s18 =	sshrl.u32 s3, $0x3;
	[bflag:$0x0] =	sbarrier.arrive $0xFFFF  }
0x17f: {  	[tilespmem:s10], [sflag:$0x1] =	stream.linear.gather [hbm4b:s16+s15], $0x1A0, $0x38;
	[tilespmem:$0x16F20] =	vst v63  }
0x180: {  	s21 =	sadd.s32 $0x4E00, s4;
	s20 =	sshrl.u32 s19, $0x3;
	s17 =	sadd.s32 s14, s18  }
0x181: {  	[tilespmem:s22], [sflag:$0x1] =	stream.linear.gather [hbm4b:s17+s15], $0x1A0, $0x38;
	[tilespmem:$0x16F20] =	vst v63  }
0x182: {  	s24 =	simm.s32 $0x6B40;
	s23 =	sshrl.u32 s21, $0x3;
	s18 =	sadd.s32 s14, s20  }
0x183: {  	[tilespmem:s24], [sflag:$0x1] =	stream.linear.gather [hbm4b:s18+s15], $0x1A0, $0x38;
	[tilespmem:$0x16F20] =	vst v63  }
0x184: {  	s25 =	simm.s32 $0x6CE0;
	s14 =	sadd.s32 s14, s23  }
0x185: {  	[tilespmem:s25], [sflag:$0x1] =	stream.linear.gather [hbm4b:s14+s15], $0x1A0, $0x38;
	[tilespmem:$0x16F20] =	vst v63  }
0x186: {  	s26 =	simm.s32 $0x6E80;
	[dreg:$0x12] =	wrdreg s19;
	s19 =	sadd.s32 $0xD00, s16  }
0x187: {  	[tilespmem:s26], [sflag:$0x1] =	stream.linear.gather [hbm4b:s19+s15], $0x1A0, $0x38;
	[tilespmem:$0x16F20] =	vst v63  }
0x188: {  	s20 =	sadd.s32 $0x1040, s16;
	s1 =	simm.s32 $0x7020  }
0x189: {  	[tilespmem:s1], [sflag:$0x1] =	stream.linear.gather [hbm4b:s20+s15], $0x1A0, $0x38;
	[tilespmem:$0x16F20] =	vst v63  }
0x18a: {  	s2 =	simm.s32 $0x71C0;
	[dreg:$0x10] =	wrdreg s21;
	s21 =	sadd.s32 $0x1380, s16  }
0x18b: {  	[tilespmem:s2], [sflag:$0x1] =	stream.linear.gather [hbm4b:s21+s15], $0x1A0, $0x38;
	[tilespmem:$0x16F20] =	vst v63  }
0x18c: {  	s3 =	simm.s32 $0x7360;
	s22 =	sadd.s32 $0x16C0, s16  }
0x18d: {  	[tilespmem:s3], [sflag:$0x1] =	stream.linear.gather [hbm4b:s22+s15], $0x1A0, $0x38;
	[tilespmem:$0x16F20] =	vst v63  }
0x18e: {  	s23 =	sadd.s32 $0x1A00, s16;
	s0 =	simm.s32 $0x7500  }
0x18f: {  	[tilespmem:s0], [sflag:$0x1] =	stream.linear.gather [hbm4b:s23+s15], $0x1A0, $0x38;
	[tilespmem:$0x16F20] =	vst v63  }
0x190: {  	[dreg:$0x13] =	wrdreg s4;
	s4 =	simm.s32 $0x76A0;
	s24 =	sadd.s32 $0x1D40, s16  }
0x191: {  	[tilespmem:s4], [sflag:$0x1] =	stream.linear.gather [hbm4b:s24+s15], $0x1A0, $0x38;
	[tilespmem:$0x16F20] =	vst v63  }
0x192: {  	s5 =	simm.s32 $0x7840;
	s25 =	sadd.s32 $0x2080, s16  }
0x193: {  	[tilespmem:s5], [sflag:$0x1] =	stream.linear.gather [hbm4b:s25+s15], $0x1A0, $0x38;
	[tilespmem:$0x16F20] =	vst v63  }
0x194: {  	s6 =	simm.s32 $0x79E0;
	s26 =	sadd.s32 $0x23C0, s16  }
0x195: {  	[tilespmem:s6], [sflag:$0x1] =	stream.linear.gather [hbm4b:s26+s15], $0x1A0, $0x38;
	[tilespmem:$0x16F20] =	vst v63  }
0x196: {  	s7 =	simm.s32 $0x7B80;
	s28 =	sadd.s32 $0x2700, s16  }
0x197: {  	[tilespmem:s7], [sflag:$0x1] =	stream.linear.gather [hbm4b:s28+s15], $0x1A0, $0x38;
	[tilespmem:$0x16F20] =	vst v63  }
0x198: {  	s29 =	sadd.s32 $0x2A40, s16;
	s8 =	simm.s32 $0x7D20  }
0x199: {  	[tilespmem:s8], [sflag:$0x1] =	stream.linear.gather [hbm4b:s29+s15], $0x1A0, $0x38;
	[tilespmem:$0x16F20] =	vst v63  }
0x19a: {  	s30 =	sadd.s32 $0x2D80, s16;
	s10 =	simm.s32 $0x7EC0  }
0x19b: {  	[tilespmem:s10], [sflag:$0x1] =	stream.linear.gather [hbm4b:s30+s15], $0x1A0, $0x38;
	[tilespmem:$0x16F20] =	vst v63  }
0x19c: {  	s31 =	sadd.s32 $0x30C0, s16;
	s12 =	simm.s32 $0x8060;
	s13 =	simm.s32 $0x1  }
0x19d: {  	[tilespmem:s12], [sflag:$0x1] =	stream.linear.gather [hbm4b:s31+s15], $0x1A0, $0x38;
	[tilespmem:$0x16F20] =	vst v63  }
0x19e: {  	_ =	swait.ge [sflag:s13], $0x1A0  }
0x19f: {  	[sflag:s13] =	ssyncset.done $0x0  }
0x1a0: {  	[sflag:s13] =	ssyncadd.s32 $0xFFFFFE60  }
0x1a1: {  	_ =	swait.ge [sflag:s13], $0x1A0  }
0x1a2: {  	[sflag:s13] =	ssyncset.done $0x0  }
0x1a3: {  	[sflag:s13] =	ssyncadd.s32 $0xFFFFFE60  }
0x1a4: {  	_ =	swait.ge [sflag:s13], $0x1A0  }
0x1a5: {  	[sflag:s13] =	ssyncset.done $0x0  }
0x1a6: {  	[sflag:s13] =	ssyncadd.s32 $0xFFFFFE60  }
0x1a7: {  	_ =	swait.ge [sflag:s13], $0x1A0  }
0x1a8: {  	[sflag:s13] =	ssyncset.done $0x0  }
0x1a9: {  	[sflag:s13] =	ssyncadd.s32 $0xFFFFFE60  }
0x1aa: {  	_ =	swait.ge [sflag:s13], $0x1A0  }
0x1ab: {  	[sflag:s13] =	ssyncset.done $0x0  }
0x1ac: {  	[sflag:s13] =	ssyncadd.s32 $0xFFFFFE60  }
0x1ad: {  	_ =	swait.ge [sflag:s13], $0x1A0  }
0x1ae: {  	[sflag:s13] =	ssyncset.done $0x0  }
0x1af: {  	[sflag:s13] =	ssyncadd.s32 $0xFFFFFE60  }
0x1b0: {  	_ =	swait.ge [sflag:s13], $0x1A0  }
0x1b1: {  	[sflag:s13] =	ssyncset.done $0x0  }
0x1b2: {  	[sflag:s13] =	ssyncadd.s32 $0xFFFFFE60  }
0x1b3: {  	_ =	swait.ge [sflag:s13], $0x1A0  }
0x1b4: {  	[sflag:s13] =	ssyncset.done $0x0  }
0x1b5: {  	[sflag:s13] =	ssyncadd.s32 $0xFFFFFE60  }
0x1b6: {  	_ =	swait.ge [sflag:s13], $0x1A0  }
0x1b7: {  	[sflag:s13] =	ssyncset.done $0x0  }
0x1b8: {  	[sflag:s13] =	ssyncadd.s32 $0xFFFFFE60  }
0x1b9: {  	_ =	swait.ge [sflag:s13], $0x1A0  }
0x1ba: {  	[sflag:s13] =	ssyncset.done $0x0  }
0x1bb: {  	[sflag:s13] =	ssyncadd.s32 $0xFFFFFE60  }
0x1bc: {  	_ =	swait.ge [sflag:s13], $0x1A0  }
0x1bd: {  	[sflag:s13] =	ssyncset.done $0x0  }
0x1be: {  	[sflag:s13] =	ssyncadd.s32 $0xFFFFFE60  }
0x1bf: {  	_ =	swait.ge [sflag:s13], $0x1A0  }
0x1c0: {  	[sflag:s13] =	ssyncset.done $0x0  }
0x1c1: {  	[sflag:s13] =	ssyncadd.s32 $0xFFFFFE60  }
0x1c2: {  	_ =	swait.ge [sflag:s13], $0x1A0  }
0x1c3: {  	[sflag:s13] =	ssyncset.done $0x0  }
0x1c4: {  	[sflag:s13] =	ssyncadd.s32 $0xFFFFFE60  }
0x1c5: {  	_ =	swait.ge [sflag:s13], $0x1A0  }
0x1c6: {  	[sflag:s13] =	ssyncset.done $0x0  }
0x1c7: {  	[sflag:s13] =	ssyncadd.s32 $0xFFFFFE60  }
0x1c8: {  	_ =	swait.ge [sflag:s13], $0x1A0  }
0x1c9: {  	[sflag:s13] =	ssyncset.done $0x0  }
0x1ca: {  	[sflag:s13] =	ssyncadd.s32 $0xFFFFFE60  }
0x1cb: {  	_ =	swait.ge [sflag:s13], $0x1A0  }
0x1cc: {  	v1 =	vlaneseq.u32;
	[sflag:s13] =	ssyncset.done $0x0  }
0x1cd: {  	v0 =	vimm.s32 $0x0;
	v1 =	vmul.u32 $0x4, v1;
	s6 =	simm.s32 $0xFE00;
	[sflag:s13] =	ssyncadd.s32 $0xFFFFFE60  }
.LBB2_17:
0x1ce: {  	v2 =	vld [tilespmem:s0+$0xFFFFF300];
	_ =	sdelay $0x1  }
0x1cf: {  	v3 =	vld [tilespmem:s0+$0xFFFFF4A0]  }
0x1d0: {  	v6 =	vld [tilespmem:s0+$0xFFFFF640]  }
0x1d1: {  	v12 =	vld [tilespmem:s0+$0xFFFFF7E0]  }
0x1d2: {  	v52 =	vld [tilespmem:s0+$0xFFFFF980];
	v4 =	vshrl.u32 v2, $0x8  }
0x1d3: {  	v61 =	vld [tilespmem:s0+$0xFFFFFB20];
	v5 =	vshrl.u32 v2, $0x10;
	v7 =	vand.u32 $0xFF, v2;
	v8 =	vshrl.u32 v2, $0x18  }
0x1d4: {  	v27 =	vld [tilespmem:s0+$0xFFFFFCC0];
	v9 =	vshrl.u32 v3, $0x8;
	v10 =	vshrl.u32 v3, $0x10;
	v11 =	vand.u32 $0xFF, v3  }
0x1d5: {  	v34 =	vld [tilespmem:s0+$0xFFFFFE60];
	v3 =	vshrl.u32 v3, $0x18;
	v45 =	vand.u32 $0xFF, v6;
	v13 =	vshrl.u32 v6, $0x10  }
0x1d6: {  	v41 =	vld [tilespmem:s0+$0x0];
	v49 =	vand.u32 $0xFF, v12;
	v53 =	vshrl.u32 v12, $0x8;
	v56 =	vshrl.u32 v12, $0x10  }
0x1d7: {  	v12 =	vshrl.u32 v12, $0x18;
	v59 =	vand.u32 $0xFF, v52;
	v60 =	vshrl.u32 v52, $0x8  }
0x1d8: {  	v15 =	vshrl.u32 v52, $0x10;
	v23 =	vand.u32 $0xFF, v61;
	v24 =	vshrl.u32 v61, $0x8  }
0x1d9: {  	v28 =	vshrl.u32 v61, $0x10;
	v31 =	vand.u32 $0xFF, v27;
	v35 =	vshrl.u32 v27, $0x8  }
0x1da: {  	v38 =	vshrl.u32 v27, $0x10;
	v39 =	vand.u32 $0xFF, v34;
	v40 =	vshrl.u32 v34, $0x8  }
0x1db: {  	v18 =	vshrl.u32 v34, $0x10;
	v44 =	vand.u32 $0xFF, v41;
	v4 =	vand.u32 $0xFF, v4  }
0x1dc: {  	v5 =	vand.u32 $0xFF, v5;
	v9 =	vand.u32 $0xFF, v9;
	v10 =	vand.u32 $0xFF, v10  }
0x1dd: {  	v7 =	vadd.s32 v7, v11;
	v8 =	vadd.s32 v8, v3;
	v3 =	vshrl.u32 v6, $0x8  }
0x1de: {  	v13 =	vand.u32 $0xFF, v13;
	v6 =	vshrl.u32 v6, $0x18;
	v55 =	vand.u32 $0xFF, v53  }
0x1df: {  	v62 =	vand.u32 $0xFF, v60;
	v21 =	vand.u32 $0xFF, v15;
	v11 =	vshrl.u32 v52, $0x18  }
0x1e0: {  	v29 =	vand.u32 $0xFF, v24;
	v37 =	vand.u32 $0xFF, v35;
	v15 =	vshrl.u32 v27, $0x18  }
0x1e1: {  	v43 =	vand.u32 $0xFF, v18;
	v4 =	vadd.s32 v4, v9;
	v5 =	vadd.s32 v5, v10  }
0x1e2: {  	v46 =	vshll.u32 v8, $0x18;
	v47 =	vand.u32 $0xFF, v3;
	v6 =	vadd.s32 v8, v6  }
0x1e3: {  	v10 =	vshll.u32 v5, $0x10;
	v14 =	vshll.u32 v4, $0x8;
	v48 =	vadd.s32 v4, v47  }
0x1e4: {  	v5 =	vadd.s32 v5, v13;
	v51 =	vshll.u32 v6, $0x18;
	v13 =	vand.u32 $0xFF, v56  }
0x1e5: {  	v6 =	vadd.s32 v6, v12;
	v12 =	vshrl.u32 v61, $0x18;
	v10 =	vor.u32 v10, v46  }
0x1e6: {  	v50 =	vshll.u32 v5, $0x10;
	v54 =	vshll.u32 v48, $0x8;
	v57 =	vadd.s32 v48, v55  }
0x1e7: {  	v58 =	vadd.s32 v5, v13;
	v20 =	vshll.u32 v6, $0x18;
	v22 =	vadd.s32 v6, v11  }
0x1e8: {  	v3 =	vor.u32 v14, v10;
	v4 =	vor.u32 v50, v51;
	v63 =	vshll.u32 v58, $0x10  }
0x1e9: {  	v53 =	vld [tilespmem:s0+$0x340];
	v16 =	vshll.u32 v57, $0x8;
	v8 =	vadd.s32 v57, v62;
	v9 =	vadd.s32 v58, v21  }
0x1ea: {  	v26 =	vshll.u32 v22, $0x18;
	v10 =	vadd.s32 v22, v12;
	v14 =	vshrl.u32 v34, $0x18  }
0x1eb: {  	v3 =	vor.u32 v7, v3;
	v7 =	vadd.s32 v7, v45;
	v4 =	vor.u32 v54, v4  }
0x1ec: {  	v5 =	vor.u32 v63, v20;
	v25 =	vshll.u32 v9, $0x10;
	v17 =	vshll.u32 v8, $0x8  }
0x1ed: {  	v8 =	vadd.s32 v8, v29;
	v33 =	vshll.u32 v10, $0x18;
	v10 =	vadd.s32 v10, v15  }
0x1ee: {  	v45 =	vshrl.u32 v41, $0x8;
	v15 =	vshrl.u32 v41, $0x18;
	v58 =	vand.u32 $0xFF, v53  }
0x1ef: {  	v62 =	vshrl.u32 v53, $0x10;
	v4 =	vor.u32 v7, v4;
	v7 =	vadd.s32 v7, v49  }
0x1f0: {  	v5 =	vor.u32 v16, v5;
	v13 =	vor.u32 v25, v26;
	v16 =	vand.u32 $0xFF, v28  }
0x1f1: {  	v36 =	vshll.u32 v8, $0x8;
	v8 =	vadd.s32 v8, v37;
	v42 =	vshll.u32 v10, $0x18  }
0x1f2: {  	v10 =	vadd.s32 v10, v14;
	v49 =	vshrl.u32 v41, $0x10;
	v5 =	vor.u32 v7, v5  }
0x1f3: {  	v7 =	vadd.s32 v7, v59;
	v30 =	vor.u32 v17, v13;
	v9 =	vadd.s32 v9, v16  }
0x1f4: {  	v48 =	vld [tilespmem:s0+$0x1A0];
	v16 =	vand.u32 $0xFF, v38;
	v13 =	vand.u32 $0xFF, v40;
	v19 =	vshll.u32 v8, $0x8  }
0x1f5: {  	v47 =	vshll.u32 v10, $0x18;
	v50 =	vand.u32 $0xFF, v49;
	v10 =	vadd.s32 v10, v15  }
0x1f6: {  	v59 =	vshrl.u32 v53, $0x8;
	v17 =	vshrl.u32 v53, $0x18;
	v53 =	vmov s15  }
0x1f7: {  	v6 =	vor.u32 v7, v30;
	v11 =	vadd.s32 v7, v23;
	v32 =	vshll.u32 v9, $0x10  }
0x1f8: {  	v9 =	vadd.s32 v9, v16;
	v8 =	vadd.s32 v8, v13;
	v13 =	vand.u32 $0xFF, v45  }
0x1f9: {  	v51 =	vand.u32 $0xFF, v48;
	v15 =	vshll.u32 v10, $0x18;
	v54 =	vshrl.u32 v48, $0x8  }
0x1fa: {  	v63 =	vld [tilespmem:s0+$0x4E0];
	v57 =	vshrl.u32 v48, $0x10;
	v18 =	vshrl.u32 v48, $0x18;
	v7 =	vor.u32 v32, v33  }
0x1fb: {  	v16 =	vshll.u32 v9, $0x10;
	v9 =	vadd.s32 v9, v43;
	v20 =	vshll.u32 v8, $0x8  }
0x1fc: {  	v8 =	vadd.s32 v8, v13;
	v56 =	vand.u32 $0xFF, v54;
	v10 =	vadd.s32 v10, v18  }
0x1fd: {  	v7 =	vor.u32 v36, v7;
	v16 =	vor.u32 v16, v42;
	v46 =	vshll.u32 v9, $0x10  }
0x1fe: {  	v28 =	vld [tilespmem:s0+$0x680];
	v9 =	vadd.s32 v9, v50;
	v55 =	vshll.u32 v8, $0x8;
	v8 =	vadd.s32 v8, v56  }
0x1ff: {  	v61 =	vshll.u32 v10, $0x18;
	v10 =	vadd.s32 v10, v17;
	v26 =	vand.u32 $0xFF, v63  }
0x200: {  	v27 =	vshrl.u32 v63, $0x10;
	v29 =	vshrl.u32 v63, $0x8;
	v7 =	vor.u32 v11, v7  }
0x201: {  	v11 =	vadd.s32 v11, v31;
	v16 =	vor.u32 v19, v16;
	v14 =	vor.u32 v46, v47  }
0x202: {  	v52 =	vshll.u32 v9, $0x10;
	v19 =	vand.u32 $0xFF, v57;
	v21 =	vshll.u32 v8, $0x8  }
0x203: {  	v17 =	vshll.u32 v10, $0x18;
	v32 =	vand.u32 $0xFF, v28;
	v34 =	vshrl.u32 v28, $0x10  }
0x204: {  	v35 =	vshrl.u32 v28, $0x8;
	v16 =	vor.u32 v11, v16;
	v11 =	vadd.s32 v11, v39  }
0x205: {  	v14 =	vor.u32 v20, v14;
	v13 =	vor.u32 v52, v15;
	v9 =	vadd.s32 v9, v19  }
0x206: {  	v15 =	vand.u32 $0xFF, v59;
	v20 =	vand.u32 $0xFF, v62;
	v19 =	vshrl.u32 v63, $0x18  }
0x207: {  	v33 =	vld [tilespmem:s0+$0x820];
	v14 =	vor.u32 v11, v14;
	v11 =	vadd.s32 v11, v44;
	v13 =	vor.u32 v55, v13  }
0x208: {  	v60 =	vshll.u32 v9, $0x10;
	v9 =	vadd.s32 v9, v20;
	v8 =	vadd.s32 v8, v15  }
0x209: {  	v20 =	vand.u32 $0xFF, v27;
	v10 =	vadd.s32 v10, v19;
	v13 =	vor.u32 v11, v13  }
0x20a: {  	v11 =	vadd.s32 v11, v51;
	v18 =	vor.u32 v60, v61;
	v24 =	vshll.u32 v9, $0x10  }
0x20b: {  	v25 =	vshll.u32 v8, $0x8;
	v9 =	vadd.s32 v9, v20;
	v31 =	vshll.u32 v10, $0x18  }
0x20c: {  	[tilespmem:s0+$0xFFFFF4A0] =	vst v2;
	v2 =	vshrl.u32 v33, $0x10;
	v40 =	vshrl.u32 v33, $0x18;
	v42 =	vshrl.u32 v33, $0x8  }
0x20d: {  	v43 =	vand.u32 $0xFF, v33;
	v18 =	vor.u32 v21, v18;
	v15 =	vor.u32 v24, v17  }
0x20e: {  	v39 =	vld [tilespmem:s0+$0x9C0];
	v21 =	vand.u32 $0xFF, v29;
	v30 =	vshll.u32 v9, $0x10;
	v17 =	vand.u32 $0xFF, v35  }
0x20f: {  	v52 =	vld [tilespmem:s0+$0xB60];
	v2 =	vand.u32 $0xFF, v2;
	v18 =	vor.u32 v11, v18;
	v11 =	vadd.s32 v11, v58  }
0x210: {  	v12 =	vor.u32 v25, v15;
	v8 =	vadd.s32 v8, v21;
	v19 =	vor.u32 v30, v31  }
0x211: {  	v15 =	vshrl.u32 v28, $0x18;
	v12 =	vor.u32 v11, v12;
	v21 =	vshll.u32 v8, $0x8  }
0x212: {  	v11 =	vadd.s32 v11, v26;
	v10 =	vadd.s32 v10, v15;
	v8 =	vadd.s32 v8, v17  }
0x213: {  	v47 =	vshrl.u32 v39, $0x8;
	v49 =	vand.u32 $0xFF, v39;
	v50 =	vshrl.u32 v39, $0x10  }
0x214: {  	[tilespmem:s0+$0xFFFFF300] =	vst v0;
	v51 =	vshrl.u32 v39, $0x18;
	v60 =	vand.u32 $0xFF, v52;
	v19 =	vor.u32 v21, v19  }
0x215: {  	[tilespmem:s0+$0xFFFFF640] =	vst v3;
	v21 =	vand.u32 $0xFF, v34;
	v37 =	vshll.u32 v10, $0x18;
	v38 =	vshll.u32 v8, $0x8  }
0x216: {  	[tilespmem:s0+$0xFFFFFCC0] =	vst v7;
	v41 =	vadd.s32 v10, v40;
	v7 =	vand.u32 $0xFF, v47;
	v10 =	vshll.u32 v53, $0x2  }
0x217: {  	[tilespmem:s0+$0xFFFFF7E0] =	vst v4;
	v19 =	vor.u32 v11, v19;
	v11 =	vadd.s32 v11, v32;
	v9 =	vadd.s32 v9, v21  }
0x218: {  	[tilespmem:s0+$0xFFFFF980] =	vst v5;
	v46 =	vshll.u32 v41, $0x18;
	v4 =	vadd.s32 v41, v51;
	v10 =	vor.u32 v1, v10  }
0x219: {  	[tilespmem:s0+$0xFFFFFB20] =	vst v6;
	v36 =	vshll.u32 v9, $0x10;
	v2 =	vadd.s32 v9, v2;
	v9 =	vand.u32 $0xFF, v42  }
0x21a: {  	[tilespmem:s0+$0xFFFFFE60] =	vst v16;
	v5 =	vadd.s32 v11, v43;
	v55 =	vshll.u32 v4, $0x18;
	v58 =	vor.u32 $0x1, v10  }
0x21b: {  	[tilespmem:s0+$0x0] =	vst v14;
	v59 =	vor.u32 $0x2, v10;
	v15 =	vor.u32 v36, v37;
	v44 =	vadd.s32 v8, v9  }
0x21c: {  	[tilespmem:s0+$0x1A0] =	vst v13;
	v45 =	vshll.u32 v2, $0x10;
	v6 =	vadd.s32 v44, v7;
	v7 =	vand.u32 $0xFF, v50  }
0x21d: {  	[tilespmem:s0+$0x340] =	vst v18;
	v3 =	vor.u32 v38, v15;
	v8 =	vor.u32 v45, v46;
	v2 =	vadd.s32 v2, v7  }
0x21e: {  	[tilespmem:s0+$0x4E0] =	vst v12;
	v48 =	vshll.u32 v44, $0x8;
	v3 =	vor.u32 v11, v3;
	v54 =	vshll.u32 v2, $0x10  }
0x21f: {  	[tilespmem:s0+$0x680] =	vst v19;
	v8 =	vor.u32 v48, v8;
	v56 =	vshll.u32 v6, $0x8;
	v11 =	vor.u32 v54, v55  }
0x220: {  	v8 =	vor.u32 v5, v8;
	[tilespmem:s0+$0x820] =	vst v3;
	v3 =	vadd.s32 v5, v49;
	v57 =	vor.u32 v56, v11  }
0x221: {  	p0 =	sne.s32 s15, $0x190;
	v61 =	vshrl.u32 v52, $0x8;
	v62 =	vor.u32 $0x3, v10;
	[tilespmem:s0+$0x9C0] =	vst v8;
	v5 =	vor.u32 v3, v57  }
.Ltmp8:
0x222: {  	v63 =	vshrl.u32 v52, $0x10;
	v12 =	vand.u32 $0xFF, v61;
	v3 =	vadd.s32 v3, v60;
	[tilespmem:s0+$0xB60] =	vst v5;
	(pc) =	sbr.rel @p0 .LBB2_17-.Ltmp8, $4  }
0x223: {  	v6 =	vadd.s32 v6, v12;
	v11 =	vand.u32 $0xFF, v63;
	[tilespmem:v10+s6+$0x0] =	vst.idx.msk $0xffff, v3  }
0x224: {  	v2 =	vadd.s32 v2, v11;
	v3 =	vshrl.u32 v52, $0x18;
	[tilespmem:v58+s6+$0x0] =	vst.idx.msk $0xffff, v6  }
0x225: {  	v3 =	vadd.s32 v4, v3;
	[tilespmem:v59+s6+$0x0] =	vst.idx.msk $0xffff, v2  }
0x226: {  	s15 =	sadd.s32 $0x10, s15;
	s0 =	sadd.s32 $0x10, s0;
	[tilespmem:v62+s6+$0x0] =	vst.idx.msk $0xffff, v3  }
0x227: {  	s0 =	simm.s32 $0x0;
	s1 =	simm.s32 $0x6800  }
0x228: {  	[hbm4b:s16+s0] =	stream.linear.scatter [tilespmem:s1], [sflag:$0x1], $0x1A0, $0x38;
	[tilespmem:$0x16F20] =	vst v63  }
0x229: {  	s15 =	simm.s32 $0x69A0  }
0x22a: {  	[hbm4b:s17+s0] =	stream.linear.scatter [tilespmem:s15], [sflag:$0x1], $0x1A0, $0x38;
	[tilespmem:$0x16F20] =	vst v63  }
0x22b: {  	s16 =	simm.s32 $0x6B40  }
0x22c: {  	[hbm4b:s18+s0] =	stream.linear.scatter [tilespmem:s16], [sflag:$0x1], $0x1A0, $0x38;
	[tilespmem:$0x16F20] =	vst v63  }
0x22d: {  	s17 =	simm.s32 $0x6CE0  }
0x22e: {  	[hbm4b:s14+s0] =	stream.linear.scatter [tilespmem:s17], [sflag:$0x1], $0x1A0, $0x38;
	[tilespmem:$0x16F20] =	vst v63  }
0x22f: {  	s18 =	simm.s32 $0x6E80  }
0x230: {  	[hbm4b:s19+s0] =	stream.linear.scatter [tilespmem:s18], [sflag:$0x1], $0x1A0, $0x38;
	[tilespmem:$0x16F20] =	vst v63  }
0x231: {  	s19 =	simm.s32 $0x7020  }
0x232: {  	[hbm4b:s20+s0] =	stream.linear.scatter [tilespmem:s19], [sflag:$0x1], $0x1A0, $0x38;
	[tilespmem:$0x16F20] =	vst v63  }
0x233: {  	s20 =	simm.s32 $0x71C0  }
0x234: {  	[hbm4b:s21+s0] =	stream.linear.scatter [tilespmem:s20], [sflag:$0x1], $0x1A0, $0x38;
	[tilespmem:$0x16F20] =	vst v63  }
0x235: {  	s21 =	simm.s32 $0x7360  }
0x236: {  	[hbm4b:s22+s0] =	stream.linear.scatter [tilespmem:s21], [sflag:$0x1], $0x1A0, $0x38;
	[tilespmem:$0x16F20] =	vst v63  }
0x237: {  	s22 =	simm.s32 $0x7500  }
0x238: {  	[hbm4b:s23+s0] =	stream.linear.scatter [tilespmem:s22], [sflag:$0x1], $0x1A0, $0x38;
	[tilespmem:$0x16F20] =	vst v63  }
0x239: {  	s23 =	simm.s32 $0x76A0  }
0x23a: {  	[hbm4b:s24+s0] =	stream.linear.scatter [tilespmem:s23], [sflag:$0x1], $0x1A0, $0x38;
	[tilespmem:$0x16F20] =	vst v63  }
0x23b: {  	s24 =	simm.s32 $0x7840  }
0x23c: {  	[hbm4b:s25+s0] =	stream.linear.scatter [tilespmem:s24], [sflag:$0x1], $0x1A0, $0x38;
	[tilespmem:$0x16F20] =	vst v63  }
0x23d: {  	s25 =	simm.s32 $0x79E0  }
0x23e: {  	[hbm4b:s26+s0] =	stream.linear.scatter [tilespmem:s25], [sflag:$0x1], $0x1A0, $0x38;
	[tilespmem:$0x16F20] =	vst v63  }
0x23f: {  	s26 =	simm.s32 $0x7B80  }
0x240: {  	[hbm4b:s28+s0] =	stream.linear.scatter [tilespmem:s26], [sflag:$0x1], $0x1A0, $0x38;
	[tilespmem:$0x16F20] =	vst v63  }
0x241: {  	s28 =	simm.s32 $0x7D20  }
0x242: {  	[hbm4b:s29+s0] =	stream.linear.scatter [tilespmem:s28], [sflag:$0x1], $0x1A0, $0x38;
	[tilespmem:$0x16F20] =	vst v63  }
0x243: {  	s29 =	simm.s32 $0x7EC0  }
0x244: {  	[hbm4b:s30+s0] =	stream.linear.scatter [tilespmem:s29], [sflag:$0x1], $0x1A0, $0x38;
	[tilespmem:$0x16F20] =	vst v63  }
0x245: {  	s30 =	simm.s32 $0x8060  }
0x246: {  	[hbm4b:s31+s0] =	stream.linear.scatter [tilespmem:s30], [sflag:$0x1], $0x1A0, $0x38;
	[tilespmem:$0x16F20] =	vst v63  }
0x247: {  	s31 =	simm.s32 $0x1  }
0x248: {  	_ =	swait.ge [sflag:s31], $0x1A0  }
0x249: {  	[sflag:s31] =	ssyncset.done $0x0  }
0x24a: {  	[sflag:s31] =	ssyncadd.s32 $0xFFFFFE60  }
0x24b: {  	_ =	swait.ge [sflag:s31], $0x1A0  }
0x24c: {  	[sflag:s31] =	ssyncset.done $0x0  }
0x24d: {  	[sflag:s31] =	ssyncadd.s32 $0xFFFFFE60  }
0x24e: {  	_ =	swait.ge [sflag:s31], $0x1A0  }
0x24f: {  	[sflag:s31] =	ssyncset.done $0x0  }
0x250: {  	[sflag:s31] =	ssyncadd.s32 $0xFFFFFE60  }
0x251: {  	_ =	swait.ge [sflag:s31], $0x1A0  }
0x252: {  	[sflag:s31] =	ssyncset.done $0x0  }
0x253: {  	[sflag:s31] =	ssyncadd.s32 $0xFFFFFE60  }
0x254: {  	_ =	swait.ge [sflag:s31], $0x1A0  }
0x255: {  	[sflag:s31] =	ssyncset.done $0x0  }
0x256: {  	[sflag:s31] =	ssyncadd.s32 $0xFFFFFE60  }
0x257: {  	_ =	swait.ge [sflag:s31], $0x1A0  }
0x258: {  	[sflag:s31] =	ssyncset.done $0x0  }
0x259: {  	[sflag:s31] =	ssyncadd.s32 $0xFFFFFE60  }
0x25a: {  	_ =	swait.ge [sflag:s31], $0x1A0  }
0x25b: {  	[sflag:s31] =	ssyncset.done $0x0  }
0x25c: {  	[sflag:s31] =	ssyncadd.s32 $0xFFFFFE60  }
0x25d: {  	_ =	swait.ge [sflag:s31], $0x1A0  }
0x25e: {  	[sflag:s31] =	ssyncset.done $0x0  }
0x25f: {  	[sflag:s31] =	ssyncadd.s32 $0xFFFFFE60  }
0x260: {  	_ =	swait.ge [sflag:s31], $0x1A0  }
0x261: {  	[sflag:s31] =	ssyncset.done $0x0  }
0x262: {  	[sflag:s31] =	ssyncadd.s32 $0xFFFFFE60  }
0x263: {  	_ =	swait.ge [sflag:s31], $0x1A0  }
0x264: {  	[sflag:s31] =	ssyncset.done $0x0  }
0x265: {  	[sflag:s31] =	ssyncadd.s32 $0xFFFFFE60  }
0x266: {  	_ =	swait.ge [sflag:s31], $0x1A0  }
0x267: {  	[sflag:s31] =	ssyncset.done $0x0  }
0x268: {  	[sflag:s31] =	ssyncadd.s32 $0xFFFFFE60  }
0x269: {  	_ =	swait.ge [sflag:s31], $0x1A0  }
0x26a: {  	[sflag:s31] =	ssyncset.done $0x0  }
0x26b: {  	[sflag:s31] =	ssyncadd.s32 $0xFFFFFE60  }
0x26c: {  	_ =	swait.ge [sflag:s31], $0x1A0  }
0x26d: {  	[sflag:s31] =	ssyncset.done $0x0  }
0x26e: {  	[sflag:s31] =	ssyncadd.s32 $0xFFFFFE60  }
0x26f: {  	_ =	swait.ge [sflag:s31], $0x1A0  }
0x270: {  	[sflag:s31] =	ssyncset.done $0x0  }
0x271: {  	[sflag:s31] =	ssyncadd.s32 $0xFFFFFE60  }
0x272: {  	_ =	swait.ge [sflag:s31], $0x1A0  }
0x273: {  	[sflag:s31] =	ssyncset.done $0x0  }
0x274: {  	[sflag:s31] =	ssyncadd.s32 $0xFFFFFE60  }
0x275: {  	_ =	swait.ge [sflag:s31], $0x1A0  }
0x276: {  	[sflag:s31] =	ssyncset.done $0x0  }
0x277: {  	s2 =	simm.s32 $0x0;
	[sflag:s31] =	ssyncadd.s32 $0xFFFFFE60  }
0x278: {  	v1 =	vld [tilespmem:s2+$0xFE00]  }
0x279: {  	v0 =	vlaneseq.u32  }
0x27a: {  	s1 =	smul.u32 $0x680, s11;
	v0 =	vmul.u32 $0xFFFFFFFF, v0;
	_ =	sdelay $0x1  }
0x27b: {  	v0 =	vadd.s32 $0x61A8, v0;
	v11 =	vmov s1  }
0x27c: {  	vm1 =	vlt.u32 v11, v0;
	vm0 =	vgt.s32 v1, $0x0  }
0x27d: {  	v1 =	vimm.s32 $0x1;
	vm0 =	vmand vm1, vm0  }
0x27e: {  	(xrf0) =	vadd.scan.msk.s32 vm0, v1;
	_ =	sdelay $0x5  }
0x27f: {  	v2, _, _ =	vpop (xrf0)  }
0x280: {  	v2 =	vadd.s32 s0, v2  }
0x281: {  	v3 =	vxor.u32 $0x80000000, v2  }
0x282: {  	(xrf0) =	vmax.scan.msk.u32 $0xffff, v3;
	_ =	sdelay $0x5  }
0x283: {  	v3, _, _ =	vpop (xrf0)  }
0x284: {  	(v2sf) =	vpush v3, $0xF;
	_ =	sdelay $0x1  }
0x285: {  	s0 =	simm.s32 $0x10;
	[tilespmem:s2+$0x10480] =	vst v2;
	s2 =	simm.s32 $0x80  }
.LBB2_19:
0x286: {  	p0 =	sne.s32 s2, $0x19C0;
	v2 =	vld [tilespmem:s0+$0xFE00];
	_ =	sdelay $0x2  }
0x287: {  	s1 =	sadd.s32 $0x10, s1  }
0x288: {  	v3 =	vmov s1  }
0x289: {  	vm1 =	vlt.u32 v3, v0;
	vm0 =	vgt.s32 v2, $0x0  }
0x28a: {  	vm0 =	vmand vm1, vm0  }
0x28b: {  	(xrf0) =	vadd.scan.msk.s32 vm0, v1;
	_ =	sdelay $0x4  }
0x28c: {  	s3 =	spop (v2sf)  }
0x28d: {  	v2, _, _ =	vpop (xrf0);
	s3 =	sxor.u32 $0x80000000, s3  }
0x28e: {  	v2 =	vadd.s32 s3, v2  }
0x28f: {  	[tilespmem:s0+$0x10480] =	vst v2;
	v2 =	vxor.u32 $0x80000000, v2  }
0x290: {  	(xrf0) =	vmax.scan.msk.u32 $0xffff, v2;
	_ =	sdelay $0x4  }
.Ltmp9:
0x291: {  	(pc) =	sbr.rel @p0 .LBB2_19-.Ltmp9, $3  }
0x292: {  	v2, _, _ =	vpop (xrf0)  }
0x293: {  	(v2sf) =	vpush v2, $0xF;
	_ =	sdelay $0x1  }
0x294: {  	s0 =	sshra.s32 s2, $0x2;
	s2 =	sadd.s32 $0x40, s2  }
0x295: {  	v2 =	vld [tilespmem:s0+$0xFE00];
	_ =	sdelay $0x2  }
0x296: {  	s1 =	sadd.s32 $0x10, s1  }
0x297: {  	v3 =	vmov s1  }
0x298: {  	vm1 =	vlt.u32 v3, v0;
	vm0 =	vgt.s32 v2, $0x0  }
0x299: {  	vm0 =	vmand vm1, vm0  }
0x29a: {  	(xrf0) =	vadd.scan.msk.s32 vm0, v1;
	_ =	sdelay $0x4  }
0x29b: {  	s20 =	spop (v2sf)  }
0x29c: {  	v0, _, _ =	vpop (xrf0);
	s1 =	sxor.u32 $0x80000000, s20  }
0x29d: {  	v0 =	vadd.s32 s1, v0  }
0x29e: {  	v1 =	vxor.u32 $0x80000000, v0  }
0x29f: {  	(xrf0) =	vmax.scan.msk.u32 $0xffff, v1;
	_ =	sdelay $0x5  }
0x2a0: {  	v1, _, _ =	vpop (xrf0)  }
0x2a1: {  	(v2sf) =	vpush v1, $0xF;
	_ =	sdelay $0xe  }
0x2a2: {  	s21 =	spop (v2sf)  }
0x2a3: {  	s1 =	sxor.u32 $0x80000000, s21  }
0x2a4: {  	s22 =	sshll.u32 s11, $0x4;
	v13 =	vlaneseq.u32;
	[tilespmem:s0+$0x10480] =	vst v0;
	v0 =	vmov s1;
	s1 =	simm.s32 $0x0  }
0x2a5: {  	s2 =	simm.s32 $0x10B00;
	s23 =	simm.s32 $0x5;
	s0 =	sadd.s32 s22, s9;
	[tilespmem:$0x10B00] =	vst v0;
	v14 =	vor.u32 s1, v13  }
0x2a6: {  	[spmem:s0] =	stream.linear.scatter [tilespmem:s2], [sflag:$0x5], $0x10, $0x38;
	v7 =	vadd.s32 v11, v14;
	[tilespmem:$0x16F20] =	vst v63  }
0x2a7: {  	_ =	swait.ge [sflag:s23], $0x10;
	v0 =	vmulhi.u32 $0xD1B71759, v7  }
0x2a8: {  	[sflag:s23] =	ssyncset.done $0x0  }
0x2a9: {  	[sflag:s23] =	ssyncadd.s32 $0xFFFFFFF0;
	v1 =	vshrl.u32 v0, $0xB  }
0x2aa: {  	[bflag:$0x0] =	sbarrier.arrive $0xFFFF;
	v0 =	vmul.u32 $0xFFFFF63C, v1  }
0x2ab: {  	[tilespmem:s2], [sflag:$0x5] =	stream.linear.gather [spmem:s9], $0x100, $0x38;
	[tilespmem:$0x16F20] =	vst v63  }
0x2ac: {  	_ =	swait.ge [sflag:s23], $0x100;
	v2 =	vadd.s32 v7, v0  }
0x2ad: {  	(v2sf) =	vpush v2, $0x0  }
0x2ae: {  	(v2sf) =	vpush v2, $0x7;
	_ =	sdelay $0x1  }
0x2af: {  	(v2sf) =	vpush v2, $0x1  }
0x2b0: {  	(v2sf) =	vpush v2, $0x2;
	_ =	sdelay $0x1  }
0x2b1: {  	(v2sf) =	vpush v2, $0xE  }
0x2b2: {  	(v2sf) =	vpush v2, $0x3  }
0x2b3: {  	(v2sf) =	vpush v2, $0x4  }
0x2b4: {  	(v2sf) =	vpush v2, $0xC  }
0x2b5: {  	(v2sf) =	vpush v2, $0x8;
	_ =	sdelay $0x1  }
0x2b6: {  	(v2sf) =	vpush v2, $0x9  }
0x2b7: {  	s13 =	simm.s32 $0xFE00  }
0x2b8: {  	s10 =	simm.s32 $0x11280;
	[dreg:$0xa] =	wrdreg s13  }
0x2b9: {  	[dreg:$0x9] =	wrdreg s10;
	s6 =	spop (v2sf)  }
0x2ba: {  	s15 =	simm.s32 $0x10C00;
	s3 =	spop (v2sf);
	s5 =	smulhi.u32 $0x51EB851F, s6  }
0x2bb: {  	[dreg:$0x8] =	wrdreg s15;
	s4 =	sshra.s32 s3, $0x1F;
	s8 =	smulhi.u32 $0x51EB851F, s3  }
0x2bc: {  	s24 =	spop (v2sf);
	s26 =	smul.u32 $0x51EB851F, s4  }
0x2bd: {  	s14 =	simm.s32 $0x6800;
	s25 =	spop (v2sf);
	s10 =	smulhi.u32 $0x51EB851F, s24  }
0x2be: {  	[dreg:$0x6] =	wrdreg s14;
	s0 =	sshra.s32 s24, $0x1F;
	s13 =	smulhi.u32 $0x51EB851F, s25  }
0x2bf: {  	v0 =	vmul.u32 $0x11, v13;
	[sflag:s23] =	ssyncset.done $0x0;
	(v2sf) =	vpush v2, $0xA;
	s7 =	spop (v2sf);
	s0 =	smul.u32 $0x51EB851F, s0  }
0x2c0: {  	s16 =	sshra.s32 s25, $0x1F;
	s4 =	smulhi.u32 $0x51EB851F, s7;
	s12 =	spop (v2sf)  }
0x2c1: {  	s7 =	sshra.s32 s7, $0x1F;
	s19 =	smul.u32 $0x51EB851F, s16;
	s3 =	spop (v2sf)  }
0x2c2: {  	(v2sf) =	vpush v2, $0xD;
	s7 =	smul.u32 $0x51EB851F, s7;
	s14 =	sshra.s32 s12, $0x1F;
	s15 =	spop (v2sf)  }
0x2c3: {  	s14 =	smul.u32 $0x51EB851F, s14;
	s20 =	spop (v2sf);
	s17 =	sshra.s32 s15, $0x1F  }
0x2c4: {  	[sflag:s23] =	ssyncadd.s32 $0xFFFFFF00;
	s22 =	sshra.s32 s20, $0x1F;
	s23 =	smul.u32 $0x51EB851F, s17  }
0x2c5: {  	s30 =	simm.s32 $0x20;
	v0 =	vld.idx.msk [tilespmem:v0+s2+$0x0], $0xffff;
	s18 =	spop (v2sf);
	s16 =	smul.u32 $0x51EB851F, s22  }
0x2c6: {  	s2 =	simm.s32 $0x10480;
	(v2sf) =	vpush v2, $0xF;
	s25 =	sshra.s32 s6, $0x1F;
	s24 =	smulhi.u32 $0x51EB851F, s18  }
0x2c7: {  	v3 =	vmov s11;
	(v2sf) =	vpush v2, $0xB;
	s11 =	sadd.s32 s0, s10;
	s21 =	sshra.s32 s18, $0x1F;
	s18 =	smulhi.u32 $0x51EB851F, s12  }
0x2c8: {  	s0 =	sadd.s32 s19, s13;
	s22 =	sadd.s32 s26, s8;
	s26 =	smul.u32 $0x51EB851F, s21  }
0x2c9: {  	vm0 =	vgt.u32 v3, v13;
	s19 =	simm.s32 $0x10490;
	s21 =	sshra.s32 s3, $0x1F;
	s3 =	smulhi.u32 $0x51EB851F, s3  }
0x2ca: {  	v6 =	vimm.s32 $0xECA86420;
	v0 =	vnsel vm0, $0x0, v0;
	s31 =	sshrl.u32 s11, $0x1F;
	s10 =	sadd.s32 s7, s4;
	s9 =	smul.u32 $0x51EB851F, s21  }
0x2cb: {  	vm6 =	vcmask $0xB08;
	vm4 =	vcmask $0x1310;
	vm2 =	vcmask $0x1B18;
	(xrf0) =	vadd.scan.msk.s32 $0xffff, v0;
	s17 =	simm.s32 $0x10;
	s6 =	sadd.s32 s14, s18;
	s21 =	smulhi.u32 $0x51EB851F, s20  }
0x2cc: {  	vm12 =	vcmask $0x300;
	vm7 =	vcmask $0x2320;
	vm5 =	vcmask $0x2B28;
	s14 =	sshra.s32 s22, $0x1F;
	s26 =	sadd.s32 s26, s24;
	s24 =	smulhi.u32 $0x51EB851F, s15  }
0x2cd: {  	vm3 =	vcmask $0x3330;
	vm8 =	vcmask $0x704;
	s20 =	simm.s32 $0xFE10;
	s15 =	smul.u32 $0x51EB851F, s25;
	v10 =	vmov s14;
	s14 =	simm.s32 $0x10  }
0x2ce: {  	vm11 =	vcmask $0xF0C;
	vm13 =	vcmask $0x1714;
	v4 =	vand.u32 $0x3, v13;
	s28 =	sadd.s32 s9, s3;
	s8 =	spop (v2sf);
	s12 =	sadd.s32 s23, s24  }
0x2cf: {  	vm15 =	vcmask $0x1F1C;
	v5 =	vmul.u32 $0x1A0, v4;
	v4 =	vunpack.c.l.s4.s8 v6;
	v18 =	vld [tilespmem:s2+$0x0];
	s25 =	sadd.s32 s15, s5;
	s15 =	simm.s32 $0x11290;
	s24 =	simm.s32 $0x10C10  }
0x2d0: {  	vm14 =	vcmask $0x2724;
	v9 =	vor.u32 $0x3E80, v13;
	v6 =	vmul.u32 $0x2, v13;
	s5 =	sshra.s32 s11, $0x4;
	s11 =	sshra.s32 s11, $0x1F;
	s29 =	smulhi.u32 $0x51EB851F, s8  }
0x2d1: {  	v4 =	vunpack.c.0.s8.s32 v4;
	vm1 =	vcmask $0x3B38;
	v15 =	vadd.s32 s1, v9;
	v0, _, _ =	vpop (xrf0);
	s13 =	sshra.s32 s8, $0x1F;
	s23 =	spop (v2sf);
	[dreg:$0x7] =	wrdreg s24  }
0x2d2: {  	v12 =	vshrl.u32 v14, $0x2;
	v3 =	vbroadcast v0, $0xF;
	v8 =	vor.u32 s17, v13;
	s8 =	sadd.s32 s16, s21;
	s16 =	sshra.s32 s12, $0x4;
	s17 =	smulhi.u32 $0x51EB851F, s23  }
0x2d3: {  	v14 =	vshll.u32 v14, $0x3;
	vm0 =	vmmov $0xff;
	v16 =	vadd.s32 v11, v8;
	s21 =	sshrl.u32 s12, $0x1F;
	s18 =	sshra.s32 s23, $0x1F;
	s4 =	smul.u32 $0x51EB851F, s13  }
0x2d4: {  	v0 =	vimm.s32 $0x0;
	v18 =	vadd.s32 v3, v18;
	v20 =	vmulhi.u32 $0xD1B71759, v16;
	s24 =	sshra.s32 s25, $0x1F;
	s7 =	smul.u32 $0x51EB851F, s18;
	s18 =	sshra.s32 s25, $0x4  }
0x2d5: {  	v17 =	vshrl.u32 v8, $0x2;
	(v2sf) =	vpush v2, $0x5;
	s2 =	sshrl.u32 s8, $0x1F;
	s23 =	spop (v2sf);
	s25 =	sshrl.u32 s25, $0x1F;
	v10 =	vsel vm12, s18, v10  }
0x2d6: {  	v19 =	vmov s16;
	s12 =	smulhi.u32 $0x51EB851F, s23;
	s3 =	sshra.s32 s23, $0x1F;
	s9 =	spop (v2sf);
	v24 =	vsel vm8, s24, v10;
	v10 =	vshrl.u32 v20, $0xB  }
0x2d7: {  	v22 =	vmov s21;
	(v2sf) =	vpush v2, $0x6;
	s23 =	sshra.s32 s10, $0x4;
	s7 =	sadd.s32 s7, s17;
	s13 =	smulhi.u32 $0x51EB851F, s9;
	v20 =	vmul.u32 $0xFFFFF63C, v10  }
.LBB2_21:
0x2d8: {  	_ =	sdelay $0xa  }
0x2d9: {  	s1 =	smul.u32 $0x51EB851F, s3;
	s9 =	sshra.s32 s9, $0x1F;
	s16 =	smov.u32 s14  }
0x2da: {  	v25 =	vmov s25;
	s21 =	smov.u32 s30;
	s25 =	smov.u32 s19;
	s17 =	sshrl.u32 s26, $0x1F;
	v20 =	vadd.s32 v16, v20  }
0x2db: {  	s10 =	sshrl.u32 s10, $0x1F;
	s26 =	sshra.s32 s26, $0x4;
	s18 =	spop (v2sf);
	(v2sf) =	vpush v20, $0x0  }
0x2dc: {  	s3 =	sshrl.u32 s0, $0x1F;
	s8 =	sshra.s32 s8, $0x4;
	s14 =	sshra.s32 s0, $0x4;
	(v2sf) =	vpush v20, $0x7  }
0x2dd: {  	v23 =	vadd.s32 v5, v12;
	v26 =	vmov s2;
	p0 =	sne.s32 s30, $0x670;
	s19 =	sadd.s32 $0x10, s19;
	[dreg:$0xb] =	wrdreg s16  }
0x2de: {  	v12 =	vmovc v17;
	v24 =	vsel vm6, s5, v24;
	vm8 =	vlt.u32 v7, $0x61A8;
	s4 =	sadd.s32 s4, s29;
	v17 =	vsel vm6, s17, v26;
	s24 =	smul.u32 $0x51EB851F, s9;
	s16 =	sshrl.u32 s7, $0x1F  }
0x2df: {  	v7 =	vmovc v16;
	v24 =	vsel vm11, s11, v24;
	v16 =	vmov s8;
	s11 =	rddreg [dreg:$0xa];
	s8 =	sshrl.u32 s22, $0x1F;
	s17 =	sshrl.u32 s4, $0x1F;
	(v2sf) =	vpush v20, $0x1  }
0x2e0: {  	s2 =	sadd.s32 s1, s12;
	v22 =	vsel vm6, s16, v22;
	s4 =	sshra.s32 s4, $0x4;
	s16 =	sshra.s32 s6, $0x4;
	(v2sf) =	vpush v20, $0x2  }
0x2e1: {  	v26 =	vld [tilespmem:s11+$0x0];
	s1 =	sadd.s32 $0x10, s30;
	s11 =	sshra.s32 s7, $0x4;
	s12 =	sadd.s32 s24, s13;
	(v2sf) =	vpush v20, $0xE  }
0x2e2: {  	v24 =	vsel vm4, s14, v24;
	s24 =	sshrl.u32 s2, $0x1F;
	s13 =	sshrl.u32 s6, $0x1F;
	s2 =	sshra.s32 s2, $0x4  }
0x2e3: {  	v17 =	vsel vm4, s17, v17;
	v19 =	vsel vm6, s11, v19;
	s17 =	smov.u32 s20;
	s11 =	sshra.s32 s22, $0x4;
	s14 =	sshra.s32 s12, $0x4;
	(v2sf) =	vpush v20, $0x3  }
0x2e4: {  	vm10 =	vcmask $0x2F2C;
	v25 =	vnsel vm12, $0x0, v25;
	v22 =	vsel vm4, s10, v22;
	s10 =	sshrl.u32 s12, $0x1F;
	s29 =	smulhi.u32 $0x51EB851F, s18;
	s9 =	sshra.s32 s18, $0x1F  }
0x2e5: {  	v25 =	vsel vm6, s31, v25;
	v16 =	vsel vm6, s26, v16;
	v22 =	vsel vm2, s24, v22;
	s12 =	sshra.s32 s28, $0x4;
	s24 =	spop (v2sf);
	s18 =	smul.u32 $0x51EB851F, s9  }
0x2e6: {  	v16 =	vsel vm4, s4, v16;
	v25 =	vsel vm4, s3, v25;
	s9 =	sshra.s32 s0, $0x1F;
	s26 =	smulhi.u32 $0x51EB851F, s24;
	s4 =	sshra.s32 s24, $0x1F;
	(v2sf) =	vpush v20, $0x4  }
0x2e7: {  	v25 =	vsel vm2, s13, v25;
	s13 =	sshrl.u32 s28, $0x1F;
	v19 =	vsel vm4, s23, v19;
	[dreg:$0xa] =	wrdreg s17;
	v24 =	vsel vm13, s9, v24;
	s4 =	smul.u32 $0x51EB851F, s4  }
0x2e8: {  	v16 =	vsel vm2, s14, v16;
	s14 =	sshra.s32 s28, $0x1F;
	s5 =	sadd.s32 s18, s29;
	s18 =	sshra.s32 s6, $0x1F;
	v24 =	vsel vm2, s16, v24;
	(v2sf) =	vpush v20, $0xC  }
0x2e9: {  	v17 =	vsel vm2, s10, v17;
	v25 =	vsel vm7, s13, v25;
	s24 =	rddreg [dreg:$0x6];
	v24 =	vsel vm15, s18, v24;
	s16 =	sshra.s32 s5, $0x4;
	s3 =	sadd.s32 s4, s26  }
0x2ea: {  	v19 =	vsel vm2, s2, v19;
	v17 =	vcombine.low v17, v22;
	s18 =	sshrl.u32 s5, $0x1F;
	s23 =	sshra.s32 s5, $0x1F;
	v24 =	vsel vm7, s12, v24;
	s6 =	spop (v2sf)  }
0x2eb: {  	vm9 =	vgt.s32 v26, $0x0;
	s26 =	sshrl.u32 s3, $0x1F;
	v24 =	vsel vm14, s14, v24;
	(v2sf) =	vpush v20, $0x8;
	s7 =	smulhi.u32 $0x51EB851F, s6;
	s10 =	spop (v2sf)  }
0x2ec: {  	vm8 =	vmand vm8, vm9;
	v25 =	vsel vm5, s18, v25;
	s5 =	sshra.s32 s3, $0x4;
	v24 =	vsel vm5, s16, v24;
	s2 =	sshra.s32 s6, $0x1F;
	s16 =	smulhi.u32 $0x51EB851F, s10  }
0x2ed: {  	v25 =	vsel vm3, s26, v25;
	s26 =	rddreg [dreg:$0x9];
	(v2sf) =	vpush v20, $0x9;
	v24 =	vsel vm10, s23, v24;
	s12 =	sshra.s32 s10, $0x1F;
	s2 =	smul.u32 $0x51EB851F, s2  }
0x2ee: {  	vm9 =	vcmask $0x3734;
	s9 =	sshra.s32 s3, $0x1F;
	(v2sf) =	vpush v20, $0xA;
	v22 =	vsel vm3, s5, v24;
	s13 =	spop (v2sf);
	s5 =	smul.u32 $0x51EB851F, s12  }
0x2ef: {  	v22 =	vsel vm9, s9, v22;
	s0 =	sshra.s32 s13, $0x1F;
	s18 =	spop (v2sf);
	s9 =	smulhi.u32 $0x51EB851F, s13  }
0x2f0: {  	s20 =	sadd.s32 $0x10, s20;
	(v2sf) =	vpush v20, $0xD;
	s23 =	spop (v2sf);
	s0 =	smul.u32 $0x51EB851F, s0  }
0x2f1: {  	s14 =	rddreg [dreg:$0x7];
	v25 =	vsel vm1, s8, v25;
	v24 =	vsel vm8, $0xFFFFFFFF, v0;
	s6 =	sshra.s32 s18, $0x1F;
	s8 =	smulhi.u32 $0x51EB851F, s23  }
0x2f2: {  	v18 =	vadd.s32 v24, v18;
	s3 =	spop (v2sf);
	s22 =	sadd.s32 s5, s16;
	s5 =	smulhi.u32 $0x51EB851F, s18  }
0x2f3: {  	[tilespmem:v23+s24+$0x0] =	vst.idx.msk $0xffff, v18;
	s24 =	sshra.s32 s23, $0x1F;
	s16 =	rddreg [dreg:$0x8];
	s6 =	smul.u32 $0x51EB851F, s6  }
0x2f4: {  	v16 =	vcombine.low v16, v19;
	s18 =	smov.u32 s15;
	s15 =	sadd.s32 $0x10, s15;
	s10 =	smul.u32 $0x51EB851F, s24  }
0x2f5: {  	v21 =	vor.u32 $0x1, v14;
	v22 =	vsel vm1, s11, v22;
	s4 =	sshra.s32 s3, $0x1F;
	s11 =	spop (v2sf);
	[dreg:$0x9] =	wrdreg s18  }
0x2f6: {  	v17 =	vperm.xlane v17, v4;
	v16 =	vperm.xlane v16, v4;
	vm10 =	vlt.s32 v18, $0x3E80;
	s18 =	smov.u32 s14;
	s30 =	sadd.s32 s0, s9;
	s3 =	smulhi.u32 $0x51EB851F, s3  }
0x2f7: {  	vm9 =	vlt.s32 v26, $0x5;
	vm8 =	vmand vm8, vm10;
	v19 =	vperm.xlane v22, v6;
	s17 =	sshra.s32 s11, $0x1F;
	s13 =	spop (v2sf);
	s9 =	smul.u32 $0x51EB851F, s4  }
0x2f8: {  	v22 =	vperm.xlane v25, v6;
	v15 =	vsel vm8, v18, v15;
	(v2sf) =	vpush v20, $0xF;
	s14 =	sadd.s32 $0x10, s14;
	[dreg:$0x8] =	wrdreg s18;
	s17 =	smul.u32 $0x51EB851F, s17  }
0x2f9: {  	v24 =	vnsel vm9, $0x5, v26;
	v18 =	vor.u32 $0x2, v14;
	[tilespmem:s26+$0x0] =	vst v15;
	(v2sf) =	vpush v20, $0xB;
	[dreg:$0x7] =	wrdreg s14;
	s24 =	sshra.s32 s13, $0x1F;
	s14 =	smulhi.u32 $0x51EB851F, s13  }
0x2fa: {  	v15 =	vor.u32 $0x3, v14;
	v17 =	vsel vm0, v22, v17;
	v16 =	vsel vm0, v19, v16;
	[tilespmem:s16+$0x0] =	vst v24;
	s16 =	simm.s32 $0x11900;
	s23 =	spop (v2sf);
	s18 =	smul.u32 $0x51EB851F, s24  }
0x2fb: {  	s12 =	sshra.s32 s22, $0x1F;
	[tilespmem:v14+s16+$0x0] =	vst.idx.msk $0xffff, v0;
	v14 =	vadd.s32 v17, v16;
	s28 =	sshra.s32 s23, $0x1F;
	s23 =	smulhi.u32 $0x51EB851F, s23  }
0x2fc: {  	s0 =	sadd.s32 s6, s5;
	[tilespmem:v21+s16+$0x0] =	vst.idx.msk $0xffff, v1;
	v1 =	vmov v10;
	v10 =	vmul.u32 $0xFFFFFFCE, v14;
	s24 =	spop (v2sf);
	s28 =	smul.u32 $0x51EB851F, s28  }
0x2fd: {  	s31 =	sshrl.u32 s30, $0x1F;
	s26 =	spop (v2sf);
	s5 =	smulhi.u32 $0x51EB851F, s24  }
0x2fe: {  	s10 =	sadd.s32 s10, s8;
	[tilespmem:v18+s16+$0x0] =	vst.idx.msk $0xffff, v14;
	v10 =	vadd.s32 v2, v10;
	s6 =	sshra.s32 s24, $0x1F;
	s29 =	smulhi.u32 $0x51EB851F, s26  }
0x2ff: {  	[tilespmem:v15+s16+$0x0] =	vst.idx.msk $0xffff, v10;
	s4 =	sshra.s32 s26, $0x1F;
	s16 =	spop (v2sf);
	s6 =	smul.u32 $0x51EB851F, s6  }
0x300: {  	s18 =	sadd.s32 s18, s14;
	s14 =	smov.u32 s21;
	s24 =	sshra.s32 s16, $0x1F  }
0x301: {  	v19 =	vor.u32 s21, v13;
	s21 =	sshra.s32 s18, $0x4;
	v21 =	vld [tilespmem:s25+$0x0];
	s25 =	sadd.s32 s2, s7;
	s7 =	smulhi.u32 $0x51EB851F, s11  }
0x302: {  	s8 =	sadd.s32 s28, s23;
	s23 =	sshra.s32 s10, $0x4;
	s16 =	smulhi.u32 $0x51EB851F, s16  }
0x303: {  	s18 =	sshrl.u32 s18, $0x1F;
	s28 =	rddreg [dreg:$0xb];
	s4 =	smul.u32 $0x51EB851F, s4  }
0x304: {  	v16 =	vadd.s32 v11, v19;
	s26 =	sadd.s32 s6, s5;
	s6 =	sadd.s32 s9, s3;
	s24 =	smul.u32 $0x51EB851F, s24  }
.Ltmp10:
0x305: {  	vm8 =	vcmask $0x704;
	v17 =	vshrl.u32 v19, $0x2;
	v10 =	vmulhi.u32 $0xD1B71759, v16;
	s5 =	sshra.s32 s30, $0x4;
	s2 =	sshrl.u32 s8, $0x1F;
	(pc) =	sbr.rel @p0 .LBB2_21-.Ltmp10, $4  }
0x306: {  	v18 =	vmov s12;
	v14 =	vshll.u32 v8, $0x3;
	v8 =	vmovc v19;
	s11 =	sshra.s32 s25, $0x4;
	v19 =	vmov s21;
	s21 =	sshra.s32 s25, $0x1F;
	s25 =	sshrl.u32 s25, $0x1F  }
0x307: {  	v2 =	vmovc v20;
	v10 =	vshrl.u32 v10, $0xB;
	v15 =	vadd.s32 s28, v9;
	s28 =	sadd.s32 s17, s7;
	v23 =	vsel vm12, s11, v18;
	s11 =	sshra.s32 s30, $0x1F;
	s9 =	spop (v2sf)  }
0x308: {  	(v2sf) =	vpush v2, $0x5;
	v22 =	vmov s18;
	v20 =	vmul.u32 $0xFFFFF63C, v10;
	s12 =	smulhi.u32 $0x51EB851F, s9;
	s3 =	sshra.s32 s9, $0x1F;
	s9 =	spop (v2sf)  }
0x309: {  	s30 =	smov.u32 s1;
	s7 =	sadd.s32 s24, s16;
	v24 =	vsel vm8, s21, v23;
	v18 =	vadd.s32 v3, v21;
	(v2sf) =	vpush v2, $0x6;
	s13 =	smulhi.u32 $0x51EB851F, s9  }
0x30a: {  	_ =	sdelay $0x1  }
0x30b: {  	v11 =	vadd.s32 v16, v20  }
0x30c: {  	(v2sf) =	vpush v11, $0x0  }
0x30d: {  	(v2sf) =	vpush v11, $0x7  }
0x30e: {  	(v2sf) =	vpush v11, $0x1  }
0x30f: {  	(v2sf) =	vpush v11, $0x2;
	_ =	sdelay $0x1  }
0x310: {  	(v2sf) =	vpush v11, $0xE;
	_ =	sdelay $0x1  }
0x311: {  	(v2sf) =	vpush v11, $0x3  }
0x312: {  	s1 =	smul.u32 $0x51EB851F, s3;
	s17 =	sshra.s32 s9, $0x1F  }
0x313: {  	s18 =	smul.u32 $0x51EB851F, s17  }
0x314: {  	[dreg:$0x1d] =	wrdreg s1;
	s21 =	spop (v2sf)  }
0x315: {  	[dreg:$0x1e] =	wrdreg s18;
	(v2sf) =	vpush v11, $0x4;
	s18 =	smulhi.u32 $0x51EB851F, s21;
	s9 =	sshra.s32 s21, $0x1F  }
0x316: {  	s29 =	sadd.s32 s4, s29;
	s17 =	spop (v2sf);
	s24 =	smul.u32 $0x51EB851F, s9  }
0x317: {  	s4 =	rddreg [dreg:$0x1d];
	s30 =	smulhi.u32 $0x51EB851F, s17;
	s1 =	sshra.s32 s17, $0x1F  }
0x318: {  	s9 =	smul.u32 $0x51EB851F, s1;
	[dreg:$0x1f] =	wrdreg s24  }
0x319: {  	(v2sf) =	vpush v11, $0xC;
	s21 =	spop (v2sf);
	[smem:$0x7F7] =	sst s30  }
0x31a: {  	s3 =	spop (v2sf);
	[smem:$0x7F8] =	sst s9  }
0x31b: {  	s1 =	spop (v2sf);
	s16 =	sshra.s32 s3, $0x1F;
	s24 =	smulhi.u32 $0x51EB851F, s3  }
0x31c: {  	s3 =	spop (v2sf);
	s9 =	smul.u32 $0x51EB851F, s16  }
0x31d: {  	(v2sf) =	vpush v11, $0x8;
	s17 =	smulhi.u32 $0x51EB851F, s1;
	[smem:$0x7F9] =	sst s24  }
0x31e: {  	s30 =	spop (v2sf);
	[smem:$0x7FA] =	sst s9  }
0x31f: {  	[dreg:$0x1b] =	wrdreg s30  }
0x320: {  	s1 =	sshra.s32 s1, $0x1F;
	s16 =	spop (v2sf);
	[smem:$0x7FB] =	sst s17  }
0x321: {  	s17 =	smul.u32 $0x51EB851F, s1;
	s1 =	sadd.s32 s4, s12;
	s12 =	rddreg [dreg:$0x1e]  }
0x322: {  	[dreg:$0x1a] =	wrdreg s16  }
0x323: {  	s4 =	smulhi.u32 $0x51EB851F, s21;
	[dreg:$0x1c] =	wrdreg s1  }
0x324: {  	s24 =	spop (v2sf);
	s1 =	sshra.s32 s21, $0x1F;
	s21 =	rddreg [dreg:$0x1f]  }
0x325: {  	s30 =	smulhi.u32 $0x51EB851F, s3;
	[dreg:$0x19] =	wrdreg s24  }
0x326: {  	s13 =	sadd.s32 s12, s13;
	s12 =	sadd.s32 s21, s18;
	s18 =	sld [smem:$0x7F7]  }
0x327: {  	s8 =	sshra.s32 s8, $0x4;
	v44 =	vmov s25;
	s21 =	sld [smem:$0x7F8]  }
0x328: {  	v20 =	vnsel vm12, $0x0, v44;
	s3 =	sshra.s32 s3, $0x1F;
	[smem:$0x7FC] =	sst s30;
	s9 =	spop (v2sf)  }
0x329: {  	v20 =	vsel vm6, s31, v20;
	s16 =	smul.u32 $0x51EB851F, s3;
	s31 =	rddreg [dreg:$0x1a];
	s30 =	sshra.s32 s9, $0x1F  }
0x32a: {  	s9 =	smulhi.u32 $0x51EB851F, s9;
	s18 =	sadd.s32 s21, s18;
	s21 =	sld [smem:$0x7FA]  }
0x32b: {  	s25 =	sshra.s32 s28, $0x4;
	s30 =	smul.u32 $0x51EB851F, s30;
	[smem:$0x7FD] =	sst s18  }
0x32c: {  	v21 =	vsel vm6, s5, v24;
	s5 =	sshrl.u32 s28, $0x1F;
	s3 =	spop (v2sf);
	s18 =	sld [smem:$0x7F9]  }
0x32d: {  	(v2sf) =	vpush v11, $0x9;
	s24 =	sshra.s32 s3, $0x1F;
	s3 =	smulhi.u32 $0x51EB851F, s3;
	s9 =	sadd.s32 s30, s9  }
0x32e: {  	s28 =	sshra.s32 s28, $0x1F;
	s24 =	smul.u32 $0x51EB851F, s24;
	[dreg:$0x17] =	wrdreg s9  }
0x32f: {  	s1 =	smul.u32 $0x51EB851F, s1;
	s18 =	sadd.s32 s21, s18;
	s21 =	sld [smem:$0x7FB]  }
0x330: {  	v13 =	vmov s2;
	s2 =	sshra.s32 s13, $0x4;
	[dreg:$0x18] =	wrdreg s18;
	s18 =	sadd.s32 s24, s3  }
0x331: {  	s13 =	sshrl.u32 s13, $0x1F;
	s9 =	sadd.s32 s1, s4;
	[dreg:$0x15] =	wrdreg s18  }
0x332: {  	v21 =	vsel vm11, s11, v21;
	(v2sf) =	vpush v11, $0xA;
	s18 =	sshra.s32 s0, $0x4;
	s17 =	sadd.s32 s17, s21;
	s21 =	sld [smem:$0x7FC]  }
0x333: {  	(v2sf) =	vpush v11, $0xD;
	s1 =	sshra.s32 s0, $0x1F;
	s4 =	sshra.s32 s6, $0x4;
	v21 =	vsel vm4, s18, v21;
	s18 =	rddreg [dreg:$0x1c]  }
0x334: {  	s24 =	sshrl.u32 s29, $0x1F;
	[dreg:$0x16] =	wrdreg s17;
	s17 =	sshrl.u32 s6, $0x1F  }
0x335: {  	s6 =	sshra.s32 s6, $0x1F;
	s30 =	sshrl.u32 s18, $0x1F;
	s18 =	sshra.s32 s18, $0x4;
	v21 =	vsel vm13, s1, v21  }
0x336: {  	s1 =	sshra.s32 s12, $0x4;
	v21 =	vsel vm2, s4, v21;
	s4 =	sshra.s32 s12, $0x1F;
	s16 =	sadd.s32 s16, s21  }
0x337: {  	(v2sf) =	vpush v11, $0xF;
	s21 =	sshrl.u32 s26, $0x1F;
	[dreg:$0x14] =	wrdreg s16;
	s16 =	sshrl.u32 s10, $0x1F  }
0x338: {  	s10 =	sshra.s32 s26, $0x4;
	s26 =	sshra.s32 s29, $0x4;
	s29 =	sshrl.u32 s0, $0x1F  }
0x339: {  	v23 =	vmov s8;
	v21 =	vsel vm15, s6, v21;
	s0 =	sshrl.u32 s7, $0x1F;
	v13 =	vsel vm6, s21, v13;
	s7 =	sshra.s32 s7, $0x4;
	s21 =	rddreg [dreg:$0x1b]  }
0x33a: {  	(v2sf) =	vpush v11, $0xB;
	v21 =	vsel vm7, s25, v21;
	s25 =	sld [smem:$0x7FD];
	s11 =	smulhi.u32 $0x51EB851F, s21;
	s3 =	sshra.s32 s21, $0x1F;
	v22 =	vsel vm6, s0, v22  }
0x33b: {  	v23 =	vsel vm6, s10, v23;
	s21 =	sshra.s32 s31, $0x1F;
	v20 =	vsel vm4, s29, v20;
	v21 =	vsel vm14, s28, v21;
	s28 =	rddreg [dreg:$0xa];
	s8 =	smul.u32 $0x51EB851F, s3  }
0x33c: {  	s10 =	sshrl.u32 s12, $0x1F;
	v19 =	vsel vm6, s7, v19;
	v22 =	vsel vm4, s16, v22;
	v23 =	vsel vm4, s26, v23;
	s0 =	smul.u32 $0x51EB851F, s21;
	s26 =	spop (v2sf)  }
0x33d: {  	v20 =	vsel vm2, s17, v20;
	v21 =	vsel vm5, s1, v21;
	s1 =	smulhi.u32 $0x51EB851F, s31;
	s17 =	sshrl.u32 s22, $0x1F;
	v19 =	vsel vm4, s23, v19;
	s23 =	sshra.s32 s9, $0x4  }
0x33e: {  	v45 =	vld [tilespmem:s28+$0x0];
	s28 =	sshra.s32 s9, $0x1F;
	s9 =	sshrl.u32 s9, $0x1F;
	v22 =	vsel vm2, s30, v22;
	s30 =	sshra.s32 s26, $0x1F  }
0x33f: {  	vm8 =	vmmov vm11;
	vm11 =	vcmask $0x2F2C;
	s3 =	smulhi.u32 $0x51EB851F, s26;
	s26 =	rddreg [dreg:$0x19];
	s12 =	sshrl.u32 s25, $0x1F  }
0x340: {  	s16 =	sshra.s32 s25, $0x4;
	v21 =	vsel vm11, s4, v21;
	s4 =	sshra.s32 s22, $0x4;
	s22 =	rddreg [dreg:$0x14]  }
0x341: {  	v13 =	vsel vm4, s24, v13;
	v23 =	vsel vm2, s2, v23;
	s21 =	sshra.s32 s26, $0x1F;
	s2 =	smul.u32 $0x51EB851F, s30;
	s30 =	spop (v2sf)  }
0x342: {  	vm10 =	vmmov vm13;
	v13 =	vsel vm2, s13, v13;
	s13 =	sshra.s32 s25, $0x1F;
	v20 =	vsel vm7, s5, v20;
	s6 =	smul.u32 $0x51EB851F, s21;
	s24 =	spop (v2sf)  }
0x343: {  	vm13 =	vcmask $0x3734;
	v20 =	vsel vm5, s10, v20;
	v21 =	vsel vm3, s16, v21;
	s7 =	smulhi.u32 $0x51EB851F, s30;
	s10 =	sshra.s32 s30, $0x1F;
	s21 =	rddreg [dreg:$0x18]  }
0x344: {  	v21 =	vsel vm13, s13, v21;
	s13 =	smulhi.u32 $0x51EB851F, s26;
	s30 =	rddreg [dreg:$0x17];
	s25 =	sshra.s32 s24, $0x1F  }
0x345: {  	(v2sf) =	vpush v11, $0x5;
	v28 =	vmov s9;
	s29 =	sshra.s32 s21, $0x1F;
	s31 =	sshra.s32 s30, $0x4;
	s9 =	smulhi.u32 $0x51EB851F, s24  }
0x346: {  	vm9 =	vcmask $0x704;
	v12 =	vadd.s32 v5, v12;
	v47 =	vor.u32 $0x1, v14;
	s26 =	spop (v2sf);
	s10 =	smul.u32 $0x51EB851F, s10;
	s3 =	sadd.s32 s2, s3  }
0x347: {  	v50 =	vor.u32 $0x2, v14;
	v53 =	vor.u32 $0x3, v14;
	v20 =	vsel vm3, s12, v20;
	s2 =	sadd.s32 s8, s11;
	s11 =	rddreg [dreg:$0x6];
	s5 =	smul.u32 $0x51EB851F, s25  }
0x348: {  	(v2sf) =	vpush v11, $0x6;
	v20 =	vsel vm1, s17, v20;
	v25 =	vmov s29;
	s25 =	sshrl.u32 s30, $0x1F;
	s29 =	rddreg [dreg:$0x16];
	s17 =	smulhi.u32 $0x51EB851F, s26  }
0x349: {  	v9 =	vadd.s32 s14, v9;
	v26 =	vmov s31;
	s31 =	sshra.s32 s26, $0x1F;
	v25 =	vsel vm12, s23, v25;
	s30 =	sshra.s32 s29, $0x4;
	s16 =	sshra.s32 s29, $0x1F  }
0x34a: {  	v8 =	vshll.u32 v8, $0x3;
	v27 =	vmov s25;
	s24 =	smov.u32 s29;
	s23 =	rddreg [dreg:$0x15];
	s25 =	sshra.s32 s22, $0x4;
	v25 =	vsel vm9, s28, v25  }
0x34b: {  	v5 =	vadd.s32 v5, v17;
	v19 =	vsel vm2, s18, v19;
	s26 =	smul.u32 $0x51EB851F, s31;
	s29 =	sshra.s32 s22, $0x1F;
	s7 =	sadd.s32 s10, s7;
	v25 =	vsel vm6, s30, v25  }
0x34c: {  	vm9 =	vgt.s32 v45, $0x0;
	s18 =	sshrl.u32 s23, $0x1F;
	s28 =	spop (v2sf);
	s5 =	sadd.s32 s5, s9;
	v25 =	vsel vm8, s16, v25;
	vm8 =	vlt.u32 v7, $0x61A8  }
0x34d: {  	v13 =	vcombine.low v13, v22;
	v19 =	vcombine.low v23, v19;
	s12 =	sshrl.u32 s24, $0x1F;
	s24 =	sshra.s32 s23, $0x4;
	s30 =	smov.u32 s22;
	vm8 =	vmand vm8, vm9  }
0x34e: {  	v21 =	vsel vm1, s4, v21;
	s31 =	smulhi.u32 $0x51EB851F, s28;
	s4 =	sshra.s32 s28, $0x1F;
	v7 =	vmov s18;
	s18 =	sadd.s32 s0, s1;
	v29 =	vsel vm8, $0xFFFFFFFF, v0  }
0x34f: {  	v13 =	vperm.xlane v13, v4;
	s8 =	smul.u32 $0x51EB851F, s4;
	s4 =	sadd.s32 s6, s13;
	s0 =	sadd.s32 s26, s17;
	vm9 =	vlt.s32 v45, $0x5;
	v18 =	vadd.s32 v29, v18  }
0x350: {  	v19 =	vperm.xlane v19, v4;
	s16 =	sshrl.u32 s3, $0x1F;
	s3 =	sshra.s32 s3, $0x4;
	s17 =	rddreg [dreg:$0x9];
	v46 =	vnsel vm9, $0x5, v45;
	vm9 =	vlt.s32 v18, $0x3E80  }
0x351: {  	v21 =	vperm.xlane v21, v6;
	v20 =	vperm.xlane v20, v6;
	s22 =	sshrl.u32 s30, $0x1F;
	s26 =	sshrl.u32 s7, $0x1F;
	s7 =	sshra.s32 s7, $0x4;
	vm8 =	vmand vm8, vm9  }
0x352: {  	v62 =	vor.u32 $0x1, v8;
	s30 =	sshrl.u32 s5, $0x1F;
	v25 =	vsel vm4, s25, v25;
	s25 =	rddreg [dreg:$0x8];
	s28 =	sshra.s32 s18, $0x4;
	[tilespmem:v12+s11+$0x0] =	vst.idx.msk $0xffff, v18;
	v48 =	vsel vm8, v18, v15  }
0x353: {  	v51 =	vsel vm0, v20, v13;
	v52 =	vsel vm0, v21, v19;
	v7 =	vsel vm6, s16, v7;
	s16 =	simm.s32 $0x11900;
	s23 =	sshrl.u32 s4, $0x1F;
	s1 =	sadd.s32 s8, s31;
	[tilespmem:s17+$0x0] =	vst v48  }
0x354: {  	v49 =	vnsel vm12, $0x0, v28;
	v25 =	vsel vm10, s29, v25;
	s29 =	sshrl.u32 s2, $0x1F;
	s31 =	sshra.s32 s18, $0x1F;
	v12 =	vadd.s32 v51, v52;
	s13 =	spop (v2sf);
	[tilespmem:s25+$0x0] =	vst v46  }
0x355: {  	vm12 =	vlt.u32 v16, $0x61A8;
	v54 =	vmov s24;
	s2 =	sshra.s32 s2, $0x4;
	v56 =	vmul.u32 $0xFFFFFFCE, v12;
	s6 =	smulhi.u32 $0x51EB851F, s13;
	s9 =	sshra.s32 s13, $0x1F;
	[tilespmem:v14+s16+$0x0] =	vst.idx.msk $0xffff, v0  }
0x356: {  	v57 =	vsel vm6, s30, v27;
	v13 =	vsel vm6, s3, v54;
	s30 =	sshra.s32 s1, $0x4;
	v15 =	vsel vm6, s12, v49;
	s12 =	sshrl.u32 s18, $0x1F;
	s9 =	smul.u32 $0x51EB851F, s9;
	[tilespmem:v47+s16+$0x0] =	vst.idx.msk $0xffff, v1  }
0x357: {  	v55 =	vsel vm2, s28, v25;
	s18 =	sshra.s32 s4, $0x4;
	s13 =	spop (v2sf);
	v58 =	vsel vm4, s22, v15;
	s22 =	sshra.s32 s5, $0x4;
	v1 =	vadd.s32 v2, v56;
	[tilespmem:v50+s16+$0x0] =	vst.idx.msk $0xffff, v12  }
0x358: {  	v13 =	vsel vm4, s7, v13;
	v7 =	vsel vm4, s26, v7;
	v20 =	vsel vm15, s31, v55;
	s17 =	smulhi.u32 $0x51EB851F, s13;
	s6 =	sadd.s32 s9, s6;
	s9 =	sshra.s32 s13, $0x1F;
	[tilespmem:v53+s16+$0x0] =	vst.idx.msk $0xffff, v1  }
0x359: {  	s1 =	sshrl.u32 s1, $0x1F;
	v13 =	vsel vm2, s30, v13;
	s4 =	sshra.s32 s4, $0x1F;
	v60 =	vsel vm6, s22, v26;
	s24 =	smul.u32 $0x51EB851F, s9;
	v1 =	vsel vm7, s18, v20;
	v59 =	vld [tilespmem:s20+$0x0]  }
0x35a: {  	v7 =	vsel vm2, s1, v7;
	s25 =	sshrl.u32 s0, $0x1F;
	s0 =	sshra.s32 s0, $0x4;
	v15 =	vsel vm4, s2, v60;
	s26 =	sshra.s32 s6, $0x4;
	v1 =	vsel vm14, s4, v1  }
0x35b: {  	v2 =	vsel vm4, s29, v57;
	v15 =	vsel vm2, s0, v15;
	s31 =	sshra.s32 s6, $0x1F;
	s28 =	sadd.s32 s24, s17;
	v18 =	vld [tilespmem:s19+$0x0];
	v1 =	vsel vm5, s26, v1  }
0x35c: {  	v12 =	vsel vm2, s12, v58;
	s29 =	sshrl.u32 s6, $0x1F;
	v2 =	vsel vm2, s25, v2;
	s6 =	sshra.s32 s28, $0x4;
	v1 =	vsel vm11, s31, v1  }
0x35d: {  	v63 =	vcombine.low v13, v15;
	v2 =	vcombine.low v7, v2;
	s7 =	sshra.s32 s28, $0x1F;
	v1 =	vsel vm3, s6, v1  }
0x35e: {  	v12 =	vsel vm7, s23, v12;
	v1 =	vsel vm13, s7, v1;
	vm13 =	vgt.s32 v59, $0x0  }
0x35f: {  	v12 =	vsel vm5, s29, v12;
	s5 =	sshrl.u32 s28, $0x1F;
	v2 =	vperm.xlane v2, v4;
	vm2 =	vmand vm12, vm13  }
0x360: {  	s8 =	sshra.s32 s21, $0x4;
	s9 =	sshrl.u32 s21, $0x1F;
	v12 =	vsel vm3, s5, v12;
	v3 =	vadd.s32 v3, v18;
	v61 =	vsel vm2, $0xFFFFFFFF, v0  }
0x361: {  	v7 =	vsel vm1, s9, v12;
	v1 =	vsel vm1, s8, v1;
	v3 =	vadd.s32 v61, v3  }
0x362: {  	v1 =	vperm.xlane v1, v6;
	v6 =	vperm.xlane v7, v6;
	vm14 =	vlt.s32 v3, $0x3E80  }
0x363: {  	s10 =	rddreg [dreg:$0x6];
	v4 =	vperm.xlane v63, v4;
	vm15 =	vlt.s32 v59, $0x5;
	vm1 =	vmand vm2, vm14  }
0x364: {  	v7 =	vor.u32 $0x2, v8;
	v2 =	vsel vm0, v6, v2;
	[tilespmem:v5+s10+$0x0] =	vst.idx.msk $0xffff, v3;
	v3 =	vsel vm1, v3, v9  }
0x365: {  	s11 =	rddreg [dreg:$0x7];
	v1 =	vsel vm0, v1, v4;
	v5 =	vnsel vm15, $0x5, v59;
	[tilespmem:s15+$0x0] =	vst v3;
	v3 =	vor.u32 $0x3, v8  }
0x366: {  	v1 =	vadd.s32 v2, v1;
	[tilespmem:s11+$0x0] =	vst v5  }
0x367: {  	[tilespmem:v8+s16+$0x0] =	vst.idx.msk $0xffff, v0;
	v0 =	vmul.u32 $0xFFFFFFCE, v1  }
0x368: {  	s12 =	rddreg [dreg:$0x13];
	[tilespmem:v62+s16+$0x0] =	vst.idx.msk $0xffff, v10  }
0x369: {  	s6 =	rddreg [dreg:$0x4];
	[tilespmem:v7+s16+$0x0] =	vst.idx.msk $0xffff, v1;
	v0 =	vadd.s32 v11, v0  }
0x36a: {  	s14 =	simm.s32 $0x5;
	s13 =	simm.s32 $0x6800;
	s0 =	sadd.s32 s12, s6;
	[tilespmem:v3+s16+$0x0] =	vst.idx.msk $0xffff, v0  }
0x36b: {  	[spmem:s0] =	stream.linear.scatter [tilespmem:s13], [sflag:$0x5], $0x1A0, $0x38;
	[tilespmem:$0x16F20] =	vst v63  }
0x36c: {  	_ =	swait.ge [sflag:s14], $0x1A0  }
0x36d: {  	[sflag:s14] =	ssyncset.done $0x0;
	s15 =	rddreg [dreg:$0x11]  }
0x36e: {  	s16 =	simm.s32 $0x69A0;
	s2 =	sadd.s32 s15, s6;
	[sflag:s14] =	ssyncadd.s32 $0xFFFFFE60  }
0x36f: {  	[spmem:s2] =	stream.linear.scatter [tilespmem:s16], [sflag:$0x5], $0x1A0, $0x38;
	[tilespmem:$0x16F20] =	vst v63  }
0x370: {  	_ =	swait.ge [sflag:s14], $0x1A0  }
0x371: {  	[sflag:s14] =	ssyncset.done $0x0;
	s17 =	rddreg [dreg:$0x12]  }
0x372: {  	s18 =	simm.s32 $0x6B40;
	s2 =	sadd.s32 s17, s6;
	[sflag:s14] =	ssyncadd.s32 $0xFFFFFE60  }
0x373: {  	[spmem:s2] =	stream.linear.scatter [tilespmem:s18], [sflag:$0x5], $0x1A0, $0x38;
	[tilespmem:$0x16F20] =	vst v63  }
0x374: {  	_ =	swait.ge [sflag:s14], $0x1A0  }
0x375: {  	[sflag:s14] =	ssyncset.done $0x0;
	s19 =	rddreg [dreg:$0x10]  }
0x376: {  	s20 =	simm.s32 $0x6CE0;
	s2 =	sadd.s32 s19, s6;
	[sflag:s14] =	ssyncadd.s32 $0xFFFFFE60  }
0x377: {  	[spmem:s2] =	stream.linear.scatter [tilespmem:s20], [sflag:$0x5], $0x1A0, $0x38;
	[tilespmem:$0x16F20] =	vst v63  }
0x378: {  	_ =	swait.ge [sflag:s14], $0x1A0  }
0x379: {  	[sflag:s14] =	ssyncset.done $0x0  }
0x37a: {  	s22 =	simm.s32 $0x11280;
	s21 =	simm.s32 $0x680;
	[sflag:s14] =	ssyncadd.s32 $0xFFFFFE60  }
0x37b: {  	s25 =	simm.s32 $0x1;
	s23 =	simm.s32 $0x10C00;
	s24 =	rddreg [dreg:$0x1]  }
0x37c: {  	[hbm4b:s24+s21] =	stream.indirect.scatter [tilespmem:s23], [sflag:$0x1], $0x1, s22, s21, $0xb8;
	[tilespmem:$0x16F20] =	vst v63  }
0x37d: {  	_ =	swait.ge [sflag:s25], $0x680  }
0x37e: {  	[sflag:s25] =	ssyncset.done $0x0  }
0x37f: {  	[sflag:s25] =	ssyncadd.s32 $0xFFFFF980  }
0x380: {  	s26 =	simm.s32 $0x11900;
	s28 =	rddreg [dreg:$0x2]  }
0x381: {  	[hbm4b:s28+s21] =	stream.indirect.scatter [tilespmem:s26], [sflag:$0x1], $0x8, s22, s21, $0xb8;
	[tilespmem:$0x16F20] =	vst v63  }
0x382: {  	_ =	swait.ge [sflag:s25], $0x3400  }
0x383: {  	[sflag:s25] =	ssyncset.done $0x0  }
0x384: {  	[sflag:s25] =	ssyncadd.s32 $0xFFFFCC00  }
0x385: {  	[bflag:$0x0] =	sbarrier.arrive $0xFFFF  }
0x386: {  	s29 =	simm.s32 $0x0;
	s30 =	rddreg [dreg:$0xf]  }
0x387: {  	[tilespmem:s13], [sflag:$0x5] =	stream.linear.gather [hbm4b:s30+s29], $0x1A00, $0x38;
	[tilespmem:$0x16F20] =	vst v63  }
0x388: {  	_ =	swait.ge [sflag:s14], $0x1A00  }
0x389: {  	[sflag:s14] =	ssyncset.done $0x0  }
0x38a: {  	s31 =	simm.s32 $0x8200;
	[sflag:s14] =	ssyncadd.s32 $0xFFFFE600  }
0x38b: {  	[tilespmem:s31], [sflag:$0x5] =	stream.linear.gather [spmem:s6], $0x1A00, $0x38;
	[tilespmem:$0x16F20] =	vst v63  }
0x38c: {  	_ =	swait.ge [sflag:s14], $0x1A00  }
0x38d: {  	[sflag:s14] =	ssyncset.done $0x0  }
0x38e: {  	s1 =	simm.s32 $0x0;
	[sflag:s14] =	ssyncadd.s32 $0xFFFFE600  }
0x38f: {  	v0 =	vld [tilespmem:s1+$0x6830]  }
0x390: {  	v4 =	vld [tilespmem:s1+$0x8230]  }
0x391: {  	v5 =	vld [tilespmem:s1+$0x6800]  }
0x392: {  	v6 =	vld [tilespmem:s1+$0x8200]  }
0x393: {  	v2 =	vld [tilespmem:s1+$0x6810]  }
0x394: {  	v3 =	vld [tilespmem:s1+$0x8210]  }
0x395: {  	v1 =	vld [tilespmem:s1+$0x6820];
	v7 =	vshll.u32 v4, $0x7;
	v0 =	vand.u32 $0xFF, v0  }
0x396: {  	s0 =	simm.s32 $0x40;
	v4 =	vld [tilespmem:s1+$0x8220];
	v7 =	vadd.s32 v0, v7  }
0x397: {  	s2 =	simm.s32 $0x200;
	v5 =	vand.u32 $0xFF, v5;
	v6 =	vshll.u32 v6, $0x7;
	v0 =	vld [tilespmem:s0+$0x6830];
	[tilespmem:s1+$0x30] =	vst v7  }
.LBB2_23:
0x398: {  	p0 =	sne.s32 s2, $0x6700;
	v7 =	vld [tilespmem:s0+$0x8230];
	v5 =	vadd.s32 v5, v6;
	v2 =	vand.u32 $0xFF, v2  }
0x399: {  	v6 =	vld [tilespmem:s0+$0x6800];
	[tilespmem:s1+$0x0] =	vst v5;
	v3 =	vshll.u32 v3, $0x7  }
0x39a: {  	v8 =	vld [tilespmem:s0+$0x8200];
	v3 =	vadd.s32 v2, v3;
	v1 =	vand.u32 $0xFF, v1  }
.Ltmp11:
0x39b: {  	v2 =	vld [tilespmem:s0+$0x6810];
	[tilespmem:s1+$0x10] =	vst v3;
	v4 =	vshll.u32 v4, $0x7;
	(pc) =	sbr.rel @p0 .LBB2_23-.Ltmp11, $4  }
0x39c: {  	v3 =	vld [tilespmem:s0+$0x8210];
	v4 =	vadd.s32 v1, v4  }
0x39d: {  	v0 =	vand.u32 $0xFF, v0;
	v1 =	vld [tilespmem:s0+$0x6820];
	v7 =	vshll.u32 v7, $0x7;
	[tilespmem:s1+$0x20] =	vst v4;
	s1 =	smov.u32 s0  }
0x39e: {  	s0 =	sshra.s32 s2, $0x2;
	v5 =	vand.u32 $0xFF, v6;
	v4 =	vld [tilespmem:s1+$0x8220];
	v7 =	vadd.s32 v0, v7  }
0x39f: {  	s2 =	sadd.s32 $0x100, s2;
	v0 =	vld [tilespmem:s0+$0x6830];
	v6 =	vshll.u32 v8, $0x7;
	[tilespmem:s1+$0x30] =	vst v7  }
0x3a0: {  	v7 =	vld [tilespmem:s0+$0x8230];
	v5 =	vadd.s32 v5, v6  }
0x3a1: {  	v6 =	vld [tilespmem:s0+$0x6800];
	v2 =	vand.u32 $0xFF, v2;
	[tilespmem:s1+$0x0] =	vst v5;
	v3 =	vshll.u32 v3, $0x7  }
0x3a2: {  	v5 =	vld [tilespmem:s0+$0x8200];
	v2 =	vadd.s32 v2, v3  }
0x3a3: {  	v3 =	vld [tilespmem:s0+$0x6810];
	v1 =	vand.u32 $0xFF, v1;
	[tilespmem:s1+$0x10] =	vst v2;
	v2 =	vshll.u32 v4, $0x7  }
0x3a4: {  	v4 =	vld [tilespmem:s0+$0x8210];
	v1 =	vadd.s32 v1, v2  }
0x3a5: {  	v2 =	vld [tilespmem:s0+$0x6820];
	[tilespmem:s1+$0x20] =	vst v1  }
0x3a6: {  	v1 =	vld [tilespmem:s0+$0x8220];
	_ =	sdelay $0x1  }
0x3a7: {  	v0 =	vand.u32 $0xFF, v0;
	v7 =	vshll.u32 v7, $0x7  }
0x3a8: {  	v6 =	vand.u32 $0xFF, v6;
	v0 =	vadd.s32 v0, v7;
	v5 =	vshll.u32 v5, $0x7  }
0x3a9: {  	[tilespmem:s0+$0x30] =	vst v0;
	v3 =	vand.u32 $0xFF, v3;
	v0 =	vadd.s32 v6, v5;
	v4 =	vshll.u32 v4, $0x7  }
0x3aa: {  	[tilespmem:s0+$0x0] =	vst v0;
	v2 =	vand.u32 $0xFF, v2;
	v0 =	vadd.s32 v3, v4;
	v1 =	vshll.u32 v1, $0x7  }
0x3ab: {  	[tilespmem:s0+$0x10] =	vst v0;
	v0 =	vadd.s32 v2, v1  }
0x3ac: {  	s29 =	sadd.s32 $0x1A00, s6;
	s30 =	simm.s32 $0x8200;
	s31 =	simm.s32 $0x5;
	[tilespmem:s0+$0x20] =	vst v0  }
0x3ad: {  	[tilespmem:s30], [sflag:$0x5] =	stream.linear.gather [spmem:s29], $0x1A00, $0x38;
	[tilespmem:$0x16F20] =	vst v63  }
0x3ae: {  	_ =	swait.ge [sflag:s31], $0x1A00  }
0x3af: {  	[sflag:s31] =	ssyncset.done $0x0  }
0x3b0: {  	s1 =	simm.s32 $0x0;
	[sflag:s31] =	ssyncadd.s32 $0xFFFFE600  }
0x3b1: {  	v2 =	vld [tilespmem:s1+$0x6830]  }
0x3b2: {  	v4 =	vld [tilespmem:s1+$0x8230]  }
0x3b3: {  	v5 =	vld [tilespmem:s1+$0x6800]  }
0x3b4: {  	v1 =	vld [tilespmem:s1+$0x6810]  }
0x3b5: {  	v0 =	vld [tilespmem:s1+$0x6820]  }
0x3b6: {  	s17 =	rddreg [dreg:$0xc];
	v3 =	vld [tilespmem:s1+$0x8200];
	v6 =	vshrl.u32 v2, $0x8  }
0x3b7: {  	s18 =	rddreg [dreg:$0xd];
	v2 =	vld [tilespmem:s1+$0x8210];
	v7 =	vshll.u32 v4, $0x7;
	v6 =	vand.u32 $0xFF, v6  }
0x3b8: {  	s2 =	simm.s32 $0x200;
	s0 =	simm.s32 $0x40;
	s19 =	rddreg [dreg:$0xe];
	v5 =	vshrl.u32 v5, $0x8;
	v4 =	vld [tilespmem:s1+$0x8220];
	v6 =	vadd.s32 v6, v7  }
.LBB2_25:
0x3b9: {  	p0 =	sne.s32 s2, $0x6700;
	v7 =	vld [tilespmem:s0+$0x6830];
	v5 =	vand.u32 $0xFF, v5;
	v1 =	vshrl.u32 v1, $0x8;
	[tilespmem:s1+$0x1A30] =	vst v6  }
0x3ba: {  	v6 =	vld [tilespmem:s0+$0x8230];
	v8 =	vand.u32 $0xFF, v1;
	v0 =	vshrl.u32 v0, $0x8  }
0x3bb: {  	v9 =	vld [tilespmem:s0+$0x6800];
	v3 =	vshll.u32 v3, $0x7;
	v10 =	vand.u32 $0xFF, v0  }
.Ltmp12:
0x3bc: {  	v1 =	vld [tilespmem:s0+$0x6810];
	v3 =	vadd.s32 v5, v3;
	v2 =	vshll.u32 v2, $0x7;
	(pc) =	sbr.rel @p0 .LBB2_25-.Ltmp12, $4  }
0x3bd: {  	v0 =	vld [tilespmem:s0+$0x6820];
	[tilespmem:s1+$0x1A00] =	vst v3;
	v2 =	vadd.s32 v8, v2;
	v4 =	vshll.u32 v4, $0x7  }
0x3be: {  	v3 =	vld [tilespmem:s0+$0x8200];
	v5 =	vshrl.u32 v7, $0x8;
	[tilespmem:s1+$0x1A10] =	vst v2;
	v4 =	vadd.s32 v10, v4  }
0x3bf: {  	v2 =	vld [tilespmem:s0+$0x8210];
	v6 =	vshll.u32 v6, $0x7;
	v7 =	vand.u32 $0xFF, v5;
	[tilespmem:s1+$0x1A20] =	vst v4;
	s1 =	smov.u32 s0  }
0x3c0: {  	s0 =	sshra.s32 s2, $0x2;
	s2 =	sadd.s32 $0x100, s2;
	v5 =	vshrl.u32 v9, $0x8;
	v4 =	vld [tilespmem:s1+$0x8220];
	v6 =	vadd.s32 v7, v6  }
0x3c1: {  	v7 =	vld [tilespmem:s0+$0x6830];
	[tilespmem:s1+$0x1A30] =	vst v6  }
0x3c2: {  	v1 =	vshrl.u32 v1, $0x8;
	v6 =	vld [tilespmem:s0+$0x8230]  }
0x3c3: {  	v5 =	vand.u32 $0xFF, v5;
	v8 =	vld [tilespmem:s0+$0x6800];
	v1 =	vand.u32 $0xFF, v1;
	v3 =	vshll.u32 v3, $0x7  }
0x3c4: {  	v9 =	vld [tilespmem:s0+$0x6810];
	v0 =	vshrl.u32 v0, $0x8;
	v3 =	vadd.s32 v5, v3;
	v2 =	vshll.u32 v2, $0x7  }
0x3c5: {  	v0 =	vand.u32 $0xFF, v0;
	v5 =	vld [tilespmem:s0+$0x6820];
	[tilespmem:s1+$0x1A00] =	vst v3;
	v1 =	vadd.s32 v1, v2;
	v3 =	vshll.u32 v4, $0x7  }
0x3c6: {  	v2 =	vld [tilespmem:s0+$0x8200];
	[tilespmem:s1+$0x1A10] =	vst v1;
	v0 =	vadd.s32 v0, v3  }
0x3c7: {  	v1 =	vld [tilespmem:s0+$0x8210];
	[tilespmem:s1+$0x1A20] =	vst v0  }
0x3c8: {  	v0 =	vshrl.u32 v7, $0x8;
	v3 =	vld [tilespmem:s0+$0x8220]  }
0x3c9: {  	v4 =	vshll.u32 v6, $0x7;
	v0 =	vand.u32 $0xFF, v0  }
0x3ca: {  	v6 =	vshrl.u32 v8, $0x8;
	v0 =	vadd.s32 v0, v4;
	v4 =	vshrl.u32 v9, $0x8  }
0x3cb: {  	v6 =	vand.u32 $0xFF, v6;
	v4 =	vand.u32 $0xFF, v4;
	v2 =	vshll.u32 v2, $0x7  }
0x3cc: {  	[tilespmem:s0+$0x1A30] =	vst v0;
	v0 =	vshrl.u32 v5, $0x8;
	v2 =	vadd.s32 v6, v2;
	v1 =	vshll.u32 v1, $0x7  }
0x3cd: {  	v0 =	vand.u32 $0xFF, v0;
	[tilespmem:s0+$0x1A00] =	vst v2;
	v1 =	vadd.s32 v4, v1;
	v2 =	vshll.u32 v3, $0x7  }
0x3ce: {  	[tilespmem:s0+$0x1A10] =	vst v1;
	v0 =	vadd.s32 v0, v2  }
0x3cf: {  	s29 =	sadd.s32 $0x3400, s6;
	s30 =	simm.s32 $0x8200;
	s31 =	simm.s32 $0x5;
	[tilespmem:s0+$0x1A20] =	vst v0  }
0x3d0: {  	[tilespmem:s30], [sflag:$0x5] =	stream.linear.gather [spmem:s29], $0x1A00, $0x38;
	[tilespmem:$0x16F20] =	vst v63  }
0x3d1: {  	_ =	swait.ge [sflag:s31], $0x1A00  }
0x3d2: {  	[sflag:s31] =	ssyncset.done $0x0  }
0x3d3: {  	s1 =	simm.s32 $0x0;
	[sflag:s31] =	ssyncadd.s32 $0xFFFFE600  }
0x3d4: {  	v2 =	vld [tilespmem:s1+$0x6830]  }
0x3d5: {  	v4 =	vld [tilespmem:s1+$0x8230]  }
0x3d6: {  	v5 =	vld [tilespmem:s1+$0x6800]  }
0x3d7: {  	v1 =	vld [tilespmem:s1+$0x6810]  }
0x3d8: {  	v0 =	vld [tilespmem:s1+$0x6820]  }
0x3d9: {  	v3 =	vld [tilespmem:s1+$0x8200];
	v6 =	vshrl.u32 v2, $0x10  }
0x3da: {  	v2 =	vld [tilespmem:s1+$0x8210];
	v7 =	vshll.u32 v4, $0x7;
	v6 =	vand.u32 $0xFF, v6  }
0x3db: {  	s2 =	simm.s32 $0x200;
	s0 =	simm.s32 $0x40;
	v5 =	vshrl.u32 v5, $0x10;
	v4 =	vld [tilespmem:s1+$0x8220];
	v6 =	vadd.s32 v6, v7  }
.LBB2_27:
0x3dc: {  	p0 =	sne.s32 s2, $0x6700;
	v7 =	vld [tilespmem:s0+$0x6830];
	v5 =	vand.u32 $0xFF, v5;
	v1 =	vshrl.u32 v1, $0x10;
	[tilespmem:s1+$0x3430] =	vst v6  }
0x3dd: {  	v6 =	vld [tilespmem:s0+$0x8230];
	v8 =	vand.u32 $0xFF, v1;
	v0 =	vshrl.u32 v0, $0x10  }
0x3de: {  	v9 =	vld [tilespmem:s0+$0x6800];
	v3 =	vshll.u32 v3, $0x7;
	v10 =	vand.u32 $0xFF, v0  }
.Ltmp13:
0x3df: {  	v1 =	vld [tilespmem:s0+$0x6810];
	v3 =	vadd.s32 v5, v3;
	v2 =	vshll.u32 v2, $0x7;
	(pc) =	sbr.rel @p0 .LBB2_27-.Ltmp13, $4  }
0x3e0: {  	v0 =	vld [tilespmem:s0+$0x6820];
	[tilespmem:s1+$0x3400] =	vst v3;
	v2 =	vadd.s32 v8, v2;
	v4 =	vshll.u32 v4, $0x7  }
0x3e1: {  	v3 =	vld [tilespmem:s0+$0x8200];
	v5 =	vshrl.u32 v7, $0x10;
	[tilespmem:s1+$0x3410] =	vst v2;
	v4 =	vadd.s32 v10, v4  }
0x3e2: {  	v2 =	vld [tilespmem:s0+$0x8210];
	v6 =	vshll.u32 v6, $0x7;
	v7 =	vand.u32 $0xFF, v5;
	[tilespmem:s1+$0x3420] =	vst v4;
	s1 =	smov.u32 s0  }
0x3e3: {  	s0 =	sshra.s32 s2, $0x2;
	s2 =	sadd.s32 $0x100, s2;
	v5 =	vshrl.u32 v9, $0x10;
	v4 =	vld [tilespmem:s1+$0x8220];
	v6 =	vadd.s32 v7, v6  }
0x3e4: {  	v7 =	vld [tilespmem:s0+$0x6830];
	[tilespmem:s1+$0x3430] =	vst v6  }
0x3e5: {  	v1 =	vshrl.u32 v1, $0x10;
	v6 =	vld [tilespmem:s0+$0x8230]  }
0x3e6: {  	v5 =	vand.u32 $0xFF, v5;
	v8 =	vld [tilespmem:s0+$0x6800];
	v1 =	vand.u32 $0xFF, v1;
	v3 =	vshll.u32 v3, $0x7  }
0x3e7: {  	v9 =	vld [tilespmem:s0+$0x6810];
	v0 =	vshrl.u32 v0, $0x10;
	v3 =	vadd.s32 v5, v3;
	v2 =	vshll.u32 v2, $0x7  }
0x3e8: {  	v0 =	vand.u32 $0xFF, v0;
	v5 =	vld [tilespmem:s0+$0x6820];
	[tilespmem:s1+$0x3400] =	vst v3;
	v1 =	vadd.s32 v1, v2;
	v3 =	vshll.u32 v4, $0x7  }
0x3e9: {  	v2 =	vld [tilespmem:s0+$0x8200];
	[tilespmem:s1+$0x3410] =	vst v1;
	v0 =	vadd.s32 v0, v3  }
0x3ea: {  	v1 =	vld [tilespmem:s0+$0x8210];
	[tilespmem:s1+$0x3420] =	vst v0  }
0x3eb: {  	v0 =	vshrl.u32 v7, $0x10;
	v3 =	vld [tilespmem:s0+$0x8220]  }
0x3ec: {  	v4 =	vshll.u32 v6, $0x7;
	v0 =	vand.u32 $0xFF, v0  }
0x3ed: {  	v6 =	vshrl.u32 v8, $0x10;
	v0 =	vadd.s32 v0, v4;
	v4 =	vshrl.u32 v9, $0x10  }
0x3ee: {  	v6 =	vand.u32 $0xFF, v6;
	v4 =	vand.u32 $0xFF, v4;
	v2 =	vshll.u32 v2, $0x7  }
0x3ef: {  	[tilespmem:s0+$0x3430] =	vst v0;
	v0 =	vshrl.u32 v5, $0x10;
	v2 =	vadd.s32 v6, v2;
	v1 =	vshll.u32 v1, $0x7  }
0x3f0: {  	v0 =	vand.u32 $0xFF, v0;
	[tilespmem:s0+$0x3400] =	vst v2;
	v1 =	vadd.s32 v4, v1;
	v2 =	vshll.u32 v3, $0x7  }
0x3f1: {  	[tilespmem:s0+$0x3410] =	vst v1;
	v0 =	vadd.s32 v0, v2  }
0x3f2: {  	s29 =	sadd.s32 $0x4E00, s6;
	s30 =	simm.s32 $0x8200;
	s31 =	simm.s32 $0x5;
	[tilespmem:s0+$0x3420] =	vst v0  }
0x3f3: {  	[tilespmem:s30], [sflag:$0x5] =	stream.linear.gather [spmem:s29], $0x1A00, $0x38;
	[tilespmem:$0x16F20] =	vst v63  }
0x3f4: {  	_ =	swait.ge [sflag:s31], $0x1A00  }
0x3f5: {  	[sflag:s31] =	ssyncset.done $0x0  }
0x3f6: {  	s1 =	simm.s32 $0x0;
	[sflag:s31] =	ssyncadd.s32 $0xFFFFE600  }
0x3f7: {  	v0 =	vld [tilespmem:s1+$0x6830]  }
0x3f8: {  	v4 =	vld [tilespmem:s1+$0x8230]  }
0x3f9: {  	v5 =	vld [tilespmem:s1+$0x6800]  }
0x3fa: {  	v6 =	vld [tilespmem:s1+$0x8200]  }
0x3fb: {  	v2 =	vld [tilespmem:s1+$0x6810]  }
0x3fc: {  	v3 =	vld [tilespmem:s1+$0x8210]  }
0x3fd: {  	v1 =	vld [tilespmem:s1+$0x6820];
	v7 =	vshll.u32 v4, $0x7;
	v0 =	vshrl.u32 v0, $0x18  }
0x3fe: {  	s0 =	simm.s32 $0x40;
	v4 =	vld [tilespmem:s1+$0x8220];
	v7 =	vadd.s32 v0, v7  }
0x3ff: {  	s2 =	simm.s32 $0x200;
	v5 =	vshrl.u32 v5, $0x18;
	v6 =	vshll.u32 v6, $0x7;
	v0 =	vld [tilespmem:s0+$0x6830];
	[tilespmem:s1+$0x4E30] =	vst v7  }
.LBB2_29:
0x400: {  	p0 =	sne.s32 s2, $0x6700;
	v7 =	vld [tilespmem:s0+$0x8230];
	v5 =	vadd.s32 v5, v6;
	v2 =	vshrl.u32 v2, $0x18  }
0x401: {  	v6 =	vld [tilespmem:s0+$0x6800];
	[tilespmem:s1+$0x4E00] =	vst v5;
	v3 =	vshll.u32 v3, $0x7  }
0x402: {  	v8 =	vld [tilespmem:s0+$0x8200];
	v3 =	vadd.s32 v2, v3;
	v1 =	vshrl.u32 v1, $0x18  }
.Ltmp14:
0x403: {  	v2 =	vld [tilespmem:s0+$0x6810];
	[tilespmem:s1+$0x4E10] =	vst v3;
	v4 =	vshll.u32 v4, $0x7;
	(pc) =	sbr.rel @p0 .LBB2_29-.Ltmp14, $4  }
0x404: {  	v3 =	vld [tilespmem:s0+$0x8210];
	v4 =	vadd.s32 v1, v4  }
0x405: {  	v0 =	vshrl.u32 v0, $0x18;
	v1 =	vld [tilespmem:s0+$0x6820];
	v7 =	vshll.u32 v7, $0x7;
	[tilespmem:s1+$0x4E20] =	vst v4;
	s1 =	smov.u32 s0  }
0x406: {  	s0 =	sshra.s32 s2, $0x2;
	v5 =	vshrl.u32 v6, $0x18;
	v4 =	vld [tilespmem:s1+$0x8220];
	v7 =	vadd.s32 v0, v7  }
0x407: {  	s2 =	sadd.s32 $0x100, s2;
	v0 =	vld [tilespmem:s0+$0x6830];
	v6 =	vshll.u32 v8, $0x7;
	[tilespmem:s1+$0x4E30] =	vst v7  }
0x408: {  	v7 =	vld [tilespmem:s0+$0x8230];
	v5 =	vadd.s32 v5, v6  }
0x409: {  	v62 =	vld [tilespmem:s0+$0x6800];
	v2 =	vshrl.u32 v2, $0x18;
	[tilespmem:s1+$0x4E00] =	vst v5;
	v3 =	vshll.u32 v3, $0x7  }
0x40a: {  	v5 =	vld [tilespmem:s0+$0x8200];
	v2 =	vadd.s32 v2, v3  }
0x40b: {  	v3 =	vld [tilespmem:s0+$0x6810];
	v1 =	vshrl.u32 v1, $0x18;
	[tilespmem:s1+$0x4E10] =	vst v2;
	v2 =	vshll.u32 v4, $0x7  }
0x40c: {  	v63 =	vld [tilespmem:s0+$0x8210];
	v1 =	vadd.s32 v1, v2  }
0x40d: {  	v2 =	vld [tilespmem:s0+$0x6820];
	[tilespmem:s1+$0x4E20] =	vst v1  }
0x40e: {  	v1 =	vld [tilespmem:s0+$0x8220];
	_ =	sdelay $0x1  }
0x40f: {  	v0 =	vshrl.u32 v0, $0x18;
	v7 =	vshll.u32 v7, $0x7  }
0x410: {  	v6 =	vshrl.u32 v62, $0x18;
	v0 =	vadd.s32 v0, v7;
	v5 =	vshll.u32 v5, $0x7  }
0x411: {  	s5 =	simm.s32 $0x0;
	s6 =	simm.s32 $0x9C00;
	[tilespmem:s0+$0x4E30] =	vst v0;
	v3 =	vshrl.u32 v3, $0x18;
	v0 =	vadd.s32 v6, v5;
	v4 =	vshll.u32 v63, $0x7  }
0x412: {  	s7 =	simm.s32 $0xCD00;
	s8 =	simm.s32 $0xD010;
	s9 =	simm.s32 $0xB480;
	[tilespmem:s0+$0x4E00] =	vst v0;
	v2 =	vshrl.u32 v2, $0x18;
	v0 =	vadd.s32 v3, v4;
	v1 =	vshll.u32 v1, $0x7  }
0x413: {  	s10 =	simm.s32 $0x2;
	s11 =	simm.s32 $0x310;
	s12 =	simm.s32 $0x14D00;
	[tilespmem:s0+$0x4E10] =	vst v0;
	v0 =	vadd.s32 v2, v1  }
0x414: {  	s13 =	simm.s32 $0x1;
	s14 =	simm.s32 $0x3;
	s15 =	simm.s32 $0x0;
	[tilespmem:s0+$0x4E20] =	vst v0  }
0x415: {  	v0 =	vlaneseq.u32;
	[tilespmem:s6], [sflag:$0x2] =	stream.linear.gather [hbm4b:s18+s5], $0x1880, $0x38;
	[tilespmem:$0x16F20] =	vst v63  }
.LBB2_31:
0x416: {  	s0 =	sshllo.u32 s15, $0x1  }
0x417: {  	s0 =	smul.u32 $0x310, s0;
	_ =	sdelay $0x1  }
0x418: {  	s0 =	sadd.s32 s0, s18  }
0x419: {  	[tilespmem:s9], [sflag:$0x3] =	stream.linear.gather [hbm4b:s0+s5], $0x1880, $0x38;
	[tilespmem:$0x16F20] =	vst v63  }
0x41a: {  	_ =	swait.ge [sflag:s10], $0x1880  }
0x41b: {  	[sflag:s10] =	ssyncset.done $0x0  }
0x41c: {  	[sflag:s10] =	ssyncadd.s32 $0xFFFFE780  }
0x41d: {  	v4 =	vld [tilespmem:s7+$0x0];
	_ =	sdelay $0x4  }
0x41e: {  	v1 =	vshrl.u32 v4, $0xE  }
0x41f: {  	s30 =	sadd.s32 $0x10, s7;
	v1 =	vand.u32 $0x3, v1  }
0x420: {  	v3 =	vld [tilespmem:s30+$0x0];
	v1 =	vmul.u32 $0x1A00, v1  }
0x421: {  	v2 =	vshrl.u32 v4, $0x10  }
0x422: {  	v1 =	vadd.s32 v2, v1  }
0x423: {  	v2 =	vand.u32 $0x7, v2;
	v1 =	vand.u32 $0x1FFF8, v1  }
0x424: {  	s0 =	sadd.s32 $0x10, s30;
	v2 =	vor.u32 v2, v1  }
0x425: {  	v5 =	vshrl.u32 v3, $0xE;
	v1 =	vld [tilespmem:s0+$0x0]  }
0x426: {  	v5 =	vand.u32 $0x3, v5  }
0x427: {  	v5 =	vmul.u32 $0x1A00, v5  }
0x428: {  	v6 =	vshrl.u32 v3, $0x10  }
0x429: {  	v8 =	vld.idx.msk [tilespmem:v2+s5+$0x0], $0xffff;
	v2 =	vadd.s32 v6, v5  }
0x42a: {  	v5 =	vand.u32 $0x7, v6;
	v6 =	vshrl.u32 v1, $0xE;
	v2 =	vand.u32 $0x1FFF8, v2  }
0x42b: {  	v6 =	vand.u32 $0x3, v6;
	v5 =	vor.u32 v5, v2  }
0x42c: {  	s0 =	sadd.s32 $0x10, s0;
	v6 =	vmul.u32 $0x1A00, v6  }
0x42d: {  	vm0 =	vlt.u32 v4, $0x186A0000;
	v4 =	vand.u32 $0x3FFF, v4;
	v7 =	vshrl.u32 v1, $0x10;
	v2 =	vld [tilespmem:s0+$0x0]  }
0x42e: {  	v10 =	vand.u32 $0x7, v7;
	v6 =	vadd.s32 v7, v6;
	v11 =	vand.u32 $0x7F, v8  }
0x42f: {  	v7 =	vshrl.u32 v8, $0x7;
	v6 =	vand.u32 $0x1FFF8, v6;
	v4 =	vadd.s32 v4, v11  }
0x430: {  	s1 =	simm.s32 $0x13880;
	v11 =	vmul.u32 $0x5, v7;
	v7 =	vor.u32 v10, v6;
	vm1 =	vlt.u32 v4, $0x5;
	v6 =	vld.idx.msk [tilespmem:v5+s5+$0x0], $0xffff  }
0x431: {  	v9 =	vor.u32 s1, v0;
	vm0 =	vmand vm0, vm1;
	vm1 =	vlt.u32 v8, $0x1F4000  }
0x432: {  	s31 =	simm.s32 $0x13890;
	v8 =	vshrl.u32 v2, $0xE;
	v4 =	vadd.s32 v4, v11;
	vm0 =	vmand vm1, vm0  }
0x433: {  	s16 =	simm.s32 $0x138A0;
	s2 =	simm.s32 $0x138B0;
	s3 =	sadd.s32 $0x10, s0;
	v5 =	vor.u32 s31, v0;
	v8 =	vand.u32 $0x3, v8;
	v10 =	vsel vm0, v4, v9  }
0x434: {  	s4 =	simm.s32 $0x138D0;
	s1 =	simm.s32 $0x14D00;
	s0 =	simm.s32 $0x138C0;
	v4 =	vld [tilespmem:s3+$0x0];
	v9 =	vmul.u32 $0x1A00, v8;
	v8 =	vshrl.u32 v2, $0x10;
	vm0 =	vlt.u32 v3, $0x186A0000;
	[tilespmem:s12+$0x0] =	vst v10  }
.LBB2_32:
0x435: {  	p0 =	sne.s32 s4, $0x13B80;
	v10 =	vand.u32 $0x7, v8;
	v11 =	vand.u32 $0x3FFF, v3;
	v12 =	vand.u32 $0x7F, v6;
	v13 =	vmovc v6;
	v3 =	vmovc v1  }
0x436: {  	v1 =	vmovc v2;
	v8 =	vadd.s32 v8, v9;
	v6 =	vld.idx.msk [tilespmem:v7+s5+$0x0], $0xffff;
	v9 =	vadd.s32 v11, v12;
	v7 =	vshrl.u32 v13, $0x7  }
.Ltmp15:
0x437: {  	v11 =	vand.u32 $0x1FFF8, v8;
	vm1 =	vlt.u32 v9, $0x5;
	v8 =	vmul.u32 $0x5, v7;
	(pc) =	sbr.rel @p0 .LBB2_32-.Ltmp15, $4  }
0x438: {  	v7 =	vor.u32 v10, v11;
	vm0 =	vmand vm0, vm1;
	vm1 =	vlt.u32 v13, $0x1F4000  }
0x439: {  	v10 =	vshrl.u32 v4, $0xE;
	vm0 =	vmand vm1, vm0;
	v8 =	vadd.s32 v9, v8;
	v2 =	vmovc v4  }
0x43a: {  	s3 =	sadd.s32 $0x10, s3;
	s1 =	sadd.s32 $0x10, s1;
	v9 =	vand.u32 $0x3, v10;
	v10 =	vsel vm0, v8, v5;
	v5 =	vor.u32 s16, v0;
	s16 =	smov.u32 s2  }
0x43b: {  	v8 =	vshrl.u32 v2, $0x10;
	vm0 =	vlt.u32 v3, $0x186A0000;
	s2 =	smov.u32 s0;
	s0 =	smov.u32 s4;
	s4 =	sadd.s32 $0x10, s4;
	v4 =	vld [tilespmem:s3+$0x0];
	v9 =	vmul.u32 $0x1A00, v9;
	[tilespmem:s1+$0x0] =	vst v10  }
0x43c: {  	_ =	sdelay $0x3  }
0x43d: {  	v3 =	vand.u32 $0x3FFF, v3;
	v9 =	vadd.s32 v8, v9;
	v10 =	vshrl.u32 v4, $0xE  }
0x43e: {  	v8 =	vand.u32 $0x7, v8;
	v9 =	vand.u32 $0x1FFF8, v9;
	v10 =	vand.u32 $0x3, v10  }
0x43f: {  	v7 =	vld.idx.msk [tilespmem:v7+s5+$0x0], $0xffff;
	v8 =	vor.u32 v8, v9;
	v9 =	vmul.u32 $0x1A00, v10;
	v10 =	vand.u32 $0x7F, v6  }
0x440: {  	v11 =	vshrl.u32 v4, $0x10;
	v3 =	vadd.s32 v3, v10  }
0x441: {  	v10 =	vshrl.u32 v6, $0x7;
	v9 =	vadd.s32 v11, v9;
	vm1 =	vlt.u32 v3, $0x5  }
0x442: {  	v11 =	vand.u32 $0x7, v11;
	v10 =	vmul.u32 $0x5, v10;
	v9 =	vand.u32 $0x1FFF8, v9  }
0x443: {  	vm0 =	vmand vm0, vm1;
	vm1 =	vlt.u32 v6, $0x1F4000;
	v9 =	vor.u32 v11, v9  }
0x444: {  	v8 =	vld.idx.msk [tilespmem:v8+s5+$0x0], $0xffff;
	v6 =	vand.u32 $0x3FFF, v1;
	v11 =	vand.u32 $0x7F, v7;
	vm0 =	vmand vm1, vm0  }
0x445: {  	vm1 =	vlt.u32 v1, $0x186A0000;
	v1 =	vshrl.u32 v7, $0x7;
	v6 =	vadd.s32 v6, v11  }
0x446: {  	v3 =	vadd.s32 v3, v10;
	v1 =	vmul.u32 $0x5, v1;
	vm2 =	vlt.u32 v6, $0x5  }
0x447: {  	v3 =	vsel vm0, v3, v5;
	vm1 =	vmand vm1, vm2;
	vm2 =	vlt.u32 v7, $0x1F4000  }
0x448: {  	v7 =	vor.u32 s16, v0;
	v1 =	vadd.s32 v6, v1;
	vm0 =	vmand vm2, vm1;
	v5 =	vld.idx.msk [tilespmem:v9+s5+$0x0], $0xffff  }
0x449: {  	v6 =	vand.u32 $0x3FFF, v2;
	v9 =	vand.u32 $0x7F, v8;
	v1 =	vsel vm0, v1, v7  }
0x44a: {  	vm0 =	vlt.u32 v2, $0x186A0000;
	v2 =	vshrl.u32 v8, $0x7;
	v6 =	vadd.s32 v6, v9  }
0x44b: {  	v2 =	vmul.u32 $0x5, v2;
	vm1 =	vlt.u32 v6, $0x5  }
0x44c: {  	v10 =	vor.u32 s2, v0;
	v7 =	vand.u32 $0x3FFF, v4;
	vm0 =	vmand vm0, vm1  }
0x44d: {  	vm1 =	vlt.u32 v8, $0x1F4000;
	v2 =	vadd.s32 v6, v2;
	v8 =	vand.u32 $0x7F, v5  }
0x44e: {  	vm0 =	vmand vm1, vm0;
	v6 =	vadd.s32 v7, v8;
	v7 =	vshrl.u32 v5, $0x7  }
0x44f: {  	s1 =	sadd.s32 $0x10, s1;
	vm1 =	vlt.u32 v4, $0x186A0000;
	vm2 =	vlt.u32 v6, $0x5;
	v4 =	vmul.u32 $0x5, v7  }
0x450: {  	[tilespmem:s1+$0x0] =	vst v3;
	s1 =	sadd.s32 $0x10, s1;
	v2 =	vsel vm0, v2, v10;
	vm0 =	vmand vm1, vm2;
	vm1 =	vlt.u32 v5, $0x1F4000  }
0x451: {  	s29 =	sadd.s32 $0x10, s1;
	[tilespmem:s1+$0x0] =	vst v1;
	v1 =	vor.u32 s0, v0;
	vm0 =	vmand vm1, vm0;
	v3 =	vadd.s32 v6, v4  }
0x452: {  	s0 =	sadd.s32 $0x10, s29;
	[tilespmem:s29+$0x0] =	vst v2;
	v1 =	vsel vm0, v3, v1  }
0x453: {  	p0 =	seq.s32 s15, $0x7;
	[tilespmem:s0+$0x0] =	vst v1  }
0x454: {  	[hbm4b:s17+s11] =	stream.indirect.scatter [tilespmem:s6], [sflag:$0x1], $0x8, s12, s11, $0xb8;
	[tilespmem:$0x16F20] =	vst v63  }
0x455: {  	s0 =	smul.u32 @!p0 $0x620, s15;
	_ =	swait.ge [sflag:s13], $0x1880  }
0x456: {  	s2 =	simm.s32 @!p0 $0x9C00;
	[sflag:s13] =	ssyncset.done $0x0  }
0x457: {  	s1 =	simm.s32 @!p0 $0x0;
	s0 =	sadd.s32 @!p0 s0, s19;
	[sflag:s13] =	ssyncadd.s32 $0xFFFFE780  }
0x458: {  	[tilespmem:s2], [sflag:$0x2] =	stream.linear.gather @!p0 [hbm4b:s0+s1], $0x1880, $0x38;
	[tilespmem:$0x16F20] =	vst v63  }
0x459: {  	_ =	swait.ge [sflag:s14], $0x1880  }
0x45a: {  	[sflag:s14] =	ssyncset.done $0x0  }
0x45b: {  	[sflag:s14] =	ssyncadd.s32 $0xFFFFE780  }
0x45c: {  	v4 =	vld [tilespmem:s8+$0x0];
	_ =	sdelay $0x4  }
0x45d: {  	v1 =	vshrl.u32 v4, $0xE  }
0x45e: {  	s30 =	sadd.s32 $0x10, s8;
	v1 =	vand.u32 $0x3, v1  }
0x45f: {  	v3 =	vld [tilespmem:s30+$0x0];
	v1 =	vmul.u32 $0x1A00, v1  }
0x460: {  	v2 =	vshrl.u32 v4, $0x10  }
0x461: {  	v1 =	vadd.s32 v2, v1  }
0x462: {  	v2 =	vand.u32 $0x7, v2;
	v1 =	vand.u32 $0x1FFF8, v1  }
0x463: {  	s0 =	sadd.s32 $0x10, s30;
	v2 =	vor.u32 v2, v1  }
0x464: {  	v5 =	vshrl.u32 v3, $0xE;
	v1 =	vld [tilespmem:s0+$0x0]  }
0x465: {  	v5 =	vand.u32 $0x3, v5  }
0x466: {  	v5 =	vmul.u32 $0x1A00, v5  }
0x467: {  	v6 =	vshrl.u32 v3, $0x10  }
0x468: {  	v8 =	vld.idx.msk [tilespmem:v2+s5+$0x0], $0xffff;
	v2 =	vadd.s32 v6, v5  }
0x469: {  	v5 =	vand.u32 $0x7, v6;
	v6 =	vshrl.u32 v1, $0xE;
	v2 =	vand.u32 $0x1FFF8, v2  }
0x46a: {  	v6 =	vand.u32 $0x3, v6;
	v5 =	vor.u32 v5, v2  }
0x46b: {  	s0 =	sadd.s32 $0x10, s0;
	v6 =	vmul.u32 $0x1A00, v6  }
0x46c: {  	vm0 =	vlt.u32 v4, $0x186A0000;
	v4 =	vand.u32 $0x3FFF, v4;
	v7 =	vshrl.u32 v1, $0x10;
	v2 =	vld [tilespmem:s0+$0x0]  }
0x46d: {  	v10 =	vand.u32 $0x7, v7;
	v6 =	vadd.s32 v7, v6;
	v11 =	vand.u32 $0x7F, v8  }
0x46e: {  	v7 =	vshrl.u32 v8, $0x7;
	v6 =	vand.u32 $0x1FFF8, v6;
	v4 =	vadd.s32 v4, v11  }
0x46f: {  	s31 =	simm.s32 $0x13880;
	v11 =	vmul.u32 $0x5, v7;
	v7 =	vor.u32 v10, v6;
	vm1 =	vlt.u32 v4, $0x5;
	v6 =	vld.idx.msk [tilespmem:v5+s5+$0x0], $0xffff  }
0x470: {  	v9 =	vor.u32 s31, v0;
	vm0 =	vmand vm0, vm1;
	vm1 =	vlt.u32 v8, $0x1F4000  }
0x471: {  	s4 =	simm.s32 $0x13890;
	v8 =	vshrl.u32 v2, $0xE;
	v4 =	vadd.s32 v4, v11;
	vm0 =	vmand vm1, vm0  }
0x472: {  	s16 =	simm.s32 $0x138B0;
	s1 =	simm.s32 $0x14D00;
	s3 =	sadd.s32 $0x10, s0;
	v5 =	vor.u32 s4, v0;
	v8 =	vand.u32 $0x3, v8;
	v10 =	vsel vm0, v4, v9  }
0x473: {  	s2 =	simm.s32 $0x138A0;
	s0 =	simm.s32 $0x138C0;
	s4 =	simm.s32 $0x138D0;
	v4 =	vld [tilespmem:s3+$0x0];
	v9 =	vmul.u32 $0x1A00, v8;
	v8 =	vshrl.u32 v2, $0x10;
	vm0 =	vlt.u32 v3, $0x186A0000;
	[tilespmem:s1+$0x0] =	vst v10  }
.LBB2_34:
0x474: {  	p0 =	sne.s32 s4, $0x13B80;
	v10 =	vand.u32 $0x7, v8;
	v11 =	vand.u32 $0x3FFF, v3;
	v12 =	vand.u32 $0x7F, v6;
	v13 =	vmovc v6;
	v3 =	vmovc v1  }
0x475: {  	v1 =	vmovc v2;
	v8 =	vadd.s32 v8, v9;
	v6 =	vld.idx.msk [tilespmem:v7+s5+$0x0], $0xffff;
	v9 =	vadd.s32 v11, v12;
	v7 =	vshrl.u32 v13, $0x7  }
.Ltmp16:
0x476: {  	v11 =	vand.u32 $0x1FFF8, v8;
	vm1 =	vlt.u32 v9, $0x5;
	v8 =	vmul.u32 $0x5, v7;
	(pc) =	sbr.rel @p0 .LBB2_34-.Ltmp16, $4  }
0x477: {  	v7 =	vor.u32 v10, v11;
	vm0 =	vmand vm0, vm1;
	vm1 =	vlt.u32 v13, $0x1F4000  }
0x478: {  	v10 =	vshrl.u32 v4, $0xE;
	vm0 =	vmand vm1, vm0;
	v8 =	vadd.s32 v9, v8;
	v2 =	vmovc v4  }
0x479: {  	s3 =	sadd.s32 $0x10, s3;
	s1 =	sadd.s32 $0x10, s1;
	v9 =	vand.u32 $0x3, v10;
	v10 =	vsel vm0, v8, v5;
	v5 =	vor.u32 s2, v0;
	s2 =	smov.u32 s16  }
0x47a: {  	v8 =	vshrl.u32 v2, $0x10;
	vm0 =	vlt.u32 v3, $0x186A0000;
	s16 =	smov.u32 s0;
	s0 =	smov.u32 s4;
	s4 =	sadd.s32 $0x10, s4;
	v4 =	vld [tilespmem:s3+$0x0];
	v9 =	vmul.u32 $0x1A00, v9;
	[tilespmem:s1+$0x0] =	vst v10  }
0x47b: {  	_ =	sdelay $0x3  }
0x47c: {  	v10 =	vshrl.u32 v4, $0xE  }
0x47d: {  	v48 =	vand.u32 $0x7, v8;
	v3 =	vand.u32 $0x3FFF, v3;
	v10 =	vand.u32 $0x3, v10  }
0x47e: {  	v50 =	vand.u32 $0x7F, v6;
	v9 =	vadd.s32 v8, v9;
	v49 =	vmul.u32 $0x1A00, v10  }
0x47f: {  	v7 =	vld.idx.msk [tilespmem:v7+s5+$0x0], $0xffff;
	v51 =	vshrl.u32 v6, $0x7;
	v9 =	vand.u32 $0x1FFF8, v9;
	v11 =	vshrl.u32 v4, $0x10  }
0x480: {  	vm5 =	vlt.u32 v6, $0x1F4000;
	v8 =	vor.u32 v48, v9;
	v9 =	vadd.s32 v11, v49  }
0x481: {  	v52 =	vand.u32 $0x3FFF, v1;
	v11 =	vand.u32 $0x7, v11;
	v9 =	vand.u32 $0x1FFF8, v9  }
0x482: {  	vm6 =	vlt.u32 v1, $0x186A0000;
	v3 =	vadd.s32 v3, v50;
	v9 =	vor.u32 v11, v9  }
0x483: {  	v54 =	vor.u32 s2, v0;
	v56 =	vand.u32 $0x3FFF, v2;
	vm1 =	vlt.u32 v3, $0x5  }
0x484: {  	v58 =	vor.u32 s16, v0;
	vm0 =	vmand vm0, vm1;
	v53 =	vand.u32 $0x7F, v7  }
0x485: {  	v1 =	vshrl.u32 v7, $0x7;
	v10 =	vmul.u32 $0x5, v51;
	v6 =	vadd.s32 v52, v53;
	v8 =	vld.idx.msk [tilespmem:v8+s5+$0x0], $0xffff  }
0x486: {  	vm0 =	vmand vm5, vm0;
	v1 =	vmul.u32 $0x5, v1;
	vm2 =	vlt.u32 v6, $0x5  }
0x487: {  	vm7 =	vlt.u32 v7, $0x1F4000;
	v3 =	vadd.s32 v3, v10;
	vm1 =	vmand vm6, vm2;
	v55 =	vld.idx.msk [tilespmem:v9+s5+$0x0], $0xffff  }
0x488: {  	s1 =	sadd.s32 $0x10, s1;
	v1 =	vadd.s32 v6, v1;
	v3 =	vsel vm0, v3, v5;
	vm8 =	vmand vm7, vm1  }
0x489: {  	vm9 =	vlt.u32 v2, $0x186A0000;
	v59 =	vand.u32 $0x3FFF, v4;
	v1 =	vsel vm8, v1, v54;
	[tilespmem:s1+$0x0] =	vst v3;
	s1 =	sadd.s32 $0x10, s1  }
0x48a: {  	vm12 =	vlt.u32 v4, $0x186A0000;
	[tilespmem:s1+$0x0] =	vst v1;
	v1 =	vor.u32 s0, v0;
	v57 =	vand.u32 $0x7F, v8  }
0x48b: {  	v2 =	vshrl.u32 v8, $0x7;
	vm11 =	vlt.u32 v8, $0x1F4000;
	v6 =	vadd.s32 v56, v57  }
0x48c: {  	v2 =	vmul.u32 $0x5, v2;
	vm10 =	vlt.u32 v6, $0x5;
	v60 =	vand.u32 $0x7F, v55  }
0x48d: {  	vm0 =	vmand vm9, vm10;
	v62 =	vshrl.u32 v55, $0x7;
	v61 =	vadd.s32 v59, v60  }
0x48e: {  	v2 =	vadd.s32 v6, v2;
	v63 =	vmul.u32 $0x5, v62;
	vm13 =	vlt.u32 v61, $0x5  }
0x48f: {  	vm0 =	vmand vm11, vm0;
	vm15 =	vlt.u32 v55, $0x1F4000;
	vm14 =	vmand vm12, vm13  }
0x490: {  	s15 =	sadd.s32 $0x1, s15;
	s31 =	sadd.s32 $0x10, s1;
	v2 =	vsel vm0, v2, v58;
	v3 =	vadd.s32 v61, v63;
	vm0 =	vmand vm15, vm14  }
0x491: {  	p0 =	sne.s32 s15, $0x8;
	s0 =	sadd.s32 $0x10, s31;
	[tilespmem:s31+$0x0] =	vst v2;
	v1 =	vsel vm0, v3, v1  }
.Ltmp17:
0x492: {  	[tilespmem:s0+$0x0] =	vst v1;
	(pc) =	sbr.rel @p0 .LBB2_31-.Ltmp17, $4  }
0x493: {  	[hbm4b:s17+s11] =	stream.indirect.scatter [tilespmem:s9], [sflag:$0x1], $0x8, s12, s11, $0xb8;
	[tilespmem:$0x16F20] =	vst v63  }
0x494: {  	_ =	swait.ge [sflag:s13], $0x1880  }
0x495: {  	[sflag:s13] =	ssyncset.done $0x0  }
0x496: {  	s7 =	sadd.s32 $0x620, s7;
	s8 =	sadd.s32 $0x620, s8;
	[sflag:s13] =	ssyncadd.s32 $0xFFFFE780  }
0x497: {  	_ =	sfence.sel $0x180000  }
0x498: {  	[bflag:$0x0] =	sbarrier.arrive $0xFFFF  }
0x499: {  	_ =	strace $0x90000047  }
0x49a: {  	s0 =	stileid.u32;
	[bflag:$0x2] =	sbarrier.arrive $0xFFFF  }
0x49b: {  	p0 =	sne.s32 s0, $0x0;
	s0 =	rddreg [dreg:$0x5]  }
0x49c: {  	s0 =	sadd.s32 @!p0 $0x100000, s0  }
0x49d: {  	[sflag:s0] =	ssyncadd.tile.s32 @!p0 $0x1;
	_ =	shalt  }
.Lfunc_end2:
_tile_overlayer_lowered:
.L_overlay_start_2:
0x49e: {  	(tag) =	ssettag $0x2  }
0x49f: {  	s0 =	rddreg [dreg:$0x0];
	s2 =	stileid.u32  }
0x4a0: {  	s1 =	rddreg [dreg:$0x1];
	p0 =	sne.s32 s2, $0x0  }
0x4a1: {  	s3 =	rddreg [dreg:$0x2];
	[bflag:$0x3] =	sbarrier.arrive $0xFFFF;
	s2 =	simm.s32 @!p0 $0x1C05  }
0x4a2: {  	[timem:s3], [sflag:s2] =	dma.local @!p0 [hbm:s0], s1  }
0x4a3: {  	s0 =	simm.s32 @!p0 $0x5  }
0x4a4: {  	_ =	swait.ge @!p0 [sflag:s0], s1  }
0x4a5: {  	s1 =	ssub.s32 @!p0 $0x0, s1;
	[sflag:s0] =	ssyncset.done @!p0 $0x0  }
0x4a6: {  	[sflag:s0] =	ssyncadd.s32 @!p0 s1  }
0x4a7: {  	[bflag:$0x3] =	sbarrier.arrive $0xFFFF  }
0x4a8: {  	_ =	shalt  }

</sc_bundles>
